<compile_context>
chip_gen: v7x
topology: tpu7x:2x2x1
jax: 0.10.2.dev20260603
libtpu: 0.0.44.dev20260713+nightly
codegen_flags: <defaults>
</compile_context>

<pallas_src>
import functools

import jax
import jax.numpy as jnp
from jax import lax
from jax.experimental import pallas as pl
from jax.experimental.pallas import tpu as pltpu
from jax.experimental.pallas import tpu_sc as plsc

N = 10000
D = 128
E = 320000
B = 1024

NC = 2
NS = 16
NW = NC * NS

CH = 128
EP = 327680
CROWS = EP // CH
PW = CROWS // NW
NB = 2
ROWS0 = 2560
ROWS1 = CROWS - ROWS0
PW0 = ROWS0 // NS
PW1 = ROWS1 // NS
QP = 8
NP = 10240
TPT = NP // NS

BN = 400
GRID = N // BN

_F32 = jnp.float32


def _sc_mesh():
    return plsc.VectorSubcoreMesh(
        core_axis_name="c", subcore_axis_name="s", num_cores=NC, num_subcores=NS
    )




def _deg_body(dst2d, zeros, ones, out, dstv, onesv, acc):
    cid = lax.axis_index("c")
    sid = lax.axis_index("s")
    wid = sid * NC + cid
    tid = sid
    pltpu.sync_copy(zeros.at[pl.ds(tid * TPT, TPT)], acc.at[pl.ds(tid * TPT, TPT)])
    pltpu.sync_copy(dst2d.at[pl.ds(wid * PW, PW)], dstv)
    pltpu.sync_copy(ones, onesv)
    plsc.subcore_barrier()

    def step(j, carry):
        pltpu.sync_copy(onesv, acc.at[dstv.at[j]], add=True)
        return carry

    lax.fori_loop(0, PW, step, 0)
    plsc.subcore_barrier()
    pltpu.sync_copy(acc.at[pl.ds(tid * TPT, TPT)], out.at[cid, pl.ds(tid * TPT, TPT)])


def _build_deg(interpret=False):
    return pl.kernel(
        _deg_body,
        out_type=jax.ShapeDtypeStruct((NC, NP, D), _F32),
        mesh=_sc_mesh(),
        scratch_types=[
            pltpu.VMEM((PW, CH), jnp.int32),
            pltpu.VMEM((CH, D), _F32),
            pltpu.VMEM_SHARED((NP, D), _F32),
        ],
        interpret=interpret,
    )


def _prop_body(table, src2d, dst2d, zeros, out, srcv, dstv,
               buf0, buf1, acc, gsem0, gsem1):
    cid = lax.axis_index("c")
    sid = lax.axis_index("s")
    tid = sid
    pltpu.sync_copy(zeros.at[pl.ds(tid * TPT, TPT)], acc.at[pl.ds(tid * TPT, TPT)])
    plsc.subcore_barrier()

    bufs = [buf0, buf1]
    gsems = [gsem0, gsem1]

    wbase = jnp.where(cid == 0, sid * PW0, ROWS0 + sid * PW1)
    nph = jnp.where(cid == 0, PW0 // QP, PW1 // QP)

    def phase(ph, carry):
        base = wbase + ph * QP
        pltpu.sync_copy(src2d.at[pl.ds(base, QP)], srcv)
        pltpu.sync_copy(dst2d.at[pl.ds(base, QP)], dstv)

        for k in range(NB):
            pltpu.async_copy(table.at[srcv.at[k]], bufs[k], gsems[k])

        def block(j0, c2):
            for k in range(NB):
                j = j0 * NB + k
                pltpu.make_async_copy(table.at[srcv.at[0]], bufs[k], gsems[k]).wait()
                pltpu.sync_copy(bufs[k], acc.at[dstv.at[j]], add=True)

                @pl.when(j + NB < QP)
                def _():
                    pltpu.async_copy(table.at[srcv.at[j + NB]], bufs[k], gsems[k])

            return c2

        lax.fori_loop(0, QP // NB, block, 0)
        return carry

    lax.fori_loop(0, nph, phase, 0)

    plsc.subcore_barrier()
    pltpu.sync_copy(acc.at[pl.ds(tid * TPT, TPT)], out.at[cid, pl.ds(tid * TPT, TPT)])


def _build_prop(interpret=False):
    return pl.kernel(
        _prop_body,
        out_type=jax.ShapeDtypeStruct((NC, NP, D), _F32),
        mesh=_sc_mesh(),
        scratch_types=[
            pltpu.VMEM((QP, CH), jnp.int32),
            pltpu.VMEM((QP, CH), jnp.int32),
            pltpu.VMEM((CH, D), _F32),
            pltpu.VMEM((CH, D), _F32),
            pltpu.VMEM_SHARED((NP, D), _F32),
        ] + [pltpu.SemaphoreType.DMA] * 2,
        interpret=interpret,
    )


def _bgather_body(tab, idx, out, idxv, rowsv, sem):
    cid = lax.axis_index("c")
    sid = lax.axis_index("s")
    wid = sid * NC + cid
    bpw = B // NW
    base = wid * bpw
    pltpu.sync_copy(idx.at[pl.ds(base, bpw)], idxv)
    pltpu.async_copy(tab.at[idxv], rowsv, sem).wait()
    pltpu.sync_copy(rowsv, out.at[pl.ds(base, bpw)])


def _build_bgather(interpret=False):
    bpw = B // NW
    return pl.kernel(
        _bgather_body,
        out_type=jax.ShapeDtypeStruct((B, D), _F32),
        mesh=_sc_mesh(),
        scratch_types=[
            pltpu.VMEM((bpw,), jnp.int32),
            pltpu.VMEM((bpw, D), _F32),
            pltpu.SemaphoreType.DMA,
        ],
        interpret=interpret,
    )




def _ln(y, g, b):
    mu = jnp.mean(y, axis=-1, keepdims=True)
    var = jnp.mean((y - mu) * (y - mu), axis=-1, keepdims=True)
    return (y - mu) * lax.rsqrt(var + 1e-5) * g + b


def _mlp_body(x_ref, w1_ref, b1_ref, w2_ref, b2_ref, g_ref, bt_ref, degp_ref,
              h_ref, g0_ref, nrm_ref):
    x = x_ref[...]
    t = jnp.maximum(jnp.dot(x, w1_ref[...], preferred_element_type=_F32) + b1_ref[...], 0.0)
    y = jnp.dot(t, w2_ref[...], preferred_element_type=_F32) + b2_ref[...]
    h = _ln(y, g_ref[...], bt_ref[...])
    d = degp_ref[0] + degp_ref[1]
    nrm = lax.rsqrt(jnp.maximum(d, 1.0))
    h_ref[...] = h
    g0_ref[...] = h * nrm
    nrm_ref[...] = nrm


def _build_mlp(interpret=False):
    row = pl.BlockSpec((BN, D), lambda i: (i, 0))
    vec = pl.BlockSpec((1, D), lambda i: (0, 0))
    mat = pl.BlockSpec((D, D), lambda i: (0, 0))
    par = pl.BlockSpec((NC, BN, D), lambda i: (0, i, 0))
    return pl.pallas_call(
        _mlp_body,
        grid=(GRID,),
        in_specs=[row, mat, vec, mat, vec, vec, vec, par],
        out_specs=[row, row, row],
        out_shape=[jax.ShapeDtypeStruct((N, D), _F32)] * 3,
        interpret=interpret,
    )


def _mid_body(pp_ref, nrm_ref, f_ref, g_ref):
    nrm = nrm_ref[...]
    f = (pp_ref[0] + pp_ref[1]) * nrm
    f_ref[...] = f
    g_ref[...] = f * nrm


def _build_mid(interpret=False):
    row = pl.BlockSpec((BN, D), lambda i: (i, 0))
    par = pl.BlockSpec((NC, BN, D), lambda i: (0, i, 0))
    return pl.pallas_call(
        _mid_body,
        grid=(GRID,),
        in_specs=[par, row],
        out_specs=[row, row],
        out_shape=[jax.ShapeDtypeStruct((N, D), _F32)] * 2,
        interpret=interpret,
    )


def _combine_body(h_ref, f1_ref, pp_ref, nrm_ref, wa_ref, wb_ref, wc_ref,
                  cb_ref, g_ref, bt_ref, *out_refs, relu, emit_g):
    nrm = nrm_ref[...]
    f2 = (pp_ref[0] + pp_ref[1]) * nrm
    y = (jnp.dot(h_ref[...], wa_ref[...], preferred_element_type=_F32)
         + jnp.dot(f1_ref[...], wb_ref[...], preferred_element_type=_F32)
         + jnp.dot(f2, wc_ref[...], preferred_element_type=_F32)
         + cb_ref[...])
    y = _ln(y, g_ref[...], bt_ref[...])
    if relu:
        y = jnp.maximum(y, 0.0)
    out_refs[0][...] = y
    if emit_g:
        out_refs[1][...] = y * nrm


def _build_combine(relu, emit_g, interpret=False):
    row = pl.BlockSpec((BN, D), lambda i: (i, 0))
    vec = pl.BlockSpec((1, D), lambda i: (0, 0))
    mat = pl.BlockSpec((D, D), lambda i: (0, 0))
    par = pl.BlockSpec((NC, BN, D), lambda i: (0, i, 0))
    n_out = 2 if emit_g else 1
    return pl.pallas_call(
        functools.partial(_combine_body, relu=relu, emit_g=emit_g),
        grid=(GRID,),
        in_specs=[row, row, par, row, mat, mat, mat, vec, vec, vec],
        out_specs=[row] * n_out,
        out_shape=[jax.ShapeDtypeStruct((N, D), _F32)] * n_out,
        interpret=interpret,
    )




@functools.lru_cache(maxsize=None)
def _programs():
    return dict(
        deg=_build_deg(),
        prop=_build_prop(),
        bgather=_build_bgather(),
        mlp=_build_mlp(),
        mid=_build_mid(),
        comb_relu=_build_combine(relu=True, emit_g=True),
        comb_last=_build_combine(relu=False, emit_g=False),
    )


def kernel(x, edge_index, dst_gids, W1, b1, W2, b2, ln0_g, ln0_b,
           cw1, cb1, ln1_g, ln1_b, cw2, cb2, ln2_g, ln2_b):
    p = _programs()
    pad = EP - E
    src2d = jnp.concatenate(
        [edge_index[0], jnp.zeros((pad,), jnp.int32)]).reshape(CROWS, CH)
    dst2d = jnp.concatenate(
        [edge_index[1], jnp.full((pad,), N, jnp.int32)]).reshape(CROWS, CH)
    zeros = jnp.zeros((NP, D), _F32)
    ones = jnp.ones((CH, D), _F32)

    b1r, b2r = b1.reshape(1, D), b2.reshape(1, D)
    ln0 = (ln0_g.reshape(1, D), ln0_b.reshape(1, D))
    ln1 = (ln1_g.reshape(1, D), ln1_b.reshape(1, D))
    ln2 = (ln2_g.reshape(1, D), ln2_b.reshape(1, D))
    cw1a, cw1b, cw1c = cw1[0:D], cw1[D:2 * D], cw1[2 * D:3 * D]
    cw2a, cw2b, cw2c = cw2[0:D], cw2[D:2 * D], cw2[2 * D:3 * D]

    degp = p["deg"](dst2d, zeros, ones)
    h, g0, nrm = p["mlp"](x, W1, b1r, W2, b2r, ln0[0], ln0[1], degp)

    p1 = p["prop"](g0, src2d, dst2d, zeros)
    f1, g1 = p["mid"](p1, nrm)
    p2 = p["prop"](g1, src2d, dst2d, zeros)
    h1, gn = p["comb_relu"](h, f1, p2, nrm, cw1a, cw1b, cw1c,
                            cb1.reshape(1, D), ln1[0], ln1[1])

    q1 = p["prop"](gn, src2d, dst2d, zeros)
    f1b, g1b = p["mid"](q1, nrm)
    q2 = p["prop"](g1b, src2d, dst2d, zeros)
    (h2,) = p["comb_last"](h1, f1b, q2, nrm, cw2a, cw2b, cw2c,
                           cb2.reshape(1, D), ln2[0], ln2[1])

    return p["bgather"](h2, dst_gids)

# --- scband reference (transcript-rebuilt; emitter-appended) ---
"""Pipeline reference for scband-tagcn-32899449488058 (READ-ONLY COPY).

The authoritative reference and input builder live on the scoring server;
editing this copy changes nothing except your own understanding.
"""

import jax, jax.numpy as jnp
import numpy as np

N = 10000
E = 320000
D = 128
B = 1024
K = 2


def _layer_norm(h, g, b, eps=1e-5):
    mu = jnp.mean(h, axis=-1, keepdims=True)
    var = jnp.var(h, axis=-1, keepdims=True)
    return (h - mu) / jnp.sqrt(var + eps) * g + b


def _tagconv(h, src, dst, norm, W, bias, k=K):
    # DGL TAGConv: fstack = [h, A_hat h, A_hat^2 h, ...]; out = concat(fstack) @ W + b
    # A_hat = D^{-1/2} A D^{-1/2}; message = copy_u, reduce = sum
    fstack = [h]
    cur = h
    n = h.shape[0]
    for _ in range(k):
        cur = jax.ops.segment_sum((cur * norm)[src], dst, num_segments=n) * norm
        fstack.append(cur)
    return jnp.concatenate(fstack, axis=-1) @ W + bias


def setup_inputs(seed: int = 0) -> dict:
    key = jax.random.key(seed)
    ks = jax.random.split(key, 20)
    inp = {}
    inp["x"] = jax.random.normal(ks[0], (N, D), dtype=jnp.float32)
    inp["edge_index"] = jax.random.randint(ks[1], (2, E), 0, N, dtype=jnp.int32)
    inp["dst_gids"] = jax.random.randint(ks[2], (B,), 0, N, dtype=jnp.int32)
    # MLPInputLayer params (h_feats=D, hidden=D) + LayerNorm
    inp["W1"] = jax.random.normal(ks[3], (D, D), dtype=jnp.float32) * 0.05
    inp["b1"] = jnp.zeros((D,), jnp.float32)
    inp["W2"] = jax.random.normal(ks[4], (D, D), dtype=jnp.float32) * 0.05
    inp["b2"] = jnp.zeros((D,), jnp.float32)
    inp["ln0_g"] = jnp.ones((D,), jnp.float32)
    inp["ln0_b"] = jnp.zeros((D,), jnp.float32)
    # TAGCNLayer 1: TAGConv(D->D, k=2) weight [(K+1)*D, D] + LayerNorm
    inp["cw1"] = jax.random.normal(ks[5], ((K + 1) * D, D), dtype=jnp.float32) * 0.05
    inp["cb1"] = jnp.zeros((D,), jnp.float32)
    inp["ln1_g"] = jnp.ones((D,), jnp.float32)
    inp["ln1_b"] = jnp.zeros((D,), jnp.float32)
    # TAGCNLayer 2 (output layer, no activation but LayerNorm)
    inp["cw2"] = jax.random.normal(ks[6], ((K + 1) * D, D), dtype=jnp.float32) * 0.05
    inp["cb2"] = jnp.zeros((D,), jnp.float32)
    inp["ln2_g"] = jnp.ones((D,), jnp.float32)
    inp["ln2_b"] = jnp.zeros((D,), jnp.float32)
    return inp


def reference(x, edge_index, dst_gids, W1, b1, W2, b2, ln0_g, ln0_b,
              cw1, cb1, ln1_g, ln1_b, cw2, cb2, ln2_g, ln2_b):
    src = edge_index[0]
    dst = edge_index[1]
    n = x.shape[0]
    deg = jax.ops.segment_sum(jnp.ones((src.shape[0],), jnp.float32), dst, num_segments=n)
    norm = jnp.clip(deg, 1.0, None) ** -0.5
    norm = norm[:, None]
    # MLP input layer (dropout p=0, eval -> identity)
    h = _layer_norm(jax.nn.relu(x @ W1 + b1) @ W2 + b2, ln0_g, ln0_b)
    # TAGCN layer 1: conv -> LayerNorm -> ReLU
    h = jax.nn.relu(_layer_norm(_tagconv(h, src, dst, norm, cw1, cb1), ln1_g, ln1_b))
    # TAGCN layer 2 (last): conv -> LayerNorm, no activation
    h = _layer_norm(_tagconv(h, src, dst, norm, cw2, cb2), ln2_g, ln2_b)
    # gather output rows for mini-batch dst nodes; log_softmax=False, softmax_output=False
    out = jnp.take(h, dst_gids, axis=0)
    return out

if __name__ == "__main__":
    import jax
    _d = setup_inputs()
    print(jax.jit(kernel)(*tuple(_d.values())))

</pallas_src>

<mosaic_0001>
#map = affine_map<(d0, d1) -> (0, 0)>
#map1 = affine_map<(d0, d1) -> (0, 0, 0)>
module attributes {stable_mosaic.version = 14 : i64} {
  func.func @_deg_body(%arg0: i32, %arg1: i32, %arg2: memref<2560x128xi32, #tpu.memory_space<hbm>>, %arg3: memref<10240x128xf32, #tpu.memory_space<hbm>>, %arg4: memref<128x128xf32, #tpu.memory_space<hbm>>, %arg5: memref<2x10240x128xf32, #tpu.memory_space<hbm>>, %arg6: memref<80x128xi32, #tpu.memory_space<vmem>>, %arg7: memref<128x128xf32, #tpu.memory_space<vmem>>, %arg8: memref<10240x128xf32, #tpu.memory_space<vmem_shared>>) attributes {dimension_semantics = [#tpu.dimension_semantics<core_parallel>, #tpu.dimension_semantics<subcore_parallel>], iteration_bounds = array<i64: 2, 16>, scalar_prefetch = 0 : i64, scratch_operands = 3 : i64, tpu.core_type = #tpu.core_type<sc_vector_subcore>, window_params = [{transform_indices = #map}, {transform_indices = #map}, {transform_indices = #map}, {transform_indices = #map1}]} {
    %mul3A = arith.constant 2 : i32
    %mul3A_0 = arith.muli %arg1, %mul3A : i32
    %add3A = arith.addi %mul3A_0, %arg0 : i32
    %mul3A_1 = arith.constant 640 : i32
    %mul3A_2 = arith.muli %arg1, %mul3A_1 : i32
    %mul3A_3 = arith.constant 640 : i32
    %mul3A_4 = arith.muli %arg1, %mul3A_3 : i32
    "tpu.region"() ({
      %run_scoped3A = tpu.sem_alloc : memref<!tpu.dma_semaphore, #tpu.memory_space<semaphore_mem>>
      %dma_start3A = arith.constant 0 : i32
      %dma_start3A_17 = tpu.memref_slice %arg8[%mul3A_4, %dma_start3A] : memref<10240x128xf32, #tpu.memory_space<vmem_shared>> -> memref<640x128xf32, #tpu.memory_space<vmem_shared>>
      %dma_start3A_18 = arith.constant 0 : i32
      %dma_start3A_19 = tpu.memref_slice %arg3[%mul3A_2, %dma_start3A_18] : memref<10240x128xf32, #tpu.memory_space<hbm>> -> memref<640x128xf32, #tpu.memory_space<hbm>>
      tpu.enqueue_dma source(%dma_start3A_19 : memref<640x128xf32, #tpu.memory_space<hbm>>) target(%dma_start3A_17 : memref<640x128xf32, #tpu.memory_space<vmem_shared>>) target_semaphore(%run_scoped3A : memref<!tpu.dma_semaphore, #tpu.memory_space<semaphore_mem>>)
      %dma_wait3A = arith.constant 0 : i32
      %dma_wait3A_20 = tpu.memref_slice %arg8[%mul3A_4, %dma_wait3A] : memref<10240x128xf32, #tpu.memory_space<vmem_shared>> -> memref<640x128xf32, #tpu.memory_space<vmem_shared>>
      %dma_wait3A_21 = arith.constant 0 : i32
      %dma_wait3A_22 = tpu.memref_slice %arg3[%mul3A_2, %dma_wait3A_21] : memref<10240x128xf32, #tpu.memory_space<hbm>> -> memref<640x128xf32, #tpu.memory_space<hbm>>
      tpu.wait_dma2 semaphore(%run_scoped3A : memref<!tpu.dma_semaphore, #tpu.memory_space<semaphore_mem>>) src(%dma_wait3A_22 : memref<640x128xf32, #tpu.memory_space<hbm>>) dst(%dma_wait3A_20 : memref<640x128xf32, #tpu.memory_space<vmem_shared>>)
      tpu.yield
    }) : () -> ()
    %mul3A_5 = arith.constant 80 : i32
    %mul3A_6 = arith.muli %add3A, %mul3A_5 : i32
    "tpu.region"() ({
      %run_scoped3A = tpu.sem_alloc : memref<!tpu.dma_semaphore, #tpu.memory_space<semaphore_mem>>
      %dma_start3A = arith.constant 0 : i32
      %dma_start3A_17 = tpu.memref_slice %arg2[%mul3A_6, %dma_start3A] : memref<2560x128xi32, #tpu.memory_space<hbm>> -> memref<80x128xi32, #tpu.memory_space<hbm>>
      %dma_start3A_18 = arith.constant 0 : i32
      %dma_start3A_19 = tpu.memref_slice %arg2[%mul3A_6, %dma_start3A_18] : memref<2560x128xi32, #tpu.memory_space<hbm>> -> memref<80x128xi32, #tpu.memory_space<hbm>>
      tpu.enqueue_dma source(%dma_start3A_19 : memref<80x128xi32, #tpu.memory_space<hbm>>) target(%arg6 : memref<80x128xi32, #tpu.memory_space<vmem>>) target_semaphore(%run_scoped3A : memref<!tpu.dma_semaphore, #tpu.memory_space<semaphore_mem>>)
      %dma_wait3A = arith.constant 0 : i32
      %dma_wait3A_20 = tpu.memref_slice %arg2[%mul3A_6, %dma_wait3A] : memref<2560x128xi32, #tpu.memory_space<hbm>> -> memref<80x128xi32, #tpu.memory_space<hbm>>
      %dma_wait3A_21 = arith.constant 0 : i32
      %dma_wait3A_22 = tpu.memref_slice %arg2[%mul3A_6, %dma_wait3A_21] : memref<2560x128xi32, #tpu.memory_space<hbm>> -> memref<80x128xi32, #tpu.memory_space<hbm>>
      tpu.wait_dma2 semaphore(%run_scoped3A : memref<!tpu.dma_semaphore, #tpu.memory_space<semaphore_mem>>) src(%dma_wait3A_22 : memref<80x128xi32, #tpu.memory_space<hbm>>) dst(%arg6 : memref<80x128xi32, #tpu.memory_space<vmem>>)
      tpu.yield
    }) : () -> ()
    "tpu.region"() ({
      %run_scoped3A = tpu.sem_alloc : memref<!tpu.dma_semaphore, #tpu.memory_space<semaphore_mem>>
      tpu.enqueue_dma source(%arg4 : memref<128x128xf32, #tpu.memory_space<hbm>>) target(%arg7 : memref<128x128xf32, #tpu.memory_space<vmem>>) target_semaphore(%run_scoped3A : memref<!tpu.dma_semaphore, #tpu.memory_space<semaphore_mem>>)
      tpu.wait_dma2 semaphore(%run_scoped3A : memref<!tpu.dma_semaphore, #tpu.memory_space<semaphore_mem>>) src(%arg4 : memref<128x128xf32, #tpu.memory_space<hbm>>) dst(%arg7 : memref<128x128xf32, #tpu.memory_space<vmem>>)
      tpu.yield
    }) : () -> ()
    %barrier3A = arith.constant 0 : index
    tpu.barrier barrier_id(%barrier3A)
    %scan3A = arith.constant 0 : i32
    %scan3A_7 = arith.constant 0 : i32
    %scan3A_8 = arith.constant 80 : i32
    %scan3A_9 = arith.addi %scan3A_7, %scan3A_8 : i32
    %scan3A_10 = arith.constant 1 : i32
    scf.for %scan3A_17 = %scan3A_7 to %scan3A_9 step %scan3A_10  : i32 {
      "tpu.region"() ({
        %run_scoped3A = tpu.sem_alloc : memref<!tpu.dma_semaphore, #tpu.memory_space<semaphore_mem>>
        %dma_start3A = arith.constant 0 : i32
        %dma_start3A_18 = tpu.memref_slice %arg6[%scan3A_17, %dma_start3A] : memref<80x128xi32, #tpu.memory_space<vmem>> -> memref<1x128xi32, #tpu.memory_space<vmem>>
        %dma_start3A_19 = tpu.memref_squeeze %dma_start3A_18 : memref<1x128xi32, #tpu.memory_space<vmem>> -> memref<128xi32, #tpu.memory_space<vmem>>
        %dma_start3A_20 = arith.constant 0 : i32
        %dma_start3A_21 = arith.constant 0 : i32
        %dma_start3A_22 = tpu.memref_slice %arg8[%dma_start3A_20, %dma_start3A_21] : memref<10240x128xf32, #tpu.memory_space<vmem_shared>> -> memref<10240x128xf32, #tpu.memory_space<vmem_shared>>
        tpu.enqueue_indirect_dma source(%arg7 : memref<128x128xf32, #tpu.memory_space<vmem>>) target(%dma_start3A_22 : memref<10240x128xf32, #tpu.memory_space<vmem_shared>>) offsets(%dma_start3A_19 : memref<128xi32, #tpu.memory_space<vmem>>) semaphore(%run_scoped3A : memref<!tpu.dma_semaphore, #tpu.memory_space<semaphore_mem>>) {add = true}
        %dma_wait3A = arith.constant 0 : i32
        %dma_wait3A_23 = tpu.memref_slice %arg6[%scan3A_17, %dma_wait3A] : memref<80x128xi32, #tpu.memory_space<vmem>> -> memref<1x128xi32, #tpu.memory_space<vmem>>
        %dma_wait3A_24 = tpu.memref_squeeze %dma_wait3A_23 : memref<1x128xi32, #tpu.memory_space<vmem>> -> memref<128xi32, #tpu.memory_space<vmem>>
        %dma_wait3A_25 = arith.constant 0 : i32
        %dma_wait3A_26 = arith.constant 0 : i32
        %dma_wait3A_27 = tpu.memref_slice %arg8[%dma_wait3A_25, %dma_wait3A_26] : memref<10240x128xf32, #tpu.memory_space<vmem_shared>> -> memref<10240x128xf32, #tpu.memory_space<vmem_shared>>
        tpu.wait_indirect_dma semaphore(%run_scoped3A : memref<!tpu.dma_semaphore, #tpu.memory_space<semaphore_mem>>) src(%arg7 : memref<128x128xf32, #tpu.memory_space<vmem>>) dst(%dma_wait3A_27 : memref<10240x128xf32, #tpu.memory_space<vmem_shared>>)
        tpu.yield
      }) : () -> ()
    }
    %scan3A_11 = arith.constant 80 : i32
    %barrier3A_12 = arith.constant 0 : index
    tpu.barrier barrier_id(%barrier3A_12)
    %mul3A_13 = arith.constant 640 : i32
    %mul3A_14 = arith.muli %arg1, %mul3A_13 : i32
    %mul3A_15 = arith.constant 640 : i32
    %mul3A_16 = arith.muli %arg1, %mul3A_15 : i32
    "tpu.region"() ({
      %run_scoped3A = tpu.sem_alloc : memref<!tpu.dma_semaphore, #tpu.memory_space<semaphore_mem>>
      %dma_start3A = arith.constant 0 : i32
      %dma_start3A_17 = tpu.memref_slice %arg5[%arg0, %mul3A_16, %dma_start3A] : memref<2x10240x128xf32, #tpu.memory_space<hbm>> -> memref<1x640x128xf32, #tpu.memory_space<hbm>>
      %dma_start3A_18 = tpu.memref_squeeze %dma_start3A_17 : memref<1x640x128xf32, #tpu.memory_space<hbm>> -> memref<640x128xf32, #tpu.memory_space<hbm>>
      %dma_start3A_19 = arith.constant 0 : i32
      %dma_start3A_20 = tpu.memref_slice %arg8[%mul3A_14, %dma_start3A_19] : memref<10240x128xf32, #tpu.memory_space<vmem_shared>> -> memref<640x128xf32, #tpu.memory_space<vmem_shared>>
      tpu.enqueue_dma source(%dma_start3A_20 : memref<640x128xf32, #tpu.memory_space<vmem_shared>>) target(%dma_start3A_18 : memref<640x128xf32, #tpu.memory_space<hbm>>) target_semaphore(%run_scoped3A : memref<!tpu.dma_semaphore, #tpu.memory_space<semaphore_mem>>)
      %dma_wait3A = arith.constant 0 : i32
      %dma_wait3A_21 = tpu.memref_slice %arg5[%arg0, %mul3A_16, %dma_wait3A] : memref<2x10240x128xf32, #tpu.memory_space<hbm>> -> memref<1x640x128xf32, #tpu.memory_space<hbm>>
      %dma_wait3A_22 = tpu.memref_squeeze %dma_wait3A_21 : memref<1x640x128xf32, #tpu.memory_space<hbm>> -> memref<640x128xf32, #tpu.memory_space<hbm>>
      %dma_wait3A_23 = arith.constant 0 : i32
      %dma_wait3A_24 = tpu.memref_slice %arg8[%mul3A_14, %dma_wait3A_23] : memref<10240x128xf32, #tpu.memory_space<vmem_shared>> -> memref<640x128xf32, #tpu.memory_space<vmem_shared>>
      tpu.wait_dma2 semaphore(%run_scoped3A : memref<!tpu.dma_semaphore, #tpu.memory_space<semaphore_mem>>) src(%dma_wait3A_24 : memref<640x128xf32, #tpu.memory_space<vmem_shared>>) dst(%dma_wait3A_22 : memref<640x128xf32, #tpu.memory_space<hbm>>)
      tpu.yield
    }) : () -> ()
    return
  }
}

#map = affine_map<(d0, d1) -> (0, 0)>
#map1 = affine_map<(d0, d1) -> (0, 0, 0)>
module attributes {stable_mosaic.version = 14 : i64} {
  func.func @_prop_body(%arg0: i32, %arg1: i32, %arg2: memref<10000x128xf32, #tpu.memory_space<hbm>>, %arg3: memref<2560x128xi32, #tpu.memory_space<hbm>>, %arg4: memref<2560x128xi32, #tpu.memory_space<hbm>>, %arg5: memref<10240x128xf32, #tpu.memory_space<hbm>>, %arg6: memref<2x10240x128xf32, #tpu.memory_space<hbm>>, %arg7: memref<8x128xi32, #tpu.memory_space<vmem>>, %arg8: memref<8x128xi32, #tpu.memory_space<vmem>>, %arg9: memref<128x128xf32, #tpu.memory_space<vmem>>, %arg10: memref<128x128xf32, #tpu.memory_space<vmem>>, %arg11: memref<10240x128xf32, #tpu.memory_space<vmem_shared>>, %arg12: memref<!tpu.dma_semaphore, #tpu.memory_space<semaphore_mem>>, %arg13: memref<!tpu.dma_semaphore, #tpu.memory_space<semaphore_mem>>) attributes {dimension_semantics = [#tpu.dimension_semantics<core_parallel>, #tpu.dimension_semantics<subcore_parallel>], iteration_bounds = array<i64: 2, 16>, scalar_prefetch = 0 : i64, scratch_operands = 7 : i64, tpu.core_type = #tpu.core_type<sc_vector_subcore>, window_params = [{transform_indices = #map}, {transform_indices = #map}, {transform_indices = #map}, {transform_indices = #map}, {transform_indices = #map1}]} {
    %mul3A = arith.constant 640 : i32
    %mul3A_0 = arith.muli %arg1, %mul3A : i32
    %mul3A_1 = arith.constant 640 : i32
    %mul3A_2 = arith.muli %arg1, %mul3A_1 : i32
    "tpu.region"() ({
      %run_scoped3A = tpu.sem_alloc : memref<!tpu.dma_semaphore, #tpu.memory_space<semaphore_mem>>
      %dma_start3A = arith.constant 0 : i32
      %dma_start3A_27 = tpu.memref_slice %arg11[%mul3A_2, %dma_start3A] : memref<10240x128xf32, #tpu.memory_space<vmem_shared>> -> memref<640x128xf32, #tpu.memory_space<vmem_shared>>
      %dma_start3A_28 = arith.constant 0 : i32
      %dma_start3A_29 = tpu.memref_slice %arg5[%mul3A_0, %dma_start3A_28] : memref<10240x128xf32, #tpu.memory_space<hbm>> -> memref<640x128xf32, #tpu.memory_space<hbm>>
      tpu.enqueue_dma source(%dma_start3A_29 : memref<640x128xf32, #tpu.memory_space<hbm>>) target(%dma_start3A_27 : memref<640x128xf32, #tpu.memory_space<vmem_shared>>) target_semaphore(%run_scoped3A : memref<!tpu.dma_semaphore, #tpu.memory_space<semaphore_mem>>)
      %dma_wait3A = arith.constant 0 : i32
      %dma_wait3A_30 = tpu.memref_slice %arg11[%mul3A_2, %dma_wait3A] : memref<10240x128xf32, #tpu.memory_space<vmem_shared>> -> memref<640x128xf32, #tpu.memory_space<vmem_shared>>
      %dma_wait3A_31 = arith.constant 0 : i32
      %dma_wait3A_32 = tpu.memref_slice %arg5[%mul3A_0, %dma_wait3A_31] : memref<10240x128xf32, #tpu.memory_space<hbm>> -> memref<640x128xf32, #tpu.memory_space<hbm>>
      tpu.wait_dma2 semaphore(%run_scoped3A : memref<!tpu.dma_semaphore, #tpu.memory_space<semaphore_mem>>) src(%dma_wait3A_32 : memref<640x128xf32, #tpu.memory_space<hbm>>) dst(%dma_wait3A_30 : memref<640x128xf32, #tpu.memory_space<vmem_shared>>)
      tpu.yield
    }) : () -> ()
    %barrier3A = arith.constant 0 : index
    tpu.barrier barrier_id(%barrier3A)
    %eq3A = arith.constant 0 : i32
    %eq3A_3 = arith.cmpi eq, %arg0, %eq3A : i32
    %mul3A_4 = arith.constant 160 : i32
    %mul3A_5 = arith.muli %arg1, %mul3A_4 : i32
    %mul3A_6 = arith.constant 0 : i32
    %mul3A_7 = arith.muli %arg1, %mul3A_6 : i32
    %add3A = arith.constant 2560 : i32
    %add3A_8 = arith.addi %add3A, %mul3A_7 : i32
    %select_n3A = arith.select %eq3A_3, %mul3A_5, %add3A_8 : i32
    %eq3A_9 = arith.constant 0 : i32
    %eq3A_10 = arith.cmpi eq, %arg0, %eq3A_9 : i32
    %jit3A = arith.constant 20 : i32
    %jit3A_11 = arith.constant 0 : i32
    %select_n3A_12 = arith.select %eq3A_10, %jit3A, %jit3A_11 : i32
    %while3A = arith.constant 0 : i32
    %while3A_13 = arith.constant 0 : i32
    %while3A_14 = arith.subi %select_n3A_12, %while3A_13 : i32
    %while3A_15 = arith.addi %while3A_13, %while3A_14 : i32
    %while3A_16 = arith.constant 1 : i32
    %while3A_17 = arith.divsi %while3A_14, %while3A_16 : i32
    %while3A_18 = arith.muli %while3A_17, %while3A_16 : i32
    %while3A_19 = arith.addi %while3A_13, %while3A_18 : i32
    %while3A_20 = arith.constant 1 : i32
    scf.for %while3A_27 = %while3A_13 to %while3A_19 step %while3A_20  : i32 {
      %mul3A_28 = arith.constant 8 : i32
      %mul3A_29 = arith.muli %while3A_27, %mul3A_28 : i32
      %add3A_30 = arith.addi %select_n3A, %mul3A_29 : i32
      "tpu.region"() ({
        %run_scoped3A = tpu.sem_alloc : memref<!tpu.dma_semaphore, #tpu.memory_space<semaphore_mem>>
        %dma_start3A_49 = arith.constant 0 : i32
        %dma_start3A_50 = tpu.memref_slice %arg3[%add3A_30, %dma_start3A_49] : memref<2560x128xi32, #tpu.memory_space<hbm>> -> memref<8x128xi32, #tpu.memory_space<hbm>>
        %dma_start3A_51 = arith.constant 0 : i32
        %dma_start3A_52 = tpu.memref_slice %arg3[%add3A_30, %dma_start3A_51] : memref<2560x128xi32, #tpu.memory_space<hbm>> -> memref<8x128xi32, #tpu.memory_space<hbm>>
        tpu.enqueue_dma source(%dma_start3A_52 : memref<8x128xi32, #tpu.memory_space<hbm>>) target(%arg7 : memref<8x128xi32, #tpu.memory_space<vmem>>) target_semaphore(%run_scoped3A : memref<!tpu.dma_semaphore, #tpu.memory_space<semaphore_mem>>)
        %dma_wait3A = arith.constant 0 : i32
        %dma_wait3A_53 = tpu.memref_slice %arg3[%add3A_30, %dma_wait3A] : memref<2560x128xi32, #tpu.memory_space<hbm>> -> memref<8x128xi32, #tpu.memory_space<hbm>>
        %dma_wait3A_54 = arith.constant 0 : i32
        %dma_wait3A_55 = tpu.memref_slice %arg3[%add3A_30, %dma_wait3A_54] : memref<2560x128xi32, #tpu.memory_space<hbm>> -> memref<8x128xi32, #tpu.memory_space<hbm>>
        tpu.wait_dma2 semaphore(%run_scoped3A : memref<!tpu.dma_semaphore, #tpu.memory_space<semaphore_mem>>) src(%dma_wait3A_55 : memref<8x128xi32, #tpu.memory_space<hbm>>) dst(%arg7 : memref<8x128xi32, #tpu.memory_space<vmem>>)
        tpu.yield
      }) : () -> ()
      "tpu.region"() ({
        %run_scoped3A = tpu.sem_alloc : memref<!tpu.dma_semaphore, #tpu.memory_space<semaphore_mem>>
        %dma_start3A_49 = arith.constant 0 : i32
        %dma_start3A_50 = tpu.memref_slice %arg4[%add3A_30, %dma_start3A_49] : memref<2560x128xi32, #tpu.memory_space<hbm>> -> memref<8x128xi32, #tpu.memory_space<hbm>>
        %dma_start3A_51 = arith.constant 0 : i32
        %dma_start3A_52 = tpu.memref_slice %arg4[%add3A_30, %dma_start3A_51] : memref<2560x128xi32, #tpu.memory_space<hbm>> -> memref<8x128xi32, #tpu.memory_space<hbm>>
        tpu.enqueue_dma source(%dma_start3A_52 : memref<8x128xi32, #tpu.memory_space<hbm>>) target(%arg8 : memref<8x128xi32, #tpu.memory_space<vmem>>) target_semaphore(%run_scoped3A : memref<!tpu.dma_semaphore, #tpu.memory_space<semaphore_mem>>)
        %dma_wait3A = arith.constant 0 : i32
        %dma_wait3A_53 = tpu.memref_slice %arg4[%add3A_30, %dma_wait3A] : memref<2560x128xi32, #tpu.memory_space<hbm>> -> memref<8x128xi32, #tpu.memory_space<hbm>>
        %dma_wait3A_54 = arith.constant 0 : i32
        %dma_wait3A_55 = tpu.memref_slice %arg4[%add3A_30, %dma_wait3A_54] : memref<2560x128xi32, #tpu.memory_space<hbm>> -> memref<8x128xi32, #tpu.memory_space<hbm>>
        tpu.wait_dma2 semaphore(%run_scoped3A : memref<!tpu.dma_semaphore, #tpu.memory_space<semaphore_mem>>) src(%dma_wait3A_55 : memref<8x128xi32, #tpu.memory_space<hbm>>) dst(%arg8 : memref<8x128xi32, #tpu.memory_space<vmem>>)
        tpu.yield
      }) : () -> ()
      %dma_start3A = arith.constant 0 : i32
      %dma_start3A_31 = arith.constant 0 : i32
      %dma_start3A_32 = tpu.memref_slice %arg7[%dma_start3A, %dma_start3A_31] : memref<8x128xi32, #tpu.memory_space<vmem>> -> memref<1x128xi32, #tpu.memory_space<vmem>>
      %dma_start3A_33 = tpu.memref_squeeze %dma_start3A_32 : memref<1x128xi32, #tpu.memory_space<vmem>> -> memref<128xi32, #tpu.memory_space<vmem>>
      %dma_start3A_34 = arith.constant 0 : i32
      %dma_start3A_35 = arith.constant 0 : i32
      %dma_start3A_36 = tpu.memref_slice %arg2[%dma_start3A_34, %dma_start3A_35] : memref<10000x128xf32, #tpu.memory_space<hbm>> -> memref<10000x128xf32, #tpu.memory_space<hbm>>
      tpu.enqueue_indirect_dma source(%dma_start3A_36 : memref<10000x128xf32, #tpu.memory_space<hbm>>) target(%arg9 : memref<128x128xf32, #tpu.memory_space<vmem>>) offsets(%dma_start3A_33 : memref<128xi32, #tpu.memory_space<vmem>>) semaphore(%arg12 : memref<!tpu.dma_semaphore, #tpu.memory_space<semaphore_mem>>)
      %dma_start3A_37 = arith.constant 1 : i32
      %dma_start3A_38 = arith.constant 0 : i32
      %dma_start3A_39 = tpu.memref_slice %arg7[%dma_start3A_37, %dma_start3A_38] : memref<8x128xi32, #tpu.memory_space<vmem>> -> memref<1x128xi32, #tpu.memory_space<vmem>>
      %dma_start3A_40 = tpu.memref_squeeze %dma_start3A_39 : memref<1x128xi32, #tpu.memory_space<vmem>> -> memref<128xi32, #tpu.memory_space<vmem>>
      %dma_start3A_41 = arith.constant 0 : i32
      %dma_start3A_42 = arith.constant 0 : i32
      %dma_start3A_43 = tpu.memref_slice %arg2[%dma_start3A_41, %dma_start3A_42] : memref<10000x128xf32, #tpu.memory_space<hbm>> -> memref<10000x128xf32, #tpu.memory_space<hbm>>
      tpu.enqueue_indirect_dma source(%dma_start3A_43 : memref<10000x128xf32, #tpu.memory_space<hbm>>) target(%arg10 : memref<128x128xf32, #tpu.memory_space<vmem>>) offsets(%dma_start3A_40 : memref<128xi32, #tpu.memory_space<vmem>>) semaphore(%arg13 : memref<!tpu.dma_semaphore, #tpu.memory_space<semaphore_mem>>)
      %scan3A = arith.constant 0 : i32
      %scan3A_44 = arith.constant 0 : i32
      %scan3A_45 = arith.constant 4 : i32
      %scan3A_46 = arith.addi %scan3A_44, %scan3A_45 : i32
      %scan3A_47 = arith.constant 1 : i32
      scf.for %scan3A_49 = %scan3A_44 to %scan3A_46 step %scan3A_47  : i32 {
        %mul3A_50 = arith.constant 2 : i32
        %mul3A_51 = arith.muli %scan3A_49, %mul3A_50 : i32
        %add3A_52 = arith.constant 0 : i32
        %add3A_53 = arith.addi %mul3A_51, %add3A_52 : i32
        %dma_wait3A = arith.constant 0 : i32
        %dma_wait3A_54 = arith.constant 0 : i32
        %dma_wait3A_55 = tpu.memref_slice %arg7[%dma_wait3A, %dma_wait3A_54] : memref<8x128xi32, #tpu.memory_space<vmem>> -> memref<1x128xi32, #tpu.memory_space<vmem>>
        %dma_wait3A_56 = tpu.memref_squeeze %dma_wait3A_55 : memref<1x128xi32, #tpu.memory_space<vmem>> -> memref<128xi32, #tpu.memory_space<vmem>>
        %dma_wait3A_57 = arith.constant 0 : i32
        %dma_wait3A_58 = arith.constant 0 : i32
        %dma_wait3A_59 = tpu.memref_slice %arg2[%dma_wait3A_57, %dma_wait3A_58] : memref<10000x128xf32, #tpu.memory_space<hbm>> -> memref<10000x128xf32, #tpu.memory_space<hbm>>
        tpu.wait_indirect_dma semaphore(%arg12 : memref<!tpu.dma_semaphore, #tpu.memory_space<semaphore_mem>>) src(%dma_wait3A_59 : memref<10000x128xf32, #tpu.memory_space<hbm>>) dst(%arg9 : memref<128x128xf32, #tpu.memory_space<vmem>>)
        "tpu.region"() ({
          %run_scoped3A = tpu.sem_alloc : memref<!tpu.dma_semaphore, #tpu.memory_space<semaphore_mem>>
          %dma_start3A_82 = arith.constant 0 : i32
          %dma_start3A_83 = tpu.memref_slice %arg8[%add3A_53, %dma_start3A_82] : memref<8x128xi32, #tpu.memory_space<vmem>> -> memref<1x128xi32, #tpu.memory_space<vmem>>
          %dma_start3A_84 = tpu.memref_squeeze %dma_start3A_83 : memref<1x128xi32, #tpu.memory_space<vmem>> -> memref<128xi32, #tpu.memory_space<vmem>>
          %dma_start3A_85 = arith.constant 0 : i32
          %dma_start3A_86 = arith.constant 0 : i32
          %dma_start3A_87 = tpu.memref_slice %arg11[%dma_start3A_85, %dma_start3A_86] : memref<10240x128xf32, #tpu.memory_space<vmem_shared>> -> memref<10240x128xf32, #tpu.memory_space<vmem_shared>>
          tpu.enqueue_indirect_dma source(%arg9 : memref<128x128xf32, #tpu.memory_space<vmem>>) target(%dma_start3A_87 : memref<10240x128xf32, #tpu.memory_space<vmem_shared>>) offsets(%dma_start3A_84 : memref<128xi32, #tpu.memory_space<vmem>>) semaphore(%run_scoped3A : memref<!tpu.dma_semaphore, #tpu.memory_space<semaphore_mem>>) {add = true}
          %dma_wait3A_88 = arith.constant 0 : i32
          %dma_wait3A_89 = tpu.memref_slice %arg8[%add3A_53, %dma_wait3A_88] : memref<8x128xi32, #tpu.memory_space<vmem>> -> memref<1x128xi32, #tpu.memory_space<vmem>>
          %dma_wait3A_90 = tpu.memref_squeeze %dma_wait3A_89 : memref<1x128xi32, #tpu.memory_space<vmem>> -> memref<128xi32, #tpu.memory_space<vmem>>
          %dma_wait3A_91 = arith.constant 0 : i32
          %dma_wait3A_92 = arith.constant 0 : i32
          %dma_wait3A_93 = tpu.memref_slice %arg11[%dma_wait3A_91, %dma_wait3A_92] : memref<10240x128xf32, #tpu.memory_space<vmem_shared>> -> memref<10240x128xf32, #tpu.memory_space<vmem_shared>>
          tpu.wait_indirect_dma semaphore(%run_scoped3A : memref<!tpu.dma_semaphore, #tpu.memory_space<semaphore_mem>>) src(%arg9 : memref<128x128xf32, #tpu.memory_space<vmem>>) dst(%dma_wait3A_93 : memref<10240x128xf32, #tpu.memory_space<vmem_shared>>)
          tpu.yield
        }) : () -> ()
        %add3A_60 = arith.constant 2 : i32
        %add3A_61 = arith.addi %add3A_53, %add3A_60 : i32
        %lt3A = arith.constant 8 : i32
        %lt3A_62 = arith.cmpi slt, %add3A_61, %lt3A : i32
        %convert_element_type3A = arith.extui %lt3A_62 : i1 to i32
        %cond3A = arith.constant 0 : i32
        %cond3A_63 = arith.cmpi ne, %convert_element_type3A, %cond3A : i32
        scf.if %cond3A_63 {
          %add3A_82 = arith.constant 2 : i32
          %add3A_83 = arith.addi %add3A_53, %add3A_82 : i32
          %dma_start3A_84 = arith.constant 0 : i32
          %dma_start3A_85 = tpu.memref_slice %arg7[%add3A_83, %dma_start3A_84] : memref<8x128xi32, #tpu.memory_space<vmem>> -> memref<1x128xi32, #tpu.memory_space<vmem>>
          %dma_start3A_86 = tpu.memref_squeeze %dma_start3A_85 : memref<1x128xi32, #tpu.memory_space<vmem>> -> memref<128xi32, #tpu.memory_space<vmem>>
          %dma_start3A_87 = arith.constant 0 : i32
          %dma_start3A_88 = arith.constant 0 : i32
          %dma_start3A_89 = tpu.memref_slice %arg2[%dma_start3A_87, %dma_start3A_88] : memref<10000x128xf32, #tpu.memory_space<hbm>> -> memref<10000x128xf32, #tpu.memory_space<hbm>>
          tpu.enqueue_indirect_dma source(%dma_start3A_89 : memref<10000x128xf32, #tpu.memory_space<hbm>>) target(%arg9 : memref<128x128xf32, #tpu.memory_space<vmem>>) offsets(%dma_start3A_86 : memref<128xi32, #tpu.memory_space<vmem>>) semaphore(%arg12 : memref<!tpu.dma_semaphore, #tpu.memory_space<semaphore_mem>>)
        } else {
        }
        %mul3A_64 = arith.constant 2 : i32
        %mul3A_65 = arith.muli %scan3A_49, %mul3A_64 : i32
        %add3A_66 = arith.constant 1 : i32
        %add3A_67 = arith.addi %mul3A_65, %add3A_66 : i32
        %dma_wait3A_68 = arith.constant 0 : i32
        %dma_wait3A_69 = arith.constant 0 : i32
        %dma_wait3A_70 = tpu.memref_slice %arg7[%dma_wait3A_68, %dma_wait3A_69] : memref<8x128xi32, #tpu.memory_space<vmem>> -> memref<1x128xi32, #tpu.memory_space<vmem>>
        %dma_wait3A_71 = tpu.memref_squeeze %dma_wait3A_70 : memref<1x128xi32, #tpu.memory_space<vmem>> -> memref<128xi32, #tpu.memory_space<vmem>>
        %dma_wait3A_72 = arith.constant 0 : i32
        %dma_wait3A_73 = arith.constant 0 : i32
        %dma_wait3A_74 = tpu.memref_slice %arg2[%dma_wait3A_72, %dma_wait3A_73] : memref<10000x128xf32, #tpu.memory_space<hbm>> -> memref<10000x128xf32, #tpu.memory_space<hbm>>
        tpu.wait_indirect_dma semaphore(%arg13 : memref<!tpu.dma_semaphore, #tpu.memory_space<semaphore_mem>>) src(%dma_wait3A_74 : memref<10000x128xf32, #tpu.memory_space<hbm>>) dst(%arg10 : memref<128x128xf32, #tpu.memory_space<vmem>>)
        "tpu.region"() ({
          %run_scoped3A = tpu.sem_alloc : memref<!tpu.dma_semaphore, #tpu.memory_space<semaphore_mem>>
          %dma_start3A_82 = arith.constant 0 : i32
          %dma_start3A_83 = tpu.memref_slice %arg8[%add3A_67, %dma_start3A_82] : memref<8x128xi32, #tpu.memory_space<vmem>> -> memref<1x128xi32, #tpu.memory_space<vmem>>
          %dma_start3A_84 = tpu.memref_squeeze %dma_start3A_83 : memref<1x128xi32, #tpu.memory_space<vmem>> -> memref<128xi32, #tpu.memory_space<vmem>>
          %dma_start3A_85 = arith.constant 0 : i32
          %dma_start3A_86 = arith.constant 0 : i32
          %dma_start3A_87 = tpu.memref_slice %arg11[%dma_start3A_85, %dma_start3A_86] : memref<10240x128xf32, #tpu.memory_space<vmem_shared>> -> memref<10240x128xf32, #tpu.memory_space<vmem_shared>>
          tpu.enqueue_indirect_dma source(%arg10 : memref<128x128xf32, #tpu.memory_space<vmem>>) target(%dma_start3A_87 : memref<10240x128xf32, #tpu.memory_space<vmem_shared>>) offsets(%dma_start3A_84 : memref<128xi32, #tpu.memory_space<vmem>>) semaphore(%run_scoped3A : memref<!tpu.dma_semaphore, #tpu.memory_space<semaphore_mem>>) {add = true}
          %dma_wait3A_88 = arith.constant 0 : i32
          %dma_wait3A_89 = tpu.memref_slice %arg8[%add3A_67, %dma_wait3A_88] : memref<8x128xi32, #tpu.memory_space<vmem>> -> memref<1x128xi32, #tpu.memory_space<vmem>>
          %dma_wait3A_90 = tpu.memref_squeeze %dma_wait3A_89 : memref<1x128xi32, #tpu.memory_space<vmem>> -> memref<128xi32, #tpu.memory_space<vmem>>
          %dma_wait3A_91 = arith.constant 0 : i32
          %dma_wait3A_92 = arith.constant 0 : i32
          %dma_wait3A_93 = tpu.memref_slice %arg11[%dma_wait3A_91, %dma_wait3A_92] : memref<10240x128xf32, #tpu.memory_space<vmem_shared>> -> memref<10240x128xf32, #tpu.memory_space<vmem_shared>>
          tpu.wait_indirect_dma semaphore(%run_scoped3A : memref<!tpu.dma_semaphore, #tpu.memory_space<semaphore_mem>>) src(%arg10 : memref<128x128xf32, #tpu.memory_space<vmem>>) dst(%dma_wait3A_93 : memref<10240x128xf32, #tpu.memory_space<vmem_shared>>)
          tpu.yield
        }) : () -> ()
        %add3A_75 = arith.constant 2 : i32
        %add3A_76 = arith.addi %add3A_67, %add3A_75 : i32
        %lt3A_77 = arith.constant 8 : i32
        %lt3A_78 = arith.cmpi slt, %add3A_76, %lt3A_77 : i32
        %convert_element_type3A_79 = arith.extui %lt3A_78 : i1 to i32
        %cond3A_80 = arith.constant 0 : i32
        %cond3A_81 = arith.cmpi ne, %convert_element_type3A_79, %cond3A_80 : i32
        scf.if %cond3A_81 {
          %add3A_82 = arith.constant 2 : i32
          %add3A_83 = arith.addi %add3A_67, %add3A_82 : i32
          %dma_start3A_84 = arith.constant 0 : i32
          %dma_start3A_85 = tpu.memref_slice %arg7[%add3A_83, %dma_start3A_84] : memref<8x128xi32, #tpu.memory_space<vmem>> -> memref<1x128xi32, #tpu.memory_space<vmem>>
          %dma_start3A_86 = tpu.memref_squeeze %dma_start3A_85 : memref<1x128xi32, #tpu.memory_space<vmem>> -> memref<128xi32, #tpu.memory_space<vmem>>
          %dma_start3A_87 = arith.constant 0 : i32
          %dma_start3A_88 = arith.constant 0 : i32
          %dma_start3A_89 = tpu.memref_slice %arg2[%dma_start3A_87, %dma_start3A_88] : memref<10000x128xf32, #tpu.memory_space<hbm>> -> memref<10000x128xf32, #tpu.memory_space<hbm>>
          tpu.enqueue_indirect_dma source(%dma_start3A_89 : memref<10000x128xf32, #tpu.memory_space<hbm>>) target(%arg10 : memref<128x128xf32, #tpu.memory_space<vmem>>) offsets(%dma_start3A_86 : memref<128xi32, #tpu.memory_space<vmem>>) semaphore(%arg13 : memref<!tpu.dma_semaphore, #tpu.memory_space<semaphore_mem>>)
        } else {
        }
      }
      %scan3A_48 = arith.constant 4 : i32
    }
    %while3A_21 = arith.constant 1 : i32
    scf.for %while3A_27 = %while3A_19 to %while3A_15 step %while3A_21  : i32 {
      %mul3A_28 = arith.constant 8 : i32
      %mul3A_29 = arith.muli %while3A_27, %mul3A_28 : i32
      %add3A_30 = arith.addi %select_n3A, %mul3A_29 : i32
      "tpu.region"() ({
        %run_scoped3A = tpu.sem_alloc : memref<!tpu.dma_semaphore, #tpu.memory_space<semaphore_mem>>
        %dma_start3A_49 = arith.constant 0 : i32
        %dma_start3A_50 = tpu.memref_slice %arg3[%add3A_30, %dma_start3A_49] : memref<2560x128xi32, #tpu.memory_space<hbm>> -> memref<8x128xi32, #tpu.memory_space<hbm>>
        %dma_start3A_51 = arith.constant 0 : i32
        %dma_start3A_52 = tpu.memref_slice %arg3[%add3A_30, %dma_start3A_51] : memref<2560x128xi32, #tpu.memory_space<hbm>> -> memref<8x128xi32, #tpu.memory_space<hbm>>
        tpu.enqueue_dma source(%dma_start3A_52 : memref<8x128xi32, #tpu.memory_space<hbm>>) target(%arg7 : memref<8x128xi32, #tpu.memory_space<vmem>>) target_semaphore(%run_scoped3A : memref<!tpu.dma_semaphore, #tpu.memory_space<semaphore_mem>>)
        %dma_wait3A = arith.constant 0 : i32
        %dma_wait3A_53 = tpu.memref_slice %arg3[%add3A_30, %dma_wait3A] : memref<2560x128xi32, #tpu.memory_space<hbm>> -> memref<8x128xi32, #tpu.memory_space<hbm>>
        %dma_wait3A_54 = arith.constant 0 : i32
        %dma_wait3A_55 = tpu.memref_slice %arg3[%add3A_30, %dma_wait3A_54] : memref<2560x128xi32, #tpu.memory_space<hbm>> -> memref<8x128xi32, #tpu.memory_space<hbm>>
        tpu.wait_dma2 semaphore(%run_scoped3A : memref<!tpu.dma_semaphore, #tpu.memory_space<semaphore_mem>>) src(%dma_wait3A_55 : memref<8x128xi32, #tpu.memory_space<hbm>>) dst(%arg7 : memref<8x128xi32, #tpu.memory_space<vmem>>)
        tpu.yield
      }) : () -> ()
      "tpu.region"() ({
        %run_scoped3A = tpu.sem_alloc : memref<!tpu.dma_semaphore, #tpu.memory_space<semaphore_mem>>
        %dma_start3A_49 = arith.constant 0 : i32
        %dma_start3A_50 = tpu.memref_slice %arg4[%add3A_30, %dma_start3A_49] : memref<2560x128xi32, #tpu.memory_space<hbm>> -> memref<8x128xi32, #tpu.memory_space<hbm>>
        %dma_start3A_51 = arith.constant 0 : i32
        %dma_start3A_52 = tpu.memref_slice %arg4[%add3A_30, %dma_start3A_51] : memref<2560x128xi32, #tpu.memory_space<hbm>> -> memref<8x128xi32, #tpu.memory_space<hbm>>
        tpu.enqueue_dma source(%dma_start3A_52 : memref<8x128xi32, #tpu.memory_space<hbm>>) target(%arg8 : memref<8x128xi32, #tpu.memory_space<vmem>>) target_semaphore(%run_scoped3A : memref<!tpu.dma_semaphore, #tpu.memory_space<semaphore_mem>>)
        %dma_wait3A = arith.constant 0 : i32
        %dma_wait3A_53 = tpu.memref_slice %arg4[%add3A_30, %dma_wait3A] : memref<2560x128xi32, #tpu.memory_space<hbm>> -> memref<8x128xi32, #tpu.memory_space<hbm>>
        %dma_wait3A_54 = arith.constant 0 : i32
        %dma_wait3A_55 = tpu.memref_slice %arg4[%add3A_30, %dma_wait3A_54] : memref<2560x128xi32, #tpu.memory_space<hbm>> -> memref<8x128xi32, #tpu.memory_space<hbm>>
        tpu.wait_dma2 semaphore(%run_scoped3A : memref<!tpu.dma_semaphore, #tpu.memory_space<semaphore_mem>>) src(%dma_wait3A_55 : memref<8x128xi32, #tpu.memory_space<hbm>>) dst(%arg8 : memref<8x128xi32, #tpu.memory_space<vmem>>)
        tpu.yield
      }) : () -> ()
      %dma_start3A = arith.constant 0 : i32
      %dma_start3A_31 = arith.constant 0 : i32
      %dma_start3A_32 = tpu.memref_slice %arg7[%dma_start3A, %dma_start3A_31] : memref<8x128xi32, #tpu.memory_space<vmem>> -> memref<1x128xi32, #tpu.memory_space<vmem>>
      %dma_start3A_33 = tpu.memref_squeeze %dma_start3A_32 : memref<1x128xi32, #tpu.memory_space<vmem>> -> memref<128xi32, #tpu.memory_space<vmem>>
      %dma_start3A_34 = arith.constant 0 : i32
      %dma_start3A_35 = arith.constant 0 : i32
      %dma_start3A_36 = tpu.memref_slice %arg2[%dma_start3A_34, %dma_start3A_35] : memref<10000x128xf32, #tpu.memory_space<hbm>> -> memref<10000x128xf32, #tpu.memory_space<hbm>>
      tpu.enqueue_indirect_dma source(%dma_start3A_36 : memref<10000x128xf32, #tpu.memory_space<hbm>>) target(%arg9 : memref<128x128xf32, #tpu.memory_space<vmem>>) offsets(%dma_start3A_33 : memref<128xi32, #tpu.memory_space<vmem>>) semaphore(%arg12 : memref<!tpu.dma_semaphore, #tpu.memory_space<semaphore_mem>>)
      %dma_start3A_37 = arith.constant 1 : i32
      %dma_start3A_38 = arith.constant 0 : i32
      %dma_start3A_39 = tpu.memref_slice %arg7[%dma_start3A_37, %dma_start3A_38] : memref<8x128xi32, #tpu.memory_space<vmem>> -> memref<1x128xi32, #tpu.memory_space<vmem>>
      %dma_start3A_40 = tpu.memref_squeeze %dma_start3A_39 : memref<1x128xi32, #tpu.memory_space<vmem>> -> memref<128xi32, #tpu.memory_space<vmem>>
      %dma_start3A_41 = arith.constant 0 : i32
      %dma_start3A_42 = arith.constant 0 : i32
      %dma_start3A_43 = tpu.memref_slice %arg2[%dma_start3A_41, %dma_start3A_42] : memref<10000x128xf32, #tpu.memory_space<hbm>> -> memref<10000x128xf32, #tpu.memory_space<hbm>>
      tpu.enqueue_indirect_dma source(%dma_start3A_43 : memref<10000x128xf32, #tpu.memory_space<hbm>>) target(%arg10 : memref<128x128xf32, #tpu.memory_space<vmem>>) offsets(%dma_start3A_40 : memref<128xi32, #tpu.memory_space<vmem>>) semaphore(%arg13 : memref<!tpu.dma_semaphore, #tpu.memory_space<semaphore_mem>>)
      %scan3A = arith.constant 0 : i32
      %scan3A_44 = arith.constant 0 : i32
      %scan3A_45 = arith.constant 4 : i32
      %scan3A_46 = arith.addi %scan3A_44, %scan3A_45 : i32
      %scan3A_47 = arith.constant 1 : i32
      scf.for %scan3A_49 = %scan3A_44 to %scan3A_46 step %scan3A_47  : i32 {
        %mul3A_50 = arith.constant 2 : i32
        %mul3A_51 = arith.muli %scan3A_49, %mul3A_50 : i32
        %add3A_52 = arith.constant 0 : i32
        %add3A_53 = arith.addi %mul3A_51, %add3A_52 : i32
        %dma_wait3A = arith.constant 0 : i32
        %dma_wait3A_54 = arith.constant 0 : i32
        %dma_wait3A_55 = tpu.memref_slice %arg7[%dma_wait3A, %dma_wait3A_54] : memref<8x128xi32, #tpu.memory_space<vmem>> -> memref<1x128xi32, #tpu.memory_space<vmem>>
        %dma_wait3A_56 = tpu.memref_squeeze %dma_wait3A_55 : memref<1x128xi32, #tpu.memory_space<vmem>> -> memref<128xi32, #tpu.memory_space<vmem>>
        %dma_wait3A_57 = arith.constant 0 : i32
        %dma_wait3A_58 = arith.constant 0 : i32
        %dma_wait3A_59 = tpu.memref_slice %arg2[%dma_wait3A_57, %dma_wait3A_58] : memref<10000x128xf32, #tpu.memory_space<hbm>> -> memref<10000x128xf32, #tpu.memory_space<hbm>>
        tpu.wait_indirect_dma semaphore(%arg12 : memref<!tpu.dma_semaphore, #tpu.memory_space<semaphore_mem>>) src(%dma_wait3A_59 : memref<10000x128xf32, #tpu.memory_space<hbm>>) dst(%arg9 : memref<128x128xf32, #tpu.memory_space<vmem>>)
        "tpu.region"() ({
          %run_scoped3A = tpu.sem_alloc : memref<!tpu.dma_semaphore, #tpu.memory_space<semaphore_mem>>
          %dma_start3A_82 = arith.constant 0 : i32
          %dma_start3A_83 = tpu.memref_slice %arg8[%add3A_53, %dma_start3A_82] : memref<8x128xi32, #tpu.memory_space<vmem>> -> memref<1x128xi32, #tpu.memory_space<vmem>>
          %dma_start3A_84 = tpu.memref_squeeze %dma_start3A_83 : memref<1x128xi32, #tpu.memory_space<vmem>> -> memref<128xi32, #tpu.memory_space<vmem>>
          %dma_start3A_85 = arith.constant 0 : i32
          %dma_start3A_86 = arith.constant 0 : i32
          %dma_start3A_87 = tpu.memref_slice %arg11[%dma_start3A_85, %dma_start3A_86] : memref<10240x128xf32, #tpu.memory_space<vmem_shared>> -> memref<10240x128xf32, #tpu.memory_space<vmem_shared>>
          tpu.enqueue_indirect_dma source(%arg9 : memref<128x128xf32, #tpu.memory_space<vmem>>) target(%dma_start3A_87 : memref<10240x128xf32, #tpu.memory_space<vmem_shared>>) offsets(%dma_start3A_84 : memref<128xi32, #tpu.memory_space<vmem>>) semaphore(%run_scoped3A : memref<!tpu.dma_semaphore, #tpu.memory_space<semaphore_mem>>) {add = true}
          %dma_wait3A_88 = arith.constant 0 : i32
          %dma_wait3A_89 = tpu.memref_slice %arg8[%add3A_53, %dma_wait3A_88] : memref<8x128xi32, #tpu.memory_space<vmem>> -> memref<1x128xi32, #tpu.memory_space<vmem>>
          %dma_wait3A_90 = tpu.memref_squeeze %dma_wait3A_89 : memref<1x128xi32, #tpu.memory_space<vmem>> -> memref<128xi32, #tpu.memory_space<vmem>>
          %dma_wait3A_91 = arith.constant 0 : i32
          %dma_wait3A_92 = arith.constant 0 : i32
          %dma_wait3A_93 = tpu.memref_slice %arg11[%dma_wait3A_91, %dma_wait3A_92] : memref<10240x128xf32, #tpu.memory_space<vmem_shared>> -> memref<10240x128xf32, #tpu.memory_space<vmem_shared>>
          tpu.wait_indirect_dma semaphore(%run_scoped3A : memref<!tpu.dma_semaphore, #tpu.memory_space<semaphore_mem>>) src(%arg9 : memref<128x128xf32, #tpu.memory_space<vmem>>) dst(%dma_wait3A_93 : memref<10240x128xf32, #tpu.memory_space<vmem_shared>>)
          tpu.yield
        }) : () -> ()
        %add3A_60 = arith.constant 2 : i32
        %add3A_61 = arith.addi %add3A_53, %add3A_60 : i32
        %lt3A = arith.constant 8 : i32
        %lt3A_62 = arith.cmpi slt, %add3A_61, %lt3A : i32
        %convert_element_type3A = arith.extui %lt3A_62 : i1 to i32
        %cond3A = arith.constant 0 : i32
        %cond3A_63 = arith.cmpi ne, %convert_element_type3A, %cond3A : i32
        scf.if %cond3A_63 {
          %add3A_82 = arith.constant 2 : i32
          %add3A_83 = arith.addi %add3A_53, %add3A_82 : i32
          %dma_start3A_84 = arith.constant 0 : i32
          %dma_start3A_85 = tpu.memref_slice %arg7[%add3A_83, %dma_start3A_84] : memref<8x128xi32, #tpu.memory_space<vmem>> -> memref<1x128xi32, #tpu.memory_space<vmem>>
          %dma_start3A_86 = tpu.memref_squeeze %dma_start3A_85 : memref<1x128xi32, #tpu.memory_space<vmem>> -> memref<128xi32, #tpu.memory_space<vmem>>
          %dma_start3A_87 = arith.constant 0 : i32
          %dma_start3A_88 = arith.constant 0 : i32
          %dma_start3A_89 = tpu.memref_slice %arg2[%dma_start3A_87, %dma_start3A_88] : memref<10000x128xf32, #tpu.memory_space<hbm>> -> memref<10000x128xf32, #tpu.memory_space<hbm>>
          tpu.enqueue_indirect_dma source(%dma_start3A_89 : memref<10000x128xf32, #tpu.memory_space<hbm>>) target(%arg9 : memref<128x128xf32, #tpu.memory_space<vmem>>) offsets(%dma_start3A_86 : memref<128xi32, #tpu.memory_space<vmem>>) semaphore(%arg12 : memref<!tpu.dma_semaphore, #tpu.memory_space<semaphore_mem>>)
        } else {
        }
        %mul3A_64 = arith.constant 2 : i32
        %mul3A_65 = arith.muli %scan3A_49, %mul3A_64 : i32
        %add3A_66 = arith.constant 1 : i32
        %add3A_67 = arith.addi %mul3A_65, %add3A_66 : i32
        %dma_wait3A_68 = arith.constant 0 : i32
        %dma_wait3A_69 = arith.constant 0 : i32
        %dma_wait3A_70 = tpu.memref_slice %arg7[%dma_wait3A_68, %dma_wait3A_69] : memref<8x128xi32, #tpu.memory_space<vmem>> -> memref<1x128xi32, #tpu.memory_space<vmem>>
        %dma_wait3A_71 = tpu.memref_squeeze %dma_wait3A_70 : memref<1x128xi32, #tpu.memory_space<vmem>> -> memref<128xi32, #tpu.memory_space<vmem>>
        %dma_wait3A_72 = arith.constant 0 : i32
        %dma_wait3A_73 = arith.constant 0 : i32
        %dma_wait3A_74 = tpu.memref_slice %arg2[%dma_wait3A_72, %dma_wait3A_73] : memref<10000x128xf32, #tpu.memory_space<hbm>> -> memref<10000x128xf32, #tpu.memory_space<hbm>>
        tpu.wait_indirect_dma semaphore(%arg13 : memref<!tpu.dma_semaphore, #tpu.memory_space<semaphore_mem>>) src(%dma_wait3A_74 : memref<10000x128xf32, #tpu.memory_space<hbm>>) dst(%arg10 : memref<128x128xf32, #tpu.memory_space<vmem>>)
        "tpu.region"() ({
          %run_scoped3A = tpu.sem_alloc : memref<!tpu.dma_semaphore, #tpu.memory_space<semaphore_mem>>
          %dma_start3A_82 = arith.constant 0 : i32
          %dma_start3A_83 = tpu.memref_slice %arg8[%add3A_67, %dma_start3A_82] : memref<8x128xi32, #tpu.memory_space<vmem>> -> memref<1x128xi32, #tpu.memory_space<vmem>>
          %dma_start3A_84 = tpu.memref_squeeze %dma_start3A_83 : memref<1x128xi32, #tpu.memory_space<vmem>> -> memref<128xi32, #tpu.memory_space<vmem>>
          %dma_start3A_85 = arith.constant 0 : i32
          %dma_start3A_86 = arith.constant 0 : i32
          %dma_start3A_87 = tpu.memref_slice %arg11[%dma_start3A_85, %dma_start3A_86] : memref<10240x128xf32, #tpu.memory_space<vmem_shared>> -> memref<10240x128xf32, #tpu.memory_space<vmem_shared>>
          tpu.enqueue_indirect_dma source(%arg10 : memref<128x128xf32, #tpu.memory_space<vmem>>) target(%dma_start3A_87 : memref<10240x128xf32, #tpu.memory_space<vmem_shared>>) offsets(%dma_start3A_84 : memref<128xi32, #tpu.memory_space<vmem>>) semaphore(%run_scoped3A : memref<!tpu.dma_semaphore, #tpu.memory_space<semaphore_mem>>) {add = true}
          %dma_wait3A_88 = arith.constant 0 : i32
          %dma_wait3A_89 = tpu.memref_slice %arg8[%add3A_67, %dma_wait3A_88] : memref<8x128xi32, #tpu.memory_space<vmem>> -> memref<1x128xi32, #tpu.memory_space<vmem>>
          %dma_wait3A_90 = tpu.memref_squeeze %dma_wait3A_89 : memref<1x128xi32, #tpu.memory_space<vmem>> -> memref<128xi32, #tpu.memory_space<vmem>>
          %dma_wait3A_91 = arith.constant 0 : i32
          %dma_wait3A_92 = arith.constant 0 : i32
          %dma_wait3A_93 = tpu.memref_slice %arg11[%dma_wait3A_91, %dma_wait3A_92] : memref<10240x128xf32, #tpu.memory_space<vmem_shared>> -> memref<10240x128xf32, #tpu.memory_space<vmem_shared>>
          tpu.wait_indirect_dma semaphore(%run_scoped3A : memref<!tpu.dma_semaphore, #tpu.memory_space<semaphore_mem>>) src(%arg10 : memref<128x128xf32, #tpu.memory_space<vmem>>) dst(%dma_wait3A_93 : memref<10240x128xf32, #tpu.memory_space<vmem_shared>>)
          tpu.yield
        }) : () -> ()
        %add3A_75 = arith.constant 2 : i32
        %add3A_76 = arith.addi %add3A_67, %add3A_75 : i32
        %lt3A_77 = arith.constant 8 : i32
        %lt3A_78 = arith.cmpi slt, %add3A_76, %lt3A_77 : i32
        %convert_element_type3A_79 = arith.extui %lt3A_78 : i1 to i32
        %cond3A_80 = arith.constant 0 : i32
        %cond3A_81 = arith.cmpi ne, %convert_element_type3A_79, %cond3A_80 : i32
        scf.if %cond3A_81 {
          %add3A_82 = arith.constant 2 : i32
          %add3A_83 = arith.addi %add3A_67, %add3A_82 : i32
          %dma_start3A_84 = arith.constant 0 : i32
          %dma_start3A_85 = tpu.memref_slice %arg7[%add3A_83, %dma_start3A_84] : memref<8x128xi32, #tpu.memory_space<vmem>> -> memref<1x128xi32, #tpu.memory_space<vmem>>
          %dma_start3A_86 = tpu.memref_squeeze %dma_start3A_85 : memref<1x128xi32, #tpu.memory_space<vmem>> -> memref<128xi32, #tpu.memory_space<vmem>>
          %dma_start3A_87 = arith.constant 0 : i32
          %dma_start3A_88 = arith.constant 0 : i32
          %dma_start3A_89 = tpu.memref_slice %arg2[%dma_start3A_87, %dma_start3A_88] : memref<10000x128xf32, #tpu.memory_space<hbm>> -> memref<10000x128xf32, #tpu.memory_space<hbm>>
          tpu.enqueue_indirect_dma source(%dma_start3A_89 : memref<10000x128xf32, #tpu.memory_space<hbm>>) target(%arg10 : memref<128x128xf32, #tpu.memory_space<vmem>>) offsets(%dma_start3A_86 : memref<128xi32, #tpu.memory_space<vmem>>) semaphore(%arg13 : memref<!tpu.dma_semaphore, #tpu.memory_space<semaphore_mem>>)
        } else {
        }
      }
      %scan3A_48 = arith.constant 4 : i32
    }
    %barrier3A_22 = arith.constant 0 : index
    tpu.barrier barrier_id(%barrier3A_22)
    %mul3A_23 = arith.constant 640 : i32
    %mul3A_24 = arith.muli %arg1, %mul3A_23 : i32
    %mul3A_25 = arith.constant 640 : i32
    %mul3A_26 = arith.muli %arg1, %mul3A_25 : i32
    "tpu.region"() ({
      %run_scoped3A = tpu.sem_alloc : memref<!tpu.dma_semaphore, #tpu.memory_space<semaphore_mem>>
      %dma_start3A = arith.constant 0 : i32
      %dma_start3A_27 = tpu.memref_slice %arg6[%arg0, %mul3A_26, %dma_start3A] : memref<2x10240x128xf32, #tpu.memory_space<hbm>> -> memref<1x640x128xf32, #tpu.memory_space<hbm>>
      %dma_start3A_28 = tpu.memref_squeeze %dma_start3A_27 : memref<1x640x128xf32, #tpu.memory_space<hbm>> -> memref<640x128xf32, #tpu.memory_space<hbm>>
      %dma_start3A_29 = arith.constant 0 : i32
      %dma_start3A_30 = tpu.memref_slice %arg11[%mul3A_24, %dma_start3A_29] : memref<10240x128xf32, #tpu.memory_space<vmem_shared>> -> memref<640x128xf32, #tpu.memory_space<vmem_shared>>
      tpu.enqueue_dma source(%dma_start3A_30 : memref<640x128xf32, #tpu.memory_space<vmem_shared>>) target(%dma_start3A_28 : memref<640x128xf32, #tpu.memory_space<hbm>>) target_semaphore(%run_scoped3A : memref<!tpu.dma_semaphore, #tpu.memory_space<semaphore_mem>>)
      %dma_wait3A = arith.constant 0 : i32
      %dma_wait3A_31 = tpu.memref_slice %arg6[%arg0, %mul3A_26, %dma_wait3A] : memref<2x10240x128xf32, #tpu.memory_space<hbm>> -> memref<1x640x128xf32, #tpu.memory_space<hbm>>
      %dma_wait3A_32 = tpu.memref_squeeze %dma_wait3A_31 : memref<1x640x128xf32, #tpu.memory_space<hbm>> -> memref<640x128xf32, #tpu.memory_space<hbm>>
      %dma_wait3A_33 = arith.constant 0 : i32
      %dma_wait3A_34 = tpu.memref_slice %arg11[%mul3A_24, %dma_wait3A_33] : memref<10240x128xf32, #tpu.memory_space<vmem_shared>> -> memref<640x128xf32, #tpu.memory_space<vmem_shared>>
      tpu.wait_dma2 semaphore(%run_scoped3A : memref<!tpu.dma_semaphore, #tpu.memory_space<semaphore_mem>>) src(%dma_wait3A_34 : memref<640x128xf32, #tpu.memory_space<vmem_shared>>) dst(%dma_wait3A_32 : memref<640x128xf32, #tpu.memory_space<hbm>>)
      tpu.yield
    }) : () -> ()
    return
  }
}

#map = affine_map<(d0, d1) -> (0, 0)>
#map1 = affine_map<(d0, d1) -> (0, 0, 0)>
module attributes {stable_mosaic.version = 14 : i64} {
  func.func @_prop_body(%arg0: i32, %arg1: i32, %arg2: memref<10000x128xf32, #tpu.memory_space<hbm>>, %arg3: memref<2560x128xi32, #tpu.memory_space<hbm>>, %arg4: memref<2560x128xi32, #tpu.memory_space<hbm>>, %arg5: memref<10240x128xf32, #tpu.memory_space<hbm>>, %arg6: memref<2x10240x128xf32, #tpu.memory_space<hbm>>, %arg7: memref<8x128xi32, #tpu.memory_space<vmem>>, %arg8: memref<8x128xi32, #tpu.memory_space<vmem>>, %arg9: memref<128x128xf32, #tpu.memory_space<vmem>>, %arg10: memref<128x128xf32, #tpu.memory_space<vmem>>, %arg11: memref<10240x128xf32, #tpu.memory_space<vmem_shared>>, %arg12: memref<!tpu.dma_semaphore, #tpu.memory_space<semaphore_mem>>, %arg13: memref<!tpu.dma_semaphore, #tpu.memory_space<semaphore_mem>>) attributes {dimension_semantics = [#tpu.dimension_semantics<core_parallel>, #tpu.dimension_semantics<subcore_parallel>], iteration_bounds = array<i64: 2, 16>, scalar_prefetch = 0 : i64, scratch_operands = 7 : i64, tpu.core_type = #tpu.core_type<sc_vector_subcore>, window_params = [{transform_indices = #map}, {transform_indices = #map}, {transform_indices = #map}, {transform_indices = #map}, {transform_indices = #map1}]} {
    %mul3A = arith.constant 640 : i32
    %mul3A_0 = arith.muli %arg1, %mul3A : i32
    %mul3A_1 = arith.constant 640 : i32
    %mul3A_2 = arith.muli %arg1, %mul3A_1 : i32
    "tpu.region"() ({
      %run_scoped3A = tpu.sem_alloc : memref<!tpu.dma_semaphore, #tpu.memory_space<semaphore_mem>>
      %dma_start3A = arith.constant 0 : i32
      %dma_start3A_27 = tpu.memref_slice %arg11[%mul3A_2, %dma_start3A] : memref<10240x128xf32, #tpu.memory_space<vmem_shared>> -> memref<640x128xf32, #tpu.memory_space<vmem_shared>>
      %dma_start3A_28 = arith.constant 0 : i32
      %dma_start3A_29 = tpu.memref_slice %arg5[%mul3A_0, %dma_start3A_28] : memref<10240x128xf32, #tpu.memory_space<hbm>> -> memref<640x128xf32, #tpu.memory_space<hbm>>
      tpu.enqueue_dma source(%dma_start3A_29 : memref<640x128xf32, #tpu.memory_space<hbm>>) target(%dma_start3A_27 : memref<640x128xf32, #tpu.memory_space<vmem_shared>>) target_semaphore(%run_scoped3A : memref<!tpu.dma_semaphore, #tpu.memory_space<semaphore_mem>>)
      %dma_wait3A = arith.constant 0 : i32
      %dma_wait3A_30 = tpu.memref_slice %arg11[%mul3A_2, %dma_wait3A] : memref<10240x128xf32, #tpu.memory_space<vmem_shared>> -> memref<640x128xf32, #tpu.memory_space<vmem_shared>>
      %dma_wait3A_31 = arith.constant 0 : i32
      %dma_wait3A_32 = tpu.memref_slice %arg5[%mul3A_0, %dma_wait3A_31] : memref<10240x128xf32, #tpu.memory_space<hbm>> -> memref<640x128xf32, #tpu.memory_space<hbm>>
      tpu.wait_dma2 semaphore(%run_scoped3A : memref<!tpu.dma_semaphore, #tpu.memory_space<semaphore_mem>>) src(%dma_wait3A_32 : memref<640x128xf32, #tpu.memory_space<hbm>>) dst(%dma_wait3A_30 : memref<640x128xf32, #tpu.memory_space<vmem_shared>>)
      tpu.yield
    }) : () -> ()
    %barrier3A = arith.constant 0 : index
    tpu.barrier barrier_id(%barrier3A)
    %eq3A = arith.constant 0 : i32
    %eq3A_3 = arith.cmpi eq, %arg0, %eq3A : i32
    %mul3A_4 = arith.constant 160 : i32
    %mul3A_5 = arith.muli %arg1, %mul3A_4 : i32
    %mul3A_6 = arith.constant 0 : i32
    %mul3A_7 = arith.muli %arg1, %mul3A_6 : i32
    %add3A = arith.constant 2560 : i32
    %add3A_8 = arith.addi %add3A, %mul3A_7 : i32
    %select_n3A = arith.select %eq3A_3, %mul3A_5, %add3A_8 : i32
    %eq3A_9 = arith.constant 0 : i32
    %eq3A_10 = arith.cmpi eq, %arg0, %eq3A_9 : i32
    %jit3A = arith.constant 20 : i32
    %jit3A_11 = arith.constant 0 : i32
    %select_n3A_12 = arith.select %eq3A_10, %jit3A, %jit3A_11 : i32
    %while3A = arith.constant 0 : i32
    %while3A_13 = arith.constant 0 : i32
    %while3A_14 = arith.subi %select_n3A_12, %while3A_13 : i32
    %while3A_15 = arith.addi %while3A_13, %while3A_14 : i32
    %while3A_16 = arith.constant 1 : i32
    %while3A_17 = arith.divsi %while3A_14, %while3A_16 : i32
    %while3A_18 = arith.muli %while3A_17, %while3A_16 : i32
    %while3A_19 = arith.addi %while3A_13, %while3A_18 : i32
    %while3A_20 = arith.constant 1 : i32
    scf.for %while3A_27 = %while3A_13 to %while3A_19 step %while3A_20  : i32 {
      %mul3A_28 = arith.constant 8 : i32
      %mul3A_29 = arith.muli %while3A_27, %mul3A_28 : i32
      %add3A_30 = arith.addi %select_n3A, %mul3A_29 : i32
      "tpu.region"() ({
        %run_scoped3A = tpu.sem_alloc : memref<!tpu.dma_semaphore, #tpu.memory_space<semaphore_mem>>
        %dma_start3A_49 = arith.constant 0 : i32
        %dma_start3A_50 = tpu.memref_slice %arg3[%add3A_30, %dma_start3A_49] : memref<2560x128xi32, #tpu.memory_space<hbm>> -> memref<8x128xi32, #tpu.memory_space<hbm>>
        %dma_start3A_51 = arith.constant 0 : i32
        %dma_start3A_52 = tpu.memref_slice %arg3[%add3A_30, %dma_start3A_51] : memref<2560x128xi32, #tpu.memory_space<hbm>> -> memref<8x128xi32, #tpu.memory_space<hbm>>
        tpu.enqueue_dma source(%dma_start3A_52 : memref<8x128xi32, #tpu.memory_space<hbm>>) target(%arg7 : memref<8x128xi32, #tpu.memory_space<vmem>>) target_semaphore(%run_scoped3A : memref<!tpu.dma_semaphore, #tpu.memory_space<semaphore_mem>>)
        %dma_wait3A = arith.constant 0 : i32
        %dma_wait3A_53 = tpu.memref_slice %arg3[%add3A_30, %dma_wait3A] : memref<2560x128xi32, #tpu.memory_space<hbm>> -> memref<8x128xi32, #tpu.memory_space<hbm>>
        %dma_wait3A_54 = arith.constant 0 : i32
        %dma_wait3A_55 = tpu.memref_slice %arg3[%add3A_30, %dma_wait3A_54] : memref<2560x128xi32, #tpu.memory_space<hbm>> -> memref<8x128xi32, #tpu.memory_space<hbm>>
        tpu.wait_dma2 semaphore(%run_scoped3A : memref<!tpu.dma_semaphore, #tpu.memory_space<semaphore_mem>>) src(%dma_wait3A_55 : memref<8x128xi32, #tpu.memory_space<hbm>>) dst(%arg7 : memref<8x128xi32, #tpu.memory_space<vmem>>)
        tpu.yield
      }) : () -> ()
      "tpu.region"() ({
        %run_scoped3A = tpu.sem_alloc : memref<!tpu.dma_semaphore, #tpu.memory_space<semaphore_mem>>
        %dma_start3A_49 = arith.constant 0 : i32
        %dma_start3A_50 = tpu.memref_slice %arg4[%add3A_30, %dma_start3A_49] : memref<2560x128xi32, #tpu.memory_space<hbm>> -> memref<8x128xi32, #tpu.memory_space<hbm>>
        %dma_start3A_51 = arith.constant 0 : i32
        %dma_start3A_52 = tpu.memref_slice %arg4[%add3A_30, %dma_start3A_51] : memref<2560x128xi32, #tpu.memory_space<hbm>> -> memref<8x128xi32, #tpu.memory_space<hbm>>
        tpu.enqueue_dma source(%dma_start3A_52 : memref<8x128xi32, #tpu.memory_space<hbm>>) target(%arg8 : memref<8x128xi32, #tpu.memory_space<vmem>>) target_semaphore(%run_scoped3A : memref<!tpu.dma_semaphore, #tpu.memory_space<semaphore_mem>>)
        %dma_wait3A = arith.constant 0 : i32
        %dma_wait3A_53 = tpu.memref_slice %arg4[%add3A_30, %dma_wait3A] : memref<2560x128xi32, #tpu.memory_space<hbm>> -> memref<8x128xi32, #tpu.memory_space<hbm>>
        %dma_wait3A_54 = arith.constant 0 : i32
        %dma_wait3A_55 = tpu.memref_slice %arg4[%add3A_30, %dma_wait3A_54] : memref<2560x128xi32, #tpu.memory_space<hbm>> -> memref<8x128xi32, #tpu.memory_space<hbm>>
        tpu.wait_dma2 semaphore(%run_scoped3A : memref<!tpu.dma_semaphore, #tpu.memory_space<semaphore_mem>>) src(%dma_wait3A_55 : memref<8x128xi32, #tpu.memory_space<hbm>>) dst(%arg8 : memref<8x128xi32, #tpu.memory_space<vmem>>)
        tpu.yield
      }) : () -> ()
      %dma_start3A = arith.constant 0 : i32
      %dma_start3A_31 = arith.constant 0 : i32
      %dma_start3A_32 = tpu.memref_slice %arg7[%dma_start3A, %dma_start3A_31] : memref<8x128xi32, #tpu.memory_space<vmem>> -> memref<1x128xi32, #tpu.memory_space<vmem>>
      %dma_start3A_33 = tpu.memref_squeeze %dma_start3A_32 : memref<1x128xi32, #tpu.memory_space<vmem>> -> memref<128xi32, #tpu.memory_space<vmem>>
      %dma_start3A_34 = arith.constant 0 : i32
      %dma_start3A_35 = arith.constant 0 : i32
      %dma_start3A_36 = tpu.memref_slice %arg2[%dma_start3A_34, %dma_start3A_35] : memref<10000x128xf32, #tpu.memory_space<hbm>> -> memref<10000x128xf32, #tpu.memory_space<hbm>>
      tpu.enqueue_indirect_dma source(%dma_start3A_36 : memref<10000x128xf32, #tpu.memory_space<hbm>>) target(%arg9 : memref<128x128xf32, #tpu.memory_space<vmem>>) offsets(%dma_start3A_33 : memref<128xi32, #tpu.memory_space<vmem>>) semaphore(%arg12 : memref<!tpu.dma_semaphore, #tpu.memory_space<semaphore_mem>>)
      %dma_start3A_37 = arith.constant 1 : i32
      %dma_start3A_38 = arith.constant 0 : i32
      %dma_start3A_39 = tpu.memref_slice %arg7[%dma_start3A_37, %dma_start3A_38] : memref<8x128xi32, #tpu.memory_space<vmem>> -> memref<1x128xi32, #tpu.memory_space<vmem>>
      %dma_start3A_40 = tpu.memref_squeeze %dma_start3A_39 : memref<1x128xi32, #tpu.memory_space<vmem>> -> memref<128xi32, #tpu.memory_space<vmem>>
      %dma_start3A_41 = arith.constant 0 : i32
      %dma_start3A_42 = arith.constant 0 : i32
      %dma_start3A_43 = tpu.memref_slice %arg2[%dma_start3A_41, %dma_start3A_42] : memref<10000x128xf32, #tpu.memory_space<hbm>> -> memref<10000x128xf32, #tpu.memory_space<hbm>>
      tpu.enqueue_indirect_dma source(%dma_start3A_43 : memref<10000x128xf32, #tpu.memory_space<hbm>>) target(%arg10 : memref<128x128xf32, #tpu.memory_space<vmem>>) offsets(%dma_start3A_40 : memref<128xi32, #tpu.memory_space<vmem>>) semaphore(%arg13 : memref<!tpu.dma_semaphore, #tpu.memory_space<semaphore_mem>>)
      %scan3A = arith.constant 0 : i32
      %scan3A_44 = arith.constant 0 : i32
      %scan3A_45 = arith.constant 4 : i32
      %scan3A_46 = arith.addi %scan3A_44, %scan3A_45 : i32
      %scan3A_47 = arith.constant 1 : i32
      scf.for %scan3A_49 = %scan3A_44 to %scan3A_46 step %scan3A_47  : i32 {
        %mul3A_50 = arith.constant 2 : i32
        %mul3A_51 = arith.muli %scan3A_49, %mul3A_50 : i32
        %add3A_52 = arith.constant 0 : i32
        %add3A_53 = arith.addi %mul3A_51, %add3A_52 : i32
        %dma_wait3A = arith.constant 0 : i32
        %dma_wait3A_54 = arith.constant 0 : i32
        %dma_wait3A_55 = tpu.memref_slice %arg7[%dma_wait3A, %dma_wait3A_54] : memref<8x128xi32, #tpu.memory_space<vmem>> -> memref<1x128xi32, #tpu.memory_space<vmem>>
        %dma_wait3A_56 = tpu.memref_squeeze %dma_wait3A_55 : memref<1x128xi32, #tpu.memory_space<vmem>> -> memref<128xi32, #tpu.memory_space<vmem>>
        %dma_wait3A_57 = arith.constant 0 : i32
        %dma_wait3A_58 = arith.constant 0 : i32
        %dma_wait3A_59 = tpu.memref_slice %arg2[%dma_wait3A_57, %dma_wait3A_58] : memref<10000x128xf32, #tpu.memory_space<hbm>> -> memref<10000x128xf32, #tpu.memory_space<hbm>>
        tpu.wait_indirect_dma semaphore(%arg12 : memref<!tpu.dma_semaphore, #tpu.memory_space<semaphore_mem>>) src(%dma_wait3A_59 : memref<10000x128xf32, #tpu.memory_space<hbm>>) dst(%arg9 : memref<128x128xf32, #tpu.memory_space<vmem>>)
        "tpu.region"() ({
          %run_scoped3A = tpu.sem_alloc : memref<!tpu.dma_semaphore, #tpu.memory_space<semaphore_mem>>
          %dma_start3A_82 = arith.constant 0 : i32
          %dma_start3A_83 = tpu.memref_slice %arg8[%add3A_53, %dma_start3A_82] : memref<8x128xi32, #tpu.memory_space<vmem>> -> memref<1x128xi32, #tpu.memory_space<vmem>>
          %dma_start3A_84 = tpu.memref_squeeze %dma_start3A_83 : memref<1x128xi32, #tpu.memory_space<vmem>> -> memref<128xi32, #tpu.memory_space<vmem>>
          %dma_start3A_85 = arith.constant 0 : i32
          %dma_start3A_86 = arith.constant 0 : i32
          %dma_start3A_87 = tpu.memref_slice %arg11[%dma_start3A_85, %dma_start3A_86] : memref<10240x128xf32, #tpu.memory_space<vmem_shared>> -> memref<10240x128xf32, #tpu.memory_space<vmem_shared>>
          tpu.enqueue_indirect_dma source(%arg9 : memref<128x128xf32, #tpu.memory_space<vmem>>) target(%dma_start3A_87 : memref<10240x128xf32, #tpu.memory_space<vmem_shared>>) offsets(%dma_start3A_84 : memref<128xi32, #tpu.memory_space<vmem>>) semaphore(%run_scoped3A : memref<!tpu.dma_semaphore, #tpu.memory_space<semaphore_mem>>) {add = true}
          %dma_wait3A_88 = arith.constant 0 : i32
          %dma_wait3A_89 = tpu.memref_slice %arg8[%add3A_53, %dma_wait3A_88] : memref<8x128xi32, #tpu.memory_space<vmem>> -> memref<1x128xi32, #tpu.memory_space<vmem>>
          %dma_wait3A_90 = tpu.memref_squeeze %dma_wait3A_89 : memref<1x128xi32, #tpu.memory_space<vmem>> -> memref<128xi32, #tpu.memory_space<vmem>>
          %dma_wait3A_91 = arith.constant 0 : i32
          %dma_wait3A_92 = arith.constant 0 : i32
          %dma_wait3A_93 = tpu.memref_slice %arg11[%dma_wait3A_91, %dma_wait3A_92] : memref<10240x128xf32, #tpu.memory_space<vmem_shared>> -> memref<10240x128xf32, #tpu.memory_space<vmem_shared>>
          tpu.wait_indirect_dma semaphore(%run_scoped3A : memref<!tpu.dma_semaphore, #tpu.memory_space<semaphore_mem>>) src(%arg9 : memref<128x128xf32, #tpu.memory_space<vmem>>) dst(%dma_wait3A_93 : memref<10240x128xf32, #tpu.memory_space<vmem_shared>>)
          tpu.yield
        }) : () -> ()
        %add3A_60 = arith.constant 2 : i32
        %add3A_61 = arith.addi %add3A_53, %add3A_60 : i32
        %lt3A = arith.constant 8 : i32
        %lt3A_62 = arith.cmpi slt, %add3A_61, %lt3A : i32
        %convert_element_type3A = arith.extui %lt3A_62 : i1 to i32
        %cond3A = arith.constant 0 : i32
        %cond3A_63 = arith.cmpi ne, %convert_element_type3A, %cond3A : i32
        scf.if %cond3A_63 {
          %add3A_82 = arith.constant 2 : i32
          %add3A_83 = arith.addi %add3A_53, %add3A_82 : i32
          %dma_start3A_84 = arith.constant 0 : i32
          %dma_start3A_85 = tpu.memref_slice %arg7[%add3A_83, %dma_start3A_84] : memref<8x128xi32, #tpu.memory_space<vmem>> -> memref<1x128xi32, #tpu.memory_space<vmem>>
          %dma_start3A_86 = tpu.memref_squeeze %dma_start3A_85 : memref<1x128xi32, #tpu.memory_space<vmem>> -> memref<128xi32, #tpu.memory_space<vmem>>
          %dma_start3A_87 = arith.constant 0 : i32
          %dma_start3A_88 = arith.constant 0 : i32
          %dma_start3A_89 = tpu.memref_slice %arg2[%dma_start3A_87, %dma_start3A_88] : memref<10000x128xf32, #tpu.memory_space<hbm>> -> memref<10000x128xf32, #tpu.memory_space<hbm>>
          tpu.enqueue_indirect_dma source(%dma_start3A_89 : memref<10000x128xf32, #tpu.memory_space<hbm>>) target(%arg9 : memref<128x128xf32, #tpu.memory_space<vmem>>) offsets(%dma_start3A_86 : memref<128xi32, #tpu.memory_space<vmem>>) semaphore(%arg12 : memref<!tpu.dma_semaphore, #tpu.memory_space<semaphore_mem>>)
        } else {
        }
        %mul3A_64 = arith.constant 2 : i32
        %mul3A_65 = arith.muli %scan3A_49, %mul3A_64 : i32
        %add3A_66 = arith.constant 1 : i32
        %add3A_67 = arith.addi %mul3A_65, %add3A_66 : i32
        %dma_wait3A_68 = arith.constant 0 : i32
        %dma_wait3A_69 = arith.constant 0 : i32
        %dma_wait3A_70 = tpu.memref_slice %arg7[%dma_wait3A_68, %dma_wait3A_69] : memref<8x128xi32, #tpu.memory_space<vmem>> -> memref<1x128xi32, #tpu.memory_space<vmem>>
        %dma_wait3A_71 = tpu.memref_squeeze %dma_wait3A_70 : memref<1x128xi32, #tpu.memory_space<vmem>> -> memref<128xi32, #tpu.memory_space<vmem>>
        %dma_wait3A_72 = arith.constant 0 : i32
        %dma_wait3A_73 = arith.constant 0 : i32
        %dma_wait3A_74 = tpu.memref_slice %arg2[%dma_wait3A_72, %dma_wait3A_73] : memref<10000x128xf32, #tpu.memory_space<hbm>> -> memref<10000x128xf32, #tpu.memory_space<hbm>>
        tpu.wait_indirect_dma semaphore(%arg13 : memref<!tpu.dma_semaphore, #tpu.memory_space<semaphore_mem>>) src(%dma_wait3A_74 : memref<10000x128xf32, #tpu.memory_space<hbm>>) dst(%arg10 : memref<128x128xf32, #tpu.memory_space<vmem>>)
        "tpu.region"() ({
          %run_scoped3A = tpu.sem_alloc : memref<!tpu.dma_semaphore, #tpu.memory_space<semaphore_mem>>
          %dma_start3A_82 = arith.constant 0 : i32
          %dma_start3A_83 = tpu.memref_slice %arg8[%add3A_67, %dma_start3A_82] : memref<8x128xi32, #tpu.memory_space<vmem>> -> memref<1x128xi32, #tpu.memory_space<vmem>>
          %dma_start3A_84 = tpu.memref_squeeze %dma_start3A_83 : memref<1x128xi32, #tpu.memory_space<vmem>> -> memref<128xi32, #tpu.memory_space<vmem>>
          %dma_start3A_85 = arith.constant 0 : i32
          %dma_start3A_86 = arith.constant 0 : i32
          %dma_start3A_87 = tpu.memref_slice %arg11[%dma_start3A_85, %dma_start3A_86] : memref<10240x128xf32, #tpu.memory_space<vmem_shared>> -> memref<10240x128xf32, #tpu.memory_space<vmem_shared>>
          tpu.enqueue_indirect_dma source(%arg10 : memref<128x128xf32, #tpu.memory_space<vmem>>) target(%dma_start3A_87 : memref<10240x128xf32, #tpu.memory_space<vmem_shared>>) offsets(%dma_start3A_84 : memref<128xi32, #tpu.memory_space<vmem>>) semaphore(%run_scoped3A : memref<!tpu.dma_semaphore, #tpu.memory_space<semaphore_mem>>) {add = true}
          %dma_wait3A_88 = arith.constant 0 : i32
          %dma_wait3A_89 = tpu.memref_slice %arg8[%add3A_67, %dma_wait3A_88] : memref<8x128xi32, #tpu.memory_space<vmem>> -> memref<1x128xi32, #tpu.memory_space<vmem>>
          %dma_wait3A_90 = tpu.memref_squeeze %dma_wait3A_89 : memref<1x128xi32, #tpu.memory_space<vmem>> -> memref<128xi32, #tpu.memory_space<vmem>>
          %dma_wait3A_91 = arith.constant 0 : i32
          %dma_wait3A_92 = arith.constant 0 : i32
          %dma_wait3A_93 = tpu.memref_slice %arg11[%dma_wait3A_91, %dma_wait3A_92] : memref<10240x128xf32, #tpu.memory_space<vmem_shared>> -> memref<10240x128xf32, #tpu.memory_space<vmem_shared>>
          tpu.wait_indirect_dma semaphore(%run_scoped3A : memref<!tpu.dma_semaphore, #tpu.memory_space<semaphore_mem>>) src(%arg10 : memref<128x128xf32, #tpu.memory_space<vmem>>) dst(%dma_wait3A_93 : memref<10240x128xf32, #tpu.memory_space<vmem_shared>>)
          tpu.yield
        }) : () -> ()
        %add3A_75 = arith.constant 2 : i32
        %add3A_76 = arith.addi %add3A_67, %add3A_75 : i32
        %lt3A_77 = arith.constant 8 : i32
        %lt3A_78 = arith.cmpi slt, %add3A_76, %lt3A_77 : i32
        %convert_element_type3A_79 = arith.extui %lt3A_78 : i1 to i32
        %cond3A_80 = arith.constant 0 : i32
        %cond3A_81 = arith.cmpi ne, %convert_element_type3A_79, %cond3A_80 : i32
        scf.if %cond3A_81 {
          %add3A_82 = arith.constant 2 : i32
          %add3A_83 = arith.addi %add3A_67, %add3A_82 : i32
          %dma_start3A_84 = arith.constant 0 : i32
          %dma_start3A_85 = tpu.memref_slice %arg7[%add3A_83, %dma_start3A_84] : memref<8x128xi32, #tpu.memory_space<vmem>> -> memref<1x128xi32, #tpu.memory_space<vmem>>
          %dma_start3A_86 = tpu.memref_squeeze %dma_start3A_85 : memref<1x128xi32, #tpu.memory_space<vmem>> -> memref<128xi32, #tpu.memory_space<vmem>>
          %dma_start3A_87 = arith.constant 0 : i32
          %dma_start3A_88 = arith.constant 0 : i32
          %dma_start3A_89 = tpu.memref_slice %arg2[%dma_start3A_87, %dma_start3A_88] : memref<10000x128xf32, #tpu.memory_space<hbm>> -> memref<10000x128xf32, #tpu.memory_space<hbm>>
          tpu.enqueue_indirect_dma source(%dma_start3A_89 : memref<10000x128xf32, #tpu.memory_space<hbm>>) target(%arg10 : memref<128x128xf32, #tpu.memory_space<vmem>>) offsets(%dma_start3A_86 : memref<128xi32, #tpu.memory_space<vmem>>) semaphore(%arg13 : memref<!tpu.dma_semaphore, #tpu.memory_space<semaphore_mem>>)
        } else {
        }
      }
      %scan3A_48 = arith.constant 4 : i32
    }
    %while3A_21 = arith.constant 1 : i32
    scf.for %while3A_27 = %while3A_19 to %while3A_15 step %while3A_21  : i32 {
      %mul3A_28 = arith.constant 8 : i32
      %mul3A_29 = arith.muli %while3A_27, %mul3A_28 : i32
      %add3A_30 = arith.addi %select_n3A, %mul3A_29 : i32
      "tpu.region"() ({
        %run_scoped3A = tpu.sem_alloc : memref<!tpu.dma_semaphore, #tpu.memory_space<semaphore_mem>>
        %dma_start3A_49 = arith.constant 0 : i32
        %dma_start3A_50 = tpu.memref_slice %arg3[%add3A_30, %dma_start3A_49] : memref<2560x128xi32, #tpu.memory_space<hbm>> -> memref<8x128xi32, #tpu.memory_space<hbm>>
        %dma_start3A_51 = arith.constant 0 : i32
        %dma_start3A_52 = tpu.memref_slice %arg3[%add3A_30, %dma_start3A_51] : memref<2560x128xi32, #tpu.memory_space<hbm>> -> memref<8x128xi32, #tpu.memory_space<hbm>>
        tpu.enqueue_dma source(%dma_start3A_52 : memref<8x128xi32, #tpu.memory_space<hbm>>) target(%arg7 : memref<8x128xi32, #tpu.memory_space<vmem>>) target_semaphore(%run_scoped3A : memref<!tpu.dma_semaphore, #tpu.memory_space<semaphore_mem>>)
        %dma_wait3A = arith.constant 0 : i32
        %dma_wait3A_53 = tpu.memref_slice %arg3[%add3A_30, %dma_wait3A] : memref<2560x128xi32, #tpu.memory_space<hbm>> -> memref<8x128xi32, #tpu.memory_space<hbm>>
        %dma_wait3A_54 = arith.constant 0 : i32
        %dma_wait3A_55 = tpu.memref_slice %arg3[%add3A_30, %dma_wait3A_54] : memref<2560x128xi32, #tpu.memory_space<hbm>> -> memref<8x128xi32, #tpu.memory_space<hbm>>
        tpu.wait_dma2 semaphore(%run_scoped3A : memref<!tpu.dma_semaphore, #tpu.memory_space<semaphore_mem>>) src(%dma_wait3A_55 : memref<8x128xi32, #tpu.memory_space<hbm>>) dst(%arg7 : memref<8x128xi32, #tpu.memory_space<vmem>>)
        tpu.yield
      }) : () -> ()
      "tpu.region"() ({
        %run_scoped3A = tpu.sem_alloc : memref<!tpu.dma_semaphore, #tpu.memory_space<semaphore_mem>>
        %dma_start3A_49 = arith.constant 0 : i32
        %dma_start3A_50 = tpu.memref_slice %arg4[%add3A_30, %dma_start3A_49] : memref<2560x128xi32, #tpu.memory_space<hbm>> -> memref<8x128xi32, #tpu.memory_space<hbm>>
        %dma_start3A_51 = arith.constant 0 : i32
        %dma_start3A_52 = tpu.memref_slice %arg4[%add3A_30, %dma_start3A_51] : memref<2560x128xi32, #tpu.memory_space<hbm>> -> memref<8x128xi32, #tpu.memory_space<hbm>>
        tpu.enqueue_dma source(%dma_start3A_52 : memref<8x128xi32, #tpu.memory_space<hbm>>) target(%arg8 : memref<8x128xi32, #tpu.memory_space<vmem>>) target_semaphore(%run_scoped3A : memref<!tpu.dma_semaphore, #tpu.memory_space<semaphore_mem>>)
        %dma_wait3A = arith.constant 0 : i32
        %dma_wait3A_53 = tpu.memref_slice %arg4[%add3A_30, %dma_wait3A] : memref<2560x128xi32, #tpu.memory_space<hbm>> -> memref<8x128xi32, #tpu.memory_space<hbm>>
        %dma_wait3A_54 = arith.constant 0 : i32
        %dma_wait3A_55 = tpu.memref_slice %arg4[%add3A_30, %dma_wait3A_54] : memref<2560x128xi32, #tpu.memory_space<hbm>> -> memref<8x128xi32, #tpu.memory_space<hbm>>
        tpu.wait_dma2 semaphore(%run_scoped3A : memref<!tpu.dma_semaphore, #tpu.memory_space<semaphore_mem>>) src(%dma_wait3A_55 : memref<8x128xi32, #tpu.memory_space<hbm>>) dst(%arg8 : memref<8x128xi32, #tpu.memory_space<vmem>>)
        tpu.yield
      }) : () -> ()
      %dma_start3A = arith.constant 0 : i32
      %dma_start3A_31 = arith.constant 0 : i32
      %dma_start3A_32 = tpu.memref_slice %arg7[%dma_start3A, %dma_start3A_31] : memref<8x128xi32, #tpu.memory_space<vmem>> -> memref<1x128xi32, #tpu.memory_space<vmem>>
      %dma_start3A_33 = tpu.memref_squeeze %dma_start3A_32 : memref<1x128xi32, #tpu.memory_space<vmem>> -> memref<128xi32, #tpu.memory_space<vmem>>
      %dma_start3A_34 = arith.constant 0 : i32
      %dma_start3A_35 = arith.constant 0 : i32
      %dma_start3A_36 = tpu.memref_slice %arg2[%dma_start3A_34, %dma_start3A_35] : memref<10000x128xf32, #tpu.memory_space<hbm>> -> memref<10000x128xf32, #tpu.memory_space<hbm>>
      tpu.enqueue_indirect_dma source(%dma_start3A_36 : memref<10000x128xf32, #tpu.memory_space<hbm>>) target(%arg9 : memref<128x128xf32, #tpu.memory_space<vmem>>) offsets(%dma_start3A_33 : memref<128xi32, #tpu.memory_space<vmem>>) semaphore(%arg12 : memref<!tpu.dma_semaphore, #tpu.memory_space<semaphore_mem>>)
      %dma_start3A_37 = arith.constant 1 : i32
      %dma_start3A_38 = arith.constant 0 : i32
      %dma_start3A_39 = tpu.memref_slice %arg7[%dma_start3A_37, %dma_start3A_38] : memref<8x128xi32, #tpu.memory_space<vmem>> -> memref<1x128xi32, #tpu.memory_space<vmem>>
      %dma_start3A_40 = tpu.memref_squeeze %dma_start3A_39 : memref<1x128xi32, #tpu.memory_space<vmem>> -> memref<128xi32, #tpu.memory_space<vmem>>
      %dma_start3A_41 = arith.constant 0 : i32
      %dma_start3A_42 = arith.constant 0 : i32
      %dma_start3A_43 = tpu.memref_slice %arg2[%dma_start3A_41, %dma_start3A_42] : memref<10000x128xf32, #tpu.memory_space<hbm>> -> memref<10000x128xf32, #tpu.memory_space<hbm>>
      tpu.enqueue_indirect_dma source(%dma_start3A_43 : memref<10000x128xf32, #tpu.memory_space<hbm>>) target(%arg10 : memref<128x128xf32, #tpu.memory_space<vmem>>) offsets(%dma_start3A_40 : memref<128xi32, #tpu.memory_space<vmem>>) semaphore(%arg13 : memref<!tpu.dma_semaphore, #tpu.memory_space<semaphore_mem>>)
      %scan3A = arith.constant 0 : i32
      %scan3A_44 = arith.constant 0 : i32
      %scan3A_45 = arith.constant 4 : i32
      %scan3A_46 = arith.addi %scan3A_44, %scan3A_45 : i32
      %scan3A_47 = arith.constant 1 : i32
      scf.for %scan3A_49 = %scan3A_44 to %scan3A_46 step %scan3A_47  : i32 {
        %mul3A_50 = arith.constant 2 : i32
        %mul3A_51 = arith.muli %scan3A_49, %mul3A_50 : i32
        %add3A_52 = arith.constant 0 : i32
        %add3A_53 = arith.addi %mul3A_51, %add3A_52 : i32
        %dma_wait3A = arith.constant 0 : i32
        %dma_wait3A_54 = arith.constant 0 : i32
        %dma_wait3A_55 = tpu.memref_slice %arg7[%dma_wait3A, %dma_wait3A_54] : memref<8x128xi32, #tpu.memory_space<vmem>> -> memref<1x128xi32, #tpu.memory_space<vmem>>
        %dma_wait3A_56 = tpu.memref_squeeze %dma_wait3A_55 : memref<1x128xi32, #tpu.memory_space<vmem>> -> memref<128xi32, #tpu.memory_space<vmem>>
        %dma_wait3A_57 = arith.constant 0 : i32
        %dma_wait3A_58 = arith.constant 0 : i32
        %dma_wait3A_59 = tpu.memref_slice %arg2[%dma_wait3A_57, %dma_wait3A_58] : memref<10000x128xf32, #tpu.memory_space<hbm>> -> memref<10000x128xf32, #tpu.memory_space<hbm>>
        tpu.wait_indirect_dma semaphore(%arg12 : memref<!tpu.dma_semaphore, #tpu.memory_space<semaphore_mem>>) src(%dma_wait3A_59 : memref<10000x128xf32, #tpu.memory_space<hbm>>) dst(%arg9 : memref<128x128xf32, #tpu.memory_space<vmem>>)
        "tpu.region"() ({
          %run_scoped3A = tpu.sem_alloc : memref<!tpu.dma_semaphore, #tpu.memory_space<semaphore_mem>>
          %dma_start3A_82 = arith.constant 0 : i32
          %dma_start3A_83 = tpu.memref_slice %arg8[%add3A_53, %dma_start3A_82] : memref<8x128xi32, #tpu.memory_space<vmem>> -> memref<1x128xi32, #tpu.memory_space<vmem>>
          %dma_start3A_84 = tpu.memref_squeeze %dma_start3A_83 : memref<1x128xi32, #tpu.memory_space<vmem>> -> memref<128xi32, #tpu.memory_space<vmem>>
          %dma_start3A_85 = arith.constant 0 : i32
          %dma_start3A_86 = arith.constant 0 : i32
          %dma_start3A_87 = tpu.memref_slice %arg11[%dma_start3A_85, %dma_start3A_86] : memref<10240x128xf32, #tpu.memory_space<vmem_shared>> -> memref<10240x128xf32, #tpu.memory_space<vmem_shared>>
          tpu.enqueue_indirect_dma source(%arg9 : memref<128x128xf32, #tpu.memory_space<vmem>>) target(%dma_start3A_87 : memref<10240x128xf32, #tpu.memory_space<vmem_shared>>) offsets(%dma_start3A_84 : memref<128xi32, #tpu.memory_space<vmem>>) semaphore(%run_scoped3A : memref<!tpu.dma_semaphore, #tpu.memory_space<semaphore_mem>>) {add = true}
          %dma_wait3A_88 = arith.constant 0 : i32
          %dma_wait3A_89 = tpu.memref_slice %arg8[%add3A_53, %dma_wait3A_88] : memref<8x128xi32, #tpu.memory_space<vmem>> -> memref<1x128xi32, #tpu.memory_space<vmem>>
          %dma_wait3A_90 = tpu.memref_squeeze %dma_wait3A_89 : memref<1x128xi32, #tpu.memory_space<vmem>> -> memref<128xi32, #tpu.memory_space<vmem>>
          %dma_wait3A_91 = arith.constant 0 : i32
          %dma_wait3A_92 = arith.constant 0 : i32
          %dma_wait3A_93 = tpu.memref_slice %arg11[%dma_wait3A_91, %dma_wait3A_92] : memref<10240x128xf32, #tpu.memory_space<vmem_shared>> -> memref<10240x128xf32, #tpu.memory_space<vmem_shared>>
          tpu.wait_indirect_dma semaphore(%run_scoped3A : memref<!tpu.dma_semaphore, #tpu.memory_space<semaphore_mem>>) src(%arg9 : memref<128x128xf32, #tpu.memory_space<vmem>>) dst(%dma_wait3A_93 : memref<10240x128xf32, #tpu.memory_space<vmem_shared>>)
          tpu.yield
        }) : () -> ()
        %add3A_60 = arith.constant 2 : i32
        %add3A_61 = arith.addi %add3A_53, %add3A_60 : i32
        %lt3A = arith.constant 8 : i32
        %lt3A_62 = arith.cmpi slt, %add3A_61, %lt3A : i32
        %convert_element_type3A = arith.extui %lt3A_62 : i1 to i32
        %cond3A = arith.constant 0 : i32
        %cond3A_63 = arith.cmpi ne, %convert_element_type3A, %cond3A : i32
        scf.if %cond3A_63 {
          %add3A_82 = arith.constant 2 : i32
          %add3A_83 = arith.addi %add3A_53, %add3A_82 : i32
          %dma_start3A_84 = arith.constant 0 : i32
          %dma_start3A_85 = tpu.memref_slice %arg7[%add3A_83, %dma_start3A_84] : memref<8x128xi32, #tpu.memory_space<vmem>> -> memref<1x128xi32, #tpu.memory_space<vmem>>
          %dma_start3A_86 = tpu.memref_squeeze %dma_start3A_85 : memref<1x128xi32, #tpu.memory_space<vmem>> -> memref<128xi32, #tpu.memory_space<vmem>>
          %dma_start3A_87 = arith.constant 0 : i32
          %dma_start3A_88 = arith.constant 0 : i32
          %dma_start3A_89 = tpu.memref_slice %arg2[%dma_start3A_87, %dma_start3A_88] : memref<10000x128xf32, #tpu.memory_space<hbm>> -> memref<10000x128xf32, #tpu.memory_space<hbm>>
          tpu.enqueue_indirect_dma source(%dma_start3A_89 : memref<10000x128xf32, #tpu.memory_space<hbm>>) target(%arg9 : memref<128x128xf32, #tpu.memory_space<vmem>>) offsets(%dma_start3A_86 : memref<128xi32, #tpu.memory_space<vmem>>) semaphore(%arg12 : memref<!tpu.dma_semaphore, #tpu.memory_space<semaphore_mem>>)
        } else {
        }
        %mul3A_64 = arith.constant 2 : i32
        %mul3A_65 = arith.muli %scan3A_49, %mul3A_64 : i32
        %add3A_66 = arith.constant 1 : i32
        %add3A_67 = arith.addi %mul3A_65, %add3A_66 : i32
        %dma_wait3A_68 = arith.constant 0 : i32
        %dma_wait3A_69 = arith.constant 0 : i32
        %dma_wait3A_70 = tpu.memref_slice %arg7[%dma_wait3A_68, %dma_wait3A_69] : memref<8x128xi32, #tpu.memory_space<vmem>> -> memref<1x128xi32, #tpu.memory_space<vmem>>
        %dma_wait3A_71 = tpu.memref_squeeze %dma_wait3A_70 : memref<1x128xi32, #tpu.memory_space<vmem>> -> memref<128xi32, #tpu.memory_space<vmem>>
        %dma_wait3A_72 = arith.constant 0 : i32
        %dma_wait3A_73 = arith.constant 0 : i32
        %dma_wait3A_74 = tpu.memref_slice %arg2[%dma_wait3A_72, %dma_wait3A_73] : memref<10000x128xf32, #tpu.memory_space<hbm>> -> memref<10000x128xf32, #tpu.memory_space<hbm>>
        tpu.wait_indirect_dma semaphore(%arg13 : memref<!tpu.dma_semaphore, #tpu.memory_space<semaphore_mem>>) src(%dma_wait3A_74 : memref<10000x128xf32, #tpu.memory_space<hbm>>) dst(%arg10 : memref<128x128xf32, #tpu.memory_space<vmem>>)
        "tpu.region"() ({
          %run_scoped3A = tpu.sem_alloc : memref<!tpu.dma_semaphore, #tpu.memory_space<semaphore_mem>>
          %dma_start3A_82 = arith.constant 0 : i32
          %dma_start3A_83 = tpu.memref_slice %arg8[%add3A_67, %dma_start3A_82] : memref<8x128xi32, #tpu.memory_space<vmem>> -> memref<1x128xi32, #tpu.memory_space<vmem>>
          %dma_start3A_84 = tpu.memref_squeeze %dma_start3A_83 : memref<1x128xi32, #tpu.memory_space<vmem>> -> memref<128xi32, #tpu.memory_space<vmem>>
          %dma_start3A_85 = arith.constant 0 : i32
          %dma_start3A_86 = arith.constant 0 : i32
          %dma_start3A_87 = tpu.memref_slice %arg11[%dma_start3A_85, %dma_start3A_86] : memref<10240x128xf32, #tpu.memory_space<vmem_shared>> -> memref<10240x128xf32, #tpu.memory_space<vmem_shared>>
          tpu.enqueue_indirect_dma source(%arg10 : memref<128x128xf32, #tpu.memory_space<vmem>>) target(%dma_start3A_87 : memref<10240x128xf32, #tpu.memory_space<vmem_shared>>) offsets(%dma_start3A_84 : memref<128xi32, #tpu.memory_space<vmem>>) semaphore(%run_scoped3A : memref<!tpu.dma_semaphore, #tpu.memory_space<semaphore_mem>>) {add = true}
          %dma_wait3A_88 = arith.constant 0 : i32
          %dma_wait3A_89 = tpu.memref_slice %arg8[%add3A_67, %dma_wait3A_88] : memref<8x128xi32, #tpu.memory_space<vmem>> -> memref<1x128xi32, #tpu.memory_space<vmem>>
          %dma_wait3A_90 = tpu.memref_squeeze %dma_wait3A_89 : memref<1x128xi32, #tpu.memory_space<vmem>> -> memref<128xi32, #tpu.memory_space<vmem>>
          %dma_wait3A_91 = arith.constant 0 : i32
          %dma_wait3A_92 = arith.constant 0 : i32
          %dma_wait3A_93 = tpu.memref_slice %arg11[%dma_wait3A_91, %dma_wait3A_92] : memref<10240x128xf32, #tpu.memory_space<vmem_shared>> -> memref<10240x128xf32, #tpu.memory_space<vmem_shared>>
          tpu.wait_indirect_dma semaphore(%run_scoped3A : memref<!tpu.dma_semaphore, #tpu.memory_space<semaphore_mem>>) src(%arg10 : memref<128x128xf32, #tpu.memory_space<vmem>>) dst(%dma_wait3A_93 : memref<10240x128xf32, #tpu.memory_space<vmem_shared>>)
          tpu.yield
        }) : () -> ()
        %add3A_75 = arith.constant 2 : i32
        %add3A_76 = arith.addi %add3A_67, %add3A_75 : i32
        %lt3A_77 = arith.constant 8 : i32
        %lt3A_78 = arith.cmpi slt, %add3A_76, %lt3A_77 : i32
        %convert_element_type3A_79 = arith.extui %lt3A_78 : i1 to i32
        %cond3A_80 = arith.constant 0 : i32
        %cond3A_81 = arith.cmpi ne, %convert_element_type3A_79, %cond3A_80 : i32
        scf.if %cond3A_81 {
          %add3A_82 = arith.constant 2 : i32
          %add3A_83 = arith.addi %add3A_67, %add3A_82 : i32
          %dma_start3A_84 = arith.constant 0 : i32
          %dma_start3A_85 = tpu.memref_slice %arg7[%add3A_83, %dma_start3A_84] : memref<8x128xi32, #tpu.memory_space<vmem>> -> memref<1x128xi32, #tpu.memory_space<vmem>>
          %dma_start3A_86 = tpu.memref_squeeze %dma_start3A_85 : memref<1x128xi32, #tpu.memory_space<vmem>> -> memref<128xi32, #tpu.memory_space<vmem>>
          %dma_start3A_87 = arith.constant 0 : i32
          %dma_start3A_88 = arith.constant 0 : i32
          %dma_start3A_89 = tpu.memref_slice %arg2[%dma_start3A_87, %dma_start3A_88] : memref<10000x128xf32, #tpu.memory_space<hbm>> -> memref<10000x128xf32, #tpu.memory_space<hbm>>
          tpu.enqueue_indirect_dma source(%dma_start3A_89 : memref<10000x128xf32, #tpu.memory_space<hbm>>) target(%arg10 : memref<128x128xf32, #tpu.memory_space<vmem>>) offsets(%dma_start3A_86 : memref<128xi32, #tpu.memory_space<vmem>>) semaphore(%arg13 : memref<!tpu.dma_semaphore, #tpu.memory_space<semaphore_mem>>)
        } else {
        }
      }
      %scan3A_48 = arith.constant 4 : i32
    }
    %barrier3A_22 = arith.constant 0 : index
    tpu.barrier barrier_id(%barrier3A_22)
    %mul3A_23 = arith.constant 640 : i32
    %mul3A_24 = arith.muli %arg1, %mul3A_23 : i32
    %mul3A_25 = arith.constant 640 : i32
    %mul3A_26 = arith.muli %arg1, %mul3A_25 : i32
    "tpu.region"() ({
      %run_scoped3A = tpu.sem_alloc : memref<!tpu.dma_semaphore, #tpu.memory_space<semaphore_mem>>
      %dma_start3A = arith.constant 0 : i32
      %dma_start3A_27 = tpu.memref_slice %arg6[%arg0, %mul3A_26, %dma_start3A] : memref<2x10240x128xf32, #tpu.memory_space<hbm>> -> memref<1x640x128xf32, #tpu.memory_space<hbm>>
      %dma_start3A_28 = tpu.memref_squeeze %dma_start3A_27 : memref<1x640x128xf32, #tpu.memory_space<hbm>> -> memref<640x128xf32, #tpu.memory_space<hbm>>
      %dma_start3A_29 = arith.constant 0 : i32
      %dma_start3A_30 = tpu.memref_slice %arg11[%mul3A_24, %dma_start3A_29] : memref<10240x128xf32, #tpu.memory_space<vmem_shared>> -> memref<640x128xf32, #tpu.memory_space<vmem_shared>>
      tpu.enqueue_dma source(%dma_start3A_30 : memref<640x128xf32, #tpu.memory_space<vmem_shared>>) target(%dma_start3A_28 : memref<640x128xf32, #tpu.memory_space<hbm>>) target_semaphore(%run_scoped3A : memref<!tpu.dma_semaphore, #tpu.memory_space<semaphore_mem>>)
      %dma_wait3A = arith.constant 0 : i32
      %dma_wait3A_31 = tpu.memref_slice %arg6[%arg0, %mul3A_26, %dma_wait3A] : memref<2x10240x128xf32, #tpu.memory_space<hbm>> -> memref<1x640x128xf32, #tpu.memory_space<hbm>>
      %dma_wait3A_32 = tpu.memref_squeeze %dma_wait3A_31 : memref<1x640x128xf32, #tpu.memory_space<hbm>> -> memref<640x128xf32, #tpu.memory_space<hbm>>
      %dma_wait3A_33 = arith.constant 0 : i32
      %dma_wait3A_34 = tpu.memref_slice %arg11[%mul3A_24, %dma_wait3A_33] : memref<10240x128xf32, #tpu.memory_space<vmem_shared>> -> memref<640x128xf32, #tpu.memory_space<vmem_shared>>
      tpu.wait_dma2 semaphore(%run_scoped3A : memref<!tpu.dma_semaphore, #tpu.memory_space<semaphore_mem>>) src(%dma_wait3A_34 : memref<640x128xf32, #tpu.memory_space<vmem_shared>>) dst(%dma_wait3A_32 : memref<640x128xf32, #tpu.memory_space<hbm>>)
      tpu.yield
    }) : () -> ()
    return
  }
}

#map = affine_map<(d0, d1) -> (0, 0)>
#map1 = affine_map<(d0, d1) -> (0, 0, 0)>
module attributes {stable_mosaic.version = 14 : i64} {
  func.func @_prop_body(%arg0: i32, %arg1: i32, %arg2: memref<10000x128xf32, #tpu.memory_space<hbm>>, %arg3: memref<2560x128xi32, #tpu.memory_space<hbm>>, %arg4: memref<2560x128xi32, #tpu.memory_space<hbm>>, %arg5: memref<10240x128xf32, #tpu.memory_space<hbm>>, %arg6: memref<2x10240x128xf32, #tpu.memory_space<hbm>>, %arg7: memref<8x128xi32, #tpu.memory_space<vmem>>, %arg8: memref<8x128xi32, #tpu.memory_space<vmem>>, %arg9: memref<128x128xf32, #tpu.memory_space<vmem>>, %arg10: memref<128x128xf32, #tpu.memory_space<vmem>>, %arg11: memref<10240x128xf32, #tpu.memory_space<vmem_shared>>, %arg12: memref<!tpu.dma_semaphore, #tpu.memory_space<semaphore_mem>>, %arg13: memref<!tpu.dma_semaphore, #tpu.memory_space<semaphore_mem>>) attributes {dimension_semantics = [#tpu.dimension_semantics<core_parallel>, #tpu.dimension_semantics<subcore_parallel>], iteration_bounds = array<i64: 2, 16>, scalar_prefetch = 0 : i64, scratch_operands = 7 : i64, tpu.core_type = #tpu.core_type<sc_vector_subcore>, window_params = [{transform_indices = #map}, {transform_indices = #map}, {transform_indices = #map}, {transform_indices = #map}, {transform_indices = #map1}]} {
    %mul3A = arith.constant 640 : i32
    %mul3A_0 = arith.muli %arg1, %mul3A : i32
    %mul3A_1 = arith.constant 640 : i32
    %mul3A_2 = arith.muli %arg1, %mul3A_1 : i32
    "tpu.region"() ({
      %run_scoped3A = tpu.sem_alloc : memref<!tpu.dma_semaphore, #tpu.memory_space<semaphore_mem>>
      %dma_start3A = arith.constant 0 : i32
      %dma_start3A_27 = tpu.memref_slice %arg11[%mul3A_2, %dma_start3A] : memref<10240x128xf32, #tpu.memory_space<vmem_shared>> -> memref<640x128xf32, #tpu.memory_space<vmem_shared>>
      %dma_start3A_28 = arith.constant 0 : i32
      %dma_start3A_29 = tpu.memref_slice %arg5[%mul3A_0, %dma_start3A_28] : memref<10240x128xf32, #tpu.memory_space<hbm>> -> memref<640x128xf32, #tpu.memory_space<hbm>>
      tpu.enqueue_dma source(%dma_start3A_29 : memref<640x128xf32, #tpu.memory_space<hbm>>) target(%dma_start3A_27 : memref<640x128xf32, #tpu.memory_space<vmem_shared>>) target_semaphore(%run_scoped3A : memref<!tpu.dma_semaphore, #tpu.memory_space<semaphore_mem>>)
      %dma_wait3A = arith.constant 0 : i32
      %dma_wait3A_30 = tpu.memref_slice %arg11[%mul3A_2, %dma_wait3A] : memref<10240x128xf32, #tpu.memory_space<vmem_shared>> -> memref<640x128xf32, #tpu.memory_space<vmem_shared>>
      %dma_wait3A_31 = arith.constant 0 : i32
      %dma_wait3A_32 = tpu.memref_slice %arg5[%mul3A_0, %dma_wait3A_31] : memref<10240x128xf32, #tpu.memory_space<hbm>> -> memref<640x128xf32, #tpu.memory_space<hbm>>
      tpu.wait_dma2 semaphore(%run_scoped3A : memref<!tpu.dma_semaphore, #tpu.memory_space<semaphore_mem>>) src(%dma_wait3A_32 : memref<640x128xf32, #tpu.memory_space<hbm>>) dst(%dma_wait3A_30 : memref<640x128xf32, #tpu.memory_space<vmem_shared>>)
      tpu.yield
    }) : () -> ()
    %barrier3A = arith.constant 0 : index
    tpu.barrier barrier_id(%barrier3A)
    %eq3A = arith.constant 0 : i32
    %eq3A_3 = arith.cmpi eq, %arg0, %eq3A : i32
    %mul3A_4 = arith.constant 160 : i32
    %mul3A_5 = arith.muli %arg1, %mul3A_4 : i32
    %mul3A_6 = arith.constant 0 : i32
    %mul3A_7 = arith.muli %arg1, %mul3A_6 : i32
    %add3A = arith.constant 2560 : i32
    %add3A_8 = arith.addi %add3A, %mul3A_7 : i32
    %select_n3A = arith.select %eq3A_3, %mul3A_5, %add3A_8 : i32
    %eq3A_9 = arith.constant 0 : i32
    %eq3A_10 = arith.cmpi eq, %arg0, %eq3A_9 : i32
    %jit3A = arith.constant 20 : i32
    %jit3A_11 = arith.constant 0 : i32
    %select_n3A_12 = arith.select %eq3A_10, %jit3A, %jit3A_11 : i32
    %while3A = arith.constant 0 : i32
    %while3A_13 = arith.constant 0 : i32
    %while3A_14 = arith.subi %select_n3A_12, %while3A_13 : i32
    %while3A_15 = arith.addi %while3A_13, %while3A_14 : i32
    %while3A_16 = arith.constant 1 : i32
    %while3A_17 = arith.divsi %while3A_14, %while3A_16 : i32
    %while3A_18 = arith.muli %while3A_17, %while3A_16 : i32
    %while3A_19 = arith.addi %while3A_13, %while3A_18 : i32
    %while3A_20 = arith.constant 1 : i32
    scf.for %while3A_27 = %while3A_13 to %while3A_19 step %while3A_20  : i32 {
      %mul3A_28 = arith.constant 8 : i32
      %mul3A_29 = arith.muli %while3A_27, %mul3A_28 : i32
      %add3A_30 = arith.addi %select_n3A, %mul3A_29 : i32
      "tpu.region"() ({
        %run_scoped3A = tpu.sem_alloc : memref<!tpu.dma_semaphore, #tpu.memory_space<semaphore_mem>>
        %dma_start3A_49 = arith.constant 0 : i32
        %dma_start3A_50 = tpu.memref_slice %arg3[%add3A_30, %dma_start3A_49] : memref<2560x128xi32, #tpu.memory_space<hbm>> -> memref<8x128xi32, #tpu.memory_space<hbm>>
        %dma_start3A_51 = arith.constant 0 : i32
        %dma_start3A_52 = tpu.memref_slice %arg3[%add3A_30, %dma_start3A_51] : memref<2560x128xi32, #tpu.memory_space<hbm>> -> memref<8x128xi32, #tpu.memory_space<hbm>>
        tpu.enqueue_dma source(%dma_start3A_52 : memref<8x128xi32, #tpu.memory_space<hbm>>) target(%arg7 : memref<8x128xi32, #tpu.memory_space<vmem>>) target_semaphore(%run_scoped3A : memref<!tpu.dma_semaphore, #tpu.memory_space<semaphore_mem>>)
        %dma_wait3A = arith.constant 0 : i32
        %dma_wait3A_53 = tpu.memref_slice %arg3[%add3A_30, %dma_wait3A] : memref<2560x128xi32, #tpu.memory_space<hbm>> -> memref<8x128xi32, #tpu.memory_space<hbm>>
        %dma_wait3A_54 = arith.constant 0 : i32
        %dma_wait3A_55 = tpu.memref_slice %arg3[%add3A_30, %dma_wait3A_54] : memref<2560x128xi32, #tpu.memory_space<hbm>> -> memref<8x128xi32, #tpu.memory_space<hbm>>
        tpu.wait_dma2 semaphore(%run_scoped3A : memref<!tpu.dma_semaphore, #tpu.memory_space<semaphore_mem>>) src(%dma_wait3A_55 : memref<8x128xi32, #tpu.memory_space<hbm>>) dst(%arg7 : memref<8x128xi32, #tpu.memory_space<vmem>>)
        tpu.yield
      }) : () -> ()
      "tpu.region"() ({
        %run_scoped3A = tpu.sem_alloc : memref<!tpu.dma_semaphore, #tpu.memory_space<semaphore_mem>>
        %dma_start3A_49 = arith.constant 0 : i32
        %dma_start3A_50 = tpu.memref_slice %arg4[%add3A_30, %dma_start3A_49] : memref<2560x128xi32, #tpu.memory_space<hbm>> -> memref<8x128xi32, #tpu.memory_space<hbm>>
        %dma_start3A_51 = arith.constant 0 : i32
        %dma_start3A_52 = tpu.memref_slice %arg4[%add3A_30, %dma_start3A_51] : memref<2560x128xi32, #tpu.memory_space<hbm>> -> memref<8x128xi32, #tpu.memory_space<hbm>>
        tpu.enqueue_dma source(%dma_start3A_52 : memref<8x128xi32, #tpu.memory_space<hbm>>) target(%arg8 : memref<8x128xi32, #tpu.memory_space<vmem>>) target_semaphore(%run_scoped3A : memref<!tpu.dma_semaphore, #tpu.memory_space<semaphore_mem>>)
        %dma_wait3A = arith.constant 0 : i32
        %dma_wait3A_53 = tpu.memref_slice %arg4[%add3A_30, %dma_wait3A] : memref<2560x128xi32, #tpu.memory_space<hbm>> -> memref<8x128xi32, #tpu.memory_space<hbm>>
        %dma_wait3A_54 = arith.constant 0 : i32
        %dma_wait3A_55 = tpu.memref_slice %arg4[%add3A_30, %dma_wait3A_54] : memref<2560x128xi32, #tpu.memory_space<hbm>> -> memref<8x128xi32, #tpu.memory_space<hbm>>
        tpu.wait_dma2 semaphore(%run_scoped3A : memref<!tpu.dma_semaphore, #tpu.memory_space<semaphore_mem>>) src(%dma_wait3A_55 : memref<8x128xi32, #tpu.memory_space<hbm>>) dst(%arg8 : memref<8x128xi32, #tpu.memory_space<vmem>>)
        tpu.yield
      }) : () -> ()
      %dma_start3A = arith.constant 0 : i32
      %dma_start3A_31 = arith.constant 0 : i32
      %dma_start3A_32 = tpu.memref_slice %arg7[%dma_start3A, %dma_start3A_31] : memref<8x128xi32, #tpu.memory_space<vmem>> -> memref<1x128xi32, #tpu.memory_space<vmem>>
      %dma_start3A_33 = tpu.memref_squeeze %dma_start3A_32 : memref<1x128xi32, #tpu.memory_space<vmem>> -> memref<128xi32, #tpu.memory_space<vmem>>
      %dma_start3A_34 = arith.constant 0 : i32
      %dma_start3A_35 = arith.constant 0 : i32
      %dma_start3A_36 = tpu.memref_slice %arg2[%dma_start3A_34, %dma_start3A_35] : memref<10000x128xf32, #tpu.memory_space<hbm>> -> memref<10000x128xf32, #tpu.memory_space<hbm>>
      tpu.enqueue_indirect_dma source(%dma_start3A_36 : memref<10000x128xf32, #tpu.memory_space<hbm>>) target(%arg9 : memref<128x128xf32, #tpu.memory_space<vmem>>) offsets(%dma_start3A_33 : memref<128xi32, #tpu.memory_space<vmem>>) semaphore(%arg12 : memref<!tpu.dma_semaphore, #tpu.memory_space<semaphore_mem>>)
      %dma_start3A_37 = arith.constant 1 : i32
      %dma_start3A_38 = arith.constant 0 : i32
      %dma_start3A_39 = tpu.memref_slice %arg7[%dma_start3A_37, %dma_start3A_38] : memref<8x128xi32, #tpu.memory_space<vmem>> -> memref<1x128xi32, #tpu.memory_space<vmem>>
      %dma_start3A_40 = tpu.memref_squeeze %dma_start3A_39 : memref<1x128xi32, #tpu.memory_space<vmem>> -> memref<128xi32, #tpu.memory_space<vmem>>
      %dma_start3A_41 = arith.constant 0 : i32
      %dma_start3A_42 = arith.constant 0 : i32
      %dma_start3A_43 = tpu.memref_slice %arg2[%dma_start3A_41, %dma_start3A_42] : memref<10000x128xf32, #tpu.memory_space<hbm>> -> memref<10000x128xf32, #tpu.memory_space<hbm>>
      tpu.enqueue_indirect_dma source(%dma_start3A_43 : memref<10000x128xf32, #tpu.memory_space<hbm>>) target(%arg10 : memref<128x128xf32, #tpu.memory_space<vmem>>) offsets(%dma_start3A_40 : memref<128xi32, #tpu.memory_space<vmem>>) semaphore(%arg13 : memref<!tpu.dma_semaphore, #tpu.memory_space<semaphore_mem>>)
      %scan3A = arith.constant 0 : i32
      %scan3A_44 = arith.constant 0 : i32
      %scan3A_45 = arith.constant 4 : i32
      %scan3A_46 = arith.addi %scan3A_44, %scan3A_45 : i32
      %scan3A_47 = arith.constant 1 : i32
      scf.for %scan3A_49 = %scan3A_44 to %scan3A_46 step %scan3A_47  : i32 {
        %mul3A_50 = arith.constant 2 : i32
        %mul3A_51 = arith.muli %scan3A_49, %mul3A_50 : i32
        %add3A_52 = arith.constant 0 : i32
        %add3A_53 = arith.addi %mul3A_51, %add3A_52 : i32
        %dma_wait3A = arith.constant 0 : i32
        %dma_wait3A_54 = arith.constant 0 : i32
        %dma_wait3A_55 = tpu.memref_slice %arg7[%dma_wait3A, %dma_wait3A_54] : memref<8x128xi32, #tpu.memory_space<vmem>> -> memref<1x128xi32, #tpu.memory_space<vmem>>
        %dma_wait3A_56 = tpu.memref_squeeze %dma_wait3A_55 : memref<1x128xi32, #tpu.memory_space<vmem>> -> memref<128xi32, #tpu.memory_space<vmem>>
        %dma_wait3A_57 = arith.constant 0 : i32
        %dma_wait3A_58 = arith.constant 0 : i32
        %dma_wait3A_59 = tpu.memref_slice %arg2[%dma_wait3A_57, %dma_wait3A_58] : memref<10000x128xf32, #tpu.memory_space<hbm>> -> memref<10000x128xf32, #tpu.memory_space<hbm>>
        tpu.wait_indirect_dma semaphore(%arg12 : memref<!tpu.dma_semaphore, #tpu.memory_space<semaphore_mem>>) src(%dma_wait3A_59 : memref<10000x128xf32, #tpu.memory_space<hbm>>) dst(%arg9 : memref<128x128xf32, #tpu.memory_space<vmem>>)
        "tpu.region"() ({
          %run_scoped3A = tpu.sem_alloc : memref<!tpu.dma_semaphore, #tpu.memory_space<semaphore_mem>>
          %dma_start3A_82 = arith.constant 0 : i32
          %dma_start3A_83 = tpu.memref_slice %arg8[%add3A_53, %dma_start3A_82] : memref<8x128xi32, #tpu.memory_space<vmem>> -> memref<1x128xi32, #tpu.memory_space<vmem>>
          %dma_start3A_84 = tpu.memref_squeeze %dma_start3A_83 : memref<1x128xi32, #tpu.memory_space<vmem>> -> memref<128xi32, #tpu.memory_space<vmem>>
          %dma_start3A_85 = arith.constant 0 : i32
          %dma_start3A_86 = arith.constant 0 : i32
          %dma_start3A_87 = tpu.memref_slice %arg11[%dma_start3A_85, %dma_start3A_86] : memref<10240x128xf32, #tpu.memory_space<vmem_shared>> -> memref<10240x128xf32, #tpu.memory_space<vmem_shared>>
          tpu.enqueue_indirect_dma source(%arg9 : memref<128x128xf32, #tpu.memory_space<vmem>>) target(%dma_start3A_87 : memref<10240x128xf32, #tpu.memory_space<vmem_shared>>) offsets(%dma_start3A_84 : memref<128xi32, #tpu.memory_space<vmem>>) semaphore(%run_scoped3A : memref<!tpu.dma_semaphore, #tpu.memory_space<semaphore_mem>>) {add = true}
          %dma_wait3A_88 = arith.constant 0 : i32
          %dma_wait3A_89 = tpu.memref_slice %arg8[%add3A_53, %dma_wait3A_88] : memref<8x128xi32, #tpu.memory_space<vmem>> -> memref<1x128xi32, #tpu.memory_space<vmem>>
          %dma_wait3A_90 = tpu.memref_squeeze %dma_wait3A_89 : memref<1x128xi32, #tpu.memory_space<vmem>> -> memref<128xi32, #tpu.memory_space<vmem>>
          %dma_wait3A_91 = arith.constant 0 : i32
          %dma_wait3A_92 = arith.constant 0 : i32
          %dma_wait3A_93 = tpu.memref_slice %arg11[%dma_wait3A_91, %dma_wait3A_92] : memref<10240x128xf32, #tpu.memory_space<vmem_shared>> -> memref<10240x128xf32, #tpu.memory_space<vmem_shared>>
          tpu.wait_indirect_dma semaphore(%run_scoped3A : memref<!tpu.dma_semaphore, #tpu.memory_space<semaphore_mem>>) src(%arg9 : memref<128x128xf32, #tpu.memory_space<vmem>>) dst(%dma_wait3A_93 : memref<10240x128xf32, #tpu.memory_space<vmem_shared>>)
          tpu.yield
        }) : () -> ()
        %add3A_60 = arith.constant 2 : i32
        %add3A_61 = arith.addi %add3A_53, %add3A_60 : i32
        %lt3A = arith.constant 8 : i32
        %lt3A_62 = arith.cmpi slt, %add3A_61, %lt3A : i32
        %convert_element_type3A = arith.extui %lt3A_62 : i1 to i32
        %cond3A = arith.constant 0 : i32
        %cond3A_63 = arith.cmpi ne, %convert_element_type3A, %cond3A : i32
        scf.if %cond3A_63 {
          %add3A_82 = arith.constant 2 : i32
          %add3A_83 = arith.addi %add3A_53, %add3A_82 : i32
          %dma_start3A_84 = arith.constant 0 : i32
          %dma_start3A_85 = tpu.memref_slice %arg7[%add3A_83, %dma_start3A_84] : memref<8x128xi32, #tpu.memory_space<vmem>> -> memref<1x128xi32, #tpu.memory_space<vmem>>
          %dma_start3A_86 = tpu.memref_squeeze %dma_start3A_85 : memref<1x128xi32, #tpu.memory_space<vmem>> -> memref<128xi32, #tpu.memory_space<vmem>>
          %dma_start3A_87 = arith.constant 0 : i32
          %dma_start3A_88 = arith.constant 0 : i32
          %dma_start3A_89 = tpu.memref_slice %arg2[%dma_start3A_87, %dma_start3A_88] : memref<10000x128xf32, #tpu.memory_space<hbm>> -> memref<10000x128xf32, #tpu.memory_space<hbm>>
          tpu.enqueue_indirect_dma source(%dma_start3A_89 : memref<10000x128xf32, #tpu.memory_space<hbm>>) target(%arg9 : memref<128x128xf32, #tpu.memory_space<vmem>>) offsets(%dma_start3A_86 : memref<128xi32, #tpu.memory_space<vmem>>) semaphore(%arg12 : memref<!tpu.dma_semaphore, #tpu.memory_space<semaphore_mem>>)
        } else {
        }
        %mul3A_64 = arith.constant 2 : i32
        %mul3A_65 = arith.muli %scan3A_49, %mul3A_64 : i32
        %add3A_66 = arith.constant 1 : i32
        %add3A_67 = arith.addi %mul3A_65, %add3A_66 : i32
        %dma_wait3A_68 = arith.constant 0 : i32
        %dma_wait3A_69 = arith.constant 0 : i32
        %dma_wait3A_70 = tpu.memref_slice %arg7[%dma_wait3A_68, %dma_wait3A_69] : memref<8x128xi32, #tpu.memory_space<vmem>> -> memref<1x128xi32, #tpu.memory_space<vmem>>
        %dma_wait3A_71 = tpu.memref_squeeze %dma_wait3A_70 : memref<1x128xi32, #tpu.memory_space<vmem>> -> memref<128xi32, #tpu.memory_space<vmem>>
        %dma_wait3A_72 = arith.constant 0 : i32
        %dma_wait3A_73 = arith.constant 0 : i32
        %dma_wait3A_74 = tpu.memref_slice %arg2[%dma_wait3A_72, %dma_wait3A_73] : memref<10000x128xf32, #tpu.memory_space<hbm>> -> memref<10000x128xf32, #tpu.memory_space<hbm>>
        tpu.wait_indirect_dma semaphore(%arg13 : memref<!tpu.dma_semaphore, #tpu.memory_space<semaphore_mem>>) src(%dma_wait3A_74 : memref<10000x128xf32, #tpu.memory_space<hbm>>) dst(%arg10 : memref<128x128xf32, #tpu.memory_space<vmem>>)
        "tpu.region"() ({
          %run_scoped3A = tpu.sem_alloc : memref<!tpu.dma_semaphore, #tpu.memory_space<semaphore_mem>>
          %dma_start3A_82 = arith.constant 0 : i32
          %dma_start3A_83 = tpu.memref_slice %arg8[%add3A_67, %dma_start3A_82] : memref<8x128xi32, #tpu.memory_space<vmem>> -> memref<1x128xi32, #tpu.memory_space<vmem>>
          %dma_start3A_84 = tpu.memref_squeeze %dma_start3A_83 : memref<1x128xi32, #tpu.memory_space<vmem>> -> memref<128xi32, #tpu.memory_space<vmem>>
          %dma_start3A_85 = arith.constant 0 : i32
          %dma_start3A_86 = arith.constant 0 : i32
          %dma_start3A_87 = tpu.memref_slice %arg11[%dma_start3A_85, %dma_start3A_86] : memref<10240x128xf32, #tpu.memory_space<vmem_shared>> -> memref<10240x128xf32, #tpu.memory_space<vmem_shared>>
          tpu.enqueue_indirect_dma source(%arg10 : memref<128x128xf32, #tpu.memory_space<vmem>>) target(%dma_start3A_87 : memref<10240x128xf32, #tpu.memory_space<vmem_shared>>) offsets(%dma_start3A_84 : memref<128xi32, #tpu.memory_space<vmem>>) semaphore(%run_scoped3A : memref<!tpu.dma_semaphore, #tpu.memory_space<semaphore_mem>>) {add = true}
          %dma_wait3A_88 = arith.constant 0 : i32
          %dma_wait3A_89 = tpu.memref_slice %arg8[%add3A_67, %dma_wait3A_88] : memref<8x128xi32, #tpu.memory_space<vmem>> -> memref<1x128xi32, #tpu.memory_space<vmem>>
          %dma_wait3A_90 = tpu.memref_squeeze %dma_wait3A_89 : memref<1x128xi32, #tpu.memory_space<vmem>> -> memref<128xi32, #tpu.memory_space<vmem>>
          %dma_wait3A_91 = arith.constant 0 : i32
          %dma_wait3A_92 = arith.constant 0 : i32
          %dma_wait3A_93 = tpu.memref_slice %arg11[%dma_wait3A_91, %dma_wait3A_92] : memref<10240x128xf32, #tpu.memory_space<vmem_shared>> -> memref<10240x128xf32, #tpu.memory_space<vmem_shared>>
          tpu.wait_indirect_dma semaphore(%run_scoped3A : memref<!tpu.dma_semaphore, #tpu.memory_space<semaphore_mem>>) src(%arg10 : memref<128x128xf32, #tpu.memory_space<vmem>>) dst(%dma_wait3A_93 : memref<10240x128xf32, #tpu.memory_space<vmem_shared>>)
          tpu.yield
        }) : () -> ()
        %add3A_75 = arith.constant 2 : i32
        %add3A_76 = arith.addi %add3A_67, %add3A_75 : i32
        %lt3A_77 = arith.constant 8 : i32
        %lt3A_78 = arith.cmpi slt, %add3A_76, %lt3A_77 : i32
        %convert_element_type3A_79 = arith.extui %lt3A_78 : i1 to i32
        %cond3A_80 = arith.constant 0 : i32
        %cond3A_81 = arith.cmpi ne, %convert_element_type3A_79, %cond3A_80 : i32
        scf.if %cond3A_81 {
          %add3A_82 = arith.constant 2 : i32
          %add3A_83 = arith.addi %add3A_67, %add3A_82 : i32
          %dma_start3A_84 = arith.constant 0 : i32
          %dma_start3A_85 = tpu.memref_slice %arg7[%add3A_83, %dma_start3A_84] : memref<8x128xi32, #tpu.memory_space<vmem>> -> memref<1x128xi32, #tpu.memory_space<vmem>>
          %dma_start3A_86 = tpu.memref_squeeze %dma_start3A_85 : memref<1x128xi32, #tpu.memory_space<vmem>> -> memref<128xi32, #tpu.memory_space<vmem>>
          %dma_start3A_87 = arith.constant 0 : i32
          %dma_start3A_88 = arith.constant 0 : i32
          %dma_start3A_89 = tpu.memref_slice %arg2[%dma_start3A_87, %dma_start3A_88] : memref<10000x128xf32, #tpu.memory_space<hbm>> -> memref<10000x128xf32, #tpu.memory_space<hbm>>
          tpu.enqueue_indirect_dma source(%dma_start3A_89 : memref<10000x128xf32, #tpu.memory_space<hbm>>) target(%arg10 : memref<128x128xf32, #tpu.memory_space<vmem>>) offsets(%dma_start3A_86 : memref<128xi32, #tpu.memory_space<vmem>>) semaphore(%arg13 : memref<!tpu.dma_semaphore, #tpu.memory_space<semaphore_mem>>)
        } else {
        }
      }
      %scan3A_48 = arith.constant 4 : i32
    }
    %while3A_21 = arith.constant 1 : i32
    scf.for %while3A_27 = %while3A_19 to %while3A_15 step %while3A_21  : i32 {
      %mul3A_28 = arith.constant 8 : i32
      %mul3A_29 = arith.muli %while3A_27, %mul3A_28 : i32
      %add3A_30 = arith.addi %select_n3A, %mul3A_29 : i32
      "tpu.region"() ({
        %run_scoped3A = tpu.sem_alloc : memref<!tpu.dma_semaphore, #tpu.memory_space<semaphore_mem>>
        %dma_start3A_49 = arith.constant 0 : i32
        %dma_start3A_50 = tpu.memref_slice %arg3[%add3A_30, %dma_start3A_49] : memref<2560x128xi32, #tpu.memory_space<hbm>> -> memref<8x128xi32, #tpu.memory_space<hbm>>
        %dma_start3A_51 = arith.constant 0 : i32
        %dma_start3A_52 = tpu.memref_slice %arg3[%add3A_30, %dma_start3A_51] : memref<2560x128xi32, #tpu.memory_space<hbm>> -> memref<8x128xi32, #tpu.memory_space<hbm>>
        tpu.enqueue_dma source(%dma_start3A_52 : memref<8x128xi32, #tpu.memory_space<hbm>>) target(%arg7 : memref<8x128xi32, #tpu.memory_space<vmem>>) target_semaphore(%run_scoped3A : memref<!tpu.dma_semaphore, #tpu.memory_space<semaphore_mem>>)
        %dma_wait3A = arith.constant 0 : i32
        %dma_wait3A_53 = tpu.memref_slice %arg3[%add3A_30, %dma_wait3A] : memref<2560x128xi32, #tpu.memory_space<hbm>> -> memref<8x128xi32, #tpu.memory_space<hbm>>
        %dma_wait3A_54 = arith.constant 0 : i32
        %dma_wait3A_55 = tpu.memref_slice %arg3[%add3A_30, %dma_wait3A_54] : memref<2560x128xi32, #tpu.memory_space<hbm>> -> memref<8x128xi32, #tpu.memory_space<hbm>>
        tpu.wait_dma2 semaphore(%run_scoped3A : memref<!tpu.dma_semaphore, #tpu.memory_space<semaphore_mem>>) src(%dma_wait3A_55 : memref<8x128xi32, #tpu.memory_space<hbm>>) dst(%arg7 : memref<8x128xi32, #tpu.memory_space<vmem>>)
        tpu.yield
      }) : () -> ()
      "tpu.region"() ({
        %run_scoped3A = tpu.sem_alloc : memref<!tpu.dma_semaphore, #tpu.memory_space<semaphore_mem>>
        %dma_start3A_49 = arith.constant 0 : i32
        %dma_start3A_50 = tpu.memref_slice %arg4[%add3A_30, %dma_start3A_49] : memref<2560x128xi32, #tpu.memory_space<hbm>> -> memref<8x128xi32, #tpu.memory_space<hbm>>
        %dma_start3A_51 = arith.constant 0 : i32
        %dma_start3A_52 = tpu.memref_slice %arg4[%add3A_30, %dma_start3A_51] : memref<2560x128xi32, #tpu.memory_space<hbm>> -> memref<8x128xi32, #tpu.memory_space<hbm>>
        tpu.enqueue_dma source(%dma_start3A_52 : memref<8x128xi32, #tpu.memory_space<hbm>>) target(%arg8 : memref<8x128xi32, #tpu.memory_space<vmem>>) target_semaphore(%run_scoped3A : memref<!tpu.dma_semaphore, #tpu.memory_space<semaphore_mem>>)
        %dma_wait3A = arith.constant 0 : i32
        %dma_wait3A_53 = tpu.memref_slice %arg4[%add3A_30, %dma_wait3A] : memref<2560x128xi32, #tpu.memory_space<hbm>> -> memref<8x128xi32, #tpu.memory_space<hbm>>
        %dma_wait3A_54 = arith.constant 0 : i32
        %dma_wait3A_55 = tpu.memref_slice %arg4[%add3A_30, %dma_wait3A_54] : memref<2560x128xi32, #tpu.memory_space<hbm>> -> memref<8x128xi32, #tpu.memory_space<hbm>>
        tpu.wait_dma2 semaphore(%run_scoped3A : memref<!tpu.dma_semaphore, #tpu.memory_space<semaphore_mem>>) src(%dma_wait3A_55 : memref<8x128xi32, #tpu.memory_space<hbm>>) dst(%arg8 : memref<8x128xi32, #tpu.memory_space<vmem>>)
        tpu.yield
      }) : () -> ()
      %dma_start3A = arith.constant 0 : i32
      %dma_start3A_31 = arith.constant 0 : i32
      %dma_start3A_32 = tpu.memref_slice %arg7[%dma_start3A, %dma_start3A_31] : memref<8x128xi32, #tpu.memory_space<vmem>> -> memref<1x128xi32, #tpu.memory_space<vmem>>
      %dma_start3A_33 = tpu.memref_squeeze %dma_start3A_32 : memref<1x128xi32, #tpu.memory_space<vmem>> -> memref<128xi32, #tpu.memory_space<vmem>>
      %dma_start3A_34 = arith.constant 0 : i32
      %dma_start3A_35 = arith.constant 0 : i32
      %dma_start3A_36 = tpu.memref_slice %arg2[%dma_start3A_34, %dma_start3A_35] : memref<10000x128xf32, #tpu.memory_space<hbm>> -> memref<10000x128xf32, #tpu.memory_space<hbm>>
      tpu.enqueue_indirect_dma source(%dma_start3A_36 : memref<10000x128xf32, #tpu.memory_space<hbm>>) target(%arg9 : memref<128x128xf32, #tpu.memory_space<vmem>>) offsets(%dma_start3A_33 : memref<128xi32, #tpu.memory_space<vmem>>) semaphore(%arg12 : memref<!tpu.dma_semaphore, #tpu.memory_space<semaphore_mem>>)
      %dma_start3A_37 = arith.constant 1 : i32
      %dma_start3A_38 = arith.constant 0 : i32
      %dma_start3A_39 = tpu.memref_slice %arg7[%dma_start3A_37, %dma_start3A_38] : memref<8x128xi32, #tpu.memory_space<vmem>> -> memref<1x128xi32, #tpu.memory_space<vmem>>
      %dma_start3A_40 = tpu.memref_squeeze %dma_start3A_39 : memref<1x128xi32, #tpu.memory_space<vmem>> -> memref<128xi32, #tpu.memory_space<vmem>>
      %dma_start3A_41 = arith.constant 0 : i32
      %dma_start3A_42 = arith.constant 0 : i32
      %dma_start3A_43 = tpu.memref_slice %arg2[%dma_start3A_41, %dma_start3A_42] : memref<10000x128xf32, #tpu.memory_space<hbm>> -> memref<10000x128xf32, #tpu.memory_space<hbm>>
      tpu.enqueue_indirect_dma source(%dma_start3A_43 : memref<10000x128xf32, #tpu.memory_space<hbm>>) target(%arg10 : memref<128x128xf32, #tpu.memory_space<vmem>>) offsets(%dma_start3A_40 : memref<128xi32, #tpu.memory_space<vmem>>) semaphore(%arg13 : memref<!tpu.dma_semaphore, #tpu.memory_space<semaphore_mem>>)
      %scan3A = arith.constant 0 : i32
      %scan3A_44 = arith.constant 0 : i32
      %scan3A_45 = arith.constant 4 : i32
      %scan3A_46 = arith.addi %scan3A_44, %scan3A_45 : i32
      %scan3A_47 = arith.constant 1 : i32
      scf.for %scan3A_49 = %scan3A_44 to %scan3A_46 step %scan3A_47  : i32 {
        %mul3A_50 = arith.constant 2 : i32
        %mul3A_51 = arith.muli %scan3A_49, %mul3A_50 : i32
        %add3A_52 = arith.constant 0 : i32
        %add3A_53 = arith.addi %mul3A_51, %add3A_52 : i32
        %dma_wait3A = arith.constant 0 : i32
        %dma_wait3A_54 = arith.constant 0 : i32
        %dma_wait3A_55 = tpu.memref_slice %arg7[%dma_wait3A, %dma_wait3A_54] : memref<8x128xi32, #tpu.memory_space<vmem>> -> memref<1x128xi32, #tpu.memory_space<vmem>>
        %dma_wait3A_56 = tpu.memref_squeeze %dma_wait3A_55 : memref<1x128xi32, #tpu.memory_space<vmem>> -> memref<128xi32, #tpu.memory_space<vmem>>
        %dma_wait3A_57 = arith.constant 0 : i32
        %dma_wait3A_58 = arith.constant 0 : i32
        %dma_wait3A_59 = tpu.memref_slice %arg2[%dma_wait3A_57, %dma_wait3A_58] : memref<10000x128xf32, #tpu.memory_space<hbm>> -> memref<10000x128xf32, #tpu.memory_space<hbm>>
        tpu.wait_indirect_dma semaphore(%arg12 : memref<!tpu.dma_semaphore, #tpu.memory_space<semaphore_mem>>) src(%dma_wait3A_59 : memref<10000x128xf32, #tpu.memory_space<hbm>>) dst(%arg9 : memref<128x128xf32, #tpu.memory_space<vmem>>)
        "tpu.region"() ({
          %run_scoped3A = tpu.sem_alloc : memref<!tpu.dma_semaphore, #tpu.memory_space<semaphore_mem>>
          %dma_start3A_82 = arith.constant 0 : i32
          %dma_start3A_83 = tpu.memref_slice %arg8[%add3A_53, %dma_start3A_82] : memref<8x128xi32, #tpu.memory_space<vmem>> -> memref<1x128xi32, #tpu.memory_space<vmem>>
          %dma_start3A_84 = tpu.memref_squeeze %dma_start3A_83 : memref<1x128xi32, #tpu.memory_space<vmem>> -> memref<128xi32, #tpu.memory_space<vmem>>
          %dma_start3A_85 = arith.constant 0 : i32
          %dma_start3A_86 = arith.constant 0 : i32
          %dma_start3A_87 = tpu.memref_slice %arg11[%dma_start3A_85, %dma_start3A_86] : memref<10240x128xf32, #tpu.memory_space<vmem_shared>> -> memref<10240x128xf32, #tpu.memory_space<vmem_shared>>
          tpu.enqueue_indirect_dma source(%arg9 : memref<128x128xf32, #tpu.memory_space<vmem>>) target(%dma_start3A_87 : memref<10240x128xf32, #tpu.memory_space<vmem_shared>>) offsets(%dma_start3A_84 : memref<128xi32, #tpu.memory_space<vmem>>) semaphore(%run_scoped3A : memref<!tpu.dma_semaphore, #tpu.memory_space<semaphore_mem>>) {add = true}
          %dma_wait3A_88 = arith.constant 0 : i32
          %dma_wait3A_89 = tpu.memref_slice %arg8[%add3A_53, %dma_wait3A_88] : memref<8x128xi32, #tpu.memory_space<vmem>> -> memref<1x128xi32, #tpu.memory_space<vmem>>
          %dma_wait3A_90 = tpu.memref_squeeze %dma_wait3A_89 : memref<1x128xi32, #tpu.memory_space<vmem>> -> memref<128xi32, #tpu.memory_space<vmem>>
          %dma_wait3A_91 = arith.constant 0 : i32
          %dma_wait3A_92 = arith.constant 0 : i32
          %dma_wait3A_93 = tpu.memref_slice %arg11[%dma_wait3A_91, %dma_wait3A_92] : memref<10240x128xf32, #tpu.memory_space<vmem_shared>> -> memref<10240x128xf32, #tpu.memory_space<vmem_shared>>
          tpu.wait_indirect_dma semaphore(%run_scoped3A : memref<!tpu.dma_semaphore, #tpu.memory_space<semaphore_mem>>) src(%arg9 : memref<128x128xf32, #tpu.memory_space<vmem>>) dst(%dma_wait3A_93 : memref<10240x128xf32, #tpu.memory_space<vmem_shared>>)
          tpu.yield
        }) : () -> ()
        %add3A_60 = arith.constant 2 : i32
        %add3A_61 = arith.addi %add3A_53, %add3A_60 : i32
        %lt3A = arith.constant 8 : i32
        %lt3A_62 = arith.cmpi slt, %add3A_61, %lt3A : i32
        %convert_element_type3A = arith.extui %lt3A_62 : i1 to i32
        %cond3A = arith.constant 0 : i32
        %cond3A_63 = arith.cmpi ne, %convert_element_type3A, %cond3A : i32
        scf.if %cond3A_63 {
          %add3A_82 = arith.constant 2 : i32
          %add3A_83 = arith.addi %add3A_53, %add3A_82 : i32
          %dma_start3A_84 = arith.constant 0 : i32
          %dma_start3A_85 = tpu.memref_slice %arg7[%add3A_83, %dma_start3A_84] : memref<8x128xi32, #tpu.memory_space<vmem>> -> memref<1x128xi32, #tpu.memory_space<vmem>>
          %dma_start3A_86 = tpu.memref_squeeze %dma_start3A_85 : memref<1x128xi32, #tpu.memory_space<vmem>> -> memref<128xi32, #tpu.memory_space<vmem>>
          %dma_start3A_87 = arith.constant 0 : i32
          %dma_start3A_88 = arith.constant 0 : i32
          %dma_start3A_89 = tpu.memref_slice %arg2[%dma_start3A_87, %dma_start3A_88] : memref<10000x128xf32, #tpu.memory_space<hbm>> -> memref<10000x128xf32, #tpu.memory_space<hbm>>
          tpu.enqueue_indirect_dma source(%dma_start3A_89 : memref<10000x128xf32, #tpu.memory_space<hbm>>) target(%arg9 : memref<128x128xf32, #tpu.memory_space<vmem>>) offsets(%dma_start3A_86 : memref<128xi32, #tpu.memory_space<vmem>>) semaphore(%arg12 : memref<!tpu.dma_semaphore, #tpu.memory_space<semaphore_mem>>)
        } else {
        }
        %mul3A_64 = arith.constant 2 : i32
        %mul3A_65 = arith.muli %scan3A_49, %mul3A_64 : i32
        %add3A_66 = arith.constant 1 : i32
        %add3A_67 = arith.addi %mul3A_65, %add3A_66 : i32
        %dma_wait3A_68 = arith.constant 0 : i32
        %dma_wait3A_69 = arith.constant 0 : i32
        %dma_wait3A_70 = tpu.memref_slice %arg7[%dma_wait3A_68, %dma_wait3A_69] : memref<8x128xi32, #tpu.memory_space<vmem>> -> memref<1x128xi32, #tpu.memory_space<vmem>>
        %dma_wait3A_71 = tpu.memref_squeeze %dma_wait3A_70 : memref<1x128xi32, #tpu.memory_space<vmem>> -> memref<128xi32, #tpu.memory_space<vmem>>
        %dma_wait3A_72 = arith.constant 0 : i32
        %dma_wait3A_73 = arith.constant 0 : i32
        %dma_wait3A_74 = tpu.memref_slice %arg2[%dma_wait3A_72, %dma_wait3A_73] : memref<10000x128xf32, #tpu.memory_space<hbm>> -> memref<10000x128xf32, #tpu.memory_space<hbm>>
        tpu.wait_indirect_dma semaphore(%arg13 : memref<!tpu.dma_semaphore, #tpu.memory_space<semaphore_mem>>) src(%dma_wait3A_74 : memref<10000x128xf32, #tpu.memory_space<hbm>>) dst(%arg10 : memref<128x128xf32, #tpu.memory_space<vmem>>)
        "tpu.region"() ({
          %run_scoped3A = tpu.sem_alloc : memref<!tpu.dma_semaphore, #tpu.memory_space<semaphore_mem>>
          %dma_start3A_82 = arith.constant 0 : i32
          %dma_start3A_83 = tpu.memref_slice %arg8[%add3A_67, %dma_start3A_82] : memref<8x128xi32, #tpu.memory_space<vmem>> -> memref<1x128xi32, #tpu.memory_space<vmem>>
          %dma_start3A_84 = tpu.memref_squeeze %dma_start3A_83 : memref<1x128xi32, #tpu.memory_space<vmem>> -> memref<128xi32, #tpu.memory_space<vmem>>
          %dma_start3A_85 = arith.constant 0 : i32
          %dma_start3A_86 = arith.constant 0 : i32
          %dma_start3A_87 = tpu.memref_slice %arg11[%dma_start3A_85, %dma_start3A_86] : memref<10240x128xf32, #tpu.memory_space<vmem_shared>> -> memref<10240x128xf32, #tpu.memory_space<vmem_shared>>
          tpu.enqueue_indirect_dma source(%arg10 : memref<128x128xf32, #tpu.memory_space<vmem>>) target(%dma_start3A_87 : memref<10240x128xf32, #tpu.memory_space<vmem_shared>>) offsets(%dma_start3A_84 : memref<128xi32, #tpu.memory_space<vmem>>) semaphore(%run_scoped3A : memref<!tpu.dma_semaphore, #tpu.memory_space<semaphore_mem>>) {add = true}
          %dma_wait3A_88 = arith.constant 0 : i32
          %dma_wait3A_89 = tpu.memref_slice %arg8[%add3A_67, %dma_wait3A_88] : memref<8x128xi32, #tpu.memory_space<vmem>> -> memref<1x128xi32, #tpu.memory_space<vmem>>
          %dma_wait3A_90 = tpu.memref_squeeze %dma_wait3A_89 : memref<1x128xi32, #tpu.memory_space<vmem>> -> memref<128xi32, #tpu.memory_space<vmem>>
          %dma_wait3A_91 = arith.constant 0 : i32
          %dma_wait3A_92 = arith.constant 0 : i32
          %dma_wait3A_93 = tpu.memref_slice %arg11[%dma_wait3A_91, %dma_wait3A_92] : memref<10240x128xf32, #tpu.memory_space<vmem_shared>> -> memref<10240x128xf32, #tpu.memory_space<vmem_shared>>
          tpu.wait_indirect_dma semaphore(%run_scoped3A : memref<!tpu.dma_semaphore, #tpu.memory_space<semaphore_mem>>) src(%arg10 : memref<128x128xf32, #tpu.memory_space<vmem>>) dst(%dma_wait3A_93 : memref<10240x128xf32, #tpu.memory_space<vmem_shared>>)
          tpu.yield
        }) : () -> ()
        %add3A_75 = arith.constant 2 : i32
        %add3A_76 = arith.addi %add3A_67, %add3A_75 : i32
        %lt3A_77 = arith.constant 8 : i32
        %lt3A_78 = arith.cmpi slt, %add3A_76, %lt3A_77 : i32
        %convert_element_type3A_79 = arith.extui %lt3A_78 : i1 to i32
        %cond3A_80 = arith.constant 0 : i32
        %cond3A_81 = arith.cmpi ne, %convert_element_type3A_79, %cond3A_80 : i32
        scf.if %cond3A_81 {
          %add3A_82 = arith.constant 2 : i32
          %add3A_83 = arith.addi %add3A_67, %add3A_82 : i32
          %dma_start3A_84 = arith.constant 0 : i32
          %dma_start3A_85 = tpu.memref_slice %arg7[%add3A_83, %dma_start3A_84] : memref<8x128xi32, #tpu.memory_space<vmem>> -> memref<1x128xi32, #tpu.memory_space<vmem>>
          %dma_start3A_86 = tpu.memref_squeeze %dma_start3A_85 : memref<1x128xi32, #tpu.memory_space<vmem>> -> memref<128xi32, #tpu.memory_space<vmem>>
          %dma_start3A_87 = arith.constant 0 : i32
          %dma_start3A_88 = arith.constant 0 : i32
          %dma_start3A_89 = tpu.memref_slice %arg2[%dma_start3A_87, %dma_start3A_88] : memref<10000x128xf32, #tpu.memory_space<hbm>> -> memref<10000x128xf32, #tpu.memory_space<hbm>>
          tpu.enqueue_indirect_dma source(%dma_start3A_89 : memref<10000x128xf32, #tpu.memory_space<hbm>>) target(%arg10 : memref<128x128xf32, #tpu.memory_space<vmem>>) offsets(%dma_start3A_86 : memref<128xi32, #tpu.memory_space<vmem>>) semaphore(%arg13 : memref<!tpu.dma_semaphore, #tpu.memory_space<semaphore_mem>>)
        } else {
        }
      }
      %scan3A_48 = arith.constant 4 : i32
    }
    %barrier3A_22 = arith.constant 0 : index
    tpu.barrier barrier_id(%barrier3A_22)
    %mul3A_23 = arith.constant 640 : i32
    %mul3A_24 = arith.muli %arg1, %mul3A_23 : i32
    %mul3A_25 = arith.constant 640 : i32
    %mul3A_26 = arith.muli %arg1, %mul3A_25 : i32
    "tpu.region"() ({
      %run_scoped3A = tpu.sem_alloc : memref<!tpu.dma_semaphore, #tpu.memory_space<semaphore_mem>>
      %dma_start3A = arith.constant 0 : i32
      %dma_start3A_27 = tpu.memref_slice %arg6[%arg0, %mul3A_26, %dma_start3A] : memref<2x10240x128xf32, #tpu.memory_space<hbm>> -> memref<1x640x128xf32, #tpu.memory_space<hbm>>
      %dma_start3A_28 = tpu.memref_squeeze %dma_start3A_27 : memref<1x640x128xf32, #tpu.memory_space<hbm>> -> memref<640x128xf32, #tpu.memory_space<hbm>>
      %dma_start3A_29 = arith.constant 0 : i32
      %dma_start3A_30 = tpu.memref_slice %arg11[%mul3A_24, %dma_start3A_29] : memref<10240x128xf32, #tpu.memory_space<vmem_shared>> -> memref<640x128xf32, #tpu.memory_space<vmem_shared>>
      tpu.enqueue_dma source(%dma_start3A_30 : memref<640x128xf32, #tpu.memory_space<vmem_shared>>) target(%dma_start3A_28 : memref<640x128xf32, #tpu.memory_space<hbm>>) target_semaphore(%run_scoped3A : memref<!tpu.dma_semaphore, #tpu.memory_space<semaphore_mem>>)
      %dma_wait3A = arith.constant 0 : i32
      %dma_wait3A_31 = tpu.memref_slice %arg6[%arg0, %mul3A_26, %dma_wait3A] : memref<2x10240x128xf32, #tpu.memory_space<hbm>> -> memref<1x640x128xf32, #tpu.memory_space<hbm>>
      %dma_wait3A_32 = tpu.memref_squeeze %dma_wait3A_31 : memref<1x640x128xf32, #tpu.memory_space<hbm>> -> memref<640x128xf32, #tpu.memory_space<hbm>>
      %dma_wait3A_33 = arith.constant 0 : i32
      %dma_wait3A_34 = tpu.memref_slice %arg11[%mul3A_24, %dma_wait3A_33] : memref<10240x128xf32, #tpu.memory_space<vmem_shared>> -> memref<640x128xf32, #tpu.memory_space<vmem_shared>>
      tpu.wait_dma2 semaphore(%run_scoped3A : memref<!tpu.dma_semaphore, #tpu.memory_space<semaphore_mem>>) src(%dma_wait3A_34 : memref<640x128xf32, #tpu.memory_space<vmem_shared>>) dst(%dma_wait3A_32 : memref<640x128xf32, #tpu.memory_space<hbm>>)
      tpu.yield
    }) : () -> ()
    return
  }
}

#map = affine_map<(d0, d1) -> (0, 0)>
#map1 = affine_map<(d0, d1) -> (0, 0, 0)>
module attributes {stable_mosaic.version = 14 : i64} {
  func.func @_prop_body(%arg0: i32, %arg1: i32, %arg2: memref<10000x128xf32, #tpu.memory_space<hbm>>, %arg3: memref<2560x128xi32, #tpu.memory_space<hbm>>, %arg4: memref<2560x128xi32, #tpu.memory_space<hbm>>, %arg5: memref<10240x128xf32, #tpu.memory_space<hbm>>, %arg6: memref<2x10240x128xf32, #tpu.memory_space<hbm>>, %arg7: memref<8x128xi32, #tpu.memory_space<vmem>>, %arg8: memref<8x128xi32, #tpu.memory_space<vmem>>, %arg9: memref<128x128xf32, #tpu.memory_space<vmem>>, %arg10: memref<128x128xf32, #tpu.memory_space<vmem>>, %arg11: memref<10240x128xf32, #tpu.memory_space<vmem_shared>>, %arg12: memref<!tpu.dma_semaphore, #tpu.memory_space<semaphore_mem>>, %arg13: memref<!tpu.dma_semaphore, #tpu.memory_space<semaphore_mem>>) attributes {dimension_semantics = [#tpu.dimension_semantics<core_parallel>, #tpu.dimension_semantics<subcore_parallel>], iteration_bounds = array<i64: 2, 16>, scalar_prefetch = 0 : i64, scratch_operands = 7 : i64, tpu.core_type = #tpu.core_type<sc_vector_subcore>, window_params = [{transform_indices = #map}, {transform_indices = #map}, {transform_indices = #map}, {transform_indices = #map}, {transform_indices = #map1}]} {
    %mul3A = arith.constant 640 : i32
    %mul3A_0 = arith.muli %arg1, %mul3A : i32
    %mul3A_1 = arith.constant 640 : i32
    %mul3A_2 = arith.muli %arg1, %mul3A_1 : i32
    "tpu.region"() ({
      %run_scoped3A = tpu.sem_alloc : memref<!tpu.dma_semaphore, #tpu.memory_space<semaphore_mem>>
      %dma_start3A = arith.constant 0 : i32
      %dma_start3A_27 = tpu.memref_slice %arg11[%mul3A_2, %dma_start3A] : memref<10240x128xf32, #tpu.memory_space<vmem_shared>> -> memref<640x128xf32, #tpu.memory_space<vmem_shared>>
      %dma_start3A_28 = arith.constant 0 : i32
      %dma_start3A_29 = tpu.memref_slice %arg5[%mul3A_0, %dma_start3A_28] : memref<10240x128xf32, #tpu.memory_space<hbm>> -> memref<640x128xf32, #tpu.memory_space<hbm>>
      tpu.enqueue_dma source(%dma_start3A_29 : memref<640x128xf32, #tpu.memory_space<hbm>>) target(%dma_start3A_27 : memref<640x128xf32, #tpu.memory_space<vmem_shared>>) target_semaphore(%run_scoped3A : memref<!tpu.dma_semaphore, #tpu.memory_space<semaphore_mem>>)
      %dma_wait3A = arith.constant 0 : i32
      %dma_wait3A_30 = tpu.memref_slice %arg11[%mul3A_2, %dma_wait3A] : memref<10240x128xf32, #tpu.memory_space<vmem_shared>> -> memref<640x128xf32, #tpu.memory_space<vmem_shared>>
      %dma_wait3A_31 = arith.constant 0 : i32
      %dma_wait3A_32 = tpu.memref_slice %arg5[%mul3A_0, %dma_wait3A_31] : memref<10240x128xf32, #tpu.memory_space<hbm>> -> memref<640x128xf32, #tpu.memory_space<hbm>>
      tpu.wait_dma2 semaphore(%run_scoped3A : memref<!tpu.dma_semaphore, #tpu.memory_space<semaphore_mem>>) src(%dma_wait3A_32 : memref<640x128xf32, #tpu.memory_space<hbm>>) dst(%dma_wait3A_30 : memref<640x128xf32, #tpu.memory_space<vmem_shared>>)
      tpu.yield
    }) : () -> ()
    %barrier3A = arith.constant 0 : index
    tpu.barrier barrier_id(%barrier3A)
    %eq3A = arith.constant 0 : i32
    %eq3A_3 = arith.cmpi eq, %arg0, %eq3A : i32
    %mul3A_4 = arith.constant 160 : i32
    %mul3A_5 = arith.muli %arg1, %mul3A_4 : i32
    %mul3A_6 = arith.constant 0 : i32
    %mul3A_7 = arith.muli %arg1, %mul3A_6 : i32
    %add3A = arith.constant 2560 : i32
    %add3A_8 = arith.addi %add3A, %mul3A_7 : i32
    %select_n3A = arith.select %eq3A_3, %mul3A_5, %add3A_8 : i32
    %eq3A_9 = arith.constant 0 : i32
    %eq3A_10 = arith.cmpi eq, %arg0, %eq3A_9 : i32
    %jit3A = arith.constant 20 : i32
    %jit3A_11 = arith.constant 0 : i32
    %select_n3A_12 = arith.select %eq3A_10, %jit3A, %jit3A_11 : i32
    %while3A = arith.constant 0 : i32
    %while3A_13 = arith.constant 0 : i32
    %while3A_14 = arith.subi %select_n3A_12, %while3A_13 : i32
    %while3A_15 = arith.addi %while3A_13, %while3A_14 : i32
    %while3A_16 = arith.constant 1 : i32
    %while3A_17 = arith.divsi %while3A_14, %while3A_16 : i32
    %while3A_18 = arith.muli %while3A_17, %while3A_16 : i32
    %while3A_19 = arith.addi %while3A_13, %while3A_18 : i32
    %while3A_20 = arith.constant 1 : i32
    scf.for %while3A_27 = %while3A_13 to %while3A_19 step %while3A_20  : i32 {
      %mul3A_28 = arith.constant 8 : i32
      %mul3A_29 = arith.muli %while3A_27, %mul3A_28 : i32
      %add3A_30 = arith.addi %select_n3A, %mul3A_29 : i32
      "tpu.region"() ({
        %run_scoped3A = tpu.sem_alloc : memref<!tpu.dma_semaphore, #tpu.memory_space<semaphore_mem>>
        %dma_start3A_49 = arith.constant 0 : i32
        %dma_start3A_50 = tpu.memref_slice %arg3[%add3A_30, %dma_start3A_49] : memref<2560x128xi32, #tpu.memory_space<hbm>> -> memref<8x128xi32, #tpu.memory_space<hbm>>
        %dma_start3A_51 = arith.constant 0 : i32
        %dma_start3A_52 = tpu.memref_slice %arg3[%add3A_30, %dma_start3A_51] : memref<2560x128xi32, #tpu.memory_space<hbm>> -> memref<8x128xi32, #tpu.memory_space<hbm>>
        tpu.enqueue_dma source(%dma_start3A_52 : memref<8x128xi32, #tpu.memory_space<hbm>>) target(%arg7 : memref<8x128xi32, #tpu.memory_space<vmem>>) target_semaphore(%run_scoped3A : memref<!tpu.dma_semaphore, #tpu.memory_space<semaphore_mem>>)
        %dma_wait3A = arith.constant 0 : i32
        %dma_wait3A_53 = tpu.memref_slice %arg3[%add3A_30, %dma_wait3A] : memref<2560x128xi32, #tpu.memory_space<hbm>> -> memref<8x128xi32, #tpu.memory_space<hbm>>
        %dma_wait3A_54 = arith.constant 0 : i32
        %dma_wait3A_55 = tpu.memref_slice %arg3[%add3A_30, %dma_wait3A_54] : memref<2560x128xi32, #tpu.memory_space<hbm>> -> memref<8x128xi32, #tpu.memory_space<hbm>>
        tpu.wait_dma2 semaphore(%run_scoped3A : memref<!tpu.dma_semaphore, #tpu.memory_space<semaphore_mem>>) src(%dma_wait3A_55 : memref<8x128xi32, #tpu.memory_space<hbm>>) dst(%arg7 : memref<8x128xi32, #tpu.memory_space<vmem>>)
        tpu.yield
      }) : () -> ()
      "tpu.region"() ({
        %run_scoped3A = tpu.sem_alloc : memref<!tpu.dma_semaphore, #tpu.memory_space<semaphore_mem>>
        %dma_start3A_49 = arith.constant 0 : i32
        %dma_start3A_50 = tpu.memref_slice %arg4[%add3A_30, %dma_start3A_49] : memref<2560x128xi32, #tpu.memory_space<hbm>> -> memref<8x128xi32, #tpu.memory_space<hbm>>
        %dma_start3A_51 = arith.constant 0 : i32
        %dma_start3A_52 = tpu.memref_slice %arg4[%add3A_30, %dma_start3A_51] : memref<2560x128xi32, #tpu.memory_space<hbm>> -> memref<8x128xi32, #tpu.memory_space<hbm>>
        tpu.enqueue_dma source(%dma_start3A_52 : memref<8x128xi32, #tpu.memory_space<hbm>>) target(%arg8 : memref<8x128xi32, #tpu.memory_space<vmem>>) target_semaphore(%run_scoped3A : memref<!tpu.dma_semaphore, #tpu.memory_space<semaphore_mem>>)
        %dma_wait3A = arith.constant 0 : i32
        %dma_wait3A_53 = tpu.memref_slice %arg4[%add3A_30, %dma_wait3A] : memref<2560x128xi32, #tpu.memory_space<hbm>> -> memref<8x128xi32, #tpu.memory_space<hbm>>
        %dma_wait3A_54 = arith.constant 0 : i32
        %dma_wait3A_55 = tpu.memref_slice %arg4[%add3A_30, %dma_wait3A_54] : memref<2560x128xi32, #tpu.memory_space<hbm>> -> memref<8x128xi32, #tpu.memory_space<hbm>>
        tpu.wait_dma2 semaphore(%run_scoped3A : memref<!tpu.dma_semaphore, #tpu.memory_space<semaphore_mem>>) src(%dma_wait3A_55 : memref<8x128xi32, #tpu.memory_space<hbm>>) dst(%arg8 : memref<8x128xi32, #tpu.memory_space<vmem>>)
        tpu.yield
      }) : () -> ()
      %dma_start3A = arith.constant 0 : i32
      %dma_start3A_31 = arith.constant 0 : i32
      %dma_start3A_32 = tpu.memref_slice %arg7[%dma_start3A, %dma_start3A_31] : memref<8x128xi32, #tpu.memory_space<vmem>> -> memref<1x128xi32, #tpu.memory_space<vmem>>
      %dma_start3A_33 = tpu.memref_squeeze %dma_start3A_32 : memref<1x128xi32, #tpu.memory_space<vmem>> -> memref<128xi32, #tpu.memory_space<vmem>>
      %dma_start3A_34 = arith.constant 0 : i32
      %dma_start3A_35 = arith.constant 0 : i32
      %dma_start3A_36 = tpu.memref_slice %arg2[%dma_start3A_34, %dma_start3A_35] : memref<10000x128xf32, #tpu.memory_space<hbm>> -> memref<10000x128xf32, #tpu.memory_space<hbm>>
      tpu.enqueue_indirect_dma source(%dma_start3A_36 : memref<10000x128xf32, #tpu.memory_space<hbm>>) target(%arg9 : memref<128x128xf32, #tpu.memory_space<vmem>>) offsets(%dma_start3A_33 : memref<128xi32, #tpu.memory_space<vmem>>) semaphore(%arg12 : memref<!tpu.dma_semaphore, #tpu.memory_space<semaphore_mem>>)
      %dma_start3A_37 = arith.constant 1 : i32
      %dma_start3A_38 = arith.constant 0 : i32
      %dma_start3A_39 = tpu.memref_slice %arg7[%dma_start3A_37, %dma_start3A_38] : memref<8x128xi32, #tpu.memory_space<vmem>> -> memref<1x128xi32, #tpu.memory_space<vmem>>
      %dma_start3A_40 = tpu.memref_squeeze %dma_start3A_39 : memref<1x128xi32, #tpu.memory_space<vmem>> -> memref<128xi32, #tpu.memory_space<vmem>>
      %dma_start3A_41 = arith.constant 0 : i32
      %dma_start3A_42 = arith.constant 0 : i32
      %dma_start3A_43 = tpu.memref_slice %arg2[%dma_start3A_41, %dma_start3A_42] : memref<10000x128xf32, #tpu.memory_space<hbm>> -> memref<10000x128xf32, #tpu.memory_space<hbm>>
      tpu.enqueue_indirect_dma source(%dma_start3A_43 : memref<10000x128xf32, #tpu.memory_space<hbm>>) target(%arg10 : memref<128x128xf32, #tpu.memory_space<vmem>>) offsets(%dma_start3A_40 : memref<128xi32, #tpu.memory_space<vmem>>) semaphore(%arg13 : memref<!tpu.dma_semaphore, #tpu.memory_space<semaphore_mem>>)
      %scan3A = arith.constant 0 : i32
      %scan3A_44 = arith.constant 0 : i32
      %scan3A_45 = arith.constant 4 : i32
      %scan3A_46 = arith.addi %scan3A_44, %scan3A_45 : i32
      %scan3A_47 = arith.constant 1 : i32
      scf.for %scan3A_49 = %scan3A_44 to %scan3A_46 step %scan3A_47  : i32 {
        %mul3A_50 = arith.constant 2 : i32
        %mul3A_51 = arith.muli %scan3A_49, %mul3A_50 : i32
        %add3A_52 = arith.constant 0 : i32
        %add3A_53 = arith.addi %mul3A_51, %add3A_52 : i32
        %dma_wait3A = arith.constant 0 : i32
        %dma_wait3A_54 = arith.constant 0 : i32
        %dma_wait3A_55 = tpu.memref_slice %arg7[%dma_wait3A, %dma_wait3A_54] : memref<8x128xi32, #tpu.memory_space<vmem>> -> memref<1x128xi32, #tpu.memory_space<vmem>>
        %dma_wait3A_56 = tpu.memref_squeeze %dma_wait3A_55 : memref<1x128xi32, #tpu.memory_space<vmem>> -> memref<128xi32, #tpu.memory_space<vmem>>
        %dma_wait3A_57 = arith.constant 0 : i32
        %dma_wait3A_58 = arith.constant 0 : i32
        %dma_wait3A_59 = tpu.memref_slice %arg2[%dma_wait3A_57, %dma_wait3A_58] : memref<10000x128xf32, #tpu.memory_space<hbm>> -> memref<10000x128xf32, #tpu.memory_space<hbm>>
        tpu.wait_indirect_dma semaphore(%arg12 : memref<!tpu.dma_semaphore, #tpu.memory_space<semaphore_mem>>) src(%dma_wait3A_59 : memref<10000x128xf32, #tpu.memory_space<hbm>>) dst(%arg9 : memref<128x128xf32, #tpu.memory_space<vmem>>)
        "tpu.region"() ({
          %run_scoped3A = tpu.sem_alloc : memref<!tpu.dma_semaphore, #tpu.memory_space<semaphore_mem>>
          %dma_start3A_82 = arith.constant 0 : i32
          %dma_start3A_83 = tpu.memref_slice %arg8[%add3A_53, %dma_start3A_82] : memref<8x128xi32, #tpu.memory_space<vmem>> -> memref<1x128xi32, #tpu.memory_space<vmem>>
          %dma_start3A_84 = tpu.memref_squeeze %dma_start3A_83 : memref<1x128xi32, #tpu.memory_space<vmem>> -> memref<128xi32, #tpu.memory_space<vmem>>
          %dma_start3A_85 = arith.constant 0 : i32
          %dma_start3A_86 = arith.constant 0 : i32
          %dma_start3A_87 = tpu.memref_slice %arg11[%dma_start3A_85, %dma_start3A_86] : memref<10240x128xf32, #tpu.memory_space<vmem_shared>> -> memref<10240x128xf32, #tpu.memory_space<vmem_shared>>
          tpu.enqueue_indirect_dma source(%arg9 : memref<128x128xf32, #tpu.memory_space<vmem>>) target(%dma_start3A_87 : memref<10240x128xf32, #tpu.memory_space<vmem_shared>>) offsets(%dma_start3A_84 : memref<128xi32, #tpu.memory_space<vmem>>) semaphore(%run_scoped3A : memref<!tpu.dma_semaphore, #tpu.memory_space<semaphore_mem>>) {add = true}
          %dma_wait3A_88 = arith.constant 0 : i32
          %dma_wait3A_89 = tpu.memref_slice %arg8[%add3A_53, %dma_wait3A_88] : memref<8x128xi32, #tpu.memory_space<vmem>> -> memref<1x128xi32, #tpu.memory_space<vmem>>
          %dma_wait3A_90 = tpu.memref_squeeze %dma_wait3A_89 : memref<1x128xi32, #tpu.memory_space<vmem>> -> memref<128xi32, #tpu.memory_space<vmem>>
          %dma_wait3A_91 = arith.constant 0 : i32
          %dma_wait3A_92 = arith.constant 0 : i32
          %dma_wait3A_93 = tpu.memref_slice %arg11[%dma_wait3A_91, %dma_wait3A_92] : memref<10240x128xf32, #tpu.memory_space<vmem_shared>> -> memref<10240x128xf32, #tpu.memory_space<vmem_shared>>
          tpu.wait_indirect_dma semaphore(%run_scoped3A : memref<!tpu.dma_semaphore, #tpu.memory_space<semaphore_mem>>) src(%arg9 : memref<128x128xf32, #tpu.memory_space<vmem>>) dst(%dma_wait3A_93 : memref<10240x128xf32, #tpu.memory_space<vmem_shared>>)
          tpu.yield
        }) : () -> ()
        %add3A_60 = arith.constant 2 : i32
        %add3A_61 = arith.addi %add3A_53, %add3A_60 : i32
        %lt3A = arith.constant 8 : i32
        %lt3A_62 = arith.cmpi slt, %add3A_61, %lt3A : i32
        %convert_element_type3A = arith.extui %lt3A_62 : i1 to i32
        %cond3A = arith.constant 0 : i32
        %cond3A_63 = arith.cmpi ne, %convert_element_type3A, %cond3A : i32
        scf.if %cond3A_63 {
          %add3A_82 = arith.constant 2 : i32
          %add3A_83 = arith.addi %add3A_53, %add3A_82 : i32
          %dma_start3A_84 = arith.constant 0 : i32
          %dma_start3A_85 = tpu.memref_slice %arg7[%add3A_83, %dma_start3A_84] : memref<8x128xi32, #tpu.memory_space<vmem>> -> memref<1x128xi32, #tpu.memory_space<vmem>>
          %dma_start3A_86 = tpu.memref_squeeze %dma_start3A_85 : memref<1x128xi32, #tpu.memory_space<vmem>> -> memref<128xi32, #tpu.memory_space<vmem>>
          %dma_start3A_87 = arith.constant 0 : i32
          %dma_start3A_88 = arith.constant 0 : i32
          %dma_start3A_89 = tpu.memref_slice %arg2[%dma_start3A_87, %dma_start3A_88] : memref<10000x128xf32, #tpu.memory_space<hbm>> -> memref<10000x128xf32, #tpu.memory_space<hbm>>
          tpu.enqueue_indirect_dma source(%dma_start3A_89 : memref<10000x128xf32, #tpu.memory_space<hbm>>) target(%arg9 : memref<128x128xf32, #tpu.memory_space<vmem>>) offsets(%dma_start3A_86 : memref<128xi32, #tpu.memory_space<vmem>>) semaphore(%arg12 : memref<!tpu.dma_semaphore, #tpu.memory_space<semaphore_mem>>)
        } else {
        }
        %mul3A_64 = arith.constant 2 : i32
        %mul3A_65 = arith.muli %scan3A_49, %mul3A_64 : i32
        %add3A_66 = arith.constant 1 : i32
        %add3A_67 = arith.addi %mul3A_65, %add3A_66 : i32
        %dma_wait3A_68 = arith.constant 0 : i32
        %dma_wait3A_69 = arith.constant 0 : i32
        %dma_wait3A_70 = tpu.memref_slice %arg7[%dma_wait3A_68, %dma_wait3A_69] : memref<8x128xi32, #tpu.memory_space<vmem>> -> memref<1x128xi32, #tpu.memory_space<vmem>>
        %dma_wait3A_71 = tpu.memref_squeeze %dma_wait3A_70 : memref<1x128xi32, #tpu.memory_space<vmem>> -> memref<128xi32, #tpu.memory_space<vmem>>
        %dma_wait3A_72 = arith.constant 0 : i32
        %dma_wait3A_73 = arith.constant 0 : i32
        %dma_wait3A_74 = tpu.memref_slice %arg2[%dma_wait3A_72, %dma_wait3A_73] : memref<10000x128xf32, #tpu.memory_space<hbm>> -> memref<10000x128xf32, #tpu.memory_space<hbm>>
        tpu.wait_indirect_dma semaphore(%arg13 : memref<!tpu.dma_semaphore, #tpu.memory_space<semaphore_mem>>) src(%dma_wait3A_74 : memref<10000x128xf32, #tpu.memory_space<hbm>>) dst(%arg10 : memref<128x128xf32, #tpu.memory_space<vmem>>)
        "tpu.region"() ({
          %run_scoped3A = tpu.sem_alloc : memref<!tpu.dma_semaphore, #tpu.memory_space<semaphore_mem>>
          %dma_start3A_82 = arith.constant 0 : i32
          %dma_start3A_83 = tpu.memref_slice %arg8[%add3A_67, %dma_start3A_82] : memref<8x128xi32, #tpu.memory_space<vmem>> -> memref<1x128xi32, #tpu.memory_space<vmem>>
          %dma_start3A_84 = tpu.memref_squeeze %dma_start3A_83 : memref<1x128xi32, #tpu.memory_space<vmem>> -> memref<128xi32, #tpu.memory_space<vmem>>
          %dma_start3A_85 = arith.constant 0 : i32
          %dma_start3A_86 = arith.constant 0 : i32
          %dma_start3A_87 = tpu.memref_slice %arg11[%dma_start3A_85, %dma_start3A_86] : memref<10240x128xf32, #tpu.memory_space<vmem_shared>> -> memref<10240x128xf32, #tpu.memory_space<vmem_shared>>
          tpu.enqueue_indirect_dma source(%arg10 : memref<128x128xf32, #tpu.memory_space<vmem>>) target(%dma_start3A_87 : memref<10240x128xf32, #tpu.memory_space<vmem_shared>>) offsets(%dma_start3A_84 : memref<128xi32, #tpu.memory_space<vmem>>) semaphore(%run_scoped3A : memref<!tpu.dma_semaphore, #tpu.memory_space<semaphore_mem>>) {add = true}
          %dma_wait3A_88 = arith.constant 0 : i32
          %dma_wait3A_89 = tpu.memref_slice %arg8[%add3A_67, %dma_wait3A_88] : memref<8x128xi32, #tpu.memory_space<vmem>> -> memref<1x128xi32, #tpu.memory_space<vmem>>
          %dma_wait3A_90 = tpu.memref_squeeze %dma_wait3A_89 : memref<1x128xi32, #tpu.memory_space<vmem>> -> memref<128xi32, #tpu.memory_space<vmem>>
          %dma_wait3A_91 = arith.constant 0 : i32
          %dma_wait3A_92 = arith.constant 0 : i32
          %dma_wait3A_93 = tpu.memref_slice %arg11[%dma_wait3A_91, %dma_wait3A_92] : memref<10240x128xf32, #tpu.memory_space<vmem_shared>> -> memref<10240x128xf32, #tpu.memory_space<vmem_shared>>
          tpu.wait_indirect_dma semaphore(%run_scoped3A : memref<!tpu.dma_semaphore, #tpu.memory_space<semaphore_mem>>) src(%arg10 : memref<128x128xf32, #tpu.memory_space<vmem>>) dst(%dma_wait3A_93 : memref<10240x128xf32, #tpu.memory_space<vmem_shared>>)
          tpu.yield
        }) : () -> ()
        %add3A_75 = arith.constant 2 : i32
        %add3A_76 = arith.addi %add3A_67, %add3A_75 : i32
        %lt3A_77 = arith.constant 8 : i32
        %lt3A_78 = arith.cmpi slt, %add3A_76, %lt3A_77 : i32
        %convert_element_type3A_79 = arith.extui %lt3A_78 : i1 to i32
        %cond3A_80 = arith.constant 0 : i32
        %cond3A_81 = arith.cmpi ne, %convert_element_type3A_79, %cond3A_80 : i32
        scf.if %cond3A_81 {
          %add3A_82 = arith.constant 2 : i32
          %add3A_83 = arith.addi %add3A_67, %add3A_82 : i32
          %dma_start3A_84 = arith.constant 0 : i32
          %dma_start3A_85 = tpu.memref_slice %arg7[%add3A_83, %dma_start3A_84] : memref<8x128xi32, #tpu.memory_space<vmem>> -> memref<1x128xi32, #tpu.memory_space<vmem>>
          %dma_start3A_86 = tpu.memref_squeeze %dma_start3A_85 : memref<1x128xi32, #tpu.memory_space<vmem>> -> memref<128xi32, #tpu.memory_space<vmem>>
          %dma_start3A_87 = arith.constant 0 : i32
          %dma_start3A_88 = arith.constant 0 : i32
          %dma_start3A_89 = tpu.memref_slice %arg2[%dma_start3A_87, %dma_start3A_88] : memref<10000x128xf32, #tpu.memory_space<hbm>> -> memref<10000x128xf32, #tpu.memory_space<hbm>>
          tpu.enqueue_indirect_dma source(%dma_start3A_89 : memref<10000x128xf32, #tpu.memory_space<hbm>>) target(%arg10 : memref<128x128xf32, #tpu.memory_space<vmem>>) offsets(%dma_start3A_86 : memref<128xi32, #tpu.memory_space<vmem>>) semaphore(%arg13 : memref<!tpu.dma_semaphore, #tpu.memory_space<semaphore_mem>>)
        } else {
        }
      }
      %scan3A_48 = arith.constant 4 : i32
    }
    %while3A_21 = arith.constant 1 : i32
    scf.for %while3A_27 = %while3A_19 to %while3A_15 step %while3A_21  : i32 {
      %mul3A_28 = arith.constant 8 : i32
      %mul3A_29 = arith.muli %while3A_27, %mul3A_28 : i32
      %add3A_30 = arith.addi %select_n3A, %mul3A_29 : i32
      "tpu.region"() ({
        %run_scoped3A = tpu.sem_alloc : memref<!tpu.dma_semaphore, #tpu.memory_space<semaphore_mem>>
        %dma_start3A_49 = arith.constant 0 : i32
        %dma_start3A_50 = tpu.memref_slice %arg3[%add3A_30, %dma_start3A_49] : memref<2560x128xi32, #tpu.memory_space<hbm>> -> memref<8x128xi32, #tpu.memory_space<hbm>>
        %dma_start3A_51 = arith.constant 0 : i32
        %dma_start3A_52 = tpu.memref_slice %arg3[%add3A_30, %dma_start3A_51] : memref<2560x128xi32, #tpu.memory_space<hbm>> -> memref<8x128xi32, #tpu.memory_space<hbm>>
        tpu.enqueue_dma source(%dma_start3A_52 : memref<8x128xi32, #tpu.memory_space<hbm>>) target(%arg7 : memref<8x128xi32, #tpu.memory_space<vmem>>) target_semaphore(%run_scoped3A : memref<!tpu.dma_semaphore, #tpu.memory_space<semaphore_mem>>)
        %dma_wait3A = arith.constant 0 : i32
        %dma_wait3A_53 = tpu.memref_slice %arg3[%add3A_30, %dma_wait3A] : memref<2560x128xi32, #tpu.memory_space<hbm>> -> memref<8x128xi32, #tpu.memory_space<hbm>>
        %dma_wait3A_54 = arith.constant 0 : i32
        %dma_wait3A_55 = tpu.memref_slice %arg3[%add3A_30, %dma_wait3A_54] : memref<2560x128xi32, #tpu.memory_space<hbm>> -> memref<8x128xi32, #tpu.memory_space<hbm>>
        tpu.wait_dma2 semaphore(%run_scoped3A : memref<!tpu.dma_semaphore, #tpu.memory_space<semaphore_mem>>) src(%dma_wait3A_55 : memref<8x128xi32, #tpu.memory_space<hbm>>) dst(%arg7 : memref<8x128xi32, #tpu.memory_space<vmem>>)
        tpu.yield
      }) : () -> ()
      "tpu.region"() ({
        %run_scoped3A = tpu.sem_alloc : memref<!tpu.dma_semaphore, #tpu.memory_space<semaphore_mem>>
        %dma_start3A_49 = arith.constant 0 : i32
        %dma_start3A_50 = tpu.memref_slice %arg4[%add3A_30, %dma_start3A_49] : memref<2560x128xi32, #tpu.memory_space<hbm>> -> memref<8x128xi32, #tpu.memory_space<hbm>>
        %dma_start3A_51 = arith.constant 0 : i32
        %dma_start3A_52 = tpu.memref_slice %arg4[%add3A_30, %dma_start3A_51] : memref<2560x128xi32, #tpu.memory_space<hbm>> -> memref<8x128xi32, #tpu.memory_space<hbm>>
        tpu.enqueue_dma source(%dma_start3A_52 : memref<8x128xi32, #tpu.memory_space<hbm>>) target(%arg8 : memref<8x128xi32, #tpu.memory_space<vmem>>) target_semaphore(%run_scoped3A : memref<!tpu.dma_semaphore, #tpu.memory_space<semaphore_mem>>)
        %dma_wait3A = arith.constant 0 : i32
        %dma_wait3A_53 = tpu.memref_slice %arg4[%add3A_30, %dma_wait3A] : memref<2560x128xi32, #tpu.memory_space<hbm>> -> memref<8x128xi32, #tpu.memory_space<hbm>>
        %dma_wait3A_54 = arith.constant 0 : i32
        %dma_wait3A_55 = tpu.memref_slice %arg4[%add3A_30, %dma_wait3A_54] : memref<2560x128xi32, #tpu.memory_space<hbm>> -> memref<8x128xi32, #tpu.memory_space<hbm>>
        tpu.wait_dma2 semaphore(%run_scoped3A : memref<!tpu.dma_semaphore, #tpu.memory_space<semaphore_mem>>) src(%dma_wait3A_55 : memref<8x128xi32, #tpu.memory_space<hbm>>) dst(%arg8 : memref<8x128xi32, #tpu.memory_space<vmem>>)
        tpu.yield
      }) : () -> ()
      %dma_start3A = arith.constant 0 : i32
      %dma_start3A_31 = arith.constant 0 : i32
      %dma_start3A_32 = tpu.memref_slice %arg7[%dma_start3A, %dma_start3A_31] : memref<8x128xi32, #tpu.memory_space<vmem>> -> memref<1x128xi32, #tpu.memory_space<vmem>>
      %dma_start3A_33 = tpu.memref_squeeze %dma_start3A_32 : memref<1x128xi32, #tpu.memory_space<vmem>> -> memref<128xi32, #tpu.memory_space<vmem>>
      %dma_start3A_34 = arith.constant 0 : i32
      %dma_start3A_35 = arith.constant 0 : i32
      %dma_start3A_36 = tpu.memref_slice %arg2[%dma_start3A_34, %dma_start3A_35] : memref<10000x128xf32, #tpu.memory_space<hbm>> -> memref<10000x128xf32, #tpu.memory_space<hbm>>
      tpu.enqueue_indirect_dma source(%dma_start3A_36 : memref<10000x128xf32, #tpu.memory_space<hbm>>) target(%arg9 : memref<128x128xf32, #tpu.memory_space<vmem>>) offsets(%dma_start3A_33 : memref<128xi32, #tpu.memory_space<vmem>>) semaphore(%arg12 : memref<!tpu.dma_semaphore, #tpu.memory_space<semaphore_mem>>)
      %dma_start3A_37 = arith.constant 1 : i32
      %dma_start3A_38 = arith.constant 0 : i32
      %dma_start3A_39 = tpu.memref_slice %arg7[%dma_start3A_37, %dma_start3A_38] : memref<8x128xi32, #tpu.memory_space<vmem>> -> memref<1x128xi32, #tpu.memory_space<vmem>>
      %dma_start3A_40 = tpu.memref_squeeze %dma_start3A_39 : memref<1x128xi32, #tpu.memory_space<vmem>> -> memref<128xi32, #tpu.memory_space<vmem>>
      %dma_start3A_41 = arith.constant 0 : i32
      %dma_start3A_42 = arith.constant 0 : i32
      %dma_start3A_43 = tpu.memref_slice %arg2[%dma_start3A_41, %dma_start3A_42] : memref<10000x128xf32, #tpu.memory_space<hbm>> -> memref<10000x128xf32, #tpu.memory_space<hbm>>
      tpu.enqueue_indirect_dma source(%dma_start3A_43 : memref<10000x128xf32, #tpu.memory_space<hbm>>) target(%arg10 : memref<128x128xf32, #tpu.memory_space<vmem>>) offsets(%dma_start3A_40 : memref<128xi32, #tpu.memory_space<vmem>>) semaphore(%arg13 : memref<!tpu.dma_semaphore, #tpu.memory_space<semaphore_mem>>)
      %scan3A = arith.constant 0 : i32
      %scan3A_44 = arith.constant 0 : i32
      %scan3A_45 = arith.constant 4 : i32
      %scan3A_46 = arith.addi %scan3A_44, %scan3A_45 : i32
      %scan3A_47 = arith.constant 1 : i32
      scf.for %scan3A_49 = %scan3A_44 to %scan3A_46 step %scan3A_47  : i32 {
        %mul3A_50 = arith.constant 2 : i32
        %mul3A_51 = arith.muli %scan3A_49, %mul3A_50 : i32
        %add3A_52 = arith.constant 0 : i32
        %add3A_53 = arith.addi %mul3A_51, %add3A_52 : i32
        %dma_wait3A = arith.constant 0 : i32
        %dma_wait3A_54 = arith.constant 0 : i32
        %dma_wait3A_55 = tpu.memref_slice %arg7[%dma_wait3A, %dma_wait3A_54] : memref<8x128xi32, #tpu.memory_space<vmem>> -> memref<1x128xi32, #tpu.memory_space<vmem>>
        %dma_wait3A_56 = tpu.memref_squeeze %dma_wait3A_55 : memref<1x128xi32, #tpu.memory_space<vmem>> -> memref<128xi32, #tpu.memory_space<vmem>>
        %dma_wait3A_57 = arith.constant 0 : i32
        %dma_wait3A_58 = arith.constant 0 : i32
        %dma_wait3A_59 = tpu.memref_slice %arg2[%dma_wait3A_57, %dma_wait3A_58] : memref<10000x128xf32, #tpu.memory_space<hbm>> -> memref<10000x128xf32, #tpu.memory_space<hbm>>
        tpu.wait_indirect_dma semaphore(%arg12 : memref<!tpu.dma_semaphore, #tpu.memory_space<semaphore_mem>>) src(%dma_wait3A_59 : memref<10000x128xf32, #tpu.memory_space<hbm>>) dst(%arg9 : memref<128x128xf32, #tpu.memory_space<vmem>>)
        "tpu.region"() ({
          %run_scoped3A = tpu.sem_alloc : memref<!tpu.dma_semaphore, #tpu.memory_space<semaphore_mem>>
          %dma_start3A_82 = arith.constant 0 : i32
          %dma_start3A_83 = tpu.memref_slice %arg8[%add3A_53, %dma_start3A_82] : memref<8x128xi32, #tpu.memory_space<vmem>> -> memref<1x128xi32, #tpu.memory_space<vmem>>
          %dma_start3A_84 = tpu.memref_squeeze %dma_start3A_83 : memref<1x128xi32, #tpu.memory_space<vmem>> -> memref<128xi32, #tpu.memory_space<vmem>>
          %dma_start3A_85 = arith.constant 0 : i32
          %dma_start3A_86 = arith.constant 0 : i32
          %dma_start3A_87 = tpu.memref_slice %arg11[%dma_start3A_85, %dma_start3A_86] : memref<10240x128xf32, #tpu.memory_space<vmem_shared>> -> memref<10240x128xf32, #tpu.memory_space<vmem_shared>>
          tpu.enqueue_indirect_dma source(%arg9 : memref<128x128xf32, #tpu.memory_space<vmem>>) target(%dma_start3A_87 : memref<10240x128xf32, #tpu.memory_space<vmem_shared>>) offsets(%dma_start3A_84 : memref<128xi32, #tpu.memory_space<vmem>>) semaphore(%run_scoped3A : memref<!tpu.dma_semaphore, #tpu.memory_space<semaphore_mem>>) {add = true}
          %dma_wait3A_88 = arith.constant 0 : i32
          %dma_wait3A_89 = tpu.memref_slice %arg8[%add3A_53, %dma_wait3A_88] : memref<8x128xi32, #tpu.memory_space<vmem>> -> memref<1x128xi32, #tpu.memory_space<vmem>>
          %dma_wait3A_90 = tpu.memref_squeeze %dma_wait3A_89 : memref<1x128xi32, #tpu.memory_space<vmem>> -> memref<128xi32, #tpu.memory_space<vmem>>
          %dma_wait3A_91 = arith.constant 0 : i32
          %dma_wait3A_92 = arith.constant 0 : i32
          %dma_wait3A_93 = tpu.memref_slice %arg11[%dma_wait3A_91, %dma_wait3A_92] : memref<10240x128xf32, #tpu.memory_space<vmem_shared>> -> memref<10240x128xf32, #tpu.memory_space<vmem_shared>>
          tpu.wait_indirect_dma semaphore(%run_scoped3A : memref<!tpu.dma_semaphore, #tpu.memory_space<semaphore_mem>>) src(%arg9 : memref<128x128xf32, #tpu.memory_space<vmem>>) dst(%dma_wait3A_93 : memref<10240x128xf32, #tpu.memory_space<vmem_shared>>)
          tpu.yield
        }) : () -> ()
        %add3A_60 = arith.constant 2 : i32
        %add3A_61 = arith.addi %add3A_53, %add3A_60 : i32
        %lt3A = arith.constant 8 : i32
        %lt3A_62 = arith.cmpi slt, %add3A_61, %lt3A : i32
        %convert_element_type3A = arith.extui %lt3A_62 : i1 to i32
        %cond3A = arith.constant 0 : i32
        %cond3A_63 = arith.cmpi ne, %convert_element_type3A, %cond3A : i32
        scf.if %cond3A_63 {
          %add3A_82 = arith.constant 2 : i32
          %add3A_83 = arith.addi %add3A_53, %add3A_82 : i32
          %dma_start3A_84 = arith.constant 0 : i32
          %dma_start3A_85 = tpu.memref_slice %arg7[%add3A_83, %dma_start3A_84] : memref<8x128xi32, #tpu.memory_space<vmem>> -> memref<1x128xi32, #tpu.memory_space<vmem>>
          %dma_start3A_86 = tpu.memref_squeeze %dma_start3A_85 : memref<1x128xi32, #tpu.memory_space<vmem>> -> memref<128xi32, #tpu.memory_space<vmem>>
          %dma_start3A_87 = arith.constant 0 : i32
          %dma_start3A_88 = arith.constant 0 : i32
          %dma_start3A_89 = tpu.memref_slice %arg2[%dma_start3A_87, %dma_start3A_88] : memref<10000x128xf32, #tpu.memory_space<hbm>> -> memref<10000x128xf32, #tpu.memory_space<hbm>>
          tpu.enqueue_indirect_dma source(%dma_start3A_89 : memref<10000x128xf32, #tpu.memory_space<hbm>>) target(%arg9 : memref<128x128xf32, #tpu.memory_space<vmem>>) offsets(%dma_start3A_86 : memref<128xi32, #tpu.memory_space<vmem>>) semaphore(%arg12 : memref<!tpu.dma_semaphore, #tpu.memory_space<semaphore_mem>>)
        } else {
        }
        %mul3A_64 = arith.constant 2 : i32
        %mul3A_65 = arith.muli %scan3A_49, %mul3A_64 : i32
        %add3A_66 = arith.constant 1 : i32
        %add3A_67 = arith.addi %mul3A_65, %add3A_66 : i32
        %dma_wait3A_68 = arith.constant 0 : i32
        %dma_wait3A_69 = arith.constant 0 : i32
        %dma_wait3A_70 = tpu.memref_slice %arg7[%dma_wait3A_68, %dma_wait3A_69] : memref<8x128xi32, #tpu.memory_space<vmem>> -> memref<1x128xi32, #tpu.memory_space<vmem>>
        %dma_wait3A_71 = tpu.memref_squeeze %dma_wait3A_70 : memref<1x128xi32, #tpu.memory_space<vmem>> -> memref<128xi32, #tpu.memory_space<vmem>>
        %dma_wait3A_72 = arith.constant 0 : i32
        %dma_wait3A_73 = arith.constant 0 : i32
        %dma_wait3A_74 = tpu.memref_slice %arg2[%dma_wait3A_72, %dma_wait3A_73] : memref<10000x128xf32, #tpu.memory_space<hbm>> -> memref<10000x128xf32, #tpu.memory_space<hbm>>
        tpu.wait_indirect_dma semaphore(%arg13 : memref<!tpu.dma_semaphore, #tpu.memory_space<semaphore_mem>>) src(%dma_wait3A_74 : memref<10000x128xf32, #tpu.memory_space<hbm>>) dst(%arg10 : memref<128x128xf32, #tpu.memory_space<vmem>>)
        "tpu.region"() ({
          %run_scoped3A = tpu.sem_alloc : memref<!tpu.dma_semaphore, #tpu.memory_space<semaphore_mem>>
          %dma_start3A_82 = arith.constant 0 : i32
          %dma_start3A_83 = tpu.memref_slice %arg8[%add3A_67, %dma_start3A_82] : memref<8x128xi32, #tpu.memory_space<vmem>> -> memref<1x128xi32, #tpu.memory_space<vmem>>
          %dma_start3A_84 = tpu.memref_squeeze %dma_start3A_83 : memref<1x128xi32, #tpu.memory_space<vmem>> -> memref<128xi32, #tpu.memory_space<vmem>>
          %dma_start3A_85 = arith.constant 0 : i32
          %dma_start3A_86 = arith.constant 0 : i32
          %dma_start3A_87 = tpu.memref_slice %arg11[%dma_start3A_85, %dma_start3A_86] : memref<10240x128xf32, #tpu.memory_space<vmem_shared>> -> memref<10240x128xf32, #tpu.memory_space<vmem_shared>>
          tpu.enqueue_indirect_dma source(%arg10 : memref<128x128xf32, #tpu.memory_space<vmem>>) target(%dma_start3A_87 : memref<10240x128xf32, #tpu.memory_space<vmem_shared>>) offsets(%dma_start3A_84 : memref<128xi32, #tpu.memory_space<vmem>>) semaphore(%run_scoped3A : memref<!tpu.dma_semaphore, #tpu.memory_space<semaphore_mem>>) {add = true}
          %dma_wait3A_88 = arith.constant 0 : i32
          %dma_wait3A_89 = tpu.memref_slice %arg8[%add3A_67, %dma_wait3A_88] : memref<8x128xi32, #tpu.memory_space<vmem>> -> memref<1x128xi32, #tpu.memory_space<vmem>>
          %dma_wait3A_90 = tpu.memref_squeeze %dma_wait3A_89 : memref<1x128xi32, #tpu.memory_space<vmem>> -> memref<128xi32, #tpu.memory_space<vmem>>
          %dma_wait3A_91 = arith.constant 0 : i32
          %dma_wait3A_92 = arith.constant 0 : i32
          %dma_wait3A_93 = tpu.memref_slice %arg11[%dma_wait3A_91, %dma_wait3A_92] : memref<10240x128xf32, #tpu.memory_space<vmem_shared>> -> memref<10240x128xf32, #tpu.memory_space<vmem_shared>>
          tpu.wait_indirect_dma semaphore(%run_scoped3A : memref<!tpu.dma_semaphore, #tpu.memory_space<semaphore_mem>>) src(%arg10 : memref<128x128xf32, #tpu.memory_space<vmem>>) dst(%dma_wait3A_93 : memref<10240x128xf32, #tpu.memory_space<vmem_shared>>)
          tpu.yield
        }) : () -> ()
        %add3A_75 = arith.constant 2 : i32
        %add3A_76 = arith.addi %add3A_67, %add3A_75 : i32
        %lt3A_77 = arith.constant 8 : i32
        %lt3A_78 = arith.cmpi slt, %add3A_76, %lt3A_77 : i32
        %convert_element_type3A_79 = arith.extui %lt3A_78 : i1 to i32
        %cond3A_80 = arith.constant 0 : i32
        %cond3A_81 = arith.cmpi ne, %convert_element_type3A_79, %cond3A_80 : i32
        scf.if %cond3A_81 {
          %add3A_82 = arith.constant 2 : i32
          %add3A_83 = arith.addi %add3A_67, %add3A_82 : i32
          %dma_start3A_84 = arith.constant 0 : i32
          %dma_start3A_85 = tpu.memref_slice %arg7[%add3A_83, %dma_start3A_84] : memref<8x128xi32, #tpu.memory_space<vmem>> -> memref<1x128xi32, #tpu.memory_space<vmem>>
          %dma_start3A_86 = tpu.memref_squeeze %dma_start3A_85 : memref<1x128xi32, #tpu.memory_space<vmem>> -> memref<128xi32, #tpu.memory_space<vmem>>
          %dma_start3A_87 = arith.constant 0 : i32
          %dma_start3A_88 = arith.constant 0 : i32
          %dma_start3A_89 = tpu.memref_slice %arg2[%dma_start3A_87, %dma_start3A_88] : memref<10000x128xf32, #tpu.memory_space<hbm>> -> memref<10000x128xf32, #tpu.memory_space<hbm>>
          tpu.enqueue_indirect_dma source(%dma_start3A_89 : memref<10000x128xf32, #tpu.memory_space<hbm>>) target(%arg10 : memref<128x128xf32, #tpu.memory_space<vmem>>) offsets(%dma_start3A_86 : memref<128xi32, #tpu.memory_space<vmem>>) semaphore(%arg13 : memref<!tpu.dma_semaphore, #tpu.memory_space<semaphore_mem>>)
        } else {
        }
      }
      %scan3A_48 = arith.constant 4 : i32
    }
    %barrier3A_22 = arith.constant 0 : index
    tpu.barrier barrier_id(%barrier3A_22)
    %mul3A_23 = arith.constant 640 : i32
    %mul3A_24 = arith.muli %arg1, %mul3A_23 : i32
    %mul3A_25 = arith.constant 640 : i32
    %mul3A_26 = arith.muli %arg1, %mul3A_25 : i32
    "tpu.region"() ({
      %run_scoped3A = tpu.sem_alloc : memref<!tpu.dma_semaphore, #tpu.memory_space<semaphore_mem>>
      %dma_start3A = arith.constant 0 : i32
      %dma_start3A_27 = tpu.memref_slice %arg6[%arg0, %mul3A_26, %dma_start3A] : memref<2x10240x128xf32, #tpu.memory_space<hbm>> -> memref<1x640x128xf32, #tpu.memory_space<hbm>>
      %dma_start3A_28 = tpu.memref_squeeze %dma_start3A_27 : memref<1x640x128xf32, #tpu.memory_space<hbm>> -> memref<640x128xf32, #tpu.memory_space<hbm>>
      %dma_start3A_29 = arith.constant 0 : i32
      %dma_start3A_30 = tpu.memref_slice %arg11[%mul3A_24, %dma_start3A_29] : memref<10240x128xf32, #tpu.memory_space<vmem_shared>> -> memref<640x128xf32, #tpu.memory_space<vmem_shared>>
      tpu.enqueue_dma source(%dma_start3A_30 : memref<640x128xf32, #tpu.memory_space<vmem_shared>>) target(%dma_start3A_28 : memref<640x128xf32, #tpu.memory_space<hbm>>) target_semaphore(%run_scoped3A : memref<!tpu.dma_semaphore, #tpu.memory_space<semaphore_mem>>)
      %dma_wait3A = arith.constant 0 : i32
      %dma_wait3A_31 = tpu.memref_slice %arg6[%arg0, %mul3A_26, %dma_wait3A] : memref<2x10240x128xf32, #tpu.memory_space<hbm>> -> memref<1x640x128xf32, #tpu.memory_space<hbm>>
      %dma_wait3A_32 = tpu.memref_squeeze %dma_wait3A_31 : memref<1x640x128xf32, #tpu.memory_space<hbm>> -> memref<640x128xf32, #tpu.memory_space<hbm>>
      %dma_wait3A_33 = arith.constant 0 : i32
      %dma_wait3A_34 = tpu.memref_slice %arg11[%mul3A_24, %dma_wait3A_33] : memref<10240x128xf32, #tpu.memory_space<vmem_shared>> -> memref<640x128xf32, #tpu.memory_space<vmem_shared>>
      tpu.wait_dma2 semaphore(%run_scoped3A : memref<!tpu.dma_semaphore, #tpu.memory_space<semaphore_mem>>) src(%dma_wait3A_34 : memref<640x128xf32, #tpu.memory_space<vmem_shared>>) dst(%dma_wait3A_32 : memref<640x128xf32, #tpu.memory_space<hbm>>)
      tpu.yield
    }) : () -> ()
    return
  }
}

#map = affine_map<(d0, d1) -> (0, 0)>
#map1 = affine_map<(d0, d1) -> (0)>
module attributes {stable_mosaic.version = 14 : i64} {
  func.func @_bgather_body(%arg0: i32, %arg1: i32, %arg2: memref<10000x128xf32, #tpu.memory_space<hbm>>, %arg3: memref<1024xi32, #tpu.memory_space<hbm>>, %arg4: memref<1024x128xf32, #tpu.memory_space<hbm>>, %arg5: memref<32xi32, #tpu.memory_space<vmem>>, %arg6: memref<32x128xf32, #tpu.memory_space<vmem>>, %arg7: memref<!tpu.dma_semaphore, #tpu.memory_space<semaphore_mem>>) attributes {dimension_semantics = [#tpu.dimension_semantics<core_parallel>, #tpu.dimension_semantics<subcore_parallel>], iteration_bounds = array<i64: 2, 16>, scalar_prefetch = 0 : i64, scratch_operands = 3 : i64, tpu.core_type = #tpu.core_type<sc_vector_subcore>, window_params = [{transform_indices = #map}, {transform_indices = #map1}, {transform_indices = #map}]} {
    %mul3A = arith.constant 2 : i32
    %mul3A_0 = arith.muli %arg1, %mul3A : i32
    %add3A = arith.addi %mul3A_0, %arg0 : i32
    %mul3A_1 = arith.constant 32 : i32
    %mul3A_2 = arith.muli %add3A, %mul3A_1 : i32
    "tpu.region"() ({
      %run_scoped3A = tpu.sem_alloc : memref<!tpu.dma_semaphore, #tpu.memory_space<semaphore_mem>>
      %dma_start3A_7 = tpu.memref_slice %arg3[%mul3A_2] : memref<1024xi32, #tpu.memory_space<hbm>> -> memref<32xi32, #tpu.memory_space<hbm>>
      %dma_start3A_8 = tpu.memref_slice %arg3[%mul3A_2] : memref<1024xi32, #tpu.memory_space<hbm>> -> memref<32xi32, #tpu.memory_space<hbm>>
      tpu.enqueue_dma source(%dma_start3A_8 : memref<32xi32, #tpu.memory_space<hbm>>) target(%arg5 : memref<32xi32, #tpu.memory_space<vmem>>) target_semaphore(%run_scoped3A : memref<!tpu.dma_semaphore, #tpu.memory_space<semaphore_mem>>)
      %dma_wait3A_9 = tpu.memref_slice %arg3[%mul3A_2] : memref<1024xi32, #tpu.memory_space<hbm>> -> memref<32xi32, #tpu.memory_space<hbm>>
      %dma_wait3A_10 = tpu.memref_slice %arg3[%mul3A_2] : memref<1024xi32, #tpu.memory_space<hbm>> -> memref<32xi32, #tpu.memory_space<hbm>>
      tpu.wait_dma2 semaphore(%run_scoped3A : memref<!tpu.dma_semaphore, #tpu.memory_space<semaphore_mem>>) src(%dma_wait3A_10 : memref<32xi32, #tpu.memory_space<hbm>>) dst(%arg5 : memref<32xi32, #tpu.memory_space<vmem>>)
      tpu.yield
    }) : () -> ()
    %dma_start3A = arith.constant 0 : i32
    %dma_start3A_3 = arith.constant 0 : i32
    %dma_start3A_4 = tpu.memref_slice %arg2[%dma_start3A, %dma_start3A_3] : memref<10000x128xf32, #tpu.memory_space<hbm>> -> memref<10000x128xf32, #tpu.memory_space<hbm>>
    tpu.enqueue_indirect_dma source(%dma_start3A_4 : memref<10000x128xf32, #tpu.memory_space<hbm>>) target(%arg6 : memref<32x128xf32, #tpu.memory_space<vmem>>) offsets(%arg5 : memref<32xi32, #tpu.memory_space<vmem>>) semaphore(%arg7 : memref<!tpu.dma_semaphore, #tpu.memory_space<semaphore_mem>>)
    %dma_wait3A = arith.constant 0 : i32
    %dma_wait3A_5 = arith.constant 0 : i32
    %dma_wait3A_6 = tpu.memref_slice %arg2[%dma_wait3A, %dma_wait3A_5] : memref<10000x128xf32, #tpu.memory_space<hbm>> -> memref<10000x128xf32, #tpu.memory_space<hbm>>
    tpu.wait_indirect_dma semaphore(%arg7 : memref<!tpu.dma_semaphore, #tpu.memory_space<semaphore_mem>>) src(%dma_wait3A_6 : memref<10000x128xf32, #tpu.memory_space<hbm>>) dst(%arg6 : memref<32x128xf32, #tpu.memory_space<vmem>>)
    "tpu.region"() ({
      %run_scoped3A = tpu.sem_alloc : memref<!tpu.dma_semaphore, #tpu.memory_space<semaphore_mem>>
      %dma_start3A_7 = arith.constant 0 : i32
      %dma_start3A_8 = tpu.memref_slice %arg4[%mul3A_2, %dma_start3A_7] : memref<1024x128xf32, #tpu.memory_space<hbm>> -> memref<32x128xf32, #tpu.memory_space<hbm>>
      %dma_start3A_9 = arith.constant 0 : i32
      %dma_start3A_10 = tpu.memref_slice %arg4[%mul3A_2, %dma_start3A_9] : memref<1024x128xf32, #tpu.memory_space<hbm>> -> memref<32x128xf32, #tpu.memory_space<hbm>>
      tpu.enqueue_dma source(%arg6 : memref<32x128xf32, #tpu.memory_space<vmem>>) target(%dma_start3A_10 : memref<32x128xf32, #tpu.memory_space<hbm>>) target_semaphore(%run_scoped3A : memref<!tpu.dma_semaphore, #tpu.memory_space<semaphore_mem>>)
      %dma_wait3A_11 = arith.constant 0 : i32
      %dma_wait3A_12 = tpu.memref_slice %arg4[%mul3A_2, %dma_wait3A_11] : memref<1024x128xf32, #tpu.memory_space<hbm>> -> memref<32x128xf32, #tpu.memory_space<hbm>>
      %dma_wait3A_13 = arith.constant 0 : i32
      %dma_wait3A_14 = tpu.memref_slice %arg4[%mul3A_2, %dma_wait3A_13] : memref<1024x128xf32, #tpu.memory_space<hbm>> -> memref<32x128xf32, #tpu.memory_space<hbm>>
      tpu.wait_dma2 semaphore(%run_scoped3A : memref<!tpu.dma_semaphore, #tpu.memory_space<semaphore_mem>>) src(%arg6 : memref<32x128xf32, #tpu.memory_space<vmem>>) dst(%dma_wait3A_14 : memref<32x128xf32, #tpu.memory_space<hbm>>)
      tpu.yield
    }) : () -> ()
    return
  }
}

module attributes {stable_mosaic.version = 14 : i64} {
  func.func @_mlp_body(%arg0: i32, %arg1: memref<400x128xf32, #tpu.memory_space<vmem>>, %arg2: memref<128x128xf32, #tpu.memory_space<vmem>>, %arg3: memref<1x128xf32, #tpu.memory_space<vmem>>, %arg4: memref<128x128xf32, #tpu.memory_space<vmem>>, %arg5: memref<1x128xf32, #tpu.memory_space<vmem>>, %arg6: memref<1x128xf32, #tpu.memory_space<vmem>>, %arg7: memref<1x128xf32, #tpu.memory_space<vmem>>, %arg8: memref<2x400x128xf32, #tpu.memory_space<vmem>>, %arg9: memref<400x128xf32, #tpu.memory_space<vmem>>, %arg10: memref<400x128xf32, #tpu.memory_space<vmem>>, %arg11: memref<400x128xf32, #tpu.memory_space<vmem>>) attributes {dimension_semantics = [#tpu.dimension_semantics<arbitrary>], iteration_bounds = array<i64: 25>, scalar_prefetch = 0 : i64, scratch_operands = 0 : i64, tpu.core_type = #tpu.core_type<tc>, window_params = [{transform_indices = @transform_0, window_bounds = array<i64: 400, 128>}, {pipeline_mode = #tpu.pipeline_mode<synchronous>, transform_indices = @transform_1, window_bounds = array<i64: 128, 128>}, {pipeline_mode = #tpu.pipeline_mode<synchronous>, transform_indices = @transform_2, window_bounds = array<i64: 1, 128>}, {pipeline_mode = #tpu.pipeline_mode<synchronous>, transform_indices = @transform_3, window_bounds = array<i64: 128, 128>}, {pipeline_mode = #tpu.pipeline_mode<synchronous>, transform_indices = @transform_4, window_bounds = array<i64: 1, 128>}, {pipeline_mode = #tpu.pipeline_mode<synchronous>, transform_indices = @transform_5, window_bounds = array<i64: 1, 128>}, {pipeline_mode = #tpu.pipeline_mode<synchronous>, transform_indices = @transform_6, window_bounds = array<i64: 1, 128>}, {transform_indices = @transform_7, window_bounds = array<i64: 2, 400, 128>}, {transform_indices = @transform_8, window_bounds = array<i64: 400, 128>}, {transform_indices = @transform_9, window_bounds = array<i64: 400, 128>}, {transform_indices = @transform_10, window_bounds = array<i64: 400, 128>}]} {
    %get3A = arith.constant 0 : index
    %get3A_0 = arith.constant 0 : index
    %get3A_1 = vector.load %arg1[%get3A, %get3A_0] : memref<400x128xf32, #tpu.memory_space<vmem>>, vector<400x128xf32>
    %get3A_2 = arith.constant 0 : index
    %get3A_3 = arith.constant 0 : index
    %get3A_4 = vector.load %arg2[%get3A_2, %get3A_3] : memref<128x128xf32, #tpu.memory_space<vmem>>, vector<128x128xf32>
    %dot_general3A = arith.constant dense<0.000000e+00> : vector<400x128xf32>
    %dot_general3A_5 = tpu.matmul %get3A_1, %get3A_4, %dot_general3A {dimension_numbers = #tpu.dot_dimension_numbers<[1], [0], [0], [1], [0, 0, 1, 1], [], []>, transpose_lhs_hint = false} : vector<400x128xf32>, vector<128x128xf32>, vector<400x128xf32> -> vector<400x128xf32>
    %get3A_6 = arith.constant 0 : index
    %get3A_7 = arith.constant 0 : index
    %get3A_8 = vector.load %arg3[%get3A_6, %get3A_7] : memref<1x128xf32, #tpu.memory_space<vmem>>, vector<1x128xf32>
    %add3A = vector.broadcast %get3A_8 : vector<1x128xf32> to vector<400x128xf32>
    %add3A_9 = arith.addf %dot_general3A_5, %add3A : vector<400x128xf32>
    %max3A = arith.constant 0.000000e+00 : f32
    %max3A_10 = vector.broadcast %max3A : f32 to vector<400x128xf32>
    %max3A_11 = arith.maximumf %add3A_9, %max3A_10 : vector<400x128xf32>
    %get3A_12 = arith.constant 0 : index
    %get3A_13 = arith.constant 0 : index
    %get3A_14 = vector.load %arg4[%get3A_12, %get3A_13] : memref<128x128xf32, #tpu.memory_space<vmem>>, vector<128x128xf32>
    %dot_general3A_15 = arith.constant dense<0.000000e+00> : vector<400x128xf32>
    %dot_general3A_16 = tpu.matmul %max3A_11, %get3A_14, %dot_general3A_15 {dimension_numbers = #tpu.dot_dimension_numbers<[1], [0], [0], [1], [0, 0, 1, 1], [], []>, transpose_lhs_hint = false} : vector<400x128xf32>, vector<128x128xf32>, vector<400x128xf32> -> vector<400x128xf32>
    %get3A_17 = arith.constant 0 : index
    %get3A_18 = arith.constant 0 : index
    %get3A_19 = vector.load %arg5[%get3A_17, %get3A_18] : memref<1x128xf32, #tpu.memory_space<vmem>>, vector<1x128xf32>
    %add3A_20 = vector.broadcast %get3A_19 : vector<1x128xf32> to vector<400x128xf32>
    %add3A_21 = arith.addf %dot_general3A_16, %add3A_20 : vector<400x128xf32>
    %get3A_22 = arith.constant 0 : index
    %get3A_23 = arith.constant 0 : index
    %get3A_24 = vector.load %arg6[%get3A_22, %get3A_23] : memref<1x128xf32, #tpu.memory_space<vmem>>, vector<1x128xf32>
    %get3A_25 = arith.constant 0 : index
    %get3A_26 = arith.constant 0 : index
    %get3A_27 = vector.load %arg7[%get3A_25, %get3A_26] : memref<1x128xf32, #tpu.memory_space<vmem>>, vector<1x128xf32>
    %reduce_sum3A = arith.constant dense<0.000000e+00> : vector<400xf32>
    %reduce_sum3A_28 = vector.multi_reduction <add>, %add3A_21, %reduce_sum3A [1] : vector<400x128xf32> to vector<400xf32>
    %broadcast_in_dim3A = vector.shape_cast %reduce_sum3A_28 : vector<400xf32> to vector<400x1xf32>
    %div3A = arith.constant 1.280000e+02 : f32
    %div3A_29 = vector.broadcast %div3A : f32 to vector<400x1xf32>
    %div3A_30 = arith.divf %broadcast_in_dim3A, %div3A_29 : vector<400x1xf32>
    %sub3A = vector.broadcast %div3A_30 : vector<400x1xf32> to vector<400x128xf32>
    %sub3A_31 = arith.subf %add3A_21, %sub3A : vector<400x128xf32>
    %sub3A_32 = vector.broadcast %div3A_30 : vector<400x1xf32> to vector<400x128xf32>
    %sub3A_33 = arith.subf %add3A_21, %sub3A_32 : vector<400x128xf32>
    %mul3A = arith.mulf %sub3A_31, %sub3A_33 : vector<400x128xf32>
    %reduce_sum3A_34 = arith.constant dense<0.000000e+00> : vector<400xf32>
    %reduce_sum3A_35 = vector.multi_reduction <add>, %mul3A, %reduce_sum3A_34 [1] : vector<400x128xf32> to vector<400xf32>
    %broadcast_in_dim3A_36 = vector.shape_cast %reduce_sum3A_35 : vector<400xf32> to vector<400x1xf32>
    %div3A_37 = arith.constant 1.280000e+02 : f32
    %div3A_38 = vector.broadcast %div3A_37 : f32 to vector<400x1xf32>
    %div3A_39 = arith.divf %broadcast_in_dim3A_36, %div3A_38 : vector<400x1xf32>
    %sub3A_40 = vector.broadcast %div3A_30 : vector<400x1xf32> to vector<400x128xf32>
    %sub3A_41 = arith.subf %add3A_21, %sub3A_40 : vector<400x128xf32>
    %add3A_42 = arith.constant 9.99999974E-6 : f32
    %add3A_43 = vector.broadcast %add3A_42 : f32 to vector<400x1xf32>
    %add3A_44 = arith.addf %div3A_39, %add3A_43 : vector<400x1xf32>
    %rsqrt3A = math.rsqrt %add3A_44 : vector<400x1xf32>
    %mul3A_45 = vector.broadcast %rsqrt3A : vector<400x1xf32> to vector<400x128xf32>
    %mul3A_46 = arith.mulf %sub3A_41, %mul3A_45 : vector<400x128xf32>
    %mul3A_47 = vector.broadcast %get3A_24 : vector<1x128xf32> to vector<400x128xf32>
    %mul3A_48 = arith.mulf %mul3A_46, %mul3A_47 : vector<400x128xf32>
    %add3A_49 = vector.broadcast %get3A_27 : vector<1x128xf32> to vector<400x128xf32>
    %add3A_50 = arith.addf %mul3A_48, %add3A_49 : vector<400x128xf32>
    %get3A_51 = arith.constant 0 : index
    %get3A_52 = arith.constant 0 : index
    %get3A_53 = arith.constant 0 : index
    %get3A_54 = vector.load %arg8[%get3A_51, %get3A_52, %get3A_53] : memref<2x400x128xf32, #tpu.memory_space<vmem>>, vector<1x400x128xf32>
    %get3A_55 = vector.shape_cast %get3A_54 : vector<1x400x128xf32> to vector<400x128xf32>
    %get3A_56 = arith.constant 1 : index
    %get3A_57 = arith.constant 0 : index
    %get3A_58 = arith.constant 0 : index
    %get3A_59 = vector.load %arg8[%get3A_56, %get3A_57, %get3A_58] : memref<2x400x128xf32, #tpu.memory_space<vmem>>, vector<1x400x128xf32>
    %get3A_60 = vector.shape_cast %get3A_59 : vector<1x400x128xf32> to vector<400x128xf32>
    %add3A_61 = arith.addf %get3A_55, %get3A_60 : vector<400x128xf32>
    %max3A_62 = arith.constant 1.000000e+00 : f32
    %max3A_63 = vector.broadcast %max3A_62 : f32 to vector<400x128xf32>
    %max3A_64 = arith.maximumf %add3A_61, %max3A_63 : vector<400x128xf32>
    %rsqrt3A_65 = math.rsqrt %max3A_64 : vector<400x128xf32>
    %swap3A = arith.constant 0 : index
    %swap3A_66 = arith.constant 0 : index
    %swap3A_67 = vector.load %arg9[%swap3A, %swap3A_66] : memref<400x128xf32, #tpu.memory_space<vmem>>, vector<400x128xf32>
    tpu.vector_store %arg9[%swap3A, %swap3A_66], %add3A_50 {strides = array<i32>} : memref<400x128xf32, #tpu.memory_space<vmem>>, vector<400x128xf32>,
    %mul3A_68 = arith.mulf %add3A_50, %rsqrt3A_65 : vector<400x128xf32>
    %swap3A_69 = arith.constant 0 : index
    %swap3A_70 = arith.constant 0 : index
    %swap3A_71 = vector.load %arg10[%swap3A_69, %swap3A_70] : memref<400x128xf32, #tpu.memory_space<vmem>>, vector<400x128xf32>
    tpu.vector_store %arg10[%swap3A_69, %swap3A_70], %mul3A_68 {strides = array<i32>} : memref<400x128xf32, #tpu.memory_space<vmem>>, vector<400x128xf32>,
    %swap3A_72 = arith.constant 0 : index
    %swap3A_73 = arith.constant 0 : index
    %swap3A_74 = vector.load %arg11[%swap3A_72, %swap3A_73] : memref<400x128xf32, #tpu.memory_space<vmem>>, vector<400x128xf32>
    tpu.vector_store %arg11[%swap3A_72, %swap3A_73], %rsqrt3A_65 {strides = array<i32>} : memref<400x128xf32, #tpu.memory_space<vmem>>, vector<400x128xf32>,
    return
  }
  func.func @transform_0(%arg0: i32) -> (i32, i32) {
    %c0_i32 = arith.constant 0 : i32
    %c0_i32_0 = arith.constant 0 : i32
    return %arg0, %c0_i32 : i32, i32
  }
  func.func @transform_1(%arg0: i32) -> (i32, i32) {
    %c0_i32 = arith.constant 0 : i32
    %c0_i32_0 = arith.constant 0 : i32
    %c0_i32_1 = arith.constant 0 : i32
    return %c0_i32, %c0_i32_0 : i32, i32
  }
  func.func @transform_2(%arg0: i32) -> (i32, i32) {
    %c0_i32 = arith.constant 0 : i32
    %c0_i32_0 = arith.constant 0 : i32
    %c0_i32_1 = arith.constant 0 : i32
    return %c0_i32, %c0_i32_0 : i32, i32
  }
  func.func @transform_3(%arg0: i32) -> (i32, i32) {
    %c0_i32 = arith.constant 0 : i32
    %c0_i32_0 = arith.constant 0 : i32
    %c0_i32_1 = arith.constant 0 : i32
    return %c0_i32, %c0_i32_0 : i32, i32
  }
  func.func @transform_4(%arg0: i32) -> (i32, i32) {
    %c0_i32 = arith.constant 0 : i32
    %c0_i32_0 = arith.constant 0 : i32
    %c0_i32_1 = arith.constant 0 : i32
    return %c0_i32, %c0_i32_0 : i32, i32
  }
  func.func @transform_5(%arg0: i32) -> (i32, i32) {
    %c0_i32 = arith.constant 0 : i32
    %c0_i32_0 = arith.constant 0 : i32
    %c0_i32_1 = arith.constant 0 : i32
    return %c0_i32, %c0_i32_0 : i32, i32
  }
  func.func @transform_6(%arg0: i32) -> (i32, i32) {
    %c0_i32 = arith.constant 0 : i32
    %c0_i32_0 = arith.constant 0 : i32
    %c0_i32_1 = arith.constant 0 : i32
    return %c0_i32, %c0_i32_0 : i32, i32
  }
  func.func @transform_7(%arg0: i32) -> (i32, i32, i32) {
    %c0_i32 = arith.constant 0 : i32
    %c0_i32_0 = arith.constant 0 : i32
    %c0_i32_1 = arith.constant 0 : i32
    return %c0_i32, %arg0, %c0_i32_0 : i32, i32, i32
  }
  func.func @transform_8(%arg0: i32) -> (i32, i32) {
    %c0_i32 = arith.constant 0 : i32
    %c0_i32_0 = arith.constant 0 : i32
    return %arg0, %c0_i32 : i32, i32
  }
  func.func @transform_9(%arg0: i32) -> (i32, i32) {
    %c0_i32 = arith.constant 0 : i32
    %c0_i32_0 = arith.constant 0 : i32
    return %arg0, %c0_i32 : i32, i32
  }
  func.func @transform_10(%arg0: i32) -> (i32, i32) {
    %c0_i32 = arith.constant 0 : i32
    %c0_i32_0 = arith.constant 0 : i32
    return %arg0, %c0_i32 : i32, i32
  }
}

module attributes {stable_mosaic.version = 14 : i64} {
  func.func @_mid_body(%arg0: i32, %arg1: memref<2x400x128xf32, #tpu.memory_space<vmem>>, %arg2: memref<400x128xf32, #tpu.memory_space<vmem>>, %arg3: memref<400x128xf32, #tpu.memory_space<vmem>>, %arg4: memref<400x128xf32, #tpu.memory_space<vmem>>) attributes {dimension_semantics = [#tpu.dimension_semantics<arbitrary>], iteration_bounds = array<i64: 25>, scalar_prefetch = 0 : i64, scratch_operands = 0 : i64, tpu.core_type = #tpu.core_type<tc>, window_params = [{transform_indices = @transform_0, window_bounds = array<i64: 2, 400, 128>}, {transform_indices = @transform_1, window_bounds = array<i64: 400, 128>}, {transform_indices = @transform_2, window_bounds = array<i64: 400, 128>}, {transform_indices = @transform_3, window_bounds = array<i64: 400, 128>}]} {
    %get3A = arith.constant 0 : index
    %get3A_0 = arith.constant 0 : index
    %get3A_1 = vector.load %arg2[%get3A, %get3A_0] : memref<400x128xf32, #tpu.memory_space<vmem>>, vector<400x128xf32>
    %get3A_2 = arith.constant 0 : index
    %get3A_3 = arith.constant 0 : index
    %get3A_4 = arith.constant 0 : index
    %get3A_5 = vector.load %arg1[%get3A_2, %get3A_3, %get3A_4] : memref<2x400x128xf32, #tpu.memory_space<vmem>>, vector<1x400x128xf32>
    %get3A_6 = vector.shape_cast %get3A_5 : vector<1x400x128xf32> to vector<400x128xf32>
    %get3A_7 = arith.constant 1 : index
    %get3A_8 = arith.constant 0 : index
    %get3A_9 = arith.constant 0 : index
    %get3A_10 = vector.load %arg1[%get3A_7, %get3A_8, %get3A_9] : memref<2x400x128xf32, #tpu.memory_space<vmem>>, vector<1x400x128xf32>
    %get3A_11 = vector.shape_cast %get3A_10 : vector<1x400x128xf32> to vector<400x128xf32>
    %add3A = arith.addf %get3A_6, %get3A_11 : vector<400x128xf32>
    %mul3A = arith.mulf %add3A, %get3A_1 : vector<400x128xf32>
    %swap3A = arith.constant 0 : index
    %swap3A_12 = arith.constant 0 : index
    %swap3A_13 = vector.load %arg3[%swap3A, %swap3A_12] : memref<400x128xf32, #tpu.memory_space<vmem>>, vector<400x128xf32>
    tpu.vector_store %arg3[%swap3A, %swap3A_12], %mul3A {strides = array<i32>} : memref<400x128xf32, #tpu.memory_space<vmem>>, vector<400x128xf32>,
    %mul3A_14 = arith.mulf %mul3A, %get3A_1 : vector<400x128xf32>
    %swap3A_15 = arith.constant 0 : index
    %swap3A_16 = arith.constant 0 : index
    %swap3A_17 = vector.load %arg4[%swap3A_15, %swap3A_16] : memref<400x128xf32, #tpu.memory_space<vmem>>, vector<400x128xf32>
    tpu.vector_store %arg4[%swap3A_15, %swap3A_16], %mul3A_14 {strides = array<i32>} : memref<400x128xf32, #tpu.memory_space<vmem>>, vector<400x128xf32>,
    return
  }
  func.func @transform_0(%arg0: i32) -> (i32, i32, i32) {
    %c0_i32 = arith.constant 0 : i32
    %c0_i32_0 = arith.constant 0 : i32
    %c0_i32_1 = arith.constant 0 : i32
    return %c0_i32, %arg0, %c0_i32_0 : i32, i32, i32
  }
  func.func @transform_1(%arg0: i32) -> (i32, i32) {
    %c0_i32 = arith.constant 0 : i32
    %c0_i32_0 = arith.constant 0 : i32
    return %arg0, %c0_i32 : i32, i32
  }
  func.func @transform_2(%arg0: i32) -> (i32, i32) {
    %c0_i32 = arith.constant 0 : i32
    %c0_i32_0 = arith.constant 0 : i32
    return %arg0, %c0_i32 : i32, i32
  }
  func.func @transform_3(%arg0: i32) -> (i32, i32) {
    %c0_i32 = arith.constant 0 : i32
    %c0_i32_0 = arith.constant 0 : i32
    return %arg0, %c0_i32 : i32, i32
  }
}

module attributes {stable_mosaic.version = 14 : i64} {
  func.func @_combine_body(%arg0: i32, %arg1: memref<400x128xf32, #tpu.memory_space<vmem>>, %arg2: memref<400x128xf32, #tpu.memory_space<vmem>>, %arg3: memref<2x400x128xf32, #tpu.memory_space<vmem>>, %arg4: memref<400x128xf32, #tpu.memory_space<vmem>>, %arg5: memref<128x128xf32, #tpu.memory_space<vmem>>, %arg6: memref<128x128xf32, #tpu.memory_space<vmem>>, %arg7: memref<128x128xf32, #tpu.memory_space<vmem>>, %arg8: memref<1x128xf32, #tpu.memory_space<vmem>>, %arg9: memref<1x128xf32, #tpu.memory_space<vmem>>, %arg10: memref<1x128xf32, #tpu.memory_space<vmem>>, %arg11: memref<400x128xf32, #tpu.memory_space<vmem>>, %arg12: memref<400x128xf32, #tpu.memory_space<vmem>>) attributes {dimension_semantics = [#tpu.dimension_semantics<arbitrary>], iteration_bounds = array<i64: 25>, scalar_prefetch = 0 : i64, scratch_operands = 0 : i64, tpu.core_type = #tpu.core_type<tc>, window_params = [{transform_indices = @transform_0, window_bounds = array<i64: 400, 128>}, {transform_indices = @transform_1, window_bounds = array<i64: 400, 128>}, {transform_indices = @transform_2, window_bounds = array<i64: 2, 400, 128>}, {transform_indices = @transform_3, window_bounds = array<i64: 400, 128>}, {pipeline_mode = #tpu.pipeline_mode<synchronous>, transform_indices = @transform_4, window_bounds = array<i64: 128, 128>}, {pipeline_mode = #tpu.pipeline_mode<synchronous>, transform_indices = @transform_5, window_bounds = array<i64: 128, 128>}, {pipeline_mode = #tpu.pipeline_mode<synchronous>, transform_indices = @transform_6, window_bounds = array<i64: 128, 128>}, {pipeline_mode = #tpu.pipeline_mode<synchronous>, transform_indices = @transform_7, window_bounds = array<i64: 1, 128>}, {pipeline_mode = #tpu.pipeline_mode<synchronous>, transform_indices = @transform_8, window_bounds = array<i64: 1, 128>}, {pipeline_mode = #tpu.pipeline_mode<synchronous>, transform_indices = @transform_9, window_bounds = array<i64: 1, 128>}, {transform_indices = @transform_10, window_bounds = array<i64: 400, 128>}, {transform_indices = @transform_11, window_bounds = array<i64: 400, 128>}]} {
    %get3A = arith.constant 0 : index
    %get3A_0 = arith.constant 0 : index
    %get3A_1 = vector.load %arg4[%get3A, %get3A_0] : memref<400x128xf32, #tpu.memory_space<vmem>>, vector<400x128xf32>
    %get3A_2 = arith.constant 0 : index
    %get3A_3 = arith.constant 0 : index
    %get3A_4 = arith.constant 0 : index
    %get3A_5 = vector.load %arg3[%get3A_2, %get3A_3, %get3A_4] : memref<2x400x128xf32, #tpu.memory_space<vmem>>, vector<1x400x128xf32>
    %get3A_6 = vector.shape_cast %get3A_5 : vector<1x400x128xf32> to vector<400x128xf32>
    %get3A_7 = arith.constant 1 : index
    %get3A_8 = arith.constant 0 : index
    %get3A_9 = arith.constant 0 : index
    %get3A_10 = vector.load %arg3[%get3A_7, %get3A_8, %get3A_9] : memref<2x400x128xf32, #tpu.memory_space<vmem>>, vector<1x400x128xf32>
    %get3A_11 = vector.shape_cast %get3A_10 : vector<1x400x128xf32> to vector<400x128xf32>
    %add3A = arith.addf %get3A_6, %get3A_11 : vector<400x128xf32>
    %mul3A = arith.mulf %add3A, %get3A_1 : vector<400x128xf32>
    %get3A_12 = arith.constant 0 : index
    %get3A_13 = arith.constant 0 : index
    %get3A_14 = vector.load %arg1[%get3A_12, %get3A_13] : memref<400x128xf32, #tpu.memory_space<vmem>>, vector<400x128xf32>
    %get3A_15 = arith.constant 0 : index
    %get3A_16 = arith.constant 0 : index
    %get3A_17 = vector.load %arg5[%get3A_15, %get3A_16] : memref<128x128xf32, #tpu.memory_space<vmem>>, vector<128x128xf32>
    %dot_general3A = arith.constant dense<0.000000e+00> : vector<400x128xf32>
    %dot_general3A_18 = tpu.matmul %get3A_14, %get3A_17, %dot_general3A {dimension_numbers = #tpu.dot_dimension_numbers<[1], [0], [0], [1], [0, 0, 1, 1], [], []>, transpose_lhs_hint = false} : vector<400x128xf32>, vector<128x128xf32>, vector<400x128xf32> -> vector<400x128xf32>
    %get3A_19 = arith.constant 0 : index
    %get3A_20 = arith.constant 0 : index
    %get3A_21 = vector.load %arg2[%get3A_19, %get3A_20] : memref<400x128xf32, #tpu.memory_space<vmem>>, vector<400x128xf32>
    %get3A_22 = arith.constant 0 : index
    %get3A_23 = arith.constant 0 : index
    %get3A_24 = vector.load %arg6[%get3A_22, %get3A_23] : memref<128x128xf32, #tpu.memory_space<vmem>>, vector<128x128xf32>
    %dot_general3A_25 = arith.constant dense<0.000000e+00> : vector<400x128xf32>
    %dot_general3A_26 = tpu.matmul %get3A_21, %get3A_24, %dot_general3A_25 {dimension_numbers = #tpu.dot_dimension_numbers<[1], [0], [0], [1], [0, 0, 1, 1], [], []>, transpose_lhs_hint = false} : vector<400x128xf32>, vector<128x128xf32>, vector<400x128xf32> -> vector<400x128xf32>
    %add3A_27 = arith.addf %dot_general3A_18, %dot_general3A_26 : vector<400x128xf32>
    %get3A_28 = arith.constant 0 : index
    %get3A_29 = arith.constant 0 : index
    %get3A_30 = vector.load %arg7[%get3A_28, %get3A_29] : memref<128x128xf32, #tpu.memory_space<vmem>>, vector<128x128xf32>
    %dot_general3A_31 = arith.constant dense<0.000000e+00> : vector<400x128xf32>
    %dot_general3A_32 = tpu.matmul %mul3A, %get3A_30, %dot_general3A_31 {dimension_numbers = #tpu.dot_dimension_numbers<[1], [0], [0], [1], [0, 0, 1, 1], [], []>, transpose_lhs_hint = false} : vector<400x128xf32>, vector<128x128xf32>, vector<400x128xf32> -> vector<400x128xf32>
    %add3A_33 = arith.addf %add3A_27, %dot_general3A_32 : vector<400x128xf32>
    %get3A_34 = arith.constant 0 : index
    %get3A_35 = arith.constant 0 : index
    %get3A_36 = vector.load %arg8[%get3A_34, %get3A_35] : memref<1x128xf32, #tpu.memory_space<vmem>>, vector<1x128xf32>
    %add3A_37 = vector.broadcast %get3A_36 : vector<1x128xf32> to vector<400x128xf32>
    %add3A_38 = arith.addf %add3A_33, %add3A_37 : vector<400x128xf32>
    %get3A_39 = arith.constant 0 : index
    %get3A_40 = arith.constant 0 : index
    %get3A_41 = vector.load %arg9[%get3A_39, %get3A_40] : memref<1x128xf32, #tpu.memory_space<vmem>>, vector<1x128xf32>
    %get3A_42 = arith.constant 0 : index
    %get3A_43 = arith.constant 0 : index
    %get3A_44 = vector.load %arg10[%get3A_42, %get3A_43] : memref<1x128xf32, #tpu.memory_space<vmem>>, vector<1x128xf32>
    %reduce_sum3A = arith.constant dense<0.000000e+00> : vector<400xf32>
    %reduce_sum3A_45 = vector.multi_reduction <add>, %add3A_38, %reduce_sum3A [1] : vector<400x128xf32> to vector<400xf32>
    %broadcast_in_dim3A = vector.shape_cast %reduce_sum3A_45 : vector<400xf32> to vector<400x1xf32>
    %div3A = arith.constant 1.280000e+02 : f32
    %div3A_46 = vector.broadcast %div3A : f32 to vector<400x1xf32>
    %div3A_47 = arith.divf %broadcast_in_dim3A, %div3A_46 : vector<400x1xf32>
    %sub3A = vector.broadcast %div3A_47 : vector<400x1xf32> to vector<400x128xf32>
    %sub3A_48 = arith.subf %add3A_38, %sub3A : vector<400x128xf32>
    %sub3A_49 = vector.broadcast %div3A_47 : vector<400x1xf32> to vector<400x128xf32>
    %sub3A_50 = arith.subf %add3A_38, %sub3A_49 : vector<400x128xf32>
    %mul3A_51 = arith.mulf %sub3A_48, %sub3A_50 : vector<400x128xf32>
    %reduce_sum3A_52 = arith.constant dense<0.000000e+00> : vector<400xf32>
    %reduce_sum3A_53 = vector.multi_reduction <add>, %mul3A_51, %reduce_sum3A_52 [1] : vector<400x128xf32> to vector<400xf32>
    %broadcast_in_dim3A_54 = vector.shape_cast %reduce_sum3A_53 : vector<400xf32> to vector<400x1xf32>
    %div3A_55 = arith.constant 1.280000e+02 : f32
    %div3A_56 = vector.broadcast %div3A_55 : f32 to vector<400x1xf32>
    %div3A_57 = arith.divf %broadcast_in_dim3A_54, %div3A_56 : vector<400x1xf32>
    %sub3A_58 = vector.broadcast %div3A_47 : vector<400x1xf32> to vector<400x128xf32>
    %sub3A_59 = arith.subf %add3A_38, %sub3A_58 : vector<400x128xf32>
    %add3A_60 = arith.constant 9.99999974E-6 : f32
    %add3A_61 = vector.broadcast %add3A_60 : f32 to vector<400x1xf32>
    %add3A_62 = arith.addf %div3A_57, %add3A_61 : vector<400x1xf32>
    %rsqrt3A = math.rsqrt %add3A_62 : vector<400x1xf32>
    %mul3A_63 = vector.broadcast %rsqrt3A : vector<400x1xf32> to vector<400x128xf32>
    %mul3A_64 = arith.mulf %sub3A_59, %mul3A_63 : vector<400x128xf32>
    %mul3A_65 = vector.broadcast %get3A_41 : vector<1x128xf32> to vector<400x128xf32>
    %mul3A_66 = arith.mulf %mul3A_64, %mul3A_65 : vector<400x128xf32>
    %add3A_67 = vector.broadcast %get3A_44 : vector<1x128xf32> to vector<400x128xf32>
    %add3A_68 = arith.addf %mul3A_66, %add3A_67 : vector<400x128xf32>
    %max3A = arith.constant 0.000000e+00 : f32
    %max3A_69 = vector.broadcast %max3A : f32 to vector<400x128xf32>
    %max3A_70 = arith.maximumf %add3A_68, %max3A_69 : vector<400x128xf32>
    %swap3A = arith.constant 0 : index
    %swap3A_71 = arith.constant 0 : index
    %swap3A_72 = vector.load %arg11[%swap3A, %swap3A_71] : memref<400x128xf32, #tpu.memory_space<vmem>>, vector<400x128xf32>
    tpu.vector_store %arg11[%swap3A, %swap3A_71], %max3A_70 {strides = array<i32>} : memref<400x128xf32, #tpu.memory_space<vmem>>, vector<400x128xf32>,
    %mul3A_73 = arith.mulf %max3A_70, %get3A_1 : vector<400x128xf32>
    %swap3A_74 = arith.constant 0 : index
    %swap3A_75 = arith.constant 0 : index
    %swap3A_76 = vector.load %arg12[%swap3A_74, %swap3A_75] : memref<400x128xf32, #tpu.memory_space<vmem>>, vector<400x128xf32>
    tpu.vector_store %arg12[%swap3A_74, %swap3A_75], %mul3A_73 {strides = array<i32>} : memref<400x128xf32, #tpu.memory_space<vmem>>, vector<400x128xf32>,
    return
  }
  func.func @transform_0(%arg0: i32) -> (i32, i32) {
    %c0_i32 = arith.constant 0 : i32
    %c0_i32_0 = arith.constant 0 : i32
    return %arg0, %c0_i32 : i32, i32
  }
  func.func @transform_1(%arg0: i32) -> (i32, i32) {
    %c0_i32 = arith.constant 0 : i32
    %c0_i32_0 = arith.constant 0 : i32
    return %arg0, %c0_i32 : i32, i32
  }
  func.func @transform_2(%arg0: i32) -> (i32, i32, i32) {
    %c0_i32 = arith.constant 0 : i32
    %c0_i32_0 = arith.constant 0 : i32
    %c0_i32_1 = arith.constant 0 : i32
    return %c0_i32, %arg0, %c0_i32_0 : i32, i32, i32
  }
  func.func @transform_3(%arg0: i32) -> (i32, i32) {
    %c0_i32 = arith.constant 0 : i32
    %c0_i32_0 = arith.constant 0 : i32
    return %arg0, %c0_i32 : i32, i32
  }
  func.func @transform_4(%arg0: i32) -> (i32, i32) {
    %c0_i32 = arith.constant 0 : i32
    %c0_i32_0 = arith.constant 0 : i32
    %c0_i32_1 = arith.constant 0 : i32
    return %c0_i32, %c0_i32_0 : i32, i32
  }
  func.func @transform_5(%arg0: i32) -> (i32, i32) {
    %c0_i32 = arith.constant 0 : i32
    %c0_i32_0 = arith.constant 0 : i32
    %c0_i32_1 = arith.constant 0 : i32
    return %c0_i32, %c0_i32_0 : i32, i32
  }
  func.func @transform_6(%arg0: i32) -> (i32, i32) {
    %c0_i32 = arith.constant 0 : i32
    %c0_i32_0 = arith.constant 0 : i32
    %c0_i32_1 = arith.constant 0 : i32
    return %c0_i32, %c0_i32_0 : i32, i32
  }
  func.func @transform_7(%arg0: i32) -> (i32, i32) {
    %c0_i32 = arith.constant 0 : i32
    %c0_i32_0 = arith.constant 0 : i32
    %c0_i32_1 = arith.constant 0 : i32
    return %c0_i32, %c0_i32_0 : i32, i32
  }
  func.func @transform_8(%arg0: i32) -> (i32, i32) {
    %c0_i32 = arith.constant 0 : i32
    %c0_i32_0 = arith.constant 0 : i32
    %c0_i32_1 = arith.constant 0 : i32
    return %c0_i32, %c0_i32_0 : i32, i32
  }
  func.func @transform_9(%arg0: i32) -> (i32, i32) {
    %c0_i32 = arith.constant 0 : i32
    %c0_i32_0 = arith.constant 0 : i32
    %c0_i32_1 = arith.constant 0 : i32
    return %c0_i32, %c0_i32_0 : i32, i32
  }
  func.func @transform_10(%arg0: i32) -> (i32, i32) {
    %c0_i32 = arith.constant 0 : i32
    %c0_i32_0 = arith.constant 0 : i32
    return %arg0, %c0_i32 : i32, i32
  }
  func.func @transform_11(%arg0: i32) -> (i32, i32) {
    %c0_i32 = arith.constant 0 : i32
    %c0_i32_0 = arith.constant 0 : i32
    return %arg0, %c0_i32 : i32, i32
  }
}

module attributes {stable_mosaic.version = 14 : i64} {
  func.func @_combine_body(%arg0: i32, %arg1: memref<400x128xf32, #tpu.memory_space<vmem>>, %arg2: memref<400x128xf32, #tpu.memory_space<vmem>>, %arg3: memref<2x400x128xf32, #tpu.memory_space<vmem>>, %arg4: memref<400x128xf32, #tpu.memory_space<vmem>>, %arg5: memref<128x128xf32, #tpu.memory_space<vmem>>, %arg6: memref<128x128xf32, #tpu.memory_space<vmem>>, %arg7: memref<128x128xf32, #tpu.memory_space<vmem>>, %arg8: memref<1x128xf32, #tpu.memory_space<vmem>>, %arg9: memref<1x128xf32, #tpu.memory_space<vmem>>, %arg10: memref<1x128xf32, #tpu.memory_space<vmem>>, %arg11: memref<400x128xf32, #tpu.memory_space<vmem>>) attributes {dimension_semantics = [#tpu.dimension_semantics<arbitrary>], iteration_bounds = array<i64: 25>, scalar_prefetch = 0 : i64, scratch_operands = 0 : i64, tpu.core_type = #tpu.core_type<tc>, window_params = [{transform_indices = @transform_0, window_bounds = array<i64: 400, 128>}, {transform_indices = @transform_1, window_bounds = array<i64: 400, 128>}, {transform_indices = @transform_2, window_bounds = array<i64: 2, 400, 128>}, {transform_indices = @transform_3, window_bounds = array<i64: 400, 128>}, {pipeline_mode = #tpu.pipeline_mode<synchronous>, transform_indices = @transform_4, window_bounds = array<i64: 128, 128>}, {pipeline_mode = #tpu.pipeline_mode<synchronous>, transform_indices = @transform_5, window_bounds = array<i64: 128, 128>}, {pipeline_mode = #tpu.pipeline_mode<synchronous>, transform_indices = @transform_6, window_bounds = array<i64: 128, 128>}, {pipeline_mode = #tpu.pipeline_mode<synchronous>, transform_indices = @transform_7, window_bounds = array<i64: 1, 128>}, {pipeline_mode = #tpu.pipeline_mode<synchronous>, transform_indices = @transform_8, window_bounds = array<i64: 1, 128>}, {pipeline_mode = #tpu.pipeline_mode<synchronous>, transform_indices = @transform_9, window_bounds = array<i64: 1, 128>}, {transform_indices = @transform_10, window_bounds = array<i64: 400, 128>}]} {
    %get3A = arith.constant 0 : index
    %get3A_0 = arith.constant 0 : index
    %get3A_1 = vector.load %arg4[%get3A, %get3A_0] : memref<400x128xf32, #tpu.memory_space<vmem>>, vector<400x128xf32>
    %get3A_2 = arith.constant 0 : index
    %get3A_3 = arith.constant 0 : index
    %get3A_4 = arith.constant 0 : index
    %get3A_5 = vector.load %arg3[%get3A_2, %get3A_3, %get3A_4] : memref<2x400x128xf32, #tpu.memory_space<vmem>>, vector<1x400x128xf32>
    %get3A_6 = vector.shape_cast %get3A_5 : vector<1x400x128xf32> to vector<400x128xf32>
    %get3A_7 = arith.constant 1 : index
    %get3A_8 = arith.constant 0 : index
    %get3A_9 = arith.constant 0 : index
    %get3A_10 = vector.load %arg3[%get3A_7, %get3A_8, %get3A_9] : memref<2x400x128xf32, #tpu.memory_space<vmem>>, vector<1x400x128xf32>
    %get3A_11 = vector.shape_cast %get3A_10 : vector<1x400x128xf32> to vector<400x128xf32>
    %add3A = arith.addf %get3A_6, %get3A_11 : vector<400x128xf32>
    %mul3A = arith.mulf %add3A, %get3A_1 : vector<400x128xf32>
    %get3A_12 = arith.constant 0 : index
    %get3A_13 = arith.constant 0 : index
    %get3A_14 = vector.load %arg1[%get3A_12, %get3A_13] : memref<400x128xf32, #tpu.memory_space<vmem>>, vector<400x128xf32>
    %get3A_15 = arith.constant 0 : index
    %get3A_16 = arith.constant 0 : index
    %get3A_17 = vector.load %arg5[%get3A_15, %get3A_16] : memref<128x128xf32, #tpu.memory_space<vmem>>, vector<128x128xf32>
    %dot_general3A = arith.constant dense<0.000000e+00> : vector<400x128xf32>
    %dot_general3A_18 = tpu.matmul %get3A_14, %get3A_17, %dot_general3A {dimension_numbers = #tpu.dot_dimension_numbers<[1], [0], [0], [1], [0, 0, 1, 1], [], []>, transpose_lhs_hint = false} : vector<400x128xf32>, vector<128x128xf32>, vector<400x128xf32> -> vector<400x128xf32>
    %get3A_19 = arith.constant 0 : index
    %get3A_20 = arith.constant 0 : index
    %get3A_21 = vector.load %arg2[%get3A_19, %get3A_20] : memref<400x128xf32, #tpu.memory_space<vmem>>, vector<400x128xf32>
    %get3A_22 = arith.constant 0 : index
    %get3A_23 = arith.constant 0 : index
    %get3A_24 = vector.load %arg6[%get3A_22, %get3A_23] : memref<128x128xf32, #tpu.memory_space<vmem>>, vector<128x128xf32>
    %dot_general3A_25 = arith.constant dense<0.000000e+00> : vector<400x128xf32>
    %dot_general3A_26 = tpu.matmul %get3A_21, %get3A_24, %dot_general3A_25 {dimension_numbers = #tpu.dot_dimension_numbers<[1], [0], [0], [1], [0, 0, 1, 1], [], []>, transpose_lhs_hint = false} : vector<400x128xf32>, vector<128x128xf32>, vector<400x128xf32> -> vector<400x128xf32>
    %add3A_27 = arith.addf %dot_general3A_18, %dot_general3A_26 : vector<400x128xf32>
    %get3A_28 = arith.constant 0 : index
    %get3A_29 = arith.constant 0 : index
    %get3A_30 = vector.load %arg7[%get3A_28, %get3A_29] : memref<128x128xf32, #tpu.memory_space<vmem>>, vector<128x128xf32>
    %dot_general3A_31 = arith.constant dense<0.000000e+00> : vector<400x128xf32>
    %dot_general3A_32 = tpu.matmul %mul3A, %get3A_30, %dot_general3A_31 {dimension_numbers = #tpu.dot_dimension_numbers<[1], [0], [0], [1], [0, 0, 1, 1], [], []>, transpose_lhs_hint = false} : vector<400x128xf32>, vector<128x128xf32>, vector<400x128xf32> -> vector<400x128xf32>
    %add3A_33 = arith.addf %add3A_27, %dot_general3A_32 : vector<400x128xf32>
    %get3A_34 = arith.constant 0 : index
    %get3A_35 = arith.constant 0 : index
    %get3A_36 = vector.load %arg8[%get3A_34, %get3A_35] : memref<1x128xf32, #tpu.memory_space<vmem>>, vector<1x128xf32>
    %add3A_37 = vector.broadcast %get3A_36 : vector<1x128xf32> to vector<400x128xf32>
    %add3A_38 = arith.addf %add3A_33, %add3A_37 : vector<400x128xf32>
    %get3A_39 = arith.constant 0 : index
    %get3A_40 = arith.constant 0 : index
    %get3A_41 = vector.load %arg9[%get3A_39, %get3A_40] : memref<1x128xf32, #tpu.memory_space<vmem>>, vector<1x128xf32>
    %get3A_42 = arith.constant 0 : index
    %get3A_43 = arith.constant 0 : index
    %get3A_44 = vector.load %arg10[%get3A_42, %get3A_43] : memref<1x128xf32, #tpu.memory_space<vmem>>, vector<1x128xf32>
    %reduce_sum3A = arith.constant dense<0.000000e+00> : vector<400xf32>
    %reduce_sum3A_45 = vector.multi_reduction <add>, %add3A_38, %reduce_sum3A [1] : vector<400x128xf32> to vector<400xf32>
    %broadcast_in_dim3A = vector.shape_cast %reduce_sum3A_45 : vector<400xf32> to vector<400x1xf32>
    %div3A = arith.constant 1.280000e+02 : f32
    %div3A_46 = vector.broadcast %div3A : f32 to vector<400x1xf32>
    %div3A_47 = arith.divf %broadcast_in_dim3A, %div3A_46 : vector<400x1xf32>
    %sub3A = vector.broadcast %div3A_47 : vector<400x1xf32> to vector<400x128xf32>
    %sub3A_48 = arith.subf %add3A_38, %sub3A : vector<400x128xf32>
    %sub3A_49 = vector.broadcast %div3A_47 : vector<400x1xf32> to vector<400x128xf32>
    %sub3A_50 = arith.subf %add3A_38, %sub3A_49 : vector<400x128xf32>
    %mul3A_51 = arith.mulf %sub3A_48, %sub3A_50 : vector<400x128xf32>
    %reduce_sum3A_52 = arith.constant dense<0.000000e+00> : vector<400xf32>
    %reduce_sum3A_53 = vector.multi_reduction <add>, %mul3A_51, %reduce_sum3A_52 [1] : vector<400x128xf32> to vector<400xf32>
    %broadcast_in_dim3A_54 = vector.shape_cast %reduce_sum3A_53 : vector<400xf32> to vector<400x1xf32>
    %div3A_55 = arith.constant 1.280000e+02 : f32
    %div3A_56 = vector.broadcast %div3A_55 : f32 to vector<400x1xf32>
    %div3A_57 = arith.divf %broadcast_in_dim3A_54, %div3A_56 : vector<400x1xf32>
    %sub3A_58 = vector.broadcast %div3A_47 : vector<400x1xf32> to vector<400x128xf32>
    %sub3A_59 = arith.subf %add3A_38, %sub3A_58 : vector<400x128xf32>
    %add3A_60 = arith.constant 9.99999974E-6 : f32
    %add3A_61 = vector.broadcast %add3A_60 : f32 to vector<400x1xf32>
    %add3A_62 = arith.addf %div3A_57, %add3A_61 : vector<400x1xf32>
    %rsqrt3A = math.rsqrt %add3A_62 : vector<400x1xf32>
    %mul3A_63 = vector.broadcast %rsqrt3A : vector<400x1xf32> to vector<400x128xf32>
    %mul3A_64 = arith.mulf %sub3A_59, %mul3A_63 : vector<400x128xf32>
    %mul3A_65 = vector.broadcast %get3A_41 : vector<1x128xf32> to vector<400x128xf32>
    %mul3A_66 = arith.mulf %mul3A_64, %mul3A_65 : vector<400x128xf32>
    %add3A_67 = vector.broadcast %get3A_44 : vector<1x128xf32> to vector<400x128xf32>
    %add3A_68 = arith.addf %mul3A_66, %add3A_67 : vector<400x128xf32>
    %swap3A = arith.constant 0 : index
    %swap3A_69 = arith.constant 0 : index
    %swap3A_70 = vector.load %arg11[%swap3A, %swap3A_69] : memref<400x128xf32, #tpu.memory_space<vmem>>, vector<400x128xf32>
    tpu.vector_store %arg11[%swap3A, %swap3A_69], %add3A_68 {strides = array<i32>} : memref<400x128xf32, #tpu.memory_space<vmem>>, vector<400x128xf32>,
    return
  }
  func.func @transform_0(%arg0: i32) -> (i32, i32) {
    %c0_i32 = arith.constant 0 : i32
    %c0_i32_0 = arith.constant 0 : i32
    return %arg0, %c0_i32 : i32, i32
  }
  func.func @transform_1(%arg0: i32) -> (i32, i32) {
    %c0_i32 = arith.constant 0 : i32
    %c0_i32_0 = arith.constant 0 : i32
    return %arg0, %c0_i32 : i32, i32
  }
  func.func @transform_2(%arg0: i32) -> (i32, i32, i32) {
    %c0_i32 = arith.constant 0 : i32
    %c0_i32_0 = arith.constant 0 : i32
    %c0_i32_1 = arith.constant 0 : i32
    return %c0_i32, %arg0, %c0_i32_0 : i32, i32, i32
  }
  func.func @transform_3(%arg0: i32) -> (i32, i32) {
    %c0_i32 = arith.constant 0 : i32
    %c0_i32_0 = arith.constant 0 : i32
    return %arg0, %c0_i32 : i32, i32
  }
  func.func @transform_4(%arg0: i32) -> (i32, i32) {
    %c0_i32 = arith.constant 0 : i32
    %c0_i32_0 = arith.constant 0 : i32
    %c0_i32_1 = arith.constant 0 : i32
    return %c0_i32, %c0_i32_0 : i32, i32
  }
  func.func @transform_5(%arg0: i32) -> (i32, i32) {
    %c0_i32 = arith.constant 0 : i32
    %c0_i32_0 = arith.constant 0 : i32
    %c0_i32_1 = arith.constant 0 : i32
    return %c0_i32, %c0_i32_0 : i32, i32
  }
  func.func @transform_6(%arg0: i32) -> (i32, i32) {
    %c0_i32 = arith.constant 0 : i32
    %c0_i32_0 = arith.constant 0 : i32
    %c0_i32_1 = arith.constant 0 : i32
    return %c0_i32, %c0_i32_0 : i32, i32
  }
  func.func @transform_7(%arg0: i32) -> (i32, i32) {
    %c0_i32 = arith.constant 0 : i32
    %c0_i32_0 = arith.constant 0 : i32
    %c0_i32_1 = arith.constant 0 : i32
    return %c0_i32, %c0_i32_0 : i32, i32
  }
  func.func @transform_8(%arg0: i32) -> (i32, i32) {
    %c0_i32 = arith.constant 0 : i32
    %c0_i32_0 = arith.constant 0 : i32
    %c0_i32_1 = arith.constant 0 : i32
    return %c0_i32, %c0_i32_0 : i32, i32
  }
  func.func @transform_9(%arg0: i32) -> (i32, i32) {
    %c0_i32 = arith.constant 0 : i32
    %c0_i32_0 = arith.constant 0 : i32
    %c0_i32_1 = arith.constant 0 : i32
    return %c0_i32, %c0_i32_0 : i32, i32
  }
  func.func @transform_10(%arg0: i32) -> (i32, i32) {
    %c0_i32 = arith.constant 0 : i32
    %c0_i32_0 = arith.constant 0 : i32
    return %arg0, %c0_i32 : i32, i32
  }
}

</mosaic_0001>

<sc_bundles>
// kernel: kernel.13.cloned.1.call-start
scs
__scs_entry_jumppad:
0x0: {  	(pc) =	sbr.rel $0x88, $3  }
0x1: {  	(tag) =	ssettag $0x0;
	lr =	simm.s32 $0x1  }
0x2: {  	[smem:$0x3F90] =	sst lr;
	_ =	strace $0xD0000000  }
0x3: {  	_ = 	snop  }
0x4: {  	_ = 	snop  }
0x5: {  	_ = 	snop  }
0x6: {  	_ = 	snop  }
0x7: {  	_ = 	snop  }
__scs_overlays_trampoline_lowered:
0x8: {  	[smem:$0x3F9F] =	sst s0  }
0x9: {  	[smem:$0x3FA0] =	sst s1  }
0xa: {  	[smem:$0x3FA1] =	sst s2  }
0xb: {  	[smem:$0x3FA2] =	sst s3  }
0xc: {  	[smem:$0x3FA3] =	sst s4  }
0xd: {  	[smem:$0x3FA4] =	sst s5  }
0xe: {  	[smem:$0x3FA5] =	sst s6  }
0xf: {  	[smem:$0x3FA6] =	sst s7  }
0x10: {  	[smem:$0x3FA7] =	sst s8  }
0x11: {  	[smem:$0x3FA8] =	sst s9;
	s0 =	simm.s32 @!p0 $0x0  }
0x12: {  	s1 =	sld [smem:$0x3F8E];
	s0 =	simm.s32 @p0 $0x1  }
0x13: {  	[smem:$0x3FA9] =	sst s0;
	s0 =	simm.s32 @!p1 $0x0  }
0x14: {  	s2 =	sld [smem:$0x3F8D];
	s0 =	simm.s32 @p1 $0x1  }
0x15: {  	[smem:$0x3FAA] =	sst s0;
	s0 =	simm.s32 @!p2 $0x0  }
0x16: {  	s3 =	sld [smem:$0x3FDB];
	s0 =	simm.s32 @p2 $0x1  }
0x17: {  	s4 =	simm.s32 $0x1BF5;
	[smem:$0x3FAC] =	sst s0  }
0x18: {  	s0 =	sld [smem:$0x3F8F];
	_ =	swait.ge [sflag:s4], $0x0  }
0x19: {  	s7 =	sld [smem:$0x3F90]  }
0x1a: {  	s8 =	sadd.s32 $0xFFFFE003, lr  }
0x1b: {  	s9 =	sadd.s32 $0xFFFFFEF7, lr;
	s5 =	simm.s32 $0xFFFFFFFF;
	p2 =	slt.u32 s8, $0xFFFFF086  }
0x1c: {  	p1 =	slt.u32 s9, $0xF7A;
	s5 =	simm.s32 @!p2 $0x0  }
0x1d: {  	s5 =	simm.s32 @p1 $0x1;
	p0 =	seq.s32 s7, s2  }
0x1e: {  	s7 =	smul.u32 @!p0 $0xF7A, s2;
	p2 =	seq.s32 @!p0 s5, $0x0  }
0x1f: {  	s9 =	smul.u32 $0xF7A, s1;
	s8 =	simm.s32 @!p0 $0x1BF5;
	p2 =	por !p2, p0  }
0x20: {  	[sflag:s8] =	ssyncset.s32 @!p0 $0xFFFFF086;
	s6 =	sadd.s32 @!p0 s3, s7;
	s7 =	simm.s32 @!p0 $0x108  }
0x21: {  	s3 =	sadd.s32 s3, s9;
	s6 =	sadd.s32 @!p0 $0x88, s6;
	s7 =	simm.s32 @p2 $0x1082  }
0x22: {  	[simem:s7], [sflag:s8] =	dma.local @!p0 [hbm:s6], $0xF7A  }
0x23: {  	s9 =	sor.u32 $0xD0000000, s2;
	s6 =	simm.s32 $0x108;
	_ =	swait.ge @!p0 [sflag:s8], $0x0  }
0x24: {  	s3 =	sadd.s32 $0x88, s3;
	s6 =	simm.s32 @!p1 $0x1082;
	[sflag:s4] =	ssyncset.s32 $0xFFFFF086  }
0x25: {  	[simem:s6], [sflag:s4] =	dma.local [hbm:s3], $0xF7A  }
0x26: {  	[smem:$0x3F90] =	sst s1;
	(tag) =	ssettag s2;
	_ =	strace s9  }
0x27: {  	s1 =	sld [smem:$0x3FA0]  }
0x28: {  	s2 =	sld [smem:$0x3FA1]  }
0x29: {  	s4 =	sld [smem:$0x3FA3]  }
0x2a: {  	p0 =	seq.s32 s5, $0x0;
	s5 =	sld [smem:$0x3FA4]  }
0x2b: {  	s6 =	sld [smem:$0x3FA5]  }
0x2c: {  	s7 =	sld [smem:$0x3FA6]  }
0x2d: {  	s3 =	simm.s32 $0x108;
	s8 =	sld [smem:$0x3FA7]  }
0x2e: {  	s3 =	simm.s32 @!p0 $0x1082;
	s9 =	sld [smem:$0x3FA8]  }
0x2f: {  	lr =	sadd.s32 s0, s3;
	s0 =	sld [smem:$0x3F9F]  }
0x30: {  	s3 =	sld [smem:$0x3FA2]  }
0x31: {  	[smem:$0x3FAB] =	sst s10  }
0x32: {  	s10 =	sld [smem:$0x3FA9];
	_ =	sdelay $0x3  }
0x33: {  	p0 =	seq.s32 s10, $0x1;
	s10 =	sld [smem:$0x3FAB];
	_ =	sdelay $0x3  }
0x34: {  	[smem:$0x3FAB] =	sst s10  }
0x35: {  	s10 =	sld [smem:$0x3FAA];
	_ =	sdelay $0x3  }
0x36: {  	p1 =	seq.s32 s10, $0x1;
	s10 =	sld [smem:$0x3FAB];
	_ =	sdelay $0x3  }
0x37: {  	[smem:$0x3FAB] =	sst s10  }
0x38: {  	s10 =	sld [smem:$0x3FAC]  }
0x39: {  	_ = 	snop;
	(pc) =	sbr.ind lr, $3  }
0x3a: {  	_ = 	snop  }
0x3b: {  	_ = 	snop  }
0x3c: {  	p2 =	seq.s32 s10, $0x1;
	s10 =	sld [smem:$0x3FAB]  }
0x3d: {  	_ =	shalt  }
0x3e: {  	_ =	shalt  }
0x3f: {  	_ =	shalt  }
0x40: {  	_ =	shalt  }
0x41: {  	_ =	shalt  }
0x42: {  	_ =	shalt  }
0x43: {  	_ =	shalt  }
0x44: {  	_ =	shalt  }
0x45: {  	_ =	shalt  }
0x46: {  	_ =	shalt  }
0x47: {  	_ =	shalt  }
0x48: {  	_ =	shalt  }
0x49: {  	_ =	shalt  }
0x4a: {  	_ =	shalt  }
0x4b: {  	_ =	shalt  }
0x4c: {  	_ =	shalt  }
0x4d: {  	_ =	shalt  }
0x4e: {  	_ =	shalt  }
0x4f: {  	_ =	shalt  }
0x50: {  	_ =	shalt  }
0x51: {  	_ =	shalt  }
0x52: {  	_ =	shalt  }
0x53: {  	_ =	shalt  }
0x54: {  	_ =	shalt  }
0x55: {  	_ =	shalt  }
0x56: {  	_ =	shalt  }
0x57: {  	_ =	shalt  }
0x58: {  	_ =	shalt  }
0x59: {  	_ =	shalt  }
0x5a: {  	_ =	shalt  }
0x5b: {  	_ =	shalt  }
0x5c: {  	_ =	shalt  }
0x5d: {  	_ =	shalt  }
0x5e: {  	_ =	shalt  }
0x5f: {  	_ =	shalt  }
0x60: {  	_ =	shalt  }
0x61: {  	_ =	shalt  }
0x62: {  	_ =	shalt  }
0x63: {  	_ =	shalt  }
0x64: {  	_ =	shalt  }
0x65: {  	_ =	shalt  }
0x66: {  	_ =	shalt  }
0x67: {  	_ =	shalt  }
0x68: {  	_ =	shalt  }
0x69: {  	_ =	shalt  }
0x6a: {  	_ =	shalt  }
0x6b: {  	_ =	shalt  }
0x6c: {  	_ =	shalt  }
0x6d: {  	_ =	shalt  }
0x6e: {  	_ =	shalt  }
0x6f: {  	_ =	shalt  }
0x70: {  	_ =	shalt  }
0x71: {  	_ =	shalt  }
0x72: {  	_ =	shalt  }
0x73: {  	_ =	shalt  }
0x74: {  	_ =	shalt  }
0x75: {  	_ =	shalt  }
0x76: {  	_ =	shalt  }
0x77: {  	_ =	shalt  }
0x78: {  	_ =	shalt  }
0x79: {  	_ =	shalt  }
0x7a: {  	_ =	shalt  }
0x7b: {  	_ =	shalt  }
0x7c: {  	_ =	shalt  }
0x7d: {  	_ =	shalt  }
0x7e: {  	_ =	shalt  }
0x7f: {  	_ =	shalt  }
0x80: {  	_ =	shalt  }
0x81: {  	_ =	shalt  }
0x82: {  	_ =	shalt  }
0x83: {  	_ =	shalt  }
0x84: {  	_ =	shalt  }
0x85: {  	_ =	shalt  }
0x86: {  	_ =	shalt  }
0x87: {  	_ =	shalt  }
.Lfunc_end0:
.L_simem_size_0:
called_computation_lowered:
.L_overlay_start_0:
0x88: {  	s2 =	sld [smem:$0x3FD9]  }
0x89: {  	s3 =	sld [smem:$0x3FFE];
	_ =	sdelay $0x1  }
0x8a: {  	s1 =	srdreg.scid  }
0x8b: {  	s0 =	sand.u32 $0x1, s1  }
0x8c: {  	s17 =	sshll.u32 s0, $0xA;
	s2 =	sadd.s32 s3, s2  }
0x8d: {  	s2 =	sadd.s32 s2, s17  }
0x8e: {  	[smem:$0x3FB7] =	sst s2  }
0x8f: {  	_ = 	snop  }
0x90: {  	s2 =	sld [smem:$0x3FD0];
	(tm) =	ssettm $0x1  }
0x91: {  	s18 =	sld [smem:$0x3FFB];
	_ =	sdelay $0x3  }
0x92: {  	_ =	strace s18  }
0x93: {  	s3 =	sld [smem:$0x3FFC];
	_ =	sdelay $0x3  }
0x94: {  	_ =	strace s3  }
0x95: {  	s3 =	sld [smem:$0x3FFD];
	_ =	sdelay $0x3  }
0x96: {  	_ =	strace s3  }
0x97: {  	_ =	strace $0x8FFFFFFF  }
0x98: {  	s19 =	sld [smem:$0x3FDB];
	_ =	sdelay $0x1  }
0x99: {  	s4 =	simm.s32 $_scs_section_size  }
0x9a: {  	s5 =	simm.s32 $_size__tile_overlayer_lowered;
	s6 =	simm.s32 $_tile_overlayer_lowered  }
0x9b: {  	s22 =	simm.s32 $0x1BFF;
	s21 =	sshll.u32 s6, $0x1;
	s3 =	sadd.s32 s4, s19  }
0x9c: {  	s7 =	simm.s32 $0x0;
	s20 =	sshll.u32 s5, $0x1;
	s5 =	sadd.s32 s21, s3  }
0x9d: {  	[timem:s7], [sflag:s22] =	dma.local [hbm:s5], s20  }
0x9e: {  	_ =	swait.ge [sflag:s22], s20  }
0x9f: {  	s4 =	ssub.s32 $0x0, s20;
	[sflag:s22] =	ssyncset.done $0x0  }
0xa0: {  	[sflag:s22] =	ssyncadd.s32 s4;
	_ =	sdelay $0x1  }
0xa1: {  	s23 =	simm.s32 $0x1B8B  }
0xa2: {  	_ =	swait.ge [sflag:s23], $0x1  }
0xa3: {  	[sflag:s23] =	ssyncset.done $0x0  }
0xa4: {  	s25 =	simm.s32 $0x1B8E;
	s24 =	sld [smem:$0x3FFE];
	[sflag:s23] =	ssyncadd.s32 $0xFFFFFFFF  }
0xa5: {  	s26 =	simm.s32 $execute0_lowered;
	[smem:$0x3FD2] =	sst s25  }
0xa6: {  	s5 =	sshll.u32 s26, $0x1;
	_ =	strace $0x80000046;
	[dreg:$0x1] =	wrdreg $0xFFFFFFFF  }
0xa7: {  	s28 =	simm.s32 $_size_execute0_lowered;
	s3 =	sadd.s32 s3, s5;
	[dreg:$0x0] =	wrdreg $0x0  }
0xa8: {  	s5 =	sshll.u32 s28, $0x1;
	[dreg:$0x2] =	wrdreg s3  }
0xa9: {  	[dreg:$0x3] =	wrdreg s5  }
0xaa: {  	[dreg:$0x4] =	wrdreg $0xC0  }
0xab: {  	_ =	task [dreg:s7], $0x5FFFF  }
0xac: {  	[dreg:$0x1] =	wrdreg $0xFFFFFFFF  }
0xad: {  	[dreg:$0x0] =	wrdreg $0x60  }
0xae: {  	[dreg:$0x2] =	wrdreg s24  }
0xaf: {  	[dreg:$0x3] =	wrdreg s2  }
0xb0: {  	[dreg:$0x4] =	wrdreg $0x68000  }
0xb1: {  	[dreg:$0x5] =	wrdreg $0x9  }
0xb2: {  	_ =	task.clear_ibuf [dreg:s7], $0x6FFFF;
	_ =	strace $0x90000046  }
0xb3: {  	s29 =	simm.s32 $0x9;
	_ =	strace $0x80000048  }
0xb4: {  	_ =	swait.ge [sflag:s29], $0x1  }
0xb5: {  	[sflag:s29] =	ssyncadd.s32 $0xFFFFFFFF  }
0xb6: {  	_ =	strace $0x90000048  }
0xb7: {  	_ =	sfence  }
0xb8: {  	s30 =	sld [smem:$0x0];
	_ =	sdelay $0x2  }
0xb9: {  	s31 =	sshll.u32 s1, $0xD;
	s1 =	sshrl.u32 s1, $0x2  }
0xba: {  	s3 =	sand.u32 $0x4000, s31;
	s1 =	sadd.s32 s1, s30  }
0xbb: {  	s0 =	sor.u32 s3, s0;
	s1 =	sshll.u32 s1, $0x11  }
0xbc: {  	s0 =	sor.u32 s1, s0  }
0xbd: {  	s0 =	sadd.s32 $0x8F2B, s0  }
0xbe: {  	[sflag:s0] =	ssyncadd.remote.s32 $0x1  }
0xbf: {  	_ =	sfence.sel $0xFFFF  }
0xc0: {  	[dreg:$0x0] =	wrdreg $0xFFFFFFFF;
	(pc) =	sbr.abs _section_cstart, $3  }
0xc1: {  	[dreg:$0x1] =	wrdreg $0xFFFFFFFF  }
0xc2: {  	_ =	task.clear_ibuf [dreg:s7], $0x2FFFF;
	_ =	strace $0x9FFFFFFF  }
0xc3: {  	(tm) =	ssettm $0x7FFFFFFF  }
tec
execute0_lowered:
.L_overlay_start_1:
0x0: {  	(tag) =	ssettag $0x1  }
0x1: {  	s5 =	rddreg [dreg:$0x0]  }
0x2: {  	s1 =	srdreg.scid;
	s2 =	rddreg [dreg:$0x1]  }
0x3: {  	s0 =	stileid.u32;
	s3 =	rddreg [dreg:$0x2]  }
0x4: {  	s4 =	simm.s32 $0x0;
	s13 =	simm.s32 $0x80;
	s14 =	simm.s32 $0x0  }
0x5: {  	s6 =	sand.u32 $0x1, s1;
	s28 =	sshll.u32 s0, $0x1;
	s8 =	smul.u32 $0x14000, s0  }
0x6: {  	[smem:$0x7FF] =	sst s4;
	s29 =	smul.u32 $0x50000, s0;
	s31 =	sshll.u32 s0, $0x6  }
0x7: {  	s1 =	sor.u32 s6, s28;
	s9 =	smul.u32 $0x140000, s6;
	s6 =	ssub.s32 $0x2, s6  }
0x8: {  	s7 =	smul.u32 $0x500, s1;
	s1 =	rddreg [dreg:$0x3];
	_ =	strace $0x80000047  }
0x9: {  	s10 =	sshrl.u32 s8, $0x3;
	s11 =	sshrl.u32 s6, $0x1;
	s30 =	sshrl.u32 s29, $0x2  }
0xa: {  	s8 =	sadd.s32 s8, s9;
	s10 =	sadd.s32 s10, s5;
	s11 =	ssub.s32 s6, s11  }
0xb: {  	s12 =	sadd.s32 s30, s3;
	s6 =	sor.u32 $0x1C01, s31;
	s7 =	sadd.s32 s7, s5  }
0xc: {  	s8 =	sshrl.u32 s8, $0x3;
	s9 =	smax.u32 s11, $0x1;
	s11 =	simm.s32 $0x1  }
0xd: {  	s8 =	sadd.s32 s8, s5;
	s5 =	sadd.s32 $0x1A000, s10;
	s7 =	sadd.s32 $0x10000, s7  }
0xe: {  	s10 =	sshrl.u32 s12, $0x3;
	s12 =	simm.s32 $0x2800;
	s8 =	sadd.s32 $0x42000, s8  }
.LBB2_1:
0xf: {  	[spmem:s10], [sflag:s6] =	dma.local [hbm:s5], $0x2800  }
0x10: {  	_ =	swait.ge [sflag:s11], $0x2800  }
0x11: {  	[sflag:s11] =	ssyncset.done $0x0  }
0x12: {  	[sflag:s11] =	ssyncadd.s32 $0xFFFFD800  }
0x13: {  	[tilespmem:s4], [sflag:$0x1] =	stream.linear.gather [hbm4b:s7+s4], $0x2800, $0x38;
	[tilespmem:$0x1A800] =	vst v63  }
0x14: {  	_ =	swait.ge [sflag:s11], $0x2800  }
0x15: {  	[sflag:s11] =	ssyncset.done $0x0  }
0x16: {  	[sflag:s11] =	ssyncadd.s32 $0xFFFFD800  }
0x17: {  	[tilespmem:s12], [sflag:$0x1] =	stream.linear.gather [hbm4b:s2+s4], $0x4000, $0x38;
	[tilespmem:$0x1A800] =	vst v63  }
0x18: {  	_ =	swait.ge [sflag:s11], $0x4000  }
0x19: {  	[sflag:s11] =	ssyncset.done $0x0  }
0x1a: {  	[sflag:s11] =	ssyncadd.s32 $0xFFFFC000  }
0x1b: {  	s15 =	simm.s32 $0x0;
	[bflag:$0x0] =	sbarrier.arrive $0xFFFF  }
0x1c: {  	[spmem:s3] =	stream.indirect.scatter.add.f32 [tilespmem:s12], [sflag:$0x1], $0x80, s15, s13, $0xb8;
	[tilespmem:$0x1A800] =	vst v63  }
0x1d: {  	_ =	swait.ge [sflag:s11], $0x4000  }
0x1e: {  	s15 =	simm.s32 $0x200;
	[sflag:s11] =	ssyncset.done $0x0  }
.LBB2_2:
0x1f: {  	s16 =	sshra.s32 s15, $0x2;
	[sflag:s11] =	ssyncadd.s32 $0xFFFFC000;
	p0 =	sne.s32 s15, $0x9E00  }
0x20: {  	[spmem:s3] =	stream.indirect.scatter.add.f32 [tilespmem:s12], [sflag:$0x1], $0x80, s16, s13, $0xb8;
	[tilespmem:$0x1A800] =	vst v63  }
.Ltmp0:
0x21: {  	_ = 	snop;
	(pc) =	sbr.rel @p0 .LBB2_2-.Ltmp0, $4  }
0x22: {  	_ = 	snop  }
0x23: {  	s15 =	sadd.s32 $0x200, s15  }
0x24: {  	_ =	swait.ge [sflag:s11], $0x4000  }
0x25: {  	[sflag:s11] =	ssyncset.done $0x0  }
0x26: {  	s14 =	sadd.s32 $0x1, s14  }
0x27: {  	[sflag:s11] =	ssyncadd.s32 $0xFFFFC000;
	p0 =	sne.s32 s14, s9  }
.Ltmp1:
0x28: {  	[bflag:$0x0] =	sbarrier.arrive $0xFFFF;
	(pc) =	sbr.rel @p0 .LBB2_1-.Ltmp1, $4  }
0x29: {  	[hbm:s8], [sflag:s6] =	dma.local [spmem:s10], $0x2800  }
0x2a: {  	_ =	swait.ge [sflag:s11], $0x2800  }
0x2b: {  	[sflag:s11] =	ssyncset.done $0x0  }
0x2c: {  	[sflag:s11] =	ssyncadd.s32 $0xFFFFD800  }
0x2d: {  	_ =	sfence.sel $0x180000  }
0x2e: {  	[bflag:$0x0] =	sbarrier.arrive $0xFFFF  }
0x2f: {  	p0 =	sne.s32 s0, $0x0;
	_ =	strace $0x90000047  }
0x30: {  	s0 =	sadd.s32 @!p0 $0x100000, s1;
	[bflag:$0x2] =	sbarrier.arrive $0xFFFF  }
0x31: {  	[sflag:s0] =	ssyncadd.tile.s32 @!p0 $0x1;
	_ =	shalt  }
.Lfunc_end2:
_tile_overlayer_lowered:
.L_overlay_start_2:
0x32: {  	(tag) =	ssettag $0x2  }
0x33: {  	s0 =	rddreg [dreg:$0x0];
	s2 =	stileid.u32  }
0x34: {  	s1 =	rddreg [dreg:$0x1];
	p0 =	sne.s32 s2, $0x0  }
0x35: {  	s3 =	rddreg [dreg:$0x2];
	[bflag:$0x3] =	sbarrier.arrive $0xFFFF;
	s2 =	simm.s32 @!p0 $0x1C01  }
0x36: {  	[timem:s3], [sflag:s2] =	dma.local @!p0 [hbm:s0], s1  }
0x37: {  	s0 =	simm.s32 @!p0 $0x1  }
0x38: {  	_ =	swait.ge @!p0 [sflag:s0], s1  }
0x39: {  	s1 =	ssub.s32 @!p0 $0x0, s1;
	[sflag:s0] =	ssyncset.done @!p0 $0x0  }
0x3a: {  	[sflag:s0] =	ssyncadd.s32 @!p0 s1  }
0x3b: {  	[bflag:$0x3] =	sbarrier.arrive $0xFFFF  }
0x3c: {  	_ =	shalt  }

// kernel: kernel.16.cloned.1.call-start
scs
__scs_entry_jumppad:
0x0: {  	(pc) =	sbr.rel $0x88, $3  }
0x1: {  	(tag) =	ssettag $0x0;
	lr =	simm.s32 $0x1  }
0x2: {  	[smem:$0x3F90] =	sst lr;
	_ =	strace $0xD0000000  }
0x3: {  	_ = 	snop  }
0x4: {  	_ = 	snop  }
0x5: {  	_ = 	snop  }
0x6: {  	_ = 	snop  }
0x7: {  	_ = 	snop  }
__scs_overlays_trampoline_lowered:
0x8: {  	[smem:$0x3F9F] =	sst s0  }
0x9: {  	[smem:$0x3FA0] =	sst s1  }
0xa: {  	[smem:$0x3FA1] =	sst s2  }
0xb: {  	[smem:$0x3FA2] =	sst s3  }
0xc: {  	[smem:$0x3FA3] =	sst s4  }
0xd: {  	[smem:$0x3FA4] =	sst s5  }
0xe: {  	[smem:$0x3FA5] =	sst s6  }
0xf: {  	[smem:$0x3FA6] =	sst s7  }
0x10: {  	[smem:$0x3FA7] =	sst s8  }
0x11: {  	[smem:$0x3FA8] =	sst s9;
	s0 =	simm.s32 @!p0 $0x0  }
0x12: {  	s1 =	sld [smem:$0x3F8E];
	s0 =	simm.s32 @p0 $0x1  }
0x13: {  	[smem:$0x3FA9] =	sst s0;
	s0 =	simm.s32 @!p1 $0x0  }
0x14: {  	s2 =	sld [smem:$0x3F8D];
	s0 =	simm.s32 @p1 $0x1  }
0x15: {  	[smem:$0x3FAA] =	sst s0;
	s0 =	simm.s32 @!p2 $0x0  }
0x16: {  	s3 =	sld [smem:$0x3FDB];
	s0 =	simm.s32 @p2 $0x1  }
0x17: {  	s4 =	simm.s32 $0x1BF5;
	[smem:$0x3FAC] =	sst s0  }
0x18: {  	s0 =	sld [smem:$0x3F8F];
	_ =	swait.ge [sflag:s4], $0x0  }
0x19: {  	s7 =	sld [smem:$0x3F90]  }
0x1a: {  	s8 =	sadd.s32 $0xFFFFE003, lr  }
0x1b: {  	s9 =	sadd.s32 $0xFFFFFEF7, lr;
	s5 =	simm.s32 $0xFFFFFFFF;
	p2 =	slt.u32 s8, $0xFFFFF086  }
0x1c: {  	p1 =	slt.u32 s9, $0xF7A;
	s5 =	simm.s32 @!p2 $0x0  }
0x1d: {  	s5 =	simm.s32 @p1 $0x1;
	p0 =	seq.s32 s7, s2  }
0x1e: {  	s7 =	smul.u32 @!p0 $0xF7A, s2;
	p2 =	seq.s32 @!p0 s5, $0x0  }
0x1f: {  	s9 =	smul.u32 $0xF7A, s1;
	s8 =	simm.s32 @!p0 $0x1BF5;
	p2 =	por !p2, p0  }
0x20: {  	[sflag:s8] =	ssyncset.s32 @!p0 $0xFFFFF086;
	s6 =	sadd.s32 @!p0 s3, s7;
	s7 =	simm.s32 @!p0 $0x108  }
0x21: {  	s3 =	sadd.s32 s3, s9;
	s6 =	sadd.s32 @!p0 $0x88, s6;
	s7 =	simm.s32 @p2 $0x1082  }
0x22: {  	[simem:s7], [sflag:s8] =	dma.local @!p0 [hbm:s6], $0xF7A  }
0x23: {  	s9 =	sor.u32 $0xD0000000, s2;
	s6 =	simm.s32 $0x108;
	_ =	swait.ge @!p0 [sflag:s8], $0x0  }
0x24: {  	s3 =	sadd.s32 $0x88, s3;
	s6 =	simm.s32 @!p1 $0x1082;
	[sflag:s4] =	ssyncset.s32 $0xFFFFF086  }
0x25: {  	[simem:s6], [sflag:s4] =	dma.local [hbm:s3], $0xF7A  }
0x26: {  	[smem:$0x3F90] =	sst s1;
	(tag) =	ssettag s2;
	_ =	strace s9  }
0x27: {  	s1 =	sld [smem:$0x3FA0]  }
0x28: {  	s2 =	sld [smem:$0x3FA1]  }
0x29: {  	s4 =	sld [smem:$0x3FA3]  }
0x2a: {  	p0 =	seq.s32 s5, $0x0;
	s5 =	sld [smem:$0x3FA4]  }
0x2b: {  	s6 =	sld [smem:$0x3FA5]  }
0x2c: {  	s7 =	sld [smem:$0x3FA6]  }
0x2d: {  	s3 =	simm.s32 $0x108;
	s8 =	sld [smem:$0x3FA7]  }
0x2e: {  	s3 =	simm.s32 @!p0 $0x1082;
	s9 =	sld [smem:$0x3FA8]  }
0x2f: {  	lr =	sadd.s32 s0, s3;
	s0 =	sld [smem:$0x3F9F]  }
0x30: {  	s3 =	sld [smem:$0x3FA2]  }
0x31: {  	[smem:$0x3FAB] =	sst s10  }
0x32: {  	s10 =	sld [smem:$0x3FA9];
	_ =	sdelay $0x3  }
0x33: {  	p0 =	seq.s32 s10, $0x1;
	s10 =	sld [smem:$0x3FAB];
	_ =	sdelay $0x3  }
0x34: {  	[smem:$0x3FAB] =	sst s10  }
0x35: {  	s10 =	sld [smem:$0x3FAA];
	_ =	sdelay $0x3  }
0x36: {  	p1 =	seq.s32 s10, $0x1;
	s10 =	sld [smem:$0x3FAB];
	_ =	sdelay $0x3  }
0x37: {  	[smem:$0x3FAB] =	sst s10  }
0x38: {  	s10 =	sld [smem:$0x3FAC]  }
0x39: {  	_ = 	snop;
	(pc) =	sbr.ind lr, $3  }
0x3a: {  	_ = 	snop  }
0x3b: {  	_ = 	snop  }
0x3c: {  	p2 =	seq.s32 s10, $0x1;
	s10 =	sld [smem:$0x3FAB]  }
0x3d: {  	_ =	shalt  }
0x3e: {  	_ =	shalt  }
0x3f: {  	_ =	shalt  }
0x40: {  	_ =	shalt  }
0x41: {  	_ =	shalt  }
0x42: {  	_ =	shalt  }
0x43: {  	_ =	shalt  }
0x44: {  	_ =	shalt  }
0x45: {  	_ =	shalt  }
0x46: {  	_ =	shalt  }
0x47: {  	_ =	shalt  }
0x48: {  	_ =	shalt  }
0x49: {  	_ =	shalt  }
0x4a: {  	_ =	shalt  }
0x4b: {  	_ =	shalt  }
0x4c: {  	_ =	shalt  }
0x4d: {  	_ =	shalt  }
0x4e: {  	_ =	shalt  }
0x4f: {  	_ =	shalt  }
0x50: {  	_ =	shalt  }
0x51: {  	_ =	shalt  }
0x52: {  	_ =	shalt  }
0x53: {  	_ =	shalt  }
0x54: {  	_ =	shalt  }
0x55: {  	_ =	shalt  }
0x56: {  	_ =	shalt  }
0x57: {  	_ =	shalt  }
0x58: {  	_ =	shalt  }
0x59: {  	_ =	shalt  }
0x5a: {  	_ =	shalt  }
0x5b: {  	_ =	shalt  }
0x5c: {  	_ =	shalt  }
0x5d: {  	_ =	shalt  }
0x5e: {  	_ =	shalt  }
0x5f: {  	_ =	shalt  }
0x60: {  	_ =	shalt  }
0x61: {  	_ =	shalt  }
0x62: {  	_ =	shalt  }
0x63: {  	_ =	shalt  }
0x64: {  	_ =	shalt  }
0x65: {  	_ =	shalt  }
0x66: {  	_ =	shalt  }
0x67: {  	_ =	shalt  }
0x68: {  	_ =	shalt  }
0x69: {  	_ =	shalt  }
0x6a: {  	_ =	shalt  }
0x6b: {  	_ =	shalt  }
0x6c: {  	_ =	shalt  }
0x6d: {  	_ =	shalt  }
0x6e: {  	_ =	shalt  }
0x6f: {  	_ =	shalt  }
0x70: {  	_ =	shalt  }
0x71: {  	_ =	shalt  }
0x72: {  	_ =	shalt  }
0x73: {  	_ =	shalt  }
0x74: {  	_ =	shalt  }
0x75: {  	_ =	shalt  }
0x76: {  	_ =	shalt  }
0x77: {  	_ =	shalt  }
0x78: {  	_ =	shalt  }
0x79: {  	_ =	shalt  }
0x7a: {  	_ =	shalt  }
0x7b: {  	_ =	shalt  }
0x7c: {  	_ =	shalt  }
0x7d: {  	_ =	shalt  }
0x7e: {  	_ =	shalt  }
0x7f: {  	_ =	shalt  }
0x80: {  	_ =	shalt  }
0x81: {  	_ =	shalt  }
0x82: {  	_ =	shalt  }
0x83: {  	_ =	shalt  }
0x84: {  	_ =	shalt  }
0x85: {  	_ =	shalt  }
0x86: {  	_ =	shalt  }
0x87: {  	_ =	shalt  }
.Lfunc_end0:
.L_simem_size_0:
called_computation.1_lowered:
.L_overlay_start_0:
0x88: {  	s2 =	sld [smem:$0x3FD9]  }
0x89: {  	s3 =	sld [smem:$0x3FFE];
	_ =	sdelay $0x1  }
0x8a: {  	s1 =	srdreg.scid  }
0x8b: {  	s0 =	sand.u32 $0x1, s1  }
0x8c: {  	s16 =	sshll.u32 s0, $0xA;
	s2 =	sadd.s32 s3, s2  }
0x8d: {  	s2 =	sadd.s32 s2, s16  }
0x8e: {  	[smem:$0x3FB7] =	sst s2  }
0x8f: {  	_ = 	snop  }
0x90: {  	(tm) =	ssettm $0x1  }
0x91: {  	s17 =	sld [smem:$0x3FFB];
	_ =	sdelay $0x3  }
0x92: {  	_ =	strace s17  }
0x93: {  	s2 =	sld [smem:$0x3FFC];
	_ =	sdelay $0x3  }
0x94: {  	_ =	strace s2  }
0x95: {  	s2 =	sld [smem:$0x3FFD];
	_ =	sdelay $0x3  }
0x96: {  	_ =	strace s2  }
0x97: {  	_ =	strace $0x8FFFFFFF  }
0x98: {  	s18 =	sld [smem:$0x3FDB];
	_ =	sdelay $0x1  }
0x99: {  	s19 =	simm.s32 $_scs_section_size  }
0x9a: {  	s4 =	simm.s32 $_size__tile_overlayer_lowered;
	s5 =	simm.s32 $_tile_overlayer_lowered  }
0x9b: {  	s22 =	simm.s32 $0x1BFF;
	s21 =	sshll.u32 s5, $0x1;
	s2 =	sadd.s32 s19, s18  }
0x9c: {  	s6 =	simm.s32 $0x0;
	s20 =	sshll.u32 s4, $0x1;
	s4 =	sadd.s32 s21, s2  }
0x9d: {  	[timem:s6], [sflag:s22] =	dma.local [hbm:s4], s20  }
0x9e: {  	_ =	swait.ge [sflag:s22], s20  }
0x9f: {  	s3 =	ssub.s32 $0x0, s20;
	[sflag:s22] =	ssyncset.done $0x0  }
0xa0: {  	[sflag:s22] =	ssyncadd.s32 s3;
	_ =	sdelay $0x1  }
0xa1: {  	s23 =	simm.s32 $0x1B8B  }
0xa2: {  	_ =	swait.ge [sflag:s23], $0x1  }
0xa3: {  	[sflag:s23] =	ssyncset.done $0x0  }
0xa4: {  	s25 =	simm.s32 $0x1B8E;
	s24 =	sld [smem:$0x3FFE];
	[sflag:s23] =	ssyncadd.s32 $0xFFFFFFFF  }
0xa5: {  	s26 =	simm.s32 $execute0_lowered;
	[smem:$0x3FD2] =	sst s25  }
0xa6: {  	s4 =	sshll.u32 s26, $0x1;
	_ =	strace $0x80000049;
	[dreg:$0x1] =	wrdreg $0xFFFFFFFF  }
0xa7: {  	s28 =	simm.s32 $_size_execute0_lowered;
	s2 =	sadd.s32 s2, s4;
	[dreg:$0x0] =	wrdreg $0x0  }
0xa8: {  	s4 =	sshll.u32 s28, $0x1;
	[dreg:$0x2] =	wrdreg s2  }
0xa9: {  	[dreg:$0x3] =	wrdreg s4  }
0xaa: {  	[dreg:$0x4] =	wrdreg $0xC0  }
0xab: {  	_ =	task [dreg:s6], $0x5FFFF  }
0xac: {  	[dreg:$0x1] =	wrdreg $0xFFFFFFFF  }
0xad: {  	[dreg:$0x0] =	wrdreg $0x60  }
0xae: {  	[dreg:$0x2] =	wrdreg s24  }
0xaf: {  	[dreg:$0x3] =	wrdreg $0x88000  }
0xb0: {  	[dreg:$0x4] =	wrdreg $0x9  }
0xb1: {  	_ =	task.clear_ibuf [dreg:s6], $0x5FFFF;
	_ =	strace $0x90000049  }
0xb2: {  	s29 =	simm.s32 $0x9;
	_ =	strace $0x8000004B  }
0xb3: {  	_ =	swait.ge [sflag:s29], $0x1  }
0xb4: {  	[sflag:s29] =	ssyncadd.s32 $0xFFFFFFFF  }
0xb5: {  	_ =	strace $0x9000004B  }
0xb6: {  	_ =	sfence  }
0xb7: {  	s30 =	sld [smem:$0x0];
	_ =	sdelay $0x2  }
0xb8: {  	s31 =	sshll.u32 s1, $0xD;
	s1 =	sshrl.u32 s1, $0x2  }
0xb9: {  	s3 =	sand.u32 $0x4000, s31;
	s1 =	sadd.s32 s1, s30  }
0xba: {  	s0 =	sor.u32 s3, s0;
	s1 =	sshll.u32 s1, $0x11  }
0xbb: {  	s0 =	sor.u32 s1, s0  }
0xbc: {  	s0 =	sadd.s32 $0x8F2B, s0  }
0xbd: {  	[sflag:s0] =	ssyncadd.remote.s32 $0x1  }
0xbe: {  	_ =	sfence.sel $0xFFFF  }
0xbf: {  	[dreg:$0x0] =	wrdreg $0xFFFFFFFF;
	(pc) =	sbr.abs _section_cstart, $3  }
0xc0: {  	[dreg:$0x1] =	wrdreg $0xFFFFFFFF  }
0xc1: {  	_ =	task.clear_ibuf [dreg:s6], $0x2FFFF;
	_ =	strace $0x9FFFFFFF  }
0xc2: {  	(tm) =	ssettm $0x7FFFFFFF  }
0xc3: {  	_ =	shalt  }
tec
execute0_lowered:
.L_overlay_start_1:
0x0: {  	(tag) =	ssettag $0x1  }
0x1: {  	s0 =	rddreg [dreg:$0x0]  }
0x2: {  	s2 =	rddreg [dreg:$0x1];
	s10 =	stileid.u32  }
0x3: {  	s4 =	srdreg.scid;
	s3 =	simm.s32 $0x0;
	s12 =	simm.s32 $0x3  }
0x4: {  	s13 =	simm.s32 $0x400;
	s14 =	simm.s32 $0x80;
	s15 =	simm.s32 $0x800  }
0x5: {  	s16 =	simm.s32 $0x4800;
	s17 =	simm.s32 $0x1;
	s18 =	simm.s32 $0x100  }
0x6: {  	s19 =	simm.s32 $0x2;
	s20 =	simm.s32 $0x480;
	s21 =	simm.s32 $0x180  }
0x7: {  	s28 =	simm.s32 $0x300;
	s29 =	simm.s32 $0x680;
	s1 =	smul.u32 $0xA00, s10  }
0x8: {  	s30 =	simm.s32 $0x380;
	s31 =	simm.s32 $0x700;
	s5 =	smul.u32 $0x14000, s10  }
0x9: {  	s7 =	sand.u32 $0x1, s4;
	[smem:$0x7FF] =	sst s3;
	s9 =	smul.u32 $0x50000, s10  }
0xa: {  	s4 =	sadd.s32 $0x42000, s0;
	s25 =	sshll.u32 s10, $0x6;
	s6 =	smul.u32 $0x140000, s7  }
0xb: {  	_ =	strace $0x8000004A;
	s22 =	ssub.s32 $0x2, s7;
	p0 =	sne.s32 s7, $0x0  }
0xc: {  	s1 =	sadd.s32 s1, s0;
	s8 =	sshrl.u32 s5, $0x3;
	s23 =	sshrl.u32 s22, $0x1  }
0xd: {  	s24 =	sshrl.u32 s9, $0x2;
	s5 =	sadd.s32 s5, s6;
	s8 =	sadd.s32 s8, s0  }
0xe: {  	s11 =	sadd.s32 s24, s2;
	s9 =	sadd.s32 $0x10000, s1;
	s10 =	sadd.s32 $0x6000, s1  }
0xf: {  	s24 =	simm.s32 $0x580;
	s1 =	simm.s32 $0x0;
	s5 =	sshrl.u32 s5, $0x3  }
0x10: {  	s6 =	sadd.s32 $0x1A000, s8;
	s8 =	sor.u32 $0x1C03, s25;
	s7 =	sshrl.u32 s11, $0x3  }
.Ltmp0:
0x11: {  	s25 =	simm.s32 $0x280;
	[dreg:$0x3] =	wrdreg s6;
	(pc) =	sbr.rel .LBB2_1-.Ltmp0, $4  }
0x12: {  	s0 =	sadd.s32 s5, s0;
	s5 =	ssub.s32 s22, s23;
	[dreg:$0x4] =	wrdreg s8  }
0x13: {  	s22 =	simm.s32 $0x500;
	[dreg:$0x7] =	wrdreg s7;
	s0 =	sadd.s32 $0x90400, s0  }
0x14: {  	s23 =	simm.s32 $0x200;
	s26 =	smax.u32 s5, $0x1;
	[dreg:$0x5] =	wrdreg s0  }
0x15: {  	[dreg:$0x6] =	wrdreg s26;
	s26 =	simm.s32 $0x600;
	s0 =	simm.s32 $0x780  }
.LBB2_4:
0x16: {  	s6 =	sadd.s32 s5, s10;
	[sflag:s12] =	ssyncadd.s32 $0xFFFFC000  }
0x17: {  	[tilespmem:s3], [sflag:$0x3] =	stream.linear.gather [hbm4b:s6+s3], $0x400, $0x38;
	[tilespmem:$0x1C800] =	vst v63  }
0x18: {  	_ =	swait.ge [sflag:s12], $0x400  }
0x19: {  	[sflag:s12] =	ssyncset.done $0x0  }
0x1a: {  	s11 =	sadd.s32 s5, s9;
	[sflag:s12] =	ssyncadd.s32 $0xFFFFFC00  }
0x1b: {  	[tilespmem:s13], [sflag:$0x3] =	stream.linear.gather [hbm4b:s11+s3], $0x400, $0x38;
	[tilespmem:$0x1C800] =	vst v63  }
0x1c: {  	_ =	swait.ge [sflag:s12], $0x400  }
0x1d: {  	[sflag:s12] =	ssyncset.done $0x0  }
0x1e: {  	[sflag:s12] =	ssyncadd.s32 $0xFFFFFC00  }
0x1f: {  	[tilespmem:s15], [sflag:$0x1] =	stream.indirect.gather [hbm4b:s4+s14], $0x80, s3, s14, $0xb8;
	[tilespmem:$0x1C800] =	vst v63  }
0x20: {  	_ = 	snop  }
0x21: {  	[tilespmem:s16], [sflag:$0x2] =	stream.indirect.gather [hbm4b:s4+s14], $0x80, s14, s14, $0xb8;
	[tilespmem:$0x1C800] =	vst v63  }
0x22: {  	_ =	swait.ge [sflag:s17], $0x4000  }
0x23: {  	[sflag:s17] =	ssyncset.done $0x0  }
0x24: {  	[sflag:s17] =	ssyncadd.s32 $0xFFFFC000  }
0x25: {  	[spmem:s2] =	stream.indirect.scatter.add.f32 [tilespmem:s15], [sflag:$0x3], $0x80, s13, s14, $0xb8;
	[tilespmem:$0x1C800] =	vst v63  }
0x26: {  	_ =	swait.ge [sflag:s12], $0x4000  }
0x27: {  	[sflag:s12] =	ssyncset.done $0x0  }
0x28: {  	[sflag:s12] =	ssyncadd.s32 $0xFFFFC000  }
0x29: {  	[tilespmem:s15], [sflag:$0x1] =	stream.indirect.gather [hbm4b:s4+s14], $0x80, s18, s14, $0xb8;
	[tilespmem:$0x1C800] =	vst v63  }
0x2a: {  	_ =	swait.ge [sflag:s19], $0x4000  }
0x2b: {  	[sflag:s19] =	ssyncset.done $0x0  }
0x2c: {  	[sflag:s19] =	ssyncadd.s32 $0xFFFFC000  }
0x2d: {  	[spmem:s2] =	stream.indirect.scatter.add.f32 [tilespmem:s16], [sflag:$0x3], $0x80, s20, s14, $0xb8;
	[tilespmem:$0x1C800] =	vst v63  }
0x2e: {  	_ =	swait.ge [sflag:s12], $0x4000  }
0x2f: {  	[sflag:s12] =	ssyncset.done $0x0  }
0x30: {  	[sflag:s12] =	ssyncadd.s32 $0xFFFFC000  }
0x31: {  	[tilespmem:s16], [sflag:$0x2] =	stream.indirect.gather [hbm4b:s4+s14], $0x80, s21, s14, $0xb8;
	[tilespmem:$0x1C800] =	vst v63  }
0x32: {  	_ =	swait.ge [sflag:s17], $0x4000  }
0x33: {  	[sflag:s17] =	ssyncset.done $0x0  }
0x34: {  	[sflag:s17] =	ssyncadd.s32 $0xFFFFC000  }
0x35: {  	[spmem:s2] =	stream.indirect.scatter.add.f32 [tilespmem:s15], [sflag:$0x3], $0x80, s22, s14, $0xb8;
	[tilespmem:$0x1C800] =	vst v63  }
0x36: {  	_ =	swait.ge [sflag:s12], $0x4000  }
0x37: {  	[sflag:s12] =	ssyncset.done $0x0  }
0x38: {  	[sflag:s12] =	ssyncadd.s32 $0xFFFFC000  }
0x39: {  	[tilespmem:s15], [sflag:$0x1] =	stream.indirect.gather [hbm4b:s4+s14], $0x80, s23, s14, $0xb8;
	[tilespmem:$0x1C800] =	vst v63  }
0x3a: {  	_ =	swait.ge [sflag:s19], $0x4000  }
0x3b: {  	[sflag:s19] =	ssyncset.done $0x0  }
0x3c: {  	[sflag:s19] =	ssyncadd.s32 $0xFFFFC000  }
0x3d: {  	[spmem:s2] =	stream.indirect.scatter.add.f32 [tilespmem:s16], [sflag:$0x3], $0x80, s24, s14, $0xb8;
	[tilespmem:$0x1C800] =	vst v63  }
0x3e: {  	_ =	swait.ge [sflag:s12], $0x4000  }
0x3f: {  	[sflag:s12] =	ssyncset.done $0x0  }
0x40: {  	[sflag:s12] =	ssyncadd.s32 $0xFFFFC000  }
0x41: {  	[tilespmem:s16], [sflag:$0x2] =	stream.indirect.gather [hbm4b:s4+s14], $0x80, s25, s14, $0xb8;
	[tilespmem:$0x1C800] =	vst v63  }
0x42: {  	_ =	swait.ge [sflag:s17], $0x4000  }
0x43: {  	[sflag:s17] =	ssyncset.done $0x0  }
0x44: {  	[sflag:s17] =	ssyncadd.s32 $0xFFFFC000  }
0x45: {  	[spmem:s2] =	stream.indirect.scatter.add.f32 [tilespmem:s15], [sflag:$0x3], $0x80, s26, s14, $0xb8;
	[tilespmem:$0x1C800] =	vst v63  }
0x46: {  	_ =	swait.ge [sflag:s12], $0x4000  }
0x47: {  	[sflag:s12] =	ssyncset.done $0x0  }
0x48: {  	[sflag:s12] =	ssyncadd.s32 $0xFFFFC000  }
0x49: {  	[tilespmem:s15], [sflag:$0x1] =	stream.indirect.gather [hbm4b:s4+s14], $0x80, s28, s14, $0xb8;
	[tilespmem:$0x1C800] =	vst v63  }
0x4a: {  	_ =	swait.ge [sflag:s19], $0x4000  }
0x4b: {  	[sflag:s19] =	ssyncset.done $0x0  }
0x4c: {  	[sflag:s19] =	ssyncadd.s32 $0xFFFFC000  }
0x4d: {  	[spmem:s2] =	stream.indirect.scatter.add.f32 [tilespmem:s16], [sflag:$0x3], $0x80, s29, s14, $0xb8;
	[tilespmem:$0x1C800] =	vst v63  }
0x4e: {  	_ =	swait.ge [sflag:s12], $0x4000  }
0x4f: {  	[sflag:s12] =	ssyncset.done $0x0  }
0x50: {  	[sflag:s12] =	ssyncadd.s32 $0xFFFFC000  }
0x51: {  	[tilespmem:s16], [sflag:$0x2] =	stream.indirect.gather [hbm4b:s4+s14], $0x80, s30, s14, $0xb8;
	[tilespmem:$0x1C800] =	vst v63  }
0x52: {  	_ =	swait.ge [sflag:s17], $0x4000  }
0x53: {  	[sflag:s17] =	ssyncset.done $0x0  }
0x54: {  	[sflag:s17] =	ssyncadd.s32 $0xFFFFC000  }
0x55: {  	[spmem:s2] =	stream.indirect.scatter.add.f32 [tilespmem:s15], [sflag:$0x3], $0x80, s31, s14, $0xb8;
	[tilespmem:$0x1C800] =	vst v63  }
0x56: {  	_ =	swait.ge [sflag:s12], $0x4000  }
0x57: {  	[sflag:s12] =	ssyncset.done $0x0  }
0x58: {  	[sflag:s12] =	ssyncadd.s32 $0xFFFFC000  }
0x59: {  	_ =	swait.ge [sflag:s19], $0x4000  }
0x5a: {  	[sflag:s19] =	ssyncset.done $0x0  }
0x5b: {  	[sflag:s19] =	ssyncadd.s32 $0xFFFFC000  }
0x5c: {  	[spmem:s2] =	stream.indirect.scatter.add.f32 [tilespmem:s16], [sflag:$0x3], $0x80, s0, s14, $0xb8;
	[tilespmem:$0x1C800] =	vst v63  }
0x5d: {  	_ =	swait.ge [sflag:s12], $0x4000  }
0x5e: {  	s6 =	rddreg [dreg:$0x3]  }
0x5f: {  	[sflag:s12] =	ssyncset.done $0x0;
	s8 =	rddreg [dreg:$0x4]  }
0x60: {  	s7 =	rddreg [dreg:$0x7];
	[sflag:s12] =	ssyncadd.s32 $0xFFFFC000  }
.LBB2_5:
0x61: {  	[bflag:$0x0] =	sbarrier.arrive $0xFFFF  }
0x62: {  	s5 =	rddreg [dreg:$0x5]  }
0x63: {  	[hbm:s5], [sflag:s8] =	dma.local [spmem:s7], $0x2800  }
0x64: {  	_ =	swait.ge [sflag:s12], $0x2800  }
0x65: {  	s1 =	sadd.s32 $0x1, s1;
	s11 =	rddreg [dreg:$0x6]  }
0x66: {  	p1 =	sne.s32 s1, s11  }
.Ltmp1:
0x67: {  	_ = 	snop;
	(pc) =	sbr.rel @!p1 .LBB2_6-.Ltmp1, $3  }
0x68: {  	_ =	sdelay $0x1  }
0x69: {  	[sflag:s12] =	ssyncset.done $0x0  }
0x6a: {  	[sflag:s12] =	ssyncadd.s32 $0xFFFFD800  }
.LBB2_1:
0x6b: {  	[spmem:s7], [sflag:s8] =	dma.local [hbm:s6], $0x2800  }
.Ltmp2:
0x6c: {  	_ =	swait.ge [sflag:s12], $0x2800;
	(pc) =	sbr.rel @p0 .LBB2_5-.Ltmp2, $3  }
0x6d: {  	[sflag:s12] =	ssyncset.done $0x0  }
0x6e: {  	[sflag:s12] =	ssyncadd.s32 $0xFFFFD800  }
0x6f: {  	[bflag:$0x0] =	sbarrier.arrive $0xFFFF;
	_ =	sdelay $0x1  }
0x70: {  	s5 =	sadd.s32 $0x0, s10  }
0x71: {  	[tilespmem:s3], [sflag:$0x3] =	stream.linear.gather [hbm4b:s5+s3], $0x400, $0x38;
	[tilespmem:$0x1C800] =	vst v63  }
0x72: {  	_ =	swait.ge [sflag:s12], $0x400  }
0x73: {  	[sflag:s12] =	ssyncset.done $0x0  }
0x74: {  	s11 =	sadd.s32 $0x0, s9;
	[sflag:s12] =	ssyncadd.s32 $0xFFFFFC00  }
0x75: {  	[tilespmem:s13], [sflag:$0x3] =	stream.linear.gather [hbm4b:s11+s3], $0x400, $0x38;
	[tilespmem:$0x1C800] =	vst v63  }
0x76: {  	_ =	swait.ge [sflag:s12], $0x400  }
0x77: {  	[sflag:s12] =	ssyncset.done $0x0  }
0x78: {  	[sflag:s12] =	ssyncadd.s32 $0xFFFFFC00  }
0x79: {  	[tilespmem:s15], [sflag:$0x1] =	stream.indirect.gather [hbm4b:s4+s14], $0x80, s3, s14, $0xb8;
	[tilespmem:$0x1C800] =	vst v63  }
0x7a: {  	_ = 	snop  }
0x7b: {  	[tilespmem:s16], [sflag:$0x2] =	stream.indirect.gather [hbm4b:s4+s14], $0x80, s14, s14, $0xb8;
	[tilespmem:$0x1C800] =	vst v63  }
0x7c: {  	_ =	swait.ge [sflag:s17], $0x4000  }
0x7d: {  	[sflag:s17] =	ssyncset.done $0x0  }
0x7e: {  	[sflag:s17] =	ssyncadd.s32 $0xFFFFC000  }
0x7f: {  	[spmem:s2] =	stream.indirect.scatter.add.f32 [tilespmem:s15], [sflag:$0x3], $0x80, s13, s14, $0xb8;
	[tilespmem:$0x1C800] =	vst v63  }
0x80: {  	_ =	swait.ge [sflag:s12], $0x4000  }
0x81: {  	[sflag:s12] =	ssyncset.done $0x0  }
0x82: {  	[sflag:s12] =	ssyncadd.s32 $0xFFFFC000  }
0x83: {  	[tilespmem:s15], [sflag:$0x1] =	stream.indirect.gather [hbm4b:s4+s14], $0x80, s18, s14, $0xb8;
	[tilespmem:$0x1C800] =	vst v63  }
0x84: {  	_ =	swait.ge [sflag:s19], $0x4000  }
0x85: {  	[sflag:s19] =	ssyncset.done $0x0  }
0x86: {  	[sflag:s19] =	ssyncadd.s32 $0xFFFFC000  }
0x87: {  	[spmem:s2] =	stream.indirect.scatter.add.f32 [tilespmem:s16], [sflag:$0x3], $0x80, s20, s14, $0xb8;
	[tilespmem:$0x1C800] =	vst v63  }
0x88: {  	_ =	swait.ge [sflag:s12], $0x4000  }
0x89: {  	[sflag:s12] =	ssyncset.done $0x0  }
0x8a: {  	[sflag:s12] =	ssyncadd.s32 $0xFFFFC000  }
0x8b: {  	[tilespmem:s16], [sflag:$0x2] =	stream.indirect.gather [hbm4b:s4+s14], $0x80, s21, s14, $0xb8;
	[tilespmem:$0x1C800] =	vst v63  }
0x8c: {  	_ =	swait.ge [sflag:s17], $0x4000  }
0x8d: {  	[sflag:s17] =	ssyncset.done $0x0  }
0x8e: {  	[sflag:s17] =	ssyncadd.s32 $0xFFFFC000  }
0x8f: {  	[spmem:s2] =	stream.indirect.scatter.add.f32 [tilespmem:s15], [sflag:$0x3], $0x80, s22, s14, $0xb8;
	[tilespmem:$0x1C800] =	vst v63  }
0x90: {  	_ =	swait.ge [sflag:s12], $0x4000  }
0x91: {  	[sflag:s12] =	ssyncset.done $0x0  }
0x92: {  	[sflag:s12] =	ssyncadd.s32 $0xFFFFC000  }
0x93: {  	[tilespmem:s15], [sflag:$0x1] =	stream.indirect.gather [hbm4b:s4+s14], $0x80, s23, s14, $0xb8;
	[tilespmem:$0x1C800] =	vst v63  }
0x94: {  	_ =	swait.ge [sflag:s19], $0x4000  }
0x95: {  	[sflag:s19] =	ssyncset.done $0x0  }
0x96: {  	[sflag:s19] =	ssyncadd.s32 $0xFFFFC000  }
0x97: {  	[spmem:s2] =	stream.indirect.scatter.add.f32 [tilespmem:s16], [sflag:$0x3], $0x80, s24, s14, $0xb8;
	[tilespmem:$0x1C800] =	vst v63  }
0x98: {  	_ =	swait.ge [sflag:s12], $0x4000  }
0x99: {  	[sflag:s12] =	ssyncset.done $0x0  }
0x9a: {  	[sflag:s12] =	ssyncadd.s32 $0xFFFFC000  }
0x9b: {  	[tilespmem:s16], [sflag:$0x2] =	stream.indirect.gather [hbm4b:s4+s14], $0x80, s25, s14, $0xb8;
	[tilespmem:$0x1C800] =	vst v63  }
0x9c: {  	_ =	swait.ge [sflag:s17], $0x4000  }
0x9d: {  	[sflag:s17] =	ssyncset.done $0x0  }
0x9e: {  	[sflag:s17] =	ssyncadd.s32 $0xFFFFC000  }
0x9f: {  	[spmem:s2] =	stream.indirect.scatter.add.f32 [tilespmem:s15], [sflag:$0x3], $0x80, s26, s14, $0xb8;
	[tilespmem:$0x1C800] =	vst v63  }
0xa0: {  	_ =	swait.ge [sflag:s12], $0x4000  }
0xa1: {  	[sflag:s12] =	ssyncset.done $0x0  }
0xa2: {  	[sflag:s12] =	ssyncadd.s32 $0xFFFFC000  }
0xa3: {  	[tilespmem:s15], [sflag:$0x1] =	stream.indirect.gather [hbm4b:s4+s14], $0x80, s28, s14, $0xb8;
	[tilespmem:$0x1C800] =	vst v63  }
0xa4: {  	_ =	swait.ge [sflag:s19], $0x4000  }
0xa5: {  	[sflag:s19] =	ssyncset.done $0x0  }
0xa6: {  	[sflag:s19] =	ssyncadd.s32 $0xFFFFC000  }
0xa7: {  	[spmem:s2] =	stream.indirect.scatter.add.f32 [tilespmem:s16], [sflag:$0x3], $0x80, s29, s14, $0xb8;
	[tilespmem:$0x1C800] =	vst v63  }
0xa8: {  	_ =	swait.ge [sflag:s12], $0x4000  }
0xa9: {  	[sflag:s12] =	ssyncset.done $0x0  }
0xaa: {  	[sflag:s12] =	ssyncadd.s32 $0xFFFFC000  }
0xab: {  	[tilespmem:s16], [sflag:$0x2] =	stream.indirect.gather [hbm4b:s4+s14], $0x80, s30, s14, $0xb8;
	[tilespmem:$0x1C800] =	vst v63  }
0xac: {  	_ =	swait.ge [sflag:s17], $0x4000  }
0xad: {  	[sflag:s17] =	ssyncset.done $0x0  }
0xae: {  	[sflag:s17] =	ssyncadd.s32 $0xFFFFC000  }
0xaf: {  	[spmem:s2] =	stream.indirect.scatter.add.f32 [tilespmem:s15], [sflag:$0x3], $0x80, s31, s14, $0xb8;
	[tilespmem:$0x1C800] =	vst v63  }
0xb0: {  	_ =	swait.ge [sflag:s12], $0x4000  }
0xb1: {  	[sflag:s12] =	ssyncset.done $0x0  }
0xb2: {  	[sflag:s12] =	ssyncadd.s32 $0xFFFFC000  }
0xb3: {  	_ =	swait.ge [sflag:s19], $0x4000  }
0xb4: {  	[sflag:s19] =	ssyncset.done $0x0  }
0xb5: {  	[sflag:s19] =	ssyncadd.s32 $0xFFFFC000  }
0xb6: {  	[spmem:s2] =	stream.indirect.scatter.add.f32 [tilespmem:s16], [sflag:$0x3], $0x80, s0, s14, $0xb8;
	[tilespmem:$0x1C800] =	vst v63  }
0xb7: {  	_ =	swait.ge [sflag:s12], $0x4000  }
0xb8: {  	s7 =	simm.s32 $0x100;
	s5 =	simm.s32 $0x80;
	[sflag:s12] =	ssyncset.done $0x0  }
.LBB2_3:
0xb9: {  	s6 =	sadd.s32 s5, s10  }
0xba: {  	[sflag:s12] =	ssyncadd.s32 $0xFFFFC000;
	s11 =	smov.u32 s7;
	s8 =	sadd.s32 $0x80, s7  }
0xbb: {  	[tilespmem:s3], [sflag:$0x3] =	stream.linear.gather [hbm4b:s6+s3], $0x400, $0x38;
	[tilespmem:$0x1C800] =	vst v63  }
0xbc: {  	p1 =	sne.s32 s7, $0x980;
	_ =	swait.ge [sflag:s12], $0x400  }
0xbd: {  	[sflag:s12] =	ssyncset.done $0x0  }
0xbe: {  	s6 =	sadd.s32 s5, s9;
	s5 =	smov.u32 s11;
	[sflag:s12] =	ssyncadd.s32 $0xFFFFFC00  }
0xbf: {  	[tilespmem:s13], [sflag:$0x3] =	stream.linear.gather [hbm4b:s6+s3], $0x400, $0x38;
	[tilespmem:$0x1C800] =	vst v63  }
0xc0: {  	_ =	swait.ge [sflag:s12], $0x400  }
0xc1: {  	[sflag:s12] =	ssyncset.done $0x0  }
0xc2: {  	[sflag:s12] =	ssyncadd.s32 $0xFFFFFC00  }
0xc3: {  	[tilespmem:s15], [sflag:$0x1] =	stream.indirect.gather [hbm4b:s4+s14], $0x80, s3, s14, $0xb8;
	[tilespmem:$0x1C800] =	vst v63  }
0xc4: {  	_ = 	snop  }
0xc5: {  	[tilespmem:s16], [sflag:$0x2] =	stream.indirect.gather [hbm4b:s4+s14], $0x80, s14, s14, $0xb8;
	[tilespmem:$0x1C800] =	vst v63  }
0xc6: {  	_ =	swait.ge [sflag:s17], $0x4000  }
0xc7: {  	[sflag:s17] =	ssyncset.done $0x0  }
0xc8: {  	[sflag:s17] =	ssyncadd.s32 $0xFFFFC000  }
0xc9: {  	[spmem:s2] =	stream.indirect.scatter.add.f32 [tilespmem:s15], [sflag:$0x3], $0x80, s13, s14, $0xb8;
	[tilespmem:$0x1C800] =	vst v63  }
0xca: {  	_ =	swait.ge [sflag:s12], $0x4000  }
0xcb: {  	[sflag:s12] =	ssyncset.done $0x0  }
0xcc: {  	[sflag:s12] =	ssyncadd.s32 $0xFFFFC000  }
0xcd: {  	[tilespmem:s15], [sflag:$0x1] =	stream.indirect.gather [hbm4b:s4+s14], $0x80, s18, s14, $0xb8;
	[tilespmem:$0x1C800] =	vst v63  }
0xce: {  	_ =	swait.ge [sflag:s19], $0x4000  }
0xcf: {  	[sflag:s19] =	ssyncset.done $0x0  }
0xd0: {  	[sflag:s19] =	ssyncadd.s32 $0xFFFFC000  }
0xd1: {  	[spmem:s2] =	stream.indirect.scatter.add.f32 [tilespmem:s16], [sflag:$0x3], $0x80, s20, s14, $0xb8;
	[tilespmem:$0x1C800] =	vst v63  }
0xd2: {  	_ =	swait.ge [sflag:s12], $0x4000  }
0xd3: {  	[sflag:s12] =	ssyncset.done $0x0  }
0xd4: {  	[sflag:s12] =	ssyncadd.s32 $0xFFFFC000  }
0xd5: {  	[tilespmem:s16], [sflag:$0x2] =	stream.indirect.gather [hbm4b:s4+s14], $0x80, s21, s14, $0xb8;
	[tilespmem:$0x1C800] =	vst v63  }
0xd6: {  	_ =	swait.ge [sflag:s17], $0x4000  }
0xd7: {  	[sflag:s17] =	ssyncset.done $0x0  }
0xd8: {  	[sflag:s17] =	ssyncadd.s32 $0xFFFFC000  }
0xd9: {  	[spmem:s2] =	stream.indirect.scatter.add.f32 [tilespmem:s15], [sflag:$0x3], $0x80, s22, s14, $0xb8;
	[tilespmem:$0x1C800] =	vst v63  }
0xda: {  	_ =	swait.ge [sflag:s12], $0x4000  }
0xdb: {  	[sflag:s12] =	ssyncset.done $0x0  }
0xdc: {  	[sflag:s12] =	ssyncadd.s32 $0xFFFFC000  }
0xdd: {  	[tilespmem:s15], [sflag:$0x1] =	stream.indirect.gather [hbm4b:s4+s14], $0x80, s23, s14, $0xb8;
	[tilespmem:$0x1C800] =	vst v63  }
0xde: {  	_ =	swait.ge [sflag:s19], $0x4000  }
0xdf: {  	[sflag:s19] =	ssyncset.done $0x0  }
0xe0: {  	[sflag:s19] =	ssyncadd.s32 $0xFFFFC000  }
0xe1: {  	[spmem:s2] =	stream.indirect.scatter.add.f32 [tilespmem:s16], [sflag:$0x3], $0x80, s24, s14, $0xb8;
	[tilespmem:$0x1C800] =	vst v63  }
0xe2: {  	_ =	swait.ge [sflag:s12], $0x4000  }
0xe3: {  	[sflag:s12] =	ssyncset.done $0x0  }
0xe4: {  	[sflag:s12] =	ssyncadd.s32 $0xFFFFC000  }
0xe5: {  	[tilespmem:s16], [sflag:$0x2] =	stream.indirect.gather [hbm4b:s4+s14], $0x80, s25, s14, $0xb8;
	[tilespmem:$0x1C800] =	vst v63  }
0xe6: {  	_ =	swait.ge [sflag:s17], $0x4000  }
0xe7: {  	[sflag:s17] =	ssyncset.done $0x0  }
0xe8: {  	[sflag:s17] =	ssyncadd.s32 $0xFFFFC000  }
0xe9: {  	[spmem:s2] =	stream.indirect.scatter.add.f32 [tilespmem:s15], [sflag:$0x3], $0x80, s26, s14, $0xb8;
	[tilespmem:$0x1C800] =	vst v63  }
0xea: {  	_ =	swait.ge [sflag:s12], $0x4000  }
0xeb: {  	[sflag:s12] =	ssyncset.done $0x0  }
0xec: {  	[sflag:s12] =	ssyncadd.s32 $0xFFFFC000  }
0xed: {  	[tilespmem:s15], [sflag:$0x1] =	stream.indirect.gather [hbm4b:s4+s14], $0x80, s28, s14, $0xb8;
	[tilespmem:$0x1C800] =	vst v63  }
0xee: {  	_ =	swait.ge [sflag:s19], $0x4000  }
0xef: {  	[sflag:s19] =	ssyncset.done $0x0  }
0xf0: {  	[sflag:s19] =	ssyncadd.s32 $0xFFFFC000  }
0xf1: {  	[spmem:s2] =	stream.indirect.scatter.add.f32 [tilespmem:s16], [sflag:$0x3], $0x80, s29, s14, $0xb8;
	[tilespmem:$0x1C800] =	vst v63  }
0xf2: {  	_ =	swait.ge [sflag:s12], $0x4000  }
0xf3: {  	[sflag:s12] =	ssyncset.done $0x0  }
0xf4: {  	[sflag:s12] =	ssyncadd.s32 $0xFFFFC000  }
0xf5: {  	[tilespmem:s16], [sflag:$0x2] =	stream.indirect.gather [hbm4b:s4+s14], $0x80, s30, s14, $0xb8;
	[tilespmem:$0x1C800] =	vst v63  }
0xf6: {  	_ =	swait.ge [sflag:s17], $0x4000  }
0xf7: {  	[sflag:s17] =	ssyncset.done $0x0  }
0xf8: {  	[sflag:s17] =	ssyncadd.s32 $0xFFFFC000  }
0xf9: {  	[spmem:s2] =	stream.indirect.scatter.add.f32 [tilespmem:s15], [sflag:$0x3], $0x80, s31, s14, $0xb8;
	[tilespmem:$0x1C800] =	vst v63  }
0xfa: {  	_ =	swait.ge [sflag:s12], $0x4000  }
0xfb: {  	[sflag:s12] =	ssyncset.done $0x0  }
0xfc: {  	[sflag:s12] =	ssyncadd.s32 $0xFFFFC000  }
0xfd: {  	_ =	swait.ge [sflag:s19], $0x4000  }
.Ltmp3:
0xfe: {  	[sflag:s19] =	ssyncset.done $0x0;
	(pc) =	sbr.rel @p1 .LBB2_3-.Ltmp3, $4  }
0xff: {  	[sflag:s19] =	ssyncadd.s32 $0xFFFFC000  }
0x100: {  	[spmem:s2] =	stream.indirect.scatter.add.f32 [tilespmem:s16], [sflag:$0x3], $0x80, s0, s14, $0xb8;
	[tilespmem:$0x1C800] =	vst v63  }
0x101: {  	_ =	swait.ge [sflag:s12], $0x4000  }
0x102: {  	s7 =	smov.u32 s8;
	[sflag:s12] =	ssyncset.done $0x0  }
.Ltmp4:
0x103: {  	_ = 	snop;
	(pc) =	sbr.rel .LBB2_4-.Ltmp4, $1  }
0x104: {  	_ =	sdelay $0x3  }
.LBB2_6:
0x105: {  	_ =	sfence.sel $0x180000  }
0x106: {  	[bflag:$0x0] =	sbarrier.arrive $0xFFFF  }
0x107: {  	_ =	strace $0x9000004A  }
0x108: {  	s0 =	stileid.u32;
	[bflag:$0x2] =	sbarrier.arrive $0xFFFF  }
0x109: {  	p0 =	sne.s32 s0, $0x0;
	s0 =	rddreg [dreg:$0x2]  }
0x10a: {  	s0 =	sadd.s32 @!p0 $0x100000, s0  }
0x10b: {  	[sflag:s0] =	ssyncadd.tile.s32 @!p0 $0x1;
	_ =	shalt  }
.Lfunc_end2:
_tile_overlayer_lowered:
.L_overlay_start_2:
0x10c: {  	(tag) =	ssettag $0x2  }
0x10d: {  	s0 =	rddreg [dreg:$0x0];
	s2 =	stileid.u32  }
0x10e: {  	s1 =	rddreg [dreg:$0x1];
	p0 =	sne.s32 s2, $0x0  }
0x10f: {  	s3 =	rddreg [dreg:$0x2];
	[bflag:$0x3] =	sbarrier.arrive $0xFFFF;
	s2 =	simm.s32 @!p0 $0x1C03  }
0x110: {  	[timem:s3], [sflag:s2] =	dma.local @!p0 [hbm:s0], s1  }
0x111: {  	s0 =	simm.s32 @!p0 $0x3  }
0x112: {  	_ =	swait.ge @!p0 [sflag:s0], s1  }
0x113: {  	s1 =	ssub.s32 @!p0 $0x0, s1;
	[sflag:s0] =	ssyncset.done @!p0 $0x0  }
0x114: {  	[sflag:s0] =	ssyncadd.s32 @!p0 s1  }
0x115: {  	[bflag:$0x3] =	sbarrier.arrive $0xFFFF  }
0x116: {  	_ =	shalt  }

// kernel: kernel.19.cloned.1.call-start
scs
__scs_entry_jumppad:
0x0: {  	(pc) =	sbr.rel $0x88, $3  }
0x1: {  	(tag) =	ssettag $0x0;
	lr =	simm.s32 $0x1  }
0x2: {  	[smem:$0x3F90] =	sst lr;
	_ =	strace $0xD0000000  }
0x3: {  	_ = 	snop  }
0x4: {  	_ = 	snop  }
0x5: {  	_ = 	snop  }
0x6: {  	_ = 	snop  }
0x7: {  	_ = 	snop  }
__scs_overlays_trampoline_lowered:
0x8: {  	[smem:$0x3F9F] =	sst s0  }
0x9: {  	[smem:$0x3FA0] =	sst s1  }
0xa: {  	[smem:$0x3FA1] =	sst s2  }
0xb: {  	[smem:$0x3FA2] =	sst s3  }
0xc: {  	[smem:$0x3FA3] =	sst s4  }
0xd: {  	[smem:$0x3FA4] =	sst s5  }
0xe: {  	[smem:$0x3FA5] =	sst s6  }
0xf: {  	[smem:$0x3FA6] =	sst s7  }
0x10: {  	[smem:$0x3FA7] =	sst s8  }
0x11: {  	[smem:$0x3FA8] =	sst s9;
	s0 =	simm.s32 @!p0 $0x0  }
0x12: {  	s1 =	sld [smem:$0x3F8E];
	s0 =	simm.s32 @p0 $0x1  }
0x13: {  	[smem:$0x3FA9] =	sst s0;
	s0 =	simm.s32 @!p1 $0x0  }
0x14: {  	s2 =	sld [smem:$0x3F8D];
	s0 =	simm.s32 @p1 $0x1  }
0x15: {  	[smem:$0x3FAA] =	sst s0;
	s0 =	simm.s32 @!p2 $0x0  }
0x16: {  	s3 =	sld [smem:$0x3FDB];
	s0 =	simm.s32 @p2 $0x1  }
0x17: {  	s4 =	simm.s32 $0x1BF5;
	[smem:$0x3FAC] =	sst s0  }
0x18: {  	s0 =	sld [smem:$0x3F8F];
	_ =	swait.ge [sflag:s4], $0x0  }
0x19: {  	s7 =	sld [smem:$0x3F90]  }
0x1a: {  	s8 =	sadd.s32 $0xFFFFE003, lr  }
0x1b: {  	s9 =	sadd.s32 $0xFFFFFEF7, lr;
	s5 =	simm.s32 $0xFFFFFFFF;
	p2 =	slt.u32 s8, $0xFFFFF086  }
0x1c: {  	p1 =	slt.u32 s9, $0xF7A;
	s5 =	simm.s32 @!p2 $0x0  }
0x1d: {  	s5 =	simm.s32 @p1 $0x1;
	p0 =	seq.s32 s7, s2  }
0x1e: {  	s7 =	smul.u32 @!p0 $0xF7A, s2;
	p2 =	seq.s32 @!p0 s5, $0x0  }
0x1f: {  	s9 =	smul.u32 $0xF7A, s1;
	s8 =	simm.s32 @!p0 $0x1BF5;
	p2 =	por !p2, p0  }
0x20: {  	[sflag:s8] =	ssyncset.s32 @!p0 $0xFFFFF086;
	s6 =	sadd.s32 @!p0 s3, s7;
	s7 =	simm.s32 @!p0 $0x108  }
0x21: {  	s3 =	sadd.s32 s3, s9;
	s6 =	sadd.s32 @!p0 $0x88, s6;
	s7 =	simm.s32 @p2 $0x1082  }
0x22: {  	[simem:s7], [sflag:s8] =	dma.local @!p0 [hbm:s6], $0xF7A  }
0x23: {  	s9 =	sor.u32 $0xD0000000, s2;
	s6 =	simm.s32 $0x108;
	_ =	swait.ge @!p0 [sflag:s8], $0x0  }
0x24: {  	s3 =	sadd.s32 $0x88, s3;
	s6 =	simm.s32 @!p1 $0x1082;
	[sflag:s4] =	ssyncset.s32 $0xFFFFF086  }
0x25: {  	[simem:s6], [sflag:s4] =	dma.local [hbm:s3], $0xF7A  }
0x26: {  	[smem:$0x3F90] =	sst s1;
	(tag) =	ssettag s2;
	_ =	strace s9  }
0x27: {  	s1 =	sld [smem:$0x3FA0]  }
0x28: {  	s2 =	sld [smem:$0x3FA1]  }
0x29: {  	s4 =	sld [smem:$0x3FA3]  }
0x2a: {  	p0 =	seq.s32 s5, $0x0;
	s5 =	sld [smem:$0x3FA4]  }
0x2b: {  	s6 =	sld [smem:$0x3FA5]  }
0x2c: {  	s7 =	sld [smem:$0x3FA6]  }
0x2d: {  	s3 =	simm.s32 $0x108;
	s8 =	sld [smem:$0x3FA7]  }
0x2e: {  	s3 =	simm.s32 @!p0 $0x1082;
	s9 =	sld [smem:$0x3FA8]  }
0x2f: {  	lr =	sadd.s32 s0, s3;
	s0 =	sld [smem:$0x3F9F]  }
0x30: {  	s3 =	sld [smem:$0x3FA2]  }
0x31: {  	[smem:$0x3FAB] =	sst s10  }
0x32: {  	s10 =	sld [smem:$0x3FA9];
	_ =	sdelay $0x3  }
0x33: {  	p0 =	seq.s32 s10, $0x1;
	s10 =	sld [smem:$0x3FAB];
	_ =	sdelay $0x3  }
0x34: {  	[smem:$0x3FAB] =	sst s10  }
0x35: {  	s10 =	sld [smem:$0x3FAA];
	_ =	sdelay $0x3  }
0x36: {  	p1 =	seq.s32 s10, $0x1;
	s10 =	sld [smem:$0x3FAB];
	_ =	sdelay $0x3  }
0x37: {  	[smem:$0x3FAB] =	sst s10  }
0x38: {  	s10 =	sld [smem:$0x3FAC]  }
0x39: {  	_ = 	snop;
	(pc) =	sbr.ind lr, $3  }
0x3a: {  	_ = 	snop  }
0x3b: {  	_ = 	snop  }
0x3c: {  	p2 =	seq.s32 s10, $0x1;
	s10 =	sld [smem:$0x3FAB]  }
0x3d: {  	_ =	shalt  }
0x3e: {  	_ =	shalt  }
0x3f: {  	_ =	shalt  }
0x40: {  	_ =	shalt  }
0x41: {  	_ =	shalt  }
0x42: {  	_ =	shalt  }
0x43: {  	_ =	shalt  }
0x44: {  	_ =	shalt  }
0x45: {  	_ =	shalt  }
0x46: {  	_ =	shalt  }
0x47: {  	_ =	shalt  }
0x48: {  	_ =	shalt  }
0x49: {  	_ =	shalt  }
0x4a: {  	_ =	shalt  }
0x4b: {  	_ =	shalt  }
0x4c: {  	_ =	shalt  }
0x4d: {  	_ =	shalt  }
0x4e: {  	_ =	shalt  }
0x4f: {  	_ =	shalt  }
0x50: {  	_ =	shalt  }
0x51: {  	_ =	shalt  }
0x52: {  	_ =	shalt  }
0x53: {  	_ =	shalt  }
0x54: {  	_ =	shalt  }
0x55: {  	_ =	shalt  }
0x56: {  	_ =	shalt  }
0x57: {  	_ =	shalt  }
0x58: {  	_ =	shalt  }
0x59: {  	_ =	shalt  }
0x5a: {  	_ =	shalt  }
0x5b: {  	_ =	shalt  }
0x5c: {  	_ =	shalt  }
0x5d: {  	_ =	shalt  }
0x5e: {  	_ =	shalt  }
0x5f: {  	_ =	shalt  }
0x60: {  	_ =	shalt  }
0x61: {  	_ =	shalt  }
0x62: {  	_ =	shalt  }
0x63: {  	_ =	shalt  }
0x64: {  	_ =	shalt  }
0x65: {  	_ =	shalt  }
0x66: {  	_ =	shalt  }
0x67: {  	_ =	shalt  }
0x68: {  	_ =	shalt  }
0x69: {  	_ =	shalt  }
0x6a: {  	_ =	shalt  }
0x6b: {  	_ =	shalt  }
0x6c: {  	_ =	shalt  }
0x6d: {  	_ =	shalt  }
0x6e: {  	_ =	shalt  }
0x6f: {  	_ =	shalt  }
0x70: {  	_ =	shalt  }
0x71: {  	_ =	shalt  }
0x72: {  	_ =	shalt  }
0x73: {  	_ =	shalt  }
0x74: {  	_ =	shalt  }
0x75: {  	_ =	shalt  }
0x76: {  	_ =	shalt  }
0x77: {  	_ =	shalt  }
0x78: {  	_ =	shalt  }
0x79: {  	_ =	shalt  }
0x7a: {  	_ =	shalt  }
0x7b: {  	_ =	shalt  }
0x7c: {  	_ =	shalt  }
0x7d: {  	_ =	shalt  }
0x7e: {  	_ =	shalt  }
0x7f: {  	_ =	shalt  }
0x80: {  	_ =	shalt  }
0x81: {  	_ =	shalt  }
0x82: {  	_ =	shalt  }
0x83: {  	_ =	shalt  }
0x84: {  	_ =	shalt  }
0x85: {  	_ =	shalt  }
0x86: {  	_ =	shalt  }
0x87: {  	_ =	shalt  }
.Lfunc_end0:
.L_simem_size_0:
called_computation.2_lowered:
.L_overlay_start_0:
0x88: {  	s2 =	sld [smem:$0x3FD9]  }
0x89: {  	s3 =	sld [smem:$0x3FFE];
	_ =	sdelay $0x1  }
0x8a: {  	s1 =	srdreg.scid  }
0x8b: {  	s0 =	sand.u32 $0x1, s1  }
0x8c: {  	s16 =	sshll.u32 s0, $0xA;
	s2 =	sadd.s32 s3, s2  }
0x8d: {  	s2 =	sadd.s32 s2, s16  }
0x8e: {  	[smem:$0x3FB7] =	sst s2  }
0x8f: {  	_ = 	snop  }
0x90: {  	(tm) =	ssettm $0x1  }
0x91: {  	s17 =	sld [smem:$0x3FFB];
	_ =	sdelay $0x3  }
0x92: {  	_ =	strace s17  }
0x93: {  	s2 =	sld [smem:$0x3FFC];
	_ =	sdelay $0x3  }
0x94: {  	_ =	strace s2  }
0x95: {  	s2 =	sld [smem:$0x3FFD];
	_ =	sdelay $0x3  }
0x96: {  	_ =	strace s2  }
0x97: {  	_ =	strace $0x8FFFFFFF  }
0x98: {  	s18 =	sld [smem:$0x3FDB];
	_ =	sdelay $0x1  }
0x99: {  	s19 =	simm.s32 $_scs_section_size  }
0x9a: {  	s4 =	simm.s32 $_size__tile_overlayer_lowered;
	s5 =	simm.s32 $_tile_overlayer_lowered  }
0x9b: {  	s22 =	simm.s32 $0x1BFF;
	s21 =	sshll.u32 s5, $0x1;
	s2 =	sadd.s32 s19, s18  }
0x9c: {  	s6 =	simm.s32 $0x0;
	s20 =	sshll.u32 s4, $0x1;
	s4 =	sadd.s32 s21, s2  }
0x9d: {  	[timem:s6], [sflag:s22] =	dma.local [hbm:s4], s20  }
0x9e: {  	_ =	swait.ge [sflag:s22], s20  }
0x9f: {  	s3 =	ssub.s32 $0x0, s20;
	[sflag:s22] =	ssyncset.done $0x0  }
0xa0: {  	[sflag:s22] =	ssyncadd.s32 s3;
	_ =	sdelay $0x1  }
0xa1: {  	s23 =	simm.s32 $0x1B8B  }
0xa2: {  	_ =	swait.ge [sflag:s23], $0x1  }
0xa3: {  	[sflag:s23] =	ssyncset.done $0x0  }
0xa4: {  	s25 =	simm.s32 $0x1B8E;
	s24 =	sld [smem:$0x3FFE];
	[sflag:s23] =	ssyncadd.s32 $0xFFFFFFFF  }
0xa5: {  	s26 =	simm.s32 $execute0_lowered;
	[smem:$0x3FD2] =	sst s25  }
0xa6: {  	s4 =	sshll.u32 s26, $0x1;
	_ =	strace $0x8000004C;
	[dreg:$0x1] =	wrdreg $0xFFFFFFFF  }
0xa7: {  	s28 =	simm.s32 $_size_execute0_lowered;
	s2 =	sadd.s32 s2, s4;
	[dreg:$0x0] =	wrdreg $0x0  }
0xa8: {  	s4 =	sshll.u32 s28, $0x1;
	[dreg:$0x2] =	wrdreg s2  }
0xa9: {  	[dreg:$0x3] =	wrdreg s4  }
0xaa: {  	[dreg:$0x4] =	wrdreg $0xC0  }
0xab: {  	_ =	task [dreg:s6], $0x5FFFF  }
0xac: {  	[dreg:$0x1] =	wrdreg $0xFFFFFFFF  }
0xad: {  	[dreg:$0x0] =	wrdreg $0x60  }
0xae: {  	[dreg:$0x2] =	wrdreg s24  }
0xaf: {  	[dreg:$0x3] =	wrdreg $0x88000  }
0xb0: {  	[dreg:$0x4] =	wrdreg $0x9  }
0xb1: {  	_ =	task.clear_ibuf [dreg:s6], $0x5FFFF;
	_ =	strace $0x9000004C  }
0xb2: {  	s29 =	simm.s32 $0x9;
	_ =	strace $0x8000004E  }
0xb3: {  	_ =	swait.ge [sflag:s29], $0x1  }
0xb4: {  	[sflag:s29] =	ssyncadd.s32 $0xFFFFFFFF  }
0xb5: {  	_ =	strace $0x9000004E  }
0xb6: {  	_ =	sfence  }
0xb7: {  	s30 =	sld [smem:$0x0];
	_ =	sdelay $0x2  }
0xb8: {  	s31 =	sshll.u32 s1, $0xD;
	s1 =	sshrl.u32 s1, $0x2  }
0xb9: {  	s3 =	sand.u32 $0x4000, s31;
	s1 =	sadd.s32 s1, s30  }
0xba: {  	s0 =	sor.u32 s3, s0;
	s1 =	sshll.u32 s1, $0x11  }
0xbb: {  	s0 =	sor.u32 s1, s0  }
0xbc: {  	s0 =	sadd.s32 $0x8F2B, s0  }
0xbd: {  	[sflag:s0] =	ssyncadd.remote.s32 $0x1  }
0xbe: {  	_ =	sfence.sel $0xFFFF  }
0xbf: {  	[dreg:$0x0] =	wrdreg $0xFFFFFFFF;
	(pc) =	sbr.abs _section_cstart, $3  }
0xc0: {  	[dreg:$0x1] =	wrdreg $0xFFFFFFFF  }
0xc1: {  	_ =	task.clear_ibuf [dreg:s6], $0x2FFFF;
	_ =	strace $0x9FFFFFFF  }
0xc2: {  	(tm) =	ssettm $0x7FFFFFFF  }
0xc3: {  	_ =	shalt  }
tec
execute0_lowered:
.L_overlay_start_1:
0x0: {  	(tag) =	ssettag $0x1  }
0x1: {  	s0 =	rddreg [dreg:$0x0]  }
0x2: {  	s2 =	rddreg [dreg:$0x1];
	s10 =	stileid.u32  }
0x3: {  	s4 =	srdreg.scid;
	s3 =	simm.s32 $0x0;
	s12 =	simm.s32 $0x3  }
0x4: {  	s13 =	simm.s32 $0x400;
	s14 =	simm.s32 $0x80;
	s15 =	simm.s32 $0x800  }
0x5: {  	s16 =	simm.s32 $0x4800;
	s17 =	simm.s32 $0x1;
	s18 =	simm.s32 $0x100  }
0x6: {  	s19 =	simm.s32 $0x2;
	s20 =	simm.s32 $0x480;
	s21 =	simm.s32 $0x180  }
0x7: {  	s28 =	simm.s32 $0x300;
	s29 =	simm.s32 $0x680;
	s1 =	smul.u32 $0xA00, s10  }
0x8: {  	s30 =	simm.s32 $0x380;
	s31 =	simm.s32 $0x700;
	s5 =	smul.u32 $0x14000, s10  }
0x9: {  	s7 =	sand.u32 $0x1, s4;
	[smem:$0x7FF] =	sst s3;
	s9 =	smul.u32 $0x50000, s10  }
0xa: {  	s4 =	sadd.s32 $0x42000, s0;
	s25 =	sshll.u32 s10, $0x6;
	s6 =	smul.u32 $0x140000, s7  }
0xb: {  	_ =	strace $0x8000004D;
	s22 =	ssub.s32 $0x2, s7;
	p0 =	sne.s32 s7, $0x0  }
0xc: {  	s1 =	sadd.s32 s1, s0;
	s8 =	sshrl.u32 s5, $0x3;
	s23 =	sshrl.u32 s22, $0x1  }
0xd: {  	s24 =	sshrl.u32 s9, $0x2;
	s5 =	sadd.s32 s5, s6;
	s8 =	sadd.s32 s8, s0  }
0xe: {  	s11 =	sadd.s32 s24, s2;
	s9 =	sadd.s32 $0x10000, s1;
	s10 =	sadd.s32 $0x6000, s1  }
0xf: {  	s24 =	simm.s32 $0x580;
	s1 =	simm.s32 $0x0;
	s5 =	sshrl.u32 s5, $0x3  }
0x10: {  	s6 =	sadd.s32 $0x1A000, s8;
	s8 =	sor.u32 $0x1C03, s25;
	s7 =	sshrl.u32 s11, $0x3  }
.Ltmp0:
0x11: {  	s25 =	simm.s32 $0x280;
	[dreg:$0x3] =	wrdreg s6;
	(pc) =	sbr.rel .LBB2_1-.Ltmp0, $4  }
0x12: {  	s0 =	sadd.s32 s5, s0;
	s5 =	ssub.s32 s22, s23;
	[dreg:$0x4] =	wrdreg s8  }
0x13: {  	s22 =	simm.s32 $0x500;
	[dreg:$0x7] =	wrdreg s7;
	s0 =	sadd.s32 $0x90400, s0  }
0x14: {  	s23 =	simm.s32 $0x200;
	s26 =	smax.u32 s5, $0x1;
	[dreg:$0x5] =	wrdreg s0  }
0x15: {  	[dreg:$0x6] =	wrdreg s26;
	s26 =	simm.s32 $0x600;
	s0 =	simm.s32 $0x780  }
.LBB2_4:
0x16: {  	s6 =	sadd.s32 s5, s10;
	[sflag:s12] =	ssyncadd.s32 $0xFFFFC000  }
0x17: {  	[tilespmem:s3], [sflag:$0x3] =	stream.linear.gather [hbm4b:s6+s3], $0x400, $0x38;
	[tilespmem:$0x1C800] =	vst v63  }
0x18: {  	_ =	swait.ge [sflag:s12], $0x400  }
0x19: {  	[sflag:s12] =	ssyncset.done $0x0  }
0x1a: {  	s11 =	sadd.s32 s5, s9;
	[sflag:s12] =	ssyncadd.s32 $0xFFFFFC00  }
0x1b: {  	[tilespmem:s13], [sflag:$0x3] =	stream.linear.gather [hbm4b:s11+s3], $0x400, $0x38;
	[tilespmem:$0x1C800] =	vst v63  }
0x1c: {  	_ =	swait.ge [sflag:s12], $0x400  }
0x1d: {  	[sflag:s12] =	ssyncset.done $0x0  }
0x1e: {  	[sflag:s12] =	ssyncadd.s32 $0xFFFFFC00  }
0x1f: {  	[tilespmem:s15], [sflag:$0x1] =	stream.indirect.gather [hbm4b:s4+s14], $0x80, s3, s14, $0xb8;
	[tilespmem:$0x1C800] =	vst v63  }
0x20: {  	_ = 	snop  }
0x21: {  	[tilespmem:s16], [sflag:$0x2] =	stream.indirect.gather [hbm4b:s4+s14], $0x80, s14, s14, $0xb8;
	[tilespmem:$0x1C800] =	vst v63  }
0x22: {  	_ =	swait.ge [sflag:s17], $0x4000  }
0x23: {  	[sflag:s17] =	ssyncset.done $0x0  }
0x24: {  	[sflag:s17] =	ssyncadd.s32 $0xFFFFC000  }
0x25: {  	[spmem:s2] =	stream.indirect.scatter.add.f32 [tilespmem:s15], [sflag:$0x3], $0x80, s13, s14, $0xb8;
	[tilespmem:$0x1C800] =	vst v63  }
0x26: {  	_ =	swait.ge [sflag:s12], $0x4000  }
0x27: {  	[sflag:s12] =	ssyncset.done $0x0  }
0x28: {  	[sflag:s12] =	ssyncadd.s32 $0xFFFFC000  }
0x29: {  	[tilespmem:s15], [sflag:$0x1] =	stream.indirect.gather [hbm4b:s4+s14], $0x80, s18, s14, $0xb8;
	[tilespmem:$0x1C800] =	vst v63  }
0x2a: {  	_ =	swait.ge [sflag:s19], $0x4000  }
0x2b: {  	[sflag:s19] =	ssyncset.done $0x0  }
0x2c: {  	[sflag:s19] =	ssyncadd.s32 $0xFFFFC000  }
0x2d: {  	[spmem:s2] =	stream.indirect.scatter.add.f32 [tilespmem:s16], [sflag:$0x3], $0x80, s20, s14, $0xb8;
	[tilespmem:$0x1C800] =	vst v63  }
0x2e: {  	_ =	swait.ge [sflag:s12], $0x4000  }
0x2f: {  	[sflag:s12] =	ssyncset.done $0x0  }
0x30: {  	[sflag:s12] =	ssyncadd.s32 $0xFFFFC000  }
0x31: {  	[tilespmem:s16], [sflag:$0x2] =	stream.indirect.gather [hbm4b:s4+s14], $0x80, s21, s14, $0xb8;
	[tilespmem:$0x1C800] =	vst v63  }
0x32: {  	_ =	swait.ge [sflag:s17], $0x4000  }
0x33: {  	[sflag:s17] =	ssyncset.done $0x0  }
0x34: {  	[sflag:s17] =	ssyncadd.s32 $0xFFFFC000  }
0x35: {  	[spmem:s2] =	stream.indirect.scatter.add.f32 [tilespmem:s15], [sflag:$0x3], $0x80, s22, s14, $0xb8;
	[tilespmem:$0x1C800] =	vst v63  }
0x36: {  	_ =	swait.ge [sflag:s12], $0x4000  }
0x37: {  	[sflag:s12] =	ssyncset.done $0x0  }
0x38: {  	[sflag:s12] =	ssyncadd.s32 $0xFFFFC000  }
0x39: {  	[tilespmem:s15], [sflag:$0x1] =	stream.indirect.gather [hbm4b:s4+s14], $0x80, s23, s14, $0xb8;
	[tilespmem:$0x1C800] =	vst v63  }
0x3a: {  	_ =	swait.ge [sflag:s19], $0x4000  }
0x3b: {  	[sflag:s19] =	ssyncset.done $0x0  }
0x3c: {  	[sflag:s19] =	ssyncadd.s32 $0xFFFFC000  }
0x3d: {  	[spmem:s2] =	stream.indirect.scatter.add.f32 [tilespmem:s16], [sflag:$0x3], $0x80, s24, s14, $0xb8;
	[tilespmem:$0x1C800] =	vst v63  }
0x3e: {  	_ =	swait.ge [sflag:s12], $0x4000  }
0x3f: {  	[sflag:s12] =	ssyncset.done $0x0  }
0x40: {  	[sflag:s12] =	ssyncadd.s32 $0xFFFFC000  }
0x41: {  	[tilespmem:s16], [sflag:$0x2] =	stream.indirect.gather [hbm4b:s4+s14], $0x80, s25, s14, $0xb8;
	[tilespmem:$0x1C800] =	vst v63  }
0x42: {  	_ =	swait.ge [sflag:s17], $0x4000  }
0x43: {  	[sflag:s17] =	ssyncset.done $0x0  }
0x44: {  	[sflag:s17] =	ssyncadd.s32 $0xFFFFC000  }
0x45: {  	[spmem:s2] =	stream.indirect.scatter.add.f32 [tilespmem:s15], [sflag:$0x3], $0x80, s26, s14, $0xb8;
	[tilespmem:$0x1C800] =	vst v63  }
0x46: {  	_ =	swait.ge [sflag:s12], $0x4000  }
0x47: {  	[sflag:s12] =	ssyncset.done $0x0  }
0x48: {  	[sflag:s12] =	ssyncadd.s32 $0xFFFFC000  }
0x49: {  	[tilespmem:s15], [sflag:$0x1] =	stream.indirect.gather [hbm4b:s4+s14], $0x80, s28, s14, $0xb8;
	[tilespmem:$0x1C800] =	vst v63  }
0x4a: {  	_ =	swait.ge [sflag:s19], $0x4000  }
0x4b: {  	[sflag:s19] =	ssyncset.done $0x0  }
0x4c: {  	[sflag:s19] =	ssyncadd.s32 $0xFFFFC000  }
0x4d: {  	[spmem:s2] =	stream.indirect.scatter.add.f32 [tilespmem:s16], [sflag:$0x3], $0x80, s29, s14, $0xb8;
	[tilespmem:$0x1C800] =	vst v63  }
0x4e: {  	_ =	swait.ge [sflag:s12], $0x4000  }
0x4f: {  	[sflag:s12] =	ssyncset.done $0x0  }
0x50: {  	[sflag:s12] =	ssyncadd.s32 $0xFFFFC000  }
0x51: {  	[tilespmem:s16], [sflag:$0x2] =	stream.indirect.gather [hbm4b:s4+s14], $0x80, s30, s14, $0xb8;
	[tilespmem:$0x1C800] =	vst v63  }
0x52: {  	_ =	swait.ge [sflag:s17], $0x4000  }
0x53: {  	[sflag:s17] =	ssyncset.done $0x0  }
0x54: {  	[sflag:s17] =	ssyncadd.s32 $0xFFFFC000  }
0x55: {  	[spmem:s2] =	stream.indirect.scatter.add.f32 [tilespmem:s15], [sflag:$0x3], $0x80, s31, s14, $0xb8;
	[tilespmem:$0x1C800] =	vst v63  }
0x56: {  	_ =	swait.ge [sflag:s12], $0x4000  }
0x57: {  	[sflag:s12] =	ssyncset.done $0x0  }
0x58: {  	[sflag:s12] =	ssyncadd.s32 $0xFFFFC000  }
0x59: {  	_ =	swait.ge [sflag:s19], $0x4000  }
0x5a: {  	[sflag:s19] =	ssyncset.done $0x0  }
0x5b: {  	[sflag:s19] =	ssyncadd.s32 $0xFFFFC000  }
0x5c: {  	[spmem:s2] =	stream.indirect.scatter.add.f32 [tilespmem:s16], [sflag:$0x3], $0x80, s0, s14, $0xb8;
	[tilespmem:$0x1C800] =	vst v63  }
0x5d: {  	_ =	swait.ge [sflag:s12], $0x4000  }
0x5e: {  	s6 =	rddreg [dreg:$0x3]  }
0x5f: {  	[sflag:s12] =	ssyncset.done $0x0;
	s8 =	rddreg [dreg:$0x4]  }
0x60: {  	s7 =	rddreg [dreg:$0x7];
	[sflag:s12] =	ssyncadd.s32 $0xFFFFC000  }
.LBB2_5:
0x61: {  	[bflag:$0x0] =	sbarrier.arrive $0xFFFF  }
0x62: {  	s5 =	rddreg [dreg:$0x5]  }
0x63: {  	[hbm:s5], [sflag:s8] =	dma.local [spmem:s7], $0x2800  }
0x64: {  	_ =	swait.ge [sflag:s12], $0x2800  }
0x65: {  	s1 =	sadd.s32 $0x1, s1;
	s11 =	rddreg [dreg:$0x6]  }
0x66: {  	p1 =	sne.s32 s1, s11  }
.Ltmp1:
0x67: {  	_ = 	snop;
	(pc) =	sbr.rel @!p1 .LBB2_6-.Ltmp1, $3  }
0x68: {  	_ =	sdelay $0x1  }
0x69: {  	[sflag:s12] =	ssyncset.done $0x0  }
0x6a: {  	[sflag:s12] =	ssyncadd.s32 $0xFFFFD800  }
.LBB2_1:
0x6b: {  	[spmem:s7], [sflag:s8] =	dma.local [hbm:s6], $0x2800  }
.Ltmp2:
0x6c: {  	_ =	swait.ge [sflag:s12], $0x2800;
	(pc) =	sbr.rel @p0 .LBB2_5-.Ltmp2, $3  }
0x6d: {  	[sflag:s12] =	ssyncset.done $0x0  }
0x6e: {  	[sflag:s12] =	ssyncadd.s32 $0xFFFFD800  }
0x6f: {  	[bflag:$0x0] =	sbarrier.arrive $0xFFFF;
	_ =	sdelay $0x1  }
0x70: {  	s5 =	sadd.s32 $0x0, s10  }
0x71: {  	[tilespmem:s3], [sflag:$0x3] =	stream.linear.gather [hbm4b:s5+s3], $0x400, $0x38;
	[tilespmem:$0x1C800] =	vst v63  }
0x72: {  	_ =	swait.ge [sflag:s12], $0x400  }
0x73: {  	[sflag:s12] =	ssyncset.done $0x0  }
0x74: {  	s11 =	sadd.s32 $0x0, s9;
	[sflag:s12] =	ssyncadd.s32 $0xFFFFFC00  }
0x75: {  	[tilespmem:s13], [sflag:$0x3] =	stream.linear.gather [hbm4b:s11+s3], $0x400, $0x38;
	[tilespmem:$0x1C800] =	vst v63  }
0x76: {  	_ =	swait.ge [sflag:s12], $0x400  }
0x77: {  	[sflag:s12] =	ssyncset.done $0x0  }
0x78: {  	[sflag:s12] =	ssyncadd.s32 $0xFFFFFC00  }
0x79: {  	[tilespmem:s15], [sflag:$0x1] =	stream.indirect.gather [hbm4b:s4+s14], $0x80, s3, s14, $0xb8;
	[tilespmem:$0x1C800] =	vst v63  }
0x7a: {  	_ = 	snop  }
0x7b: {  	[tilespmem:s16], [sflag:$0x2] =	stream.indirect.gather [hbm4b:s4+s14], $0x80, s14, s14, $0xb8;
	[tilespmem:$0x1C800] =	vst v63  }
0x7c: {  	_ =	swait.ge [sflag:s17], $0x4000  }
0x7d: {  	[sflag:s17] =	ssyncset.done $0x0  }
0x7e: {  	[sflag:s17] =	ssyncadd.s32 $0xFFFFC000  }
0x7f: {  	[spmem:s2] =	stream.indirect.scatter.add.f32 [tilespmem:s15], [sflag:$0x3], $0x80, s13, s14, $0xb8;
	[tilespmem:$0x1C800] =	vst v63  }
0x80: {  	_ =	swait.ge [sflag:s12], $0x4000  }
0x81: {  	[sflag:s12] =	ssyncset.done $0x0  }
0x82: {  	[sflag:s12] =	ssyncadd.s32 $0xFFFFC000  }
0x83: {  	[tilespmem:s15], [sflag:$0x1] =	stream.indirect.gather [hbm4b:s4+s14], $0x80, s18, s14, $0xb8;
	[tilespmem:$0x1C800] =	vst v63  }
0x84: {  	_ =	swait.ge [sflag:s19], $0x4000  }
0x85: {  	[sflag:s19] =	ssyncset.done $0x0  }
0x86: {  	[sflag:s19] =	ssyncadd.s32 $0xFFFFC000  }
0x87: {  	[spmem:s2] =	stream.indirect.scatter.add.f32 [tilespmem:s16], [sflag:$0x3], $0x80, s20, s14, $0xb8;
	[tilespmem:$0x1C800] =	vst v63  }
0x88: {  	_ =	swait.ge [sflag:s12], $0x4000  }
0x89: {  	[sflag:s12] =	ssyncset.done $0x0  }
0x8a: {  	[sflag:s12] =	ssyncadd.s32 $0xFFFFC000  }
0x8b: {  	[tilespmem:s16], [sflag:$0x2] =	stream.indirect.gather [hbm4b:s4+s14], $0x80, s21, s14, $0xb8;
	[tilespmem:$0x1C800] =	vst v63  }
0x8c: {  	_ =	swait.ge [sflag:s17], $0x4000  }
0x8d: {  	[sflag:s17] =	ssyncset.done $0x0  }
0x8e: {  	[sflag:s17] =	ssyncadd.s32 $0xFFFFC000  }
0x8f: {  	[spmem:s2] =	stream.indirect.scatter.add.f32 [tilespmem:s15], [sflag:$0x3], $0x80, s22, s14, $0xb8;
	[tilespmem:$0x1C800] =	vst v63  }
0x90: {  	_ =	swait.ge [sflag:s12], $0x4000  }
0x91: {  	[sflag:s12] =	ssyncset.done $0x0  }
0x92: {  	[sflag:s12] =	ssyncadd.s32 $0xFFFFC000  }
0x93: {  	[tilespmem:s15], [sflag:$0x1] =	stream.indirect.gather [hbm4b:s4+s14], $0x80, s23, s14, $0xb8;
	[tilespmem:$0x1C800] =	vst v63  }
0x94: {  	_ =	swait.ge [sflag:s19], $0x4000  }
0x95: {  	[sflag:s19] =	ssyncset.done $0x0  }
0x96: {  	[sflag:s19] =	ssyncadd.s32 $0xFFFFC000  }
0x97: {  	[spmem:s2] =	stream.indirect.scatter.add.f32 [tilespmem:s16], [sflag:$0x3], $0x80, s24, s14, $0xb8;
	[tilespmem:$0x1C800] =	vst v63  }
0x98: {  	_ =	swait.ge [sflag:s12], $0x4000  }
0x99: {  	[sflag:s12] =	ssyncset.done $0x0  }
0x9a: {  	[sflag:s12] =	ssyncadd.s32 $0xFFFFC000  }
0x9b: {  	[tilespmem:s16], [sflag:$0x2] =	stream.indirect.gather [hbm4b:s4+s14], $0x80, s25, s14, $0xb8;
	[tilespmem:$0x1C800] =	vst v63  }
0x9c: {  	_ =	swait.ge [sflag:s17], $0x4000  }
0x9d: {  	[sflag:s17] =	ssyncset.done $0x0  }
0x9e: {  	[sflag:s17] =	ssyncadd.s32 $0xFFFFC000  }
0x9f: {  	[spmem:s2] =	stream.indirect.scatter.add.f32 [tilespmem:s15], [sflag:$0x3], $0x80, s26, s14, $0xb8;
	[tilespmem:$0x1C800] =	vst v63  }
0xa0: {  	_ =	swait.ge [sflag:s12], $0x4000  }
0xa1: {  	[sflag:s12] =	ssyncset.done $0x0  }
0xa2: {  	[sflag:s12] =	ssyncadd.s32 $0xFFFFC000  }
0xa3: {  	[tilespmem:s15], [sflag:$0x1] =	stream.indirect.gather [hbm4b:s4+s14], $0x80, s28, s14, $0xb8;
	[tilespmem:$0x1C800] =	vst v63  }
0xa4: {  	_ =	swait.ge [sflag:s19], $0x4000  }
0xa5: {  	[sflag:s19] =	ssyncset.done $0x0  }
0xa6: {  	[sflag:s19] =	ssyncadd.s32 $0xFFFFC000  }
0xa7: {  	[spmem:s2] =	stream.indirect.scatter.add.f32 [tilespmem:s16], [sflag:$0x3], $0x80, s29, s14, $0xb8;
	[tilespmem:$0x1C800] =	vst v63  }
0xa8: {  	_ =	swait.ge [sflag:s12], $0x4000  }
0xa9: {  	[sflag:s12] =	ssyncset.done $0x0  }
0xaa: {  	[sflag:s12] =	ssyncadd.s32 $0xFFFFC000  }
0xab: {  	[tilespmem:s16], [sflag:$0x2] =	stream.indirect.gather [hbm4b:s4+s14], $0x80, s30, s14, $0xb8;
	[tilespmem:$0x1C800] =	vst v63  }
0xac: {  	_ =	swait.ge [sflag:s17], $0x4000  }
0xad: {  	[sflag:s17] =	ssyncset.done $0x0  }
0xae: {  	[sflag:s17] =	ssyncadd.s32 $0xFFFFC000  }
0xaf: {  	[spmem:s2] =	stream.indirect.scatter.add.f32 [tilespmem:s15], [sflag:$0x3], $0x80, s31, s14, $0xb8;
	[tilespmem:$0x1C800] =	vst v63  }
0xb0: {  	_ =	swait.ge [sflag:s12], $0x4000  }
0xb1: {  	[sflag:s12] =	ssyncset.done $0x0  }
0xb2: {  	[sflag:s12] =	ssyncadd.s32 $0xFFFFC000  }
0xb3: {  	_ =	swait.ge [sflag:s19], $0x4000  }
0xb4: {  	[sflag:s19] =	ssyncset.done $0x0  }
0xb5: {  	[sflag:s19] =	ssyncadd.s32 $0xFFFFC000  }
0xb6: {  	[spmem:s2] =	stream.indirect.scatter.add.f32 [tilespmem:s16], [sflag:$0x3], $0x80, s0, s14, $0xb8;
	[tilespmem:$0x1C800] =	vst v63  }
0xb7: {  	_ =	swait.ge [sflag:s12], $0x4000  }
0xb8: {  	s7 =	simm.s32 $0x100;
	s5 =	simm.s32 $0x80;
	[sflag:s12] =	ssyncset.done $0x0  }
.LBB2_3:
0xb9: {  	s6 =	sadd.s32 s5, s10  }
0xba: {  	[sflag:s12] =	ssyncadd.s32 $0xFFFFC000;
	s11 =	smov.u32 s7;
	s8 =	sadd.s32 $0x80, s7  }
0xbb: {  	[tilespmem:s3], [sflag:$0x3] =	stream.linear.gather [hbm4b:s6+s3], $0x400, $0x38;
	[tilespmem:$0x1C800] =	vst v63  }
0xbc: {  	p1 =	sne.s32 s7, $0x980;
	_ =	swait.ge [sflag:s12], $0x400  }
0xbd: {  	[sflag:s12] =	ssyncset.done $0x0  }
0xbe: {  	s6 =	sadd.s32 s5, s9;
	s5 =	smov.u32 s11;
	[sflag:s12] =	ssyncadd.s32 $0xFFFFFC00  }
0xbf: {  	[tilespmem:s13], [sflag:$0x3] =	stream.linear.gather [hbm4b:s6+s3], $0x400, $0x38;
	[tilespmem:$0x1C800] =	vst v63  }
0xc0: {  	_ =	swait.ge [sflag:s12], $0x400  }
0xc1: {  	[sflag:s12] =	ssyncset.done $0x0  }
0xc2: {  	[sflag:s12] =	ssyncadd.s32 $0xFFFFFC00  }
0xc3: {  	[tilespmem:s15], [sflag:$0x1] =	stream.indirect.gather [hbm4b:s4+s14], $0x80, s3, s14, $0xb8;
	[tilespmem:$0x1C800] =	vst v63  }
0xc4: {  	_ = 	snop  }
0xc5: {  	[tilespmem:s16], [sflag:$0x2] =	stream.indirect.gather [hbm4b:s4+s14], $0x80, s14, s14, $0xb8;
	[tilespmem:$0x1C800] =	vst v63  }
0xc6: {  	_ =	swait.ge [sflag:s17], $0x4000  }
0xc7: {  	[sflag:s17] =	ssyncset.done $0x0  }
0xc8: {  	[sflag:s17] =	ssyncadd.s32 $0xFFFFC000  }
0xc9: {  	[spmem:s2] =	stream.indirect.scatter.add.f32 [tilespmem:s15], [sflag:$0x3], $0x80, s13, s14, $0xb8;
	[tilespmem:$0x1C800] =	vst v63  }
0xca: {  	_ =	swait.ge [sflag:s12], $0x4000  }
0xcb: {  	[sflag:s12] =	ssyncset.done $0x0  }
0xcc: {  	[sflag:s12] =	ssyncadd.s32 $0xFFFFC000  }
0xcd: {  	[tilespmem:s15], [sflag:$0x1] =	stream.indirect.gather [hbm4b:s4+s14], $0x80, s18, s14, $0xb8;
	[tilespmem:$0x1C800] =	vst v63  }
0xce: {  	_ =	swait.ge [sflag:s19], $0x4000  }
0xcf: {  	[sflag:s19] =	ssyncset.done $0x0  }
0xd0: {  	[sflag:s19] =	ssyncadd.s32 $0xFFFFC000  }
0xd1: {  	[spmem:s2] =	stream.indirect.scatter.add.f32 [tilespmem:s16], [sflag:$0x3], $0x80, s20, s14, $0xb8;
	[tilespmem:$0x1C800] =	vst v63  }
0xd2: {  	_ =	swait.ge [sflag:s12], $0x4000  }
0xd3: {  	[sflag:s12] =	ssyncset.done $0x0  }
0xd4: {  	[sflag:s12] =	ssyncadd.s32 $0xFFFFC000  }
0xd5: {  	[tilespmem:s16], [sflag:$0x2] =	stream.indirect.gather [hbm4b:s4+s14], $0x80, s21, s14, $0xb8;
	[tilespmem:$0x1C800] =	vst v63  }
0xd6: {  	_ =	swait.ge [sflag:s17], $0x4000  }
0xd7: {  	[sflag:s17] =	ssyncset.done $0x0  }
0xd8: {  	[sflag:s17] =	ssyncadd.s32 $0xFFFFC000  }
0xd9: {  	[spmem:s2] =	stream.indirect.scatter.add.f32 [tilespmem:s15], [sflag:$0x3], $0x80, s22, s14, $0xb8;
	[tilespmem:$0x1C800] =	vst v63  }
0xda: {  	_ =	swait.ge [sflag:s12], $0x4000  }
0xdb: {  	[sflag:s12] =	ssyncset.done $0x0  }
0xdc: {  	[sflag:s12] =	ssyncadd.s32 $0xFFFFC000  }
0xdd: {  	[tilespmem:s15], [sflag:$0x1] =	stream.indirect.gather [hbm4b:s4+s14], $0x80, s23, s14, $0xb8;
	[tilespmem:$0x1C800] =	vst v63  }
0xde: {  	_ =	swait.ge [sflag:s19], $0x4000  }
0xdf: {  	[sflag:s19] =	ssyncset.done $0x0  }
0xe0: {  	[sflag:s19] =	ssyncadd.s32 $0xFFFFC000  }
0xe1: {  	[spmem:s2] =	stream.indirect.scatter.add.f32 [tilespmem:s16], [sflag:$0x3], $0x80, s24, s14, $0xb8;
	[tilespmem:$0x1C800] =	vst v63  }
0xe2: {  	_ =	swait.ge [sflag:s12], $0x4000  }
0xe3: {  	[sflag:s12] =	ssyncset.done $0x0  }
0xe4: {  	[sflag:s12] =	ssyncadd.s32 $0xFFFFC000  }
0xe5: {  	[tilespmem:s16], [sflag:$0x2] =	stream.indirect.gather [hbm4b:s4+s14], $0x80, s25, s14, $0xb8;
	[tilespmem:$0x1C800] =	vst v63  }
0xe6: {  	_ =	swait.ge [sflag:s17], $0x4000  }
0xe7: {  	[sflag:s17] =	ssyncset.done $0x0  }
0xe8: {  	[sflag:s17] =	ssyncadd.s32 $0xFFFFC000  }
0xe9: {  	[spmem:s2] =	stream.indirect.scatter.add.f32 [tilespmem:s15], [sflag:$0x3], $0x80, s26, s14, $0xb8;
	[tilespmem:$0x1C800] =	vst v63  }
0xea: {  	_ =	swait.ge [sflag:s12], $0x4000  }
0xeb: {  	[sflag:s12] =	ssyncset.done $0x0  }
0xec: {  	[sflag:s12] =	ssyncadd.s32 $0xFFFFC000  }
0xed: {  	[tilespmem:s15], [sflag:$0x1] =	stream.indirect.gather [hbm4b:s4+s14], $0x80, s28, s14, $0xb8;
	[tilespmem:$0x1C800] =	vst v63  }
0xee: {  	_ =	swait.ge [sflag:s19], $0x4000  }
0xef: {  	[sflag:s19] =	ssyncset.done $0x0  }
0xf0: {  	[sflag:s19] =	ssyncadd.s32 $0xFFFFC000  }
0xf1: {  	[spmem:s2] =	stream.indirect.scatter.add.f32 [tilespmem:s16], [sflag:$0x3], $0x80, s29, s14, $0xb8;
	[tilespmem:$0x1C800] =	vst v63  }
0xf2: {  	_ =	swait.ge [sflag:s12], $0x4000  }
0xf3: {  	[sflag:s12] =	ssyncset.done $0x0  }
0xf4: {  	[sflag:s12] =	ssyncadd.s32 $0xFFFFC000  }
0xf5: {  	[tilespmem:s16], [sflag:$0x2] =	stream.indirect.gather [hbm4b:s4+s14], $0x80, s30, s14, $0xb8;
	[tilespmem:$0x1C800] =	vst v63  }
0xf6: {  	_ =	swait.ge [sflag:s17], $0x4000  }
0xf7: {  	[sflag:s17] =	ssyncset.done $0x0  }
0xf8: {  	[sflag:s17] =	ssyncadd.s32 $0xFFFFC000  }
0xf9: {  	[spmem:s2] =	stream.indirect.scatter.add.f32 [tilespmem:s15], [sflag:$0x3], $0x80, s31, s14, $0xb8;
	[tilespmem:$0x1C800] =	vst v63  }
0xfa: {  	_ =	swait.ge [sflag:s12], $0x4000  }
0xfb: {  	[sflag:s12] =	ssyncset.done $0x0  }
0xfc: {  	[sflag:s12] =	ssyncadd.s32 $0xFFFFC000  }
0xfd: {  	_ =	swait.ge [sflag:s19], $0x4000  }
.Ltmp3:
0xfe: {  	[sflag:s19] =	ssyncset.done $0x0;
	(pc) =	sbr.rel @p1 .LBB2_3-.Ltmp3, $4  }
0xff: {  	[sflag:s19] =	ssyncadd.s32 $0xFFFFC000  }
0x100: {  	[spmem:s2] =	stream.indirect.scatter.add.f32 [tilespmem:s16], [sflag:$0x3], $0x80, s0, s14, $0xb8;
	[tilespmem:$0x1C800] =	vst v63  }
0x101: {  	_ =	swait.ge [sflag:s12], $0x4000  }
0x102: {  	s7 =	smov.u32 s8;
	[sflag:s12] =	ssyncset.done $0x0  }
.Ltmp4:
0x103: {  	_ = 	snop;
	(pc) =	sbr.rel .LBB2_4-.Ltmp4, $1  }
0x104: {  	_ =	sdelay $0x3  }
.LBB2_6:
0x105: {  	_ =	sfence.sel $0x180000  }
0x106: {  	[bflag:$0x0] =	sbarrier.arrive $0xFFFF  }
0x107: {  	_ =	strace $0x9000004D  }
0x108: {  	s0 =	stileid.u32;
	[bflag:$0x2] =	sbarrier.arrive $0xFFFF  }
0x109: {  	p0 =	sne.s32 s0, $0x0;
	s0 =	rddreg [dreg:$0x2]  }
0x10a: {  	s0 =	sadd.s32 @!p0 $0x100000, s0  }
0x10b: {  	[sflag:s0] =	ssyncadd.tile.s32 @!p0 $0x1;
	_ =	shalt  }
.Lfunc_end2:
_tile_overlayer_lowered:
.L_overlay_start_2:
0x10c: {  	(tag) =	ssettag $0x2  }
0x10d: {  	s0 =	rddreg [dreg:$0x0];
	s2 =	stileid.u32  }
0x10e: {  	s1 =	rddreg [dreg:$0x1];
	p0 =	sne.s32 s2, $0x0  }
0x10f: {  	s3 =	rddreg [dreg:$0x2];
	[bflag:$0x3] =	sbarrier.arrive $0xFFFF;
	s2 =	simm.s32 @!p0 $0x1C03  }
0x110: {  	[timem:s3], [sflag:s2] =	dma.local @!p0 [hbm:s0], s1  }
0x111: {  	s0 =	simm.s32 @!p0 $0x3  }
0x112: {  	_ =	swait.ge @!p0 [sflag:s0], s1  }
0x113: {  	s1 =	ssub.s32 @!p0 $0x0, s1;
	[sflag:s0] =	ssyncset.done @!p0 $0x0  }
0x114: {  	[sflag:s0] =	ssyncadd.s32 @!p0 s1  }
0x115: {  	[bflag:$0x3] =	sbarrier.arrive $0xFFFF  }
0x116: {  	_ =	shalt  }

// kernel: kernel.22.cloned.1.call-start
scs
__scs_entry_jumppad:
0x0: {  	(pc) =	sbr.rel $0x88, $3  }
0x1: {  	(tag) =	ssettag $0x0;
	lr =	simm.s32 $0x1  }
0x2: {  	[smem:$0x3F90] =	sst lr;
	_ =	strace $0xD0000000  }
0x3: {  	_ = 	snop  }
0x4: {  	_ = 	snop  }
0x5: {  	_ = 	snop  }
0x6: {  	_ = 	snop  }
0x7: {  	_ = 	snop  }
__scs_overlays_trampoline_lowered:
0x8: {  	[smem:$0x3F9F] =	sst s0  }
0x9: {  	[smem:$0x3FA0] =	sst s1  }
0xa: {  	[smem:$0x3FA1] =	sst s2  }
0xb: {  	[smem:$0x3FA2] =	sst s3  }
0xc: {  	[smem:$0x3FA3] =	sst s4  }
0xd: {  	[smem:$0x3FA4] =	sst s5  }
0xe: {  	[smem:$0x3FA5] =	sst s6  }
0xf: {  	[smem:$0x3FA6] =	sst s7  }
0x10: {  	[smem:$0x3FA7] =	sst s8  }
0x11: {  	[smem:$0x3FA8] =	sst s9;
	s0 =	simm.s32 @!p0 $0x0  }
0x12: {  	s1 =	sld [smem:$0x3F8E];
	s0 =	simm.s32 @p0 $0x1  }
0x13: {  	[smem:$0x3FA9] =	sst s0;
	s0 =	simm.s32 @!p1 $0x0  }
0x14: {  	s2 =	sld [smem:$0x3F8D];
	s0 =	simm.s32 @p1 $0x1  }
0x15: {  	[smem:$0x3FAA] =	sst s0;
	s0 =	simm.s32 @!p2 $0x0  }
0x16: {  	s3 =	sld [smem:$0x3FDB];
	s0 =	simm.s32 @p2 $0x1  }
0x17: {  	s4 =	simm.s32 $0x1BF5;
	[smem:$0x3FAC] =	sst s0  }
0x18: {  	s0 =	sld [smem:$0x3F8F];
	_ =	swait.ge [sflag:s4], $0x0  }
0x19: {  	s7 =	sld [smem:$0x3F90]  }
0x1a: {  	s8 =	sadd.s32 $0xFFFFE003, lr  }
0x1b: {  	s9 =	sadd.s32 $0xFFFFFEF7, lr;
	s5 =	simm.s32 $0xFFFFFFFF;
	p2 =	slt.u32 s8, $0xFFFFF086  }
0x1c: {  	p1 =	slt.u32 s9, $0xF7A;
	s5 =	simm.s32 @!p2 $0x0  }
0x1d: {  	s5 =	simm.s32 @p1 $0x1;
	p0 =	seq.s32 s7, s2  }
0x1e: {  	s7 =	smul.u32 @!p0 $0xF7A, s2;
	p2 =	seq.s32 @!p0 s5, $0x0  }
0x1f: {  	s9 =	smul.u32 $0xF7A, s1;
	s8 =	simm.s32 @!p0 $0x1BF5;
	p2 =	por !p2, p0  }
0x20: {  	[sflag:s8] =	ssyncset.s32 @!p0 $0xFFFFF086;
	s6 =	sadd.s32 @!p0 s3, s7;
	s7 =	simm.s32 @!p0 $0x108  }
0x21: {  	s3 =	sadd.s32 s3, s9;
	s6 =	sadd.s32 @!p0 $0x88, s6;
	s7 =	simm.s32 @p2 $0x1082  }
0x22: {  	[simem:s7], [sflag:s8] =	dma.local @!p0 [hbm:s6], $0xF7A  }
0x23: {  	s9 =	sor.u32 $0xD0000000, s2;
	s6 =	simm.s32 $0x108;
	_ =	swait.ge @!p0 [sflag:s8], $0x0  }
0x24: {  	s3 =	sadd.s32 $0x88, s3;
	s6 =	simm.s32 @!p1 $0x1082;
	[sflag:s4] =	ssyncset.s32 $0xFFFFF086  }
0x25: {  	[simem:s6], [sflag:s4] =	dma.local [hbm:s3], $0xF7A  }
0x26: {  	[smem:$0x3F90] =	sst s1;
	(tag) =	ssettag s2;
	_ =	strace s9  }
0x27: {  	s1 =	sld [smem:$0x3FA0]  }
0x28: {  	s2 =	sld [smem:$0x3FA1]  }
0x29: {  	s4 =	sld [smem:$0x3FA3]  }
0x2a: {  	p0 =	seq.s32 s5, $0x0;
	s5 =	sld [smem:$0x3FA4]  }
0x2b: {  	s6 =	sld [smem:$0x3FA5]  }
0x2c: {  	s7 =	sld [smem:$0x3FA6]  }
0x2d: {  	s3 =	simm.s32 $0x108;
	s8 =	sld [smem:$0x3FA7]  }
0x2e: {  	s3 =	simm.s32 @!p0 $0x1082;
	s9 =	sld [smem:$0x3FA8]  }
0x2f: {  	lr =	sadd.s32 s0, s3;
	s0 =	sld [smem:$0x3F9F]  }
0x30: {  	s3 =	sld [smem:$0x3FA2]  }
0x31: {  	[smem:$0x3FAB] =	sst s10  }
0x32: {  	s10 =	sld [smem:$0x3FA9];
	_ =	sdelay $0x3  }
0x33: {  	p0 =	seq.s32 s10, $0x1;
	s10 =	sld [smem:$0x3FAB];
	_ =	sdelay $0x3  }
0x34: {  	[smem:$0x3FAB] =	sst s10  }
0x35: {  	s10 =	sld [smem:$0x3FAA];
	_ =	sdelay $0x3  }
0x36: {  	p1 =	seq.s32 s10, $0x1;
	s10 =	sld [smem:$0x3FAB];
	_ =	sdelay $0x3  }
0x37: {  	[smem:$0x3FAB] =	sst s10  }
0x38: {  	s10 =	sld [smem:$0x3FAC]  }
0x39: {  	_ = 	snop;
	(pc) =	sbr.ind lr, $3  }
0x3a: {  	_ = 	snop  }
0x3b: {  	_ = 	snop  }
0x3c: {  	p2 =	seq.s32 s10, $0x1;
	s10 =	sld [smem:$0x3FAB]  }
0x3d: {  	_ =	shalt  }
0x3e: {  	_ =	shalt  }
0x3f: {  	_ =	shalt  }
0x40: {  	_ =	shalt  }
0x41: {  	_ =	shalt  }
0x42: {  	_ =	shalt  }
0x43: {  	_ =	shalt  }
0x44: {  	_ =	shalt  }
0x45: {  	_ =	shalt  }
0x46: {  	_ =	shalt  }
0x47: {  	_ =	shalt  }
0x48: {  	_ =	shalt  }
0x49: {  	_ =	shalt  }
0x4a: {  	_ =	shalt  }
0x4b: {  	_ =	shalt  }
0x4c: {  	_ =	shalt  }
0x4d: {  	_ =	shalt  }
0x4e: {  	_ =	shalt  }
0x4f: {  	_ =	shalt  }
0x50: {  	_ =	shalt  }
0x51: {  	_ =	shalt  }
0x52: {  	_ =	shalt  }
0x53: {  	_ =	shalt  }
0x54: {  	_ =	shalt  }
0x55: {  	_ =	shalt  }
0x56: {  	_ =	shalt  }
0x57: {  	_ =	shalt  }
0x58: {  	_ =	shalt  }
0x59: {  	_ =	shalt  }
0x5a: {  	_ =	shalt  }
0x5b: {  	_ =	shalt  }
0x5c: {  	_ =	shalt  }
0x5d: {  	_ =	shalt  }
0x5e: {  	_ =	shalt  }
0x5f: {  	_ =	shalt  }
0x60: {  	_ =	shalt  }
0x61: {  	_ =	shalt  }
0x62: {  	_ =	shalt  }
0x63: {  	_ =	shalt  }
0x64: {  	_ =	shalt  }
0x65: {  	_ =	shalt  }
0x66: {  	_ =	shalt  }
0x67: {  	_ =	shalt  }
0x68: {  	_ =	shalt  }
0x69: {  	_ =	shalt  }
0x6a: {  	_ =	shalt  }
0x6b: {  	_ =	shalt  }
0x6c: {  	_ =	shalt  }
0x6d: {  	_ =	shalt  }
0x6e: {  	_ =	shalt  }
0x6f: {  	_ =	shalt  }
0x70: {  	_ =	shalt  }
0x71: {  	_ =	shalt  }
0x72: {  	_ =	shalt  }
0x73: {  	_ =	shalt  }
0x74: {  	_ =	shalt  }
0x75: {  	_ =	shalt  }
0x76: {  	_ =	shalt  }
0x77: {  	_ =	shalt  }
0x78: {  	_ =	shalt  }
0x79: {  	_ =	shalt  }
0x7a: {  	_ =	shalt  }
0x7b: {  	_ =	shalt  }
0x7c: {  	_ =	shalt  }
0x7d: {  	_ =	shalt  }
0x7e: {  	_ =	shalt  }
0x7f: {  	_ =	shalt  }
0x80: {  	_ =	shalt  }
0x81: {  	_ =	shalt  }
0x82: {  	_ =	shalt  }
0x83: {  	_ =	shalt  }
0x84: {  	_ =	shalt  }
0x85: {  	_ =	shalt  }
0x86: {  	_ =	shalt  }
0x87: {  	_ =	shalt  }
.Lfunc_end0:
.L_simem_size_0:
called_computation.3_lowered:
.L_overlay_start_0:
0x88: {  	s2 =	sld [smem:$0x3FD9]  }
0x89: {  	s3 =	sld [smem:$0x3FFE];
	_ =	sdelay $0x1  }
0x8a: {  	s1 =	srdreg.scid  }
0x8b: {  	s0 =	sand.u32 $0x1, s1  }
0x8c: {  	s16 =	sshll.u32 s0, $0xA;
	s2 =	sadd.s32 s3, s2  }
0x8d: {  	s2 =	sadd.s32 s2, s16  }
0x8e: {  	[smem:$0x3FB7] =	sst s2  }
0x8f: {  	_ = 	snop  }
0x90: {  	(tm) =	ssettm $0x1  }
0x91: {  	s17 =	sld [smem:$0x3FFB];
	_ =	sdelay $0x3  }
0x92: {  	_ =	strace s17  }
0x93: {  	s2 =	sld [smem:$0x3FFC];
	_ =	sdelay $0x3  }
0x94: {  	_ =	strace s2  }
0x95: {  	s2 =	sld [smem:$0x3FFD];
	_ =	sdelay $0x3  }
0x96: {  	_ =	strace s2  }
0x97: {  	_ =	strace $0x8FFFFFFF  }
0x98: {  	s18 =	sld [smem:$0x3FDB];
	_ =	sdelay $0x1  }
0x99: {  	s19 =	simm.s32 $_scs_section_size  }
0x9a: {  	s4 =	simm.s32 $_size__tile_overlayer_lowered;
	s5 =	simm.s32 $_tile_overlayer_lowered  }
0x9b: {  	s22 =	simm.s32 $0x1BFF;
	s21 =	sshll.u32 s5, $0x1;
	s2 =	sadd.s32 s19, s18  }
0x9c: {  	s6 =	simm.s32 $0x0;
	s20 =	sshll.u32 s4, $0x1;
	s4 =	sadd.s32 s21, s2  }
0x9d: {  	[timem:s6], [sflag:s22] =	dma.local [hbm:s4], s20  }
0x9e: {  	_ =	swait.ge [sflag:s22], s20  }
0x9f: {  	s3 =	ssub.s32 $0x0, s20;
	[sflag:s22] =	ssyncset.done $0x0  }
0xa0: {  	[sflag:s22] =	ssyncadd.s32 s3;
	_ =	sdelay $0x1  }
0xa1: {  	s23 =	simm.s32 $0x1B8B  }
0xa2: {  	_ =	swait.ge [sflag:s23], $0x1  }
0xa3: {  	[sflag:s23] =	ssyncset.done $0x0  }
0xa4: {  	s25 =	simm.s32 $0x1B8E;
	s24 =	sld [smem:$0x3FFE];
	[sflag:s23] =	ssyncadd.s32 $0xFFFFFFFF  }
0xa5: {  	s26 =	simm.s32 $execute0_lowered;
	[smem:$0x3FD2] =	sst s25  }
0xa6: {  	s4 =	sshll.u32 s26, $0x1;
	_ =	strace $0x8000004F;
	[dreg:$0x1] =	wrdreg $0xFFFFFFFF  }
0xa7: {  	s28 =	simm.s32 $_size_execute0_lowered;
	s2 =	sadd.s32 s2, s4;
	[dreg:$0x0] =	wrdreg $0x0  }
0xa8: {  	s4 =	sshll.u32 s28, $0x1;
	[dreg:$0x2] =	wrdreg s2  }
0xa9: {  	[dreg:$0x3] =	wrdreg s4  }
0xaa: {  	[dreg:$0x4] =	wrdreg $0xC0  }
0xab: {  	_ =	task [dreg:s6], $0x5FFFF  }
0xac: {  	[dreg:$0x1] =	wrdreg $0xFFFFFFFF  }
0xad: {  	[dreg:$0x0] =	wrdreg $0x60  }
0xae: {  	[dreg:$0x2] =	wrdreg s24  }
0xaf: {  	[dreg:$0x3] =	wrdreg $0x88000  }
0xb0: {  	[dreg:$0x4] =	wrdreg $0x9  }
0xb1: {  	_ =	task.clear_ibuf [dreg:s6], $0x5FFFF;
	_ =	strace $0x9000004F  }
0xb2: {  	s29 =	simm.s32 $0x9;
	_ =	strace $0x80000051  }
0xb3: {  	_ =	swait.ge [sflag:s29], $0x1  }
0xb4: {  	[sflag:s29] =	ssyncadd.s32 $0xFFFFFFFF  }
0xb5: {  	_ =	strace $0x90000051  }
0xb6: {  	_ =	sfence  }
0xb7: {  	s30 =	sld [smem:$0x0];
	_ =	sdelay $0x2  }
0xb8: {  	s31 =	sshll.u32 s1, $0xD;
	s1 =	sshrl.u32 s1, $0x2  }
0xb9: {  	s3 =	sand.u32 $0x4000, s31;
	s1 =	sadd.s32 s1, s30  }
0xba: {  	s0 =	sor.u32 s3, s0;
	s1 =	sshll.u32 s1, $0x11  }
0xbb: {  	s0 =	sor.u32 s1, s0  }
0xbc: {  	s0 =	sadd.s32 $0x8F2B, s0  }
0xbd: {  	[sflag:s0] =	ssyncadd.remote.s32 $0x1  }
0xbe: {  	_ =	sfence.sel $0xFFFF  }
0xbf: {  	[dreg:$0x0] =	wrdreg $0xFFFFFFFF;
	(pc) =	sbr.abs _section_cstart, $3  }
0xc0: {  	[dreg:$0x1] =	wrdreg $0xFFFFFFFF  }
0xc1: {  	_ =	task.clear_ibuf [dreg:s6], $0x2FFFF;
	_ =	strace $0x9FFFFFFF  }
0xc2: {  	(tm) =	ssettm $0x7FFFFFFF  }
0xc3: {  	_ =	shalt  }
tec
execute0_lowered:
.L_overlay_start_1:
0x0: {  	(tag) =	ssettag $0x1  }
0x1: {  	s0 =	rddreg [dreg:$0x0]  }
0x2: {  	s2 =	rddreg [dreg:$0x1];
	s10 =	stileid.u32  }
0x3: {  	s4 =	srdreg.scid;
	s3 =	simm.s32 $0x0;
	s12 =	simm.s32 $0x3  }
0x4: {  	s13 =	simm.s32 $0x400;
	s14 =	simm.s32 $0x80;
	s15 =	simm.s32 $0x800  }
0x5: {  	s16 =	simm.s32 $0x4800;
	s17 =	simm.s32 $0x1;
	s18 =	simm.s32 $0x100  }
0x6: {  	s19 =	simm.s32 $0x2;
	s20 =	simm.s32 $0x480;
	s21 =	simm.s32 $0x180  }
0x7: {  	s28 =	simm.s32 $0x300;
	s29 =	simm.s32 $0x680;
	s1 =	smul.u32 $0xA00, s10  }
0x8: {  	s30 =	simm.s32 $0x380;
	s31 =	simm.s32 $0x700;
	s5 =	smul.u32 $0x14000, s10  }
0x9: {  	s7 =	sand.u32 $0x1, s4;
	[smem:$0x7FF] =	sst s3;
	s9 =	smul.u32 $0x50000, s10  }
0xa: {  	s4 =	sadd.s32 $0x42000, s0;
	s25 =	sshll.u32 s10, $0x6;
	s6 =	smul.u32 $0x140000, s7  }
0xb: {  	_ =	strace $0x80000050;
	s22 =	ssub.s32 $0x2, s7;
	p0 =	sne.s32 s7, $0x0  }
0xc: {  	s1 =	sadd.s32 s1, s0;
	s8 =	sshrl.u32 s5, $0x3;
	s23 =	sshrl.u32 s22, $0x1  }
0xd: {  	s24 =	sshrl.u32 s9, $0x2;
	s5 =	sadd.s32 s5, s6;
	s8 =	sadd.s32 s8, s0  }
0xe: {  	s11 =	sadd.s32 s24, s2;
	s9 =	sadd.s32 $0x10000, s1;
	s10 =	sadd.s32 $0x6000, s1  }
0xf: {  	s24 =	simm.s32 $0x580;
	s1 =	simm.s32 $0x0;
	s5 =	sshrl.u32 s5, $0x3  }
0x10: {  	s6 =	sadd.s32 $0x1A000, s8;
	s8 =	sor.u32 $0x1C03, s25;
	s7 =	sshrl.u32 s11, $0x3  }
.Ltmp0:
0x11: {  	s25 =	simm.s32 $0x280;
	[dreg:$0x3] =	wrdreg s6;
	(pc) =	sbr.rel .LBB2_1-.Ltmp0, $4  }
0x12: {  	s0 =	sadd.s32 s5, s0;
	s5 =	ssub.s32 s22, s23;
	[dreg:$0x4] =	wrdreg s8  }
0x13: {  	s22 =	simm.s32 $0x500;
	[dreg:$0x7] =	wrdreg s7;
	s0 =	sadd.s32 $0xB7600, s0  }
0x14: {  	s23 =	simm.s32 $0x200;
	s26 =	smax.u32 s5, $0x1;
	[dreg:$0x5] =	wrdreg s0  }
0x15: {  	[dreg:$0x6] =	wrdreg s26;
	s26 =	simm.s32 $0x600;
	s0 =	simm.s32 $0x780  }
.LBB2_4:
0x16: {  	s6 =	sadd.s32 s5, s10;
	[sflag:s12] =	ssyncadd.s32 $0xFFFFC000  }
0x17: {  	[tilespmem:s3], [sflag:$0x3] =	stream.linear.gather [hbm4b:s6+s3], $0x400, $0x38;
	[tilespmem:$0x1C800] =	vst v63  }
0x18: {  	_ =	swait.ge [sflag:s12], $0x400  }
0x19: {  	[sflag:s12] =	ssyncset.done $0x0  }
0x1a: {  	s11 =	sadd.s32 s5, s9;
	[sflag:s12] =	ssyncadd.s32 $0xFFFFFC00  }
0x1b: {  	[tilespmem:s13], [sflag:$0x3] =	stream.linear.gather [hbm4b:s11+s3], $0x400, $0x38;
	[tilespmem:$0x1C800] =	vst v63  }
0x1c: {  	_ =	swait.ge [sflag:s12], $0x400  }
0x1d: {  	[sflag:s12] =	ssyncset.done $0x0  }
0x1e: {  	[sflag:s12] =	ssyncadd.s32 $0xFFFFFC00  }
0x1f: {  	[tilespmem:s15], [sflag:$0x1] =	stream.indirect.gather [hbm4b:s4+s14], $0x80, s3, s14, $0xb8;
	[tilespmem:$0x1C800] =	vst v63  }
0x20: {  	_ = 	snop  }
0x21: {  	[tilespmem:s16], [sflag:$0x2] =	stream.indirect.gather [hbm4b:s4+s14], $0x80, s14, s14, $0xb8;
	[tilespmem:$0x1C800] =	vst v63  }
0x22: {  	_ =	swait.ge [sflag:s17], $0x4000  }
0x23: {  	[sflag:s17] =	ssyncset.done $0x0  }
0x24: {  	[sflag:s17] =	ssyncadd.s32 $0xFFFFC000  }
0x25: {  	[spmem:s2] =	stream.indirect.scatter.add.f32 [tilespmem:s15], [sflag:$0x3], $0x80, s13, s14, $0xb8;
	[tilespmem:$0x1C800] =	vst v63  }
0x26: {  	_ =	swait.ge [sflag:s12], $0x4000  }
0x27: {  	[sflag:s12] =	ssyncset.done $0x0  }
0x28: {  	[sflag:s12] =	ssyncadd.s32 $0xFFFFC000  }
0x29: {  	[tilespmem:s15], [sflag:$0x1] =	stream.indirect.gather [hbm4b:s4+s14], $0x80, s18, s14, $0xb8;
	[tilespmem:$0x1C800] =	vst v63  }
0x2a: {  	_ =	swait.ge [sflag:s19], $0x4000  }
0x2b: {  	[sflag:s19] =	ssyncset.done $0x0  }
0x2c: {  	[sflag:s19] =	ssyncadd.s32 $0xFFFFC000  }
0x2d: {  	[spmem:s2] =	stream.indirect.scatter.add.f32 [tilespmem:s16], [sflag:$0x3], $0x80, s20, s14, $0xb8;
	[tilespmem:$0x1C800] =	vst v63  }
0x2e: {  	_ =	swait.ge [sflag:s12], $0x4000  }
0x2f: {  	[sflag:s12] =	ssyncset.done $0x0  }
0x30: {  	[sflag:s12] =	ssyncadd.s32 $0xFFFFC000  }
0x31: {  	[tilespmem:s16], [sflag:$0x2] =	stream.indirect.gather [hbm4b:s4+s14], $0x80, s21, s14, $0xb8;
	[tilespmem:$0x1C800] =	vst v63  }
0x32: {  	_ =	swait.ge [sflag:s17], $0x4000  }
0x33: {  	[sflag:s17] =	ssyncset.done $0x0  }
0x34: {  	[sflag:s17] =	ssyncadd.s32 $0xFFFFC000  }
0x35: {  	[spmem:s2] =	stream.indirect.scatter.add.f32 [tilespmem:s15], [sflag:$0x3], $0x80, s22, s14, $0xb8;
	[tilespmem:$0x1C800] =	vst v63  }
0x36: {  	_ =	swait.ge [sflag:s12], $0x4000  }
0x37: {  	[sflag:s12] =	ssyncset.done $0x0  }
0x38: {  	[sflag:s12] =	ssyncadd.s32 $0xFFFFC000  }
0x39: {  	[tilespmem:s15], [sflag:$0x1] =	stream.indirect.gather [hbm4b:s4+s14], $0x80, s23, s14, $0xb8;
	[tilespmem:$0x1C800] =	vst v63  }
0x3a: {  	_ =	swait.ge [sflag:s19], $0x4000  }
0x3b: {  	[sflag:s19] =	ssyncset.done $0x0  }
0x3c: {  	[sflag:s19] =	ssyncadd.s32 $0xFFFFC000  }
0x3d: {  	[spmem:s2] =	stream.indirect.scatter.add.f32 [tilespmem:s16], [sflag:$0x3], $0x80, s24, s14, $0xb8;
	[tilespmem:$0x1C800] =	vst v63  }
0x3e: {  	_ =	swait.ge [sflag:s12], $0x4000  }
0x3f: {  	[sflag:s12] =	ssyncset.done $0x0  }
0x40: {  	[sflag:s12] =	ssyncadd.s32 $0xFFFFC000  }
0x41: {  	[tilespmem:s16], [sflag:$0x2] =	stream.indirect.gather [hbm4b:s4+s14], $0x80, s25, s14, $0xb8;
	[tilespmem:$0x1C800] =	vst v63  }
0x42: {  	_ =	swait.ge [sflag:s17], $0x4000  }
0x43: {  	[sflag:s17] =	ssyncset.done $0x0  }
0x44: {  	[sflag:s17] =	ssyncadd.s32 $0xFFFFC000  }
0x45: {  	[spmem:s2] =	stream.indirect.scatter.add.f32 [tilespmem:s15], [sflag:$0x3], $0x80, s26, s14, $0xb8;
	[tilespmem:$0x1C800] =	vst v63  }
0x46: {  	_ =	swait.ge [sflag:s12], $0x4000  }
0x47: {  	[sflag:s12] =	ssyncset.done $0x0  }
0x48: {  	[sflag:s12] =	ssyncadd.s32 $0xFFFFC000  }
0x49: {  	[tilespmem:s15], [sflag:$0x1] =	stream.indirect.gather [hbm4b:s4+s14], $0x80, s28, s14, $0xb8;
	[tilespmem:$0x1C800] =	vst v63  }
0x4a: {  	_ =	swait.ge [sflag:s19], $0x4000  }
0x4b: {  	[sflag:s19] =	ssyncset.done $0x0  }
0x4c: {  	[sflag:s19] =	ssyncadd.s32 $0xFFFFC000  }
0x4d: {  	[spmem:s2] =	stream.indirect.scatter.add.f32 [tilespmem:s16], [sflag:$0x3], $0x80, s29, s14, $0xb8;
	[tilespmem:$0x1C800] =	vst v63  }
0x4e: {  	_ =	swait.ge [sflag:s12], $0x4000  }
0x4f: {  	[sflag:s12] =	ssyncset.done $0x0  }
0x50: {  	[sflag:s12] =	ssyncadd.s32 $0xFFFFC000  }
0x51: {  	[tilespmem:s16], [sflag:$0x2] =	stream.indirect.gather [hbm4b:s4+s14], $0x80, s30, s14, $0xb8;
	[tilespmem:$0x1C800] =	vst v63  }
0x52: {  	_ =	swait.ge [sflag:s17], $0x4000  }
0x53: {  	[sflag:s17] =	ssyncset.done $0x0  }
0x54: {  	[sflag:s17] =	ssyncadd.s32 $0xFFFFC000  }
0x55: {  	[spmem:s2] =	stream.indirect.scatter.add.f32 [tilespmem:s15], [sflag:$0x3], $0x80, s31, s14, $0xb8;
	[tilespmem:$0x1C800] =	vst v63  }
0x56: {  	_ =	swait.ge [sflag:s12], $0x4000  }
0x57: {  	[sflag:s12] =	ssyncset.done $0x0  }
0x58: {  	[sflag:s12] =	ssyncadd.s32 $0xFFFFC000  }
0x59: {  	_ =	swait.ge [sflag:s19], $0x4000  }
0x5a: {  	[sflag:s19] =	ssyncset.done $0x0  }
0x5b: {  	[sflag:s19] =	ssyncadd.s32 $0xFFFFC000  }
0x5c: {  	[spmem:s2] =	stream.indirect.scatter.add.f32 [tilespmem:s16], [sflag:$0x3], $0x80, s0, s14, $0xb8;
	[tilespmem:$0x1C800] =	vst v63  }
0x5d: {  	_ =	swait.ge [sflag:s12], $0x4000  }
0x5e: {  	s6 =	rddreg [dreg:$0x3]  }
0x5f: {  	[sflag:s12] =	ssyncset.done $0x0;
	s8 =	rddreg [dreg:$0x4]  }
0x60: {  	s7 =	rddreg [dreg:$0x7];
	[sflag:s12] =	ssyncadd.s32 $0xFFFFC000  }
.LBB2_5:
0x61: {  	[bflag:$0x0] =	sbarrier.arrive $0xFFFF  }
0x62: {  	s5 =	rddreg [dreg:$0x5]  }
0x63: {  	[hbm:s5], [sflag:s8] =	dma.local [spmem:s7], $0x2800  }
0x64: {  	_ =	swait.ge [sflag:s12], $0x2800  }
0x65: {  	s1 =	sadd.s32 $0x1, s1;
	s11 =	rddreg [dreg:$0x6]  }
0x66: {  	p1 =	sne.s32 s1, s11  }
.Ltmp1:
0x67: {  	_ = 	snop;
	(pc) =	sbr.rel @!p1 .LBB2_6-.Ltmp1, $3  }
0x68: {  	_ =	sdelay $0x1  }
0x69: {  	[sflag:s12] =	ssyncset.done $0x0  }
0x6a: {  	[sflag:s12] =	ssyncadd.s32 $0xFFFFD800  }
.LBB2_1:
0x6b: {  	[spmem:s7], [sflag:s8] =	dma.local [hbm:s6], $0x2800  }
.Ltmp2:
0x6c: {  	_ =	swait.ge [sflag:s12], $0x2800;
	(pc) =	sbr.rel @p0 .LBB2_5-.Ltmp2, $3  }
0x6d: {  	[sflag:s12] =	ssyncset.done $0x0  }
0x6e: {  	[sflag:s12] =	ssyncadd.s32 $0xFFFFD800  }
0x6f: {  	[bflag:$0x0] =	sbarrier.arrive $0xFFFF;
	_ =	sdelay $0x1  }
0x70: {  	s5 =	sadd.s32 $0x0, s10  }
0x71: {  	[tilespmem:s3], [sflag:$0x3] =	stream.linear.gather [hbm4b:s5+s3], $0x400, $0x38;
	[tilespmem:$0x1C800] =	vst v63  }
0x72: {  	_ =	swait.ge [sflag:s12], $0x400  }
0x73: {  	[sflag:s12] =	ssyncset.done $0x0  }
0x74: {  	s11 =	sadd.s32 $0x0, s9;
	[sflag:s12] =	ssyncadd.s32 $0xFFFFFC00  }
0x75: {  	[tilespmem:s13], [sflag:$0x3] =	stream.linear.gather [hbm4b:s11+s3], $0x400, $0x38;
	[tilespmem:$0x1C800] =	vst v63  }
0x76: {  	_ =	swait.ge [sflag:s12], $0x400  }
0x77: {  	[sflag:s12] =	ssyncset.done $0x0  }
0x78: {  	[sflag:s12] =	ssyncadd.s32 $0xFFFFFC00  }
0x79: {  	[tilespmem:s15], [sflag:$0x1] =	stream.indirect.gather [hbm4b:s4+s14], $0x80, s3, s14, $0xb8;
	[tilespmem:$0x1C800] =	vst v63  }
0x7a: {  	_ = 	snop  }
0x7b: {  	[tilespmem:s16], [sflag:$0x2] =	stream.indirect.gather [hbm4b:s4+s14], $0x80, s14, s14, $0xb8;
	[tilespmem:$0x1C800] =	vst v63  }
0x7c: {  	_ =	swait.ge [sflag:s17], $0x4000  }
0x7d: {  	[sflag:s17] =	ssyncset.done $0x0  }
0x7e: {  	[sflag:s17] =	ssyncadd.s32 $0xFFFFC000  }
0x7f: {  	[spmem:s2] =	stream.indirect.scatter.add.f32 [tilespmem:s15], [sflag:$0x3], $0x80, s13, s14, $0xb8;
	[tilespmem:$0x1C800] =	vst v63  }
0x80: {  	_ =	swait.ge [sflag:s12], $0x4000  }
0x81: {  	[sflag:s12] =	ssyncset.done $0x0  }
0x82: {  	[sflag:s12] =	ssyncadd.s32 $0xFFFFC000  }
0x83: {  	[tilespmem:s15], [sflag:$0x1] =	stream.indirect.gather [hbm4b:s4+s14], $0x80, s18, s14, $0xb8;
	[tilespmem:$0x1C800] =	vst v63  }
0x84: {  	_ =	swait.ge [sflag:s19], $0x4000  }
0x85: {  	[sflag:s19] =	ssyncset.done $0x0  }
0x86: {  	[sflag:s19] =	ssyncadd.s32 $0xFFFFC000  }
0x87: {  	[spmem:s2] =	stream.indirect.scatter.add.f32 [tilespmem:s16], [sflag:$0x3], $0x80, s20, s14, $0xb8;
	[tilespmem:$0x1C800] =	vst v63  }
0x88: {  	_ =	swait.ge [sflag:s12], $0x4000  }
0x89: {  	[sflag:s12] =	ssyncset.done $0x0  }
0x8a: {  	[sflag:s12] =	ssyncadd.s32 $0xFFFFC000  }
0x8b: {  	[tilespmem:s16], [sflag:$0x2] =	stream.indirect.gather [hbm4b:s4+s14], $0x80, s21, s14, $0xb8;
	[tilespmem:$0x1C800] =	vst v63  }
0x8c: {  	_ =	swait.ge [sflag:s17], $0x4000  }
0x8d: {  	[sflag:s17] =	ssyncset.done $0x0  }
0x8e: {  	[sflag:s17] =	ssyncadd.s32 $0xFFFFC000  }
0x8f: {  	[spmem:s2] =	stream.indirect.scatter.add.f32 [tilespmem:s15], [sflag:$0x3], $0x80, s22, s14, $0xb8;
	[tilespmem:$0x1C800] =	vst v63  }
0x90: {  	_ =	swait.ge [sflag:s12], $0x4000  }
0x91: {  	[sflag:s12] =	ssyncset.done $0x0  }
0x92: {  	[sflag:s12] =	ssyncadd.s32 $0xFFFFC000  }
0x93: {  	[tilespmem:s15], [sflag:$0x1] =	stream.indirect.gather [hbm4b:s4+s14], $0x80, s23, s14, $0xb8;
	[tilespmem:$0x1C800] =	vst v63  }
0x94: {  	_ =	swait.ge [sflag:s19], $0x4000  }
0x95: {  	[sflag:s19] =	ssyncset.done $0x0  }
0x96: {  	[sflag:s19] =	ssyncadd.s32 $0xFFFFC000  }
0x97: {  	[spmem:s2] =	stream.indirect.scatter.add.f32 [tilespmem:s16], [sflag:$0x3], $0x80, s24, s14, $0xb8;
	[tilespmem:$0x1C800] =	vst v63  }
0x98: {  	_ =	swait.ge [sflag:s12], $0x4000  }
0x99: {  	[sflag:s12] =	ssyncset.done $0x0  }
0x9a: {  	[sflag:s12] =	ssyncadd.s32 $0xFFFFC000  }
0x9b: {  	[tilespmem:s16], [sflag:$0x2] =	stream.indirect.gather [hbm4b:s4+s14], $0x80, s25, s14, $0xb8;
	[tilespmem:$0x1C800] =	vst v63  }
0x9c: {  	_ =	swait.ge [sflag:s17], $0x4000  }
0x9d: {  	[sflag:s17] =	ssyncset.done $0x0  }
0x9e: {  	[sflag:s17] =	ssyncadd.s32 $0xFFFFC000  }
0x9f: {  	[spmem:s2] =	stream.indirect.scatter.add.f32 [tilespmem:s15], [sflag:$0x3], $0x80, s26, s14, $0xb8;
	[tilespmem:$0x1C800] =	vst v63  }
0xa0: {  	_ =	swait.ge [sflag:s12], $0x4000  }
0xa1: {  	[sflag:s12] =	ssyncset.done $0x0  }
0xa2: {  	[sflag:s12] =	ssyncadd.s32 $0xFFFFC000  }
0xa3: {  	[tilespmem:s15], [sflag:$0x1] =	stream.indirect.gather [hbm4b:s4+s14], $0x80, s28, s14, $0xb8;
	[tilespmem:$0x1C800] =	vst v63  }
0xa4: {  	_ =	swait.ge [sflag:s19], $0x4000  }
0xa5: {  	[sflag:s19] =	ssyncset.done $0x0  }
0xa6: {  	[sflag:s19] =	ssyncadd.s32 $0xFFFFC000  }
0xa7: {  	[spmem:s2] =	stream.indirect.scatter.add.f32 [tilespmem:s16], [sflag:$0x3], $0x80, s29, s14, $0xb8;
	[tilespmem:$0x1C800] =	vst v63  }
0xa8: {  	_ =	swait.ge [sflag:s12], $0x4000  }
0xa9: {  	[sflag:s12] =	ssyncset.done $0x0  }
0xaa: {  	[sflag:s12] =	ssyncadd.s32 $0xFFFFC000  }
0xab: {  	[tilespmem:s16], [sflag:$0x2] =	stream.indirect.gather [hbm4b:s4+s14], $0x80, s30, s14, $0xb8;
	[tilespmem:$0x1C800] =	vst v63  }
0xac: {  	_ =	swait.ge [sflag:s17], $0x4000  }
0xad: {  	[sflag:s17] =	ssyncset.done $0x0  }
0xae: {  	[sflag:s17] =	ssyncadd.s32 $0xFFFFC000  }
0xaf: {  	[spmem:s2] =	stream.indirect.scatter.add.f32 [tilespmem:s15], [sflag:$0x3], $0x80, s31, s14, $0xb8;
	[tilespmem:$0x1C800] =	vst v63  }
0xb0: {  	_ =	swait.ge [sflag:s12], $0x4000  }
0xb1: {  	[sflag:s12] =	ssyncset.done $0x0  }
0xb2: {  	[sflag:s12] =	ssyncadd.s32 $0xFFFFC000  }
0xb3: {  	_ =	swait.ge [sflag:s19], $0x4000  }
0xb4: {  	[sflag:s19] =	ssyncset.done $0x0  }
0xb5: {  	[sflag:s19] =	ssyncadd.s32 $0xFFFFC000  }
0xb6: {  	[spmem:s2] =	stream.indirect.scatter.add.f32 [tilespmem:s16], [sflag:$0x3], $0x80, s0, s14, $0xb8;
	[tilespmem:$0x1C800] =	vst v63  }
0xb7: {  	_ =	swait.ge [sflag:s12], $0x4000  }
0xb8: {  	s7 =	simm.s32 $0x100;
	s5 =	simm.s32 $0x80;
	[sflag:s12] =	ssyncset.done $0x0  }
.LBB2_3:
0xb9: {  	s6 =	sadd.s32 s5, s10  }
0xba: {  	[sflag:s12] =	ssyncadd.s32 $0xFFFFC000;
	s11 =	smov.u32 s7;
	s8 =	sadd.s32 $0x80, s7  }
0xbb: {  	[tilespmem:s3], [sflag:$0x3] =	stream.linear.gather [hbm4b:s6+s3], $0x400, $0x38;
	[tilespmem:$0x1C800] =	vst v63  }
0xbc: {  	p1 =	sne.s32 s7, $0x980;
	_ =	swait.ge [sflag:s12], $0x400  }
0xbd: {  	[sflag:s12] =	ssyncset.done $0x0  }
0xbe: {  	s6 =	sadd.s32 s5, s9;
	s5 =	smov.u32 s11;
	[sflag:s12] =	ssyncadd.s32 $0xFFFFFC00  }
0xbf: {  	[tilespmem:s13], [sflag:$0x3] =	stream.linear.gather [hbm4b:s6+s3], $0x400, $0x38;
	[tilespmem:$0x1C800] =	vst v63  }
0xc0: {  	_ =	swait.ge [sflag:s12], $0x400  }
0xc1: {  	[sflag:s12] =	ssyncset.done $0x0  }
0xc2: {  	[sflag:s12] =	ssyncadd.s32 $0xFFFFFC00  }
0xc3: {  	[tilespmem:s15], [sflag:$0x1] =	stream.indirect.gather [hbm4b:s4+s14], $0x80, s3, s14, $0xb8;
	[tilespmem:$0x1C800] =	vst v63  }
0xc4: {  	_ = 	snop  }
0xc5: {  	[tilespmem:s16], [sflag:$0x2] =	stream.indirect.gather [hbm4b:s4+s14], $0x80, s14, s14, $0xb8;
	[tilespmem:$0x1C800] =	vst v63  }
0xc6: {  	_ =	swait.ge [sflag:s17], $0x4000  }
0xc7: {  	[sflag:s17] =	ssyncset.done $0x0  }
0xc8: {  	[sflag:s17] =	ssyncadd.s32 $0xFFFFC000  }
0xc9: {  	[spmem:s2] =	stream.indirect.scatter.add.f32 [tilespmem:s15], [sflag:$0x3], $0x80, s13, s14, $0xb8;
	[tilespmem:$0x1C800] =	vst v63  }
0xca: {  	_ =	swait.ge [sflag:s12], $0x4000  }
0xcb: {  	[sflag:s12] =	ssyncset.done $0x0  }
0xcc: {  	[sflag:s12] =	ssyncadd.s32 $0xFFFFC000  }
0xcd: {  	[tilespmem:s15], [sflag:$0x1] =	stream.indirect.gather [hbm4b:s4+s14], $0x80, s18, s14, $0xb8;
	[tilespmem:$0x1C800] =	vst v63  }
0xce: {  	_ =	swait.ge [sflag:s19], $0x4000  }
0xcf: {  	[sflag:s19] =	ssyncset.done $0x0  }
0xd0: {  	[sflag:s19] =	ssyncadd.s32 $0xFFFFC000  }
0xd1: {  	[spmem:s2] =	stream.indirect.scatter.add.f32 [tilespmem:s16], [sflag:$0x3], $0x80, s20, s14, $0xb8;
	[tilespmem:$0x1C800] =	vst v63  }
0xd2: {  	_ =	swait.ge [sflag:s12], $0x4000  }
0xd3: {  	[sflag:s12] =	ssyncset.done $0x0  }
0xd4: {  	[sflag:s12] =	ssyncadd.s32 $0xFFFFC000  }
0xd5: {  	[tilespmem:s16], [sflag:$0x2] =	stream.indirect.gather [hbm4b:s4+s14], $0x80, s21, s14, $0xb8;
	[tilespmem:$0x1C800] =	vst v63  }
0xd6: {  	_ =	swait.ge [sflag:s17], $0x4000  }
0xd7: {  	[sflag:s17] =	ssyncset.done $0x0  }
0xd8: {  	[sflag:s17] =	ssyncadd.s32 $0xFFFFC000  }
0xd9: {  	[spmem:s2] =	stream.indirect.scatter.add.f32 [tilespmem:s15], [sflag:$0x3], $0x80, s22, s14, $0xb8;
	[tilespmem:$0x1C800] =	vst v63  }
0xda: {  	_ =	swait.ge [sflag:s12], $0x4000  }
0xdb: {  	[sflag:s12] =	ssyncset.done $0x0  }
0xdc: {  	[sflag:s12] =	ssyncadd.s32 $0xFFFFC000  }
0xdd: {  	[tilespmem:s15], [sflag:$0x1] =	stream.indirect.gather [hbm4b:s4+s14], $0x80, s23, s14, $0xb8;
	[tilespmem:$0x1C800] =	vst v63  }
0xde: {  	_ =	swait.ge [sflag:s19], $0x4000  }
0xdf: {  	[sflag:s19] =	ssyncset.done $0x0  }
0xe0: {  	[sflag:s19] =	ssyncadd.s32 $0xFFFFC000  }
0xe1: {  	[spmem:s2] =	stream.indirect.scatter.add.f32 [tilespmem:s16], [sflag:$0x3], $0x80, s24, s14, $0xb8;
	[tilespmem:$0x1C800] =	vst v63  }
0xe2: {  	_ =	swait.ge [sflag:s12], $0x4000  }
0xe3: {  	[sflag:s12] =	ssyncset.done $0x0  }
0xe4: {  	[sflag:s12] =	ssyncadd.s32 $0xFFFFC000  }
0xe5: {  	[tilespmem:s16], [sflag:$0x2] =	stream.indirect.gather [hbm4b:s4+s14], $0x80, s25, s14, $0xb8;
	[tilespmem:$0x1C800] =	vst v63  }
0xe6: {  	_ =	swait.ge [sflag:s17], $0x4000  }
0xe7: {  	[sflag:s17] =	ssyncset.done $0x0  }
0xe8: {  	[sflag:s17] =	ssyncadd.s32 $0xFFFFC000  }
0xe9: {  	[spmem:s2] =	stream.indirect.scatter.add.f32 [tilespmem:s15], [sflag:$0x3], $0x80, s26, s14, $0xb8;
	[tilespmem:$0x1C800] =	vst v63  }
0xea: {  	_ =	swait.ge [sflag:s12], $0x4000  }
0xeb: {  	[sflag:s12] =	ssyncset.done $0x0  }
0xec: {  	[sflag:s12] =	ssyncadd.s32 $0xFFFFC000  }
0xed: {  	[tilespmem:s15], [sflag:$0x1] =	stream.indirect.gather [hbm4b:s4+s14], $0x80, s28, s14, $0xb8;
	[tilespmem:$0x1C800] =	vst v63  }
0xee: {  	_ =	swait.ge [sflag:s19], $0x4000  }
0xef: {  	[sflag:s19] =	ssyncset.done $0x0  }
0xf0: {  	[sflag:s19] =	ssyncadd.s32 $0xFFFFC000  }
0xf1: {  	[spmem:s2] =	stream.indirect.scatter.add.f32 [tilespmem:s16], [sflag:$0x3], $0x80, s29, s14, $0xb8;
	[tilespmem:$0x1C800] =	vst v63  }
0xf2: {  	_ =	swait.ge [sflag:s12], $0x4000  }
0xf3: {  	[sflag:s12] =	ssyncset.done $0x0  }
0xf4: {  	[sflag:s12] =	ssyncadd.s32 $0xFFFFC000  }
0xf5: {  	[tilespmem:s16], [sflag:$0x2] =	stream.indirect.gather [hbm4b:s4+s14], $0x80, s30, s14, $0xb8;
	[tilespmem:$0x1C800] =	vst v63  }
0xf6: {  	_ =	swait.ge [sflag:s17], $0x4000  }
0xf7: {  	[sflag:s17] =	ssyncset.done $0x0  }
0xf8: {  	[sflag:s17] =	ssyncadd.s32 $0xFFFFC000  }
0xf9: {  	[spmem:s2] =	stream.indirect.scatter.add.f32 [tilespmem:s15], [sflag:$0x3], $0x80, s31, s14, $0xb8;
	[tilespmem:$0x1C800] =	vst v63  }
0xfa: {  	_ =	swait.ge [sflag:s12], $0x4000  }
0xfb: {  	[sflag:s12] =	ssyncset.done $0x0  }
0xfc: {  	[sflag:s12] =	ssyncadd.s32 $0xFFFFC000  }
0xfd: {  	_ =	swait.ge [sflag:s19], $0x4000  }
.Ltmp3:
0xfe: {  	[sflag:s19] =	ssyncset.done $0x0;
	(pc) =	sbr.rel @p1 .LBB2_3-.Ltmp3, $4  }
0xff: {  	[sflag:s19] =	ssyncadd.s32 $0xFFFFC000  }
0x100: {  	[spmem:s2] =	stream.indirect.scatter.add.f32 [tilespmem:s16], [sflag:$0x3], $0x80, s0, s14, $0xb8;
	[tilespmem:$0x1C800] =	vst v63  }
0x101: {  	_ =	swait.ge [sflag:s12], $0x4000  }
0x102: {  	s7 =	smov.u32 s8;
	[sflag:s12] =	ssyncset.done $0x0  }
.Ltmp4:
0x103: {  	_ = 	snop;
	(pc) =	sbr.rel .LBB2_4-.Ltmp4, $1  }
0x104: {  	_ =	sdelay $0x3  }
.LBB2_6:
0x105: {  	_ =	sfence.sel $0x180000  }
0x106: {  	[bflag:$0x0] =	sbarrier.arrive $0xFFFF  }
0x107: {  	_ =	strace $0x90000050  }
0x108: {  	s0 =	stileid.u32;
	[bflag:$0x2] =	sbarrier.arrive $0xFFFF  }
0x109: {  	p0 =	sne.s32 s0, $0x0;
	s0 =	rddreg [dreg:$0x2]  }
0x10a: {  	s0 =	sadd.s32 @!p0 $0x100000, s0  }
0x10b: {  	[sflag:s0] =	ssyncadd.tile.s32 @!p0 $0x1;
	_ =	shalt  }
.Lfunc_end2:
_tile_overlayer_lowered:
.L_overlay_start_2:
0x10c: {  	(tag) =	ssettag $0x2  }
0x10d: {  	s0 =	rddreg [dreg:$0x0];
	s2 =	stileid.u32  }
0x10e: {  	s1 =	rddreg [dreg:$0x1];
	p0 =	sne.s32 s2, $0x0  }
0x10f: {  	s3 =	rddreg [dreg:$0x2];
	[bflag:$0x3] =	sbarrier.arrive $0xFFFF;
	s2 =	simm.s32 @!p0 $0x1C03  }
0x110: {  	[timem:s3], [sflag:s2] =	dma.local @!p0 [hbm:s0], s1  }
0x111: {  	s0 =	simm.s32 @!p0 $0x3  }
0x112: {  	_ =	swait.ge @!p0 [sflag:s0], s1  }
0x113: {  	s1 =	ssub.s32 @!p0 $0x0, s1;
	[sflag:s0] =	ssyncset.done @!p0 $0x0  }
0x114: {  	[sflag:s0] =	ssyncadd.s32 @!p0 s1  }
0x115: {  	[bflag:$0x3] =	sbarrier.arrive $0xFFFF  }
0x116: {  	_ =	shalt  }

// kernel: kernel.25.cloned.1.call-start
scs
__scs_entry_jumppad:
0x0: {  	(pc) =	sbr.rel $0x88, $3  }
0x1: {  	(tag) =	ssettag $0x0;
	lr =	simm.s32 $0x1  }
0x2: {  	[smem:$0x3F90] =	sst lr;
	_ =	strace $0xD0000000  }
0x3: {  	_ = 	snop  }
0x4: {  	_ = 	snop  }
0x5: {  	_ = 	snop  }
0x6: {  	_ = 	snop  }
0x7: {  	_ = 	snop  }
__scs_overlays_trampoline_lowered:
0x8: {  	[smem:$0x3F9F] =	sst s0  }
0x9: {  	[smem:$0x3FA0] =	sst s1  }
0xa: {  	[smem:$0x3FA1] =	sst s2  }
0xb: {  	[smem:$0x3FA2] =	sst s3  }
0xc: {  	[smem:$0x3FA3] =	sst s4  }
0xd: {  	[smem:$0x3FA4] =	sst s5  }
0xe: {  	[smem:$0x3FA5] =	sst s6  }
0xf: {  	[smem:$0x3FA6] =	sst s7  }
0x10: {  	[smem:$0x3FA7] =	sst s8  }
0x11: {  	[smem:$0x3FA8] =	sst s9;
	s0 =	simm.s32 @!p0 $0x0  }
0x12: {  	s1 =	sld [smem:$0x3F8E];
	s0 =	simm.s32 @p0 $0x1  }
0x13: {  	[smem:$0x3FA9] =	sst s0;
	s0 =	simm.s32 @!p1 $0x0  }
0x14: {  	s2 =	sld [smem:$0x3F8D];
	s0 =	simm.s32 @p1 $0x1  }
0x15: {  	[smem:$0x3FAA] =	sst s0;
	s0 =	simm.s32 @!p2 $0x0  }
0x16: {  	s3 =	sld [smem:$0x3FDB];
	s0 =	simm.s32 @p2 $0x1  }
0x17: {  	s4 =	simm.s32 $0x1BF5;
	[smem:$0x3FAC] =	sst s0  }
0x18: {  	s0 =	sld [smem:$0x3F8F];
	_ =	swait.ge [sflag:s4], $0x0  }
0x19: {  	s7 =	sld [smem:$0x3F90]  }
0x1a: {  	s8 =	sadd.s32 $0xFFFFE003, lr  }
0x1b: {  	s9 =	sadd.s32 $0xFFFFFEF7, lr;
	s5 =	simm.s32 $0xFFFFFFFF;
	p2 =	slt.u32 s8, $0xFFFFF086  }
0x1c: {  	p1 =	slt.u32 s9, $0xF7A;
	s5 =	simm.s32 @!p2 $0x0  }
0x1d: {  	s5 =	simm.s32 @p1 $0x1;
	p0 =	seq.s32 s7, s2  }
0x1e: {  	s7 =	smul.u32 @!p0 $0xF7A, s2;
	p2 =	seq.s32 @!p0 s5, $0x0  }
0x1f: {  	s9 =	smul.u32 $0xF7A, s1;
	s8 =	simm.s32 @!p0 $0x1BF5;
	p2 =	por !p2, p0  }
0x20: {  	[sflag:s8] =	ssyncset.s32 @!p0 $0xFFFFF086;
	s6 =	sadd.s32 @!p0 s3, s7;
	s7 =	simm.s32 @!p0 $0x108  }
0x21: {  	s3 =	sadd.s32 s3, s9;
	s6 =	sadd.s32 @!p0 $0x88, s6;
	s7 =	simm.s32 @p2 $0x1082  }
0x22: {  	[simem:s7], [sflag:s8] =	dma.local @!p0 [hbm:s6], $0xF7A  }
0x23: {  	s9 =	sor.u32 $0xD0000000, s2;
	s6 =	simm.s32 $0x108;
	_ =	swait.ge @!p0 [sflag:s8], $0x0  }
0x24: {  	s3 =	sadd.s32 $0x88, s3;
	s6 =	simm.s32 @!p1 $0x1082;
	[sflag:s4] =	ssyncset.s32 $0xFFFFF086  }
0x25: {  	[simem:s6], [sflag:s4] =	dma.local [hbm:s3], $0xF7A  }
0x26: {  	[smem:$0x3F90] =	sst s1;
	(tag) =	ssettag s2;
	_ =	strace s9  }
0x27: {  	s1 =	sld [smem:$0x3FA0]  }
0x28: {  	s2 =	sld [smem:$0x3FA1]  }
0x29: {  	s4 =	sld [smem:$0x3FA3]  }
0x2a: {  	p0 =	seq.s32 s5, $0x0;
	s5 =	sld [smem:$0x3FA4]  }
0x2b: {  	s6 =	sld [smem:$0x3FA5]  }
0x2c: {  	s7 =	sld [smem:$0x3FA6]  }
0x2d: {  	s3 =	simm.s32 $0x108;
	s8 =	sld [smem:$0x3FA7]  }
0x2e: {  	s3 =	simm.s32 @!p0 $0x1082;
	s9 =	sld [smem:$0x3FA8]  }
0x2f: {  	lr =	sadd.s32 s0, s3;
	s0 =	sld [smem:$0x3F9F]  }
0x30: {  	s3 =	sld [smem:$0x3FA2]  }
0x31: {  	[smem:$0x3FAB] =	sst s10  }
0x32: {  	s10 =	sld [smem:$0x3FA9];
	_ =	sdelay $0x3  }
0x33: {  	p0 =	seq.s32 s10, $0x1;
	s10 =	sld [smem:$0x3FAB];
	_ =	sdelay $0x3  }
0x34: {  	[smem:$0x3FAB] =	sst s10  }
0x35: {  	s10 =	sld [smem:$0x3FAA];
	_ =	sdelay $0x3  }
0x36: {  	p1 =	seq.s32 s10, $0x1;
	s10 =	sld [smem:$0x3FAB];
	_ =	sdelay $0x3  }
0x37: {  	[smem:$0x3FAB] =	sst s10  }
0x38: {  	s10 =	sld [smem:$0x3FAC]  }
0x39: {  	_ = 	snop;
	(pc) =	sbr.ind lr, $3  }
0x3a: {  	_ = 	snop  }
0x3b: {  	_ = 	snop  }
0x3c: {  	p2 =	seq.s32 s10, $0x1;
	s10 =	sld [smem:$0x3FAB]  }
0x3d: {  	_ =	shalt  }
0x3e: {  	_ =	shalt  }
0x3f: {  	_ =	shalt  }
0x40: {  	_ =	shalt  }
0x41: {  	_ =	shalt  }
0x42: {  	_ =	shalt  }
0x43: {  	_ =	shalt  }
0x44: {  	_ =	shalt  }
0x45: {  	_ =	shalt  }
0x46: {  	_ =	shalt  }
0x47: {  	_ =	shalt  }
0x48: {  	_ =	shalt  }
0x49: {  	_ =	shalt  }
0x4a: {  	_ =	shalt  }
0x4b: {  	_ =	shalt  }
0x4c: {  	_ =	shalt  }
0x4d: {  	_ =	shalt  }
0x4e: {  	_ =	shalt  }
0x4f: {  	_ =	shalt  }
0x50: {  	_ =	shalt  }
0x51: {  	_ =	shalt  }
0x52: {  	_ =	shalt  }
0x53: {  	_ =	shalt  }
0x54: {  	_ =	shalt  }
0x55: {  	_ =	shalt  }
0x56: {  	_ =	shalt  }
0x57: {  	_ =	shalt  }
0x58: {  	_ =	shalt  }
0x59: {  	_ =	shalt  }
0x5a: {  	_ =	shalt  }
0x5b: {  	_ =	shalt  }
0x5c: {  	_ =	shalt  }
0x5d: {  	_ =	shalt  }
0x5e: {  	_ =	shalt  }
0x5f: {  	_ =	shalt  }
0x60: {  	_ =	shalt  }
0x61: {  	_ =	shalt  }
0x62: {  	_ =	shalt  }
0x63: {  	_ =	shalt  }
0x64: {  	_ =	shalt  }
0x65: {  	_ =	shalt  }
0x66: {  	_ =	shalt  }
0x67: {  	_ =	shalt  }
0x68: {  	_ =	shalt  }
0x69: {  	_ =	shalt  }
0x6a: {  	_ =	shalt  }
0x6b: {  	_ =	shalt  }
0x6c: {  	_ =	shalt  }
0x6d: {  	_ =	shalt  }
0x6e: {  	_ =	shalt  }
0x6f: {  	_ =	shalt  }
0x70: {  	_ =	shalt  }
0x71: {  	_ =	shalt  }
0x72: {  	_ =	shalt  }
0x73: {  	_ =	shalt  }
0x74: {  	_ =	shalt  }
0x75: {  	_ =	shalt  }
0x76: {  	_ =	shalt  }
0x77: {  	_ =	shalt  }
0x78: {  	_ =	shalt  }
0x79: {  	_ =	shalt  }
0x7a: {  	_ =	shalt  }
0x7b: {  	_ =	shalt  }
0x7c: {  	_ =	shalt  }
0x7d: {  	_ =	shalt  }
0x7e: {  	_ =	shalt  }
0x7f: {  	_ =	shalt  }
0x80: {  	_ =	shalt  }
0x81: {  	_ =	shalt  }
0x82: {  	_ =	shalt  }
0x83: {  	_ =	shalt  }
0x84: {  	_ =	shalt  }
0x85: {  	_ =	shalt  }
0x86: {  	_ =	shalt  }
0x87: {  	_ =	shalt  }
.Lfunc_end0:
.L_simem_size_0:
called_computation.4_lowered:
.L_overlay_start_0:
0x88: {  	s2 =	sld [smem:$0x3FD9]  }
0x89: {  	s3 =	sld [smem:$0x3FFE];
	_ =	sdelay $0x1  }
0x8a: {  	s1 =	srdreg.scid  }
0x8b: {  	s0 =	sand.u32 $0x1, s1  }
0x8c: {  	s16 =	sshll.u32 s0, $0xA;
	s2 =	sadd.s32 s3, s2  }
0x8d: {  	s2 =	sadd.s32 s2, s16  }
0x8e: {  	[smem:$0x3FB7] =	sst s2  }
0x8f: {  	_ = 	snop  }
0x90: {  	(tm) =	ssettm $0x1  }
0x91: {  	s17 =	sld [smem:$0x3FFB];
	_ =	sdelay $0x3  }
0x92: {  	_ =	strace s17  }
0x93: {  	s2 =	sld [smem:$0x3FFC];
	_ =	sdelay $0x3  }
0x94: {  	_ =	strace s2  }
0x95: {  	s2 =	sld [smem:$0x3FFD];
	_ =	sdelay $0x3  }
0x96: {  	_ =	strace s2  }
0x97: {  	_ =	strace $0x8FFFFFFF  }
0x98: {  	s18 =	sld [smem:$0x3FDB];
	_ =	sdelay $0x1  }
0x99: {  	s19 =	simm.s32 $_scs_section_size  }
0x9a: {  	s4 =	simm.s32 $_size__tile_overlayer_lowered;
	s5 =	simm.s32 $_tile_overlayer_lowered  }
0x9b: {  	s22 =	simm.s32 $0x1BFF;
	s21 =	sshll.u32 s5, $0x1;
	s2 =	sadd.s32 s19, s18  }
0x9c: {  	s6 =	simm.s32 $0x0;
	s20 =	sshll.u32 s4, $0x1;
	s4 =	sadd.s32 s21, s2  }
0x9d: {  	[timem:s6], [sflag:s22] =	dma.local [hbm:s4], s20  }
0x9e: {  	_ =	swait.ge [sflag:s22], s20  }
0x9f: {  	s3 =	ssub.s32 $0x0, s20;
	[sflag:s22] =	ssyncset.done $0x0  }
0xa0: {  	[sflag:s22] =	ssyncadd.s32 s3;
	_ =	sdelay $0x1  }
0xa1: {  	s23 =	simm.s32 $0x1B8B  }
0xa2: {  	_ =	swait.ge [sflag:s23], $0x1  }
0xa3: {  	[sflag:s23] =	ssyncset.done $0x0  }
0xa4: {  	s25 =	simm.s32 $0x1B8E;
	s24 =	sld [smem:$0x3FFE];
	[sflag:s23] =	ssyncadd.s32 $0xFFFFFFFF  }
0xa5: {  	s26 =	simm.s32 $execute0_lowered;
	[smem:$0x3FD2] =	sst s25  }
0xa6: {  	s4 =	sshll.u32 s26, $0x1;
	_ =	strace $0x80000052;
	[dreg:$0x1] =	wrdreg $0xFFFFFFFF  }
0xa7: {  	s28 =	simm.s32 $_size_execute0_lowered;
	s2 =	sadd.s32 s2, s4;
	[dreg:$0x0] =	wrdreg $0x0  }
0xa8: {  	s4 =	sshll.u32 s28, $0x1;
	[dreg:$0x2] =	wrdreg s2  }
0xa9: {  	[dreg:$0x3] =	wrdreg s4  }
0xaa: {  	[dreg:$0x4] =	wrdreg $0xC0  }
0xab: {  	_ =	task [dreg:s6], $0x5FFFF  }
0xac: {  	[dreg:$0x1] =	wrdreg $0xFFFFFFFF  }
0xad: {  	[dreg:$0x0] =	wrdreg $0x60  }
0xae: {  	[dreg:$0x2] =	wrdreg s24  }
0xaf: {  	[dreg:$0x3] =	wrdreg $0x88000  }
0xb0: {  	[dreg:$0x4] =	wrdreg $0x9  }
0xb1: {  	_ =	task.clear_ibuf [dreg:s6], $0x5FFFF;
	_ =	strace $0x90000052  }
0xb2: {  	s29 =	simm.s32 $0x9;
	_ =	strace $0x80000054  }
0xb3: {  	_ =	swait.ge [sflag:s29], $0x1  }
0xb4: {  	[sflag:s29] =	ssyncadd.s32 $0xFFFFFFFF  }
0xb5: {  	_ =	strace $0x90000054  }
0xb6: {  	_ =	sfence  }
0xb7: {  	s30 =	sld [smem:$0x0];
	_ =	sdelay $0x2  }
0xb8: {  	s31 =	sshll.u32 s1, $0xD;
	s1 =	sshrl.u32 s1, $0x2  }
0xb9: {  	s3 =	sand.u32 $0x4000, s31;
	s1 =	sadd.s32 s1, s30  }
0xba: {  	s0 =	sor.u32 s3, s0;
	s1 =	sshll.u32 s1, $0x11  }
0xbb: {  	s0 =	sor.u32 s1, s0  }
0xbc: {  	s0 =	sadd.s32 $0x8F2B, s0  }
0xbd: {  	[sflag:s0] =	ssyncadd.remote.s32 $0x1  }
0xbe: {  	_ =	sfence.sel $0xFFFF  }
0xbf: {  	[dreg:$0x0] =	wrdreg $0xFFFFFFFF;
	(pc) =	sbr.abs _section_cstart, $3  }
0xc0: {  	[dreg:$0x1] =	wrdreg $0xFFFFFFFF  }
0xc1: {  	_ =	task.clear_ibuf [dreg:s6], $0x2FFFF;
	_ =	strace $0x9FFFFFFF  }
0xc2: {  	(tm) =	ssettm $0x7FFFFFFF  }
0xc3: {  	_ =	shalt  }
tec
execute0_lowered:
.L_overlay_start_1:
0x0: {  	(tag) =	ssettag $0x1  }
0x1: {  	s0 =	rddreg [dreg:$0x0]  }
0x2: {  	s2 =	rddreg [dreg:$0x1];
	s10 =	stileid.u32  }
0x3: {  	s4 =	srdreg.scid;
	s3 =	simm.s32 $0x0;
	s12 =	simm.s32 $0x3  }
0x4: {  	s13 =	simm.s32 $0x400;
	s14 =	simm.s32 $0x80;
	s15 =	simm.s32 $0x800  }
0x5: {  	s16 =	simm.s32 $0x4800;
	s17 =	simm.s32 $0x1;
	s18 =	simm.s32 $0x100  }
0x6: {  	s19 =	simm.s32 $0x2;
	s20 =	simm.s32 $0x480;
	s21 =	simm.s32 $0x180  }
0x7: {  	s28 =	simm.s32 $0x300;
	s29 =	simm.s32 $0x680;
	s1 =	smul.u32 $0xA00, s10  }
0x8: {  	s30 =	simm.s32 $0x380;
	s31 =	simm.s32 $0x700;
	s5 =	smul.u32 $0x14000, s10  }
0x9: {  	s7 =	sand.u32 $0x1, s4;
	[smem:$0x7FF] =	sst s3;
	s9 =	smul.u32 $0x50000, s10  }
0xa: {  	s4 =	sadd.s32 $0x42000, s0;
	s25 =	sshll.u32 s10, $0x6;
	s6 =	smul.u32 $0x140000, s7  }
0xb: {  	_ =	strace $0x80000053;
	s22 =	ssub.s32 $0x2, s7;
	p0 =	sne.s32 s7, $0x0  }
0xc: {  	s1 =	sadd.s32 s1, s0;
	s8 =	sshrl.u32 s5, $0x3;
	s23 =	sshrl.u32 s22, $0x1  }
0xd: {  	s24 =	sshrl.u32 s9, $0x2;
	s5 =	sadd.s32 s5, s6;
	s8 =	sadd.s32 s8, s0  }
0xe: {  	s11 =	sadd.s32 s24, s2;
	s9 =	sadd.s32 $0x10000, s1;
	s10 =	sadd.s32 $0x6000, s1  }
0xf: {  	s24 =	simm.s32 $0x580;
	s1 =	simm.s32 $0x0;
	s5 =	sshrl.u32 s5, $0x3  }
0x10: {  	s6 =	sadd.s32 $0x1A000, s8;
	s8 =	sor.u32 $0x1C03, s25;
	s7 =	sshrl.u32 s11, $0x3  }
.Ltmp0:
0x11: {  	s25 =	simm.s32 $0x280;
	[dreg:$0x3] =	wrdreg s6;
	(pc) =	sbr.rel .LBB2_1-.Ltmp0, $4  }
0x12: {  	s0 =	sadd.s32 s5, s0;
	s5 =	ssub.s32 s22, s23;
	[dreg:$0x4] =	wrdreg s8  }
0x13: {  	s22 =	simm.s32 $0x500;
	[dreg:$0x7] =	wrdreg s7;
	s0 =	sadd.s32 $0xB7600, s0  }
0x14: {  	s23 =	simm.s32 $0x200;
	s26 =	smax.u32 s5, $0x1;
	[dreg:$0x5] =	wrdreg s0  }
0x15: {  	[dreg:$0x6] =	wrdreg s26;
	s26 =	simm.s32 $0x600;
	s0 =	simm.s32 $0x780  }
.LBB2_4:
0x16: {  	s6 =	sadd.s32 s5, s10;
	[sflag:s12] =	ssyncadd.s32 $0xFFFFC000  }
0x17: {  	[tilespmem:s3], [sflag:$0x3] =	stream.linear.gather [hbm4b:s6+s3], $0x400, $0x38;
	[tilespmem:$0x1C800] =	vst v63  }
0x18: {  	_ =	swait.ge [sflag:s12], $0x400  }
0x19: {  	[sflag:s12] =	ssyncset.done $0x0  }
0x1a: {  	s11 =	sadd.s32 s5, s9;
	[sflag:s12] =	ssyncadd.s32 $0xFFFFFC00  }
0x1b: {  	[tilespmem:s13], [sflag:$0x3] =	stream.linear.gather [hbm4b:s11+s3], $0x400, $0x38;
	[tilespmem:$0x1C800] =	vst v63  }
0x1c: {  	_ =	swait.ge [sflag:s12], $0x400  }
0x1d: {  	[sflag:s12] =	ssyncset.done $0x0  }
0x1e: {  	[sflag:s12] =	ssyncadd.s32 $0xFFFFFC00  }
0x1f: {  	[tilespmem:s15], [sflag:$0x1] =	stream.indirect.gather [hbm4b:s4+s14], $0x80, s3, s14, $0xb8;
	[tilespmem:$0x1C800] =	vst v63  }
0x20: {  	_ = 	snop  }
0x21: {  	[tilespmem:s16], [sflag:$0x2] =	stream.indirect.gather [hbm4b:s4+s14], $0x80, s14, s14, $0xb8;
	[tilespmem:$0x1C800] =	vst v63  }
0x22: {  	_ =	swait.ge [sflag:s17], $0x4000  }
0x23: {  	[sflag:s17] =	ssyncset.done $0x0  }
0x24: {  	[sflag:s17] =	ssyncadd.s32 $0xFFFFC000  }
0x25: {  	[spmem:s2] =	stream.indirect.scatter.add.f32 [tilespmem:s15], [sflag:$0x3], $0x80, s13, s14, $0xb8;
	[tilespmem:$0x1C800] =	vst v63  }
0x26: {  	_ =	swait.ge [sflag:s12], $0x4000  }
0x27: {  	[sflag:s12] =	ssyncset.done $0x0  }
0x28: {  	[sflag:s12] =	ssyncadd.s32 $0xFFFFC000  }
0x29: {  	[tilespmem:s15], [sflag:$0x1] =	stream.indirect.gather [hbm4b:s4+s14], $0x80, s18, s14, $0xb8;
	[tilespmem:$0x1C800] =	vst v63  }
0x2a: {  	_ =	swait.ge [sflag:s19], $0x4000  }
0x2b: {  	[sflag:s19] =	ssyncset.done $0x0  }
0x2c: {  	[sflag:s19] =	ssyncadd.s32 $0xFFFFC000  }
0x2d: {  	[spmem:s2] =	stream.indirect.scatter.add.f32 [tilespmem:s16], [sflag:$0x3], $0x80, s20, s14, $0xb8;
	[tilespmem:$0x1C800] =	vst v63  }
0x2e: {  	_ =	swait.ge [sflag:s12], $0x4000  }
0x2f: {  	[sflag:s12] =	ssyncset.done $0x0  }
0x30: {  	[sflag:s12] =	ssyncadd.s32 $0xFFFFC000  }
0x31: {  	[tilespmem:s16], [sflag:$0x2] =	stream.indirect.gather [hbm4b:s4+s14], $0x80, s21, s14, $0xb8;
	[tilespmem:$0x1C800] =	vst v63  }
0x32: {  	_ =	swait.ge [sflag:s17], $0x4000  }
0x33: {  	[sflag:s17] =	ssyncset.done $0x0  }
0x34: {  	[sflag:s17] =	ssyncadd.s32 $0xFFFFC000  }
0x35: {  	[spmem:s2] =	stream.indirect.scatter.add.f32 [tilespmem:s15], [sflag:$0x3], $0x80, s22, s14, $0xb8;
	[tilespmem:$0x1C800] =	vst v63  }
0x36: {  	_ =	swait.ge [sflag:s12], $0x4000  }
0x37: {  	[sflag:s12] =	ssyncset.done $0x0  }
0x38: {  	[sflag:s12] =	ssyncadd.s32 $0xFFFFC000  }
0x39: {  	[tilespmem:s15], [sflag:$0x1] =	stream.indirect.gather [hbm4b:s4+s14], $0x80, s23, s14, $0xb8;
	[tilespmem:$0x1C800] =	vst v63  }
0x3a: {  	_ =	swait.ge [sflag:s19], $0x4000  }
0x3b: {  	[sflag:s19] =	ssyncset.done $0x0  }
0x3c: {  	[sflag:s19] =	ssyncadd.s32 $0xFFFFC000  }
0x3d: {  	[spmem:s2] =	stream.indirect.scatter.add.f32 [tilespmem:s16], [sflag:$0x3], $0x80, s24, s14, $0xb8;
	[tilespmem:$0x1C800] =	vst v63  }
0x3e: {  	_ =	swait.ge [sflag:s12], $0x4000  }
0x3f: {  	[sflag:s12] =	ssyncset.done $0x0  }
0x40: {  	[sflag:s12] =	ssyncadd.s32 $0xFFFFC000  }
0x41: {  	[tilespmem:s16], [sflag:$0x2] =	stream.indirect.gather [hbm4b:s4+s14], $0x80, s25, s14, $0xb8;
	[tilespmem:$0x1C800] =	vst v63  }
0x42: {  	_ =	swait.ge [sflag:s17], $0x4000  }
0x43: {  	[sflag:s17] =	ssyncset.done $0x0  }
0x44: {  	[sflag:s17] =	ssyncadd.s32 $0xFFFFC000  }
0x45: {  	[spmem:s2] =	stream.indirect.scatter.add.f32 [tilespmem:s15], [sflag:$0x3], $0x80, s26, s14, $0xb8;
	[tilespmem:$0x1C800] =	vst v63  }
0x46: {  	_ =	swait.ge [sflag:s12], $0x4000  }
0x47: {  	[sflag:s12] =	ssyncset.done $0x0  }
0x48: {  	[sflag:s12] =	ssyncadd.s32 $0xFFFFC000  }
0x49: {  	[tilespmem:s15], [sflag:$0x1] =	stream.indirect.gather [hbm4b:s4+s14], $0x80, s28, s14, $0xb8;
	[tilespmem:$0x1C800] =	vst v63  }
0x4a: {  	_ =	swait.ge [sflag:s19], $0x4000  }
0x4b: {  	[sflag:s19] =	ssyncset.done $0x0  }
0x4c: {  	[sflag:s19] =	ssyncadd.s32 $0xFFFFC000  }
0x4d: {  	[spmem:s2] =	stream.indirect.scatter.add.f32 [tilespmem:s16], [sflag:$0x3], $0x80, s29, s14, $0xb8;
	[tilespmem:$0x1C800] =	vst v63  }
0x4e: {  	_ =	swait.ge [sflag:s12], $0x4000  }
0x4f: {  	[sflag:s12] =	ssyncset.done $0x0  }
0x50: {  	[sflag:s12] =	ssyncadd.s32 $0xFFFFC000  }
0x51: {  	[tilespmem:s16], [sflag:$0x2] =	stream.indirect.gather [hbm4b:s4+s14], $0x80, s30, s14, $0xb8;
	[tilespmem:$0x1C800] =	vst v63  }
0x52: {  	_ =	swait.ge [sflag:s17], $0x4000  }
0x53: {  	[sflag:s17] =	ssyncset.done $0x0  }
0x54: {  	[sflag:s17] =	ssyncadd.s32 $0xFFFFC000  }
0x55: {  	[spmem:s2] =	stream.indirect.scatter.add.f32 [tilespmem:s15], [sflag:$0x3], $0x80, s31, s14, $0xb8;
	[tilespmem:$0x1C800] =	vst v63  }
0x56: {  	_ =	swait.ge [sflag:s12], $0x4000  }
0x57: {  	[sflag:s12] =	ssyncset.done $0x0  }
0x58: {  	[sflag:s12] =	ssyncadd.s32 $0xFFFFC000  }
0x59: {  	_ =	swait.ge [sflag:s19], $0x4000  }
0x5a: {  	[sflag:s19] =	ssyncset.done $0x0  }
0x5b: {  	[sflag:s19] =	ssyncadd.s32 $0xFFFFC000  }
0x5c: {  	[spmem:s2] =	stream.indirect.scatter.add.f32 [tilespmem:s16], [sflag:$0x3], $0x80, s0, s14, $0xb8;
	[tilespmem:$0x1C800] =	vst v63  }
0x5d: {  	_ =	swait.ge [sflag:s12], $0x4000  }
0x5e: {  	s6 =	rddreg [dreg:$0x3]  }
0x5f: {  	[sflag:s12] =	ssyncset.done $0x0;
	s8 =	rddreg [dreg:$0x4]  }
0x60: {  	s7 =	rddreg [dreg:$0x7];
	[sflag:s12] =	ssyncadd.s32 $0xFFFFC000  }
.LBB2_5:
0x61: {  	[bflag:$0x0] =	sbarrier.arrive $0xFFFF  }
0x62: {  	s5 =	rddreg [dreg:$0x5]  }
0x63: {  	[hbm:s5], [sflag:s8] =	dma.local [spmem:s7], $0x2800  }
0x64: {  	_ =	swait.ge [sflag:s12], $0x2800  }
0x65: {  	s1 =	sadd.s32 $0x1, s1;
	s11 =	rddreg [dreg:$0x6]  }
0x66: {  	p1 =	sne.s32 s1, s11  }
.Ltmp1:
0x67: {  	_ = 	snop;
	(pc) =	sbr.rel @!p1 .LBB2_6-.Ltmp1, $3  }
0x68: {  	_ =	sdelay $0x1  }
0x69: {  	[sflag:s12] =	ssyncset.done $0x0  }
0x6a: {  	[sflag:s12] =	ssyncadd.s32 $0xFFFFD800  }
.LBB2_1:
0x6b: {  	[spmem:s7], [sflag:s8] =	dma.local [hbm:s6], $0x2800  }
.Ltmp2:
0x6c: {  	_ =	swait.ge [sflag:s12], $0x2800;
	(pc) =	sbr.rel @p0 .LBB2_5-.Ltmp2, $3  }
0x6d: {  	[sflag:s12] =	ssyncset.done $0x0  }
0x6e: {  	[sflag:s12] =	ssyncadd.s32 $0xFFFFD800  }
0x6f: {  	[bflag:$0x0] =	sbarrier.arrive $0xFFFF;
	_ =	sdelay $0x1  }
0x70: {  	s5 =	sadd.s32 $0x0, s10  }
0x71: {  	[tilespmem:s3], [sflag:$0x3] =	stream.linear.gather [hbm4b:s5+s3], $0x400, $0x38;
	[tilespmem:$0x1C800] =	vst v63  }
0x72: {  	_ =	swait.ge [sflag:s12], $0x400  }
0x73: {  	[sflag:s12] =	ssyncset.done $0x0  }
0x74: {  	s11 =	sadd.s32 $0x0, s9;
	[sflag:s12] =	ssyncadd.s32 $0xFFFFFC00  }
0x75: {  	[tilespmem:s13], [sflag:$0x3] =	stream.linear.gather [hbm4b:s11+s3], $0x400, $0x38;
	[tilespmem:$0x1C800] =	vst v63  }
0x76: {  	_ =	swait.ge [sflag:s12], $0x400  }
0x77: {  	[sflag:s12] =	ssyncset.done $0x0  }
0x78: {  	[sflag:s12] =	ssyncadd.s32 $0xFFFFFC00  }
0x79: {  	[tilespmem:s15], [sflag:$0x1] =	stream.indirect.gather [hbm4b:s4+s14], $0x80, s3, s14, $0xb8;
	[tilespmem:$0x1C800] =	vst v63  }
0x7a: {  	_ = 	snop  }
0x7b: {  	[tilespmem:s16], [sflag:$0x2] =	stream.indirect.gather [hbm4b:s4+s14], $0x80, s14, s14, $0xb8;
	[tilespmem:$0x1C800] =	vst v63  }
0x7c: {  	_ =	swait.ge [sflag:s17], $0x4000  }
0x7d: {  	[sflag:s17] =	ssyncset.done $0x0  }
0x7e: {  	[sflag:s17] =	ssyncadd.s32 $0xFFFFC000  }
0x7f: {  	[spmem:s2] =	stream.indirect.scatter.add.f32 [tilespmem:s15], [sflag:$0x3], $0x80, s13, s14, $0xb8;
	[tilespmem:$0x1C800] =	vst v63  }
0x80: {  	_ =	swait.ge [sflag:s12], $0x4000  }
0x81: {  	[sflag:s12] =	ssyncset.done $0x0  }
0x82: {  	[sflag:s12] =	ssyncadd.s32 $0xFFFFC000  }
0x83: {  	[tilespmem:s15], [sflag:$0x1] =	stream.indirect.gather [hbm4b:s4+s14], $0x80, s18, s14, $0xb8;
	[tilespmem:$0x1C800] =	vst v63  }
0x84: {  	_ =	swait.ge [sflag:s19], $0x4000  }
0x85: {  	[sflag:s19] =	ssyncset.done $0x0  }
0x86: {  	[sflag:s19] =	ssyncadd.s32 $0xFFFFC000  }
0x87: {  	[spmem:s2] =	stream.indirect.scatter.add.f32 [tilespmem:s16], [sflag:$0x3], $0x80, s20, s14, $0xb8;
	[tilespmem:$0x1C800] =	vst v63  }
0x88: {  	_ =	swait.ge [sflag:s12], $0x4000  }
0x89: {  	[sflag:s12] =	ssyncset.done $0x0  }
0x8a: {  	[sflag:s12] =	ssyncadd.s32 $0xFFFFC000  }
0x8b: {  	[tilespmem:s16], [sflag:$0x2] =	stream.indirect.gather [hbm4b:s4+s14], $0x80, s21, s14, $0xb8;
	[tilespmem:$0x1C800] =	vst v63  }
0x8c: {  	_ =	swait.ge [sflag:s17], $0x4000  }
0x8d: {  	[sflag:s17] =	ssyncset.done $0x0  }
0x8e: {  	[sflag:s17] =	ssyncadd.s32 $0xFFFFC000  }
0x8f: {  	[spmem:s2] =	stream.indirect.scatter.add.f32 [tilespmem:s15], [sflag:$0x3], $0x80, s22, s14, $0xb8;
	[tilespmem:$0x1C800] =	vst v63  }
0x90: {  	_ =	swait.ge [sflag:s12], $0x4000  }
0x91: {  	[sflag:s12] =	ssyncset.done $0x0  }
0x92: {  	[sflag:s12] =	ssyncadd.s32 $0xFFFFC000  }
0x93: {  	[tilespmem:s15], [sflag:$0x1] =	stream.indirect.gather [hbm4b:s4+s14], $0x80, s23, s14, $0xb8;
	[tilespmem:$0x1C800] =	vst v63  }
0x94: {  	_ =	swait.ge [sflag:s19], $0x4000  }
0x95: {  	[sflag:s19] =	ssyncset.done $0x0  }
0x96: {  	[sflag:s19] =	ssyncadd.s32 $0xFFFFC000  }
0x97: {  	[spmem:s2] =	stream.indirect.scatter.add.f32 [tilespmem:s16], [sflag:$0x3], $0x80, s24, s14, $0xb8;
	[tilespmem:$0x1C800] =	vst v63  }
0x98: {  	_ =	swait.ge [sflag:s12], $0x4000  }
0x99: {  	[sflag:s12] =	ssyncset.done $0x0  }
0x9a: {  	[sflag:s12] =	ssyncadd.s32 $0xFFFFC000  }
0x9b: {  	[tilespmem:s16], [sflag:$0x2] =	stream.indirect.gather [hbm4b:s4+s14], $0x80, s25, s14, $0xb8;
	[tilespmem:$0x1C800] =	vst v63  }
0x9c: {  	_ =	swait.ge [sflag:s17], $0x4000  }
0x9d: {  	[sflag:s17] =	ssyncset.done $0x0  }
0x9e: {  	[sflag:s17] =	ssyncadd.s32 $0xFFFFC000  }
0x9f: {  	[spmem:s2] =	stream.indirect.scatter.add.f32 [tilespmem:s15], [sflag:$0x3], $0x80, s26, s14, $0xb8;
	[tilespmem:$0x1C800] =	vst v63  }
0xa0: {  	_ =	swait.ge [sflag:s12], $0x4000  }
0xa1: {  	[sflag:s12] =	ssyncset.done $0x0  }
0xa2: {  	[sflag:s12] =	ssyncadd.s32 $0xFFFFC000  }
0xa3: {  	[tilespmem:s15], [sflag:$0x1] =	stream.indirect.gather [hbm4b:s4+s14], $0x80, s28, s14, $0xb8;
	[tilespmem:$0x1C800] =	vst v63  }
0xa4: {  	_ =	swait.ge [sflag:s19], $0x4000  }
0xa5: {  	[sflag:s19] =	ssyncset.done $0x0  }
0xa6: {  	[sflag:s19] =	ssyncadd.s32 $0xFFFFC000  }
0xa7: {  	[spmem:s2] =	stream.indirect.scatter.add.f32 [tilespmem:s16], [sflag:$0x3], $0x80, s29, s14, $0xb8;
	[tilespmem:$0x1C800] =	vst v63  }
0xa8: {  	_ =	swait.ge [sflag:s12], $0x4000  }
0xa9: {  	[sflag:s12] =	ssyncset.done $0x0  }
0xaa: {  	[sflag:s12] =	ssyncadd.s32 $0xFFFFC000  }
0xab: {  	[tilespmem:s16], [sflag:$0x2] =	stream.indirect.gather [hbm4b:s4+s14], $0x80, s30, s14, $0xb8;
	[tilespmem:$0x1C800] =	vst v63  }
0xac: {  	_ =	swait.ge [sflag:s17], $0x4000  }
0xad: {  	[sflag:s17] =	ssyncset.done $0x0  }
0xae: {  	[sflag:s17] =	ssyncadd.s32 $0xFFFFC000  }
0xaf: {  	[spmem:s2] =	stream.indirect.scatter.add.f32 [tilespmem:s15], [sflag:$0x3], $0x80, s31, s14, $0xb8;
	[tilespmem:$0x1C800] =	vst v63  }
0xb0: {  	_ =	swait.ge [sflag:s12], $0x4000  }
0xb1: {  	[sflag:s12] =	ssyncset.done $0x0  }
0xb2: {  	[sflag:s12] =	ssyncadd.s32 $0xFFFFC000  }
0xb3: {  	_ =	swait.ge [sflag:s19], $0x4000  }
0xb4: {  	[sflag:s19] =	ssyncset.done $0x0  }
0xb5: {  	[sflag:s19] =	ssyncadd.s32 $0xFFFFC000  }
0xb6: {  	[spmem:s2] =	stream.indirect.scatter.add.f32 [tilespmem:s16], [sflag:$0x3], $0x80, s0, s14, $0xb8;
	[tilespmem:$0x1C800] =	vst v63  }
0xb7: {  	_ =	swait.ge [sflag:s12], $0x4000  }
0xb8: {  	s7 =	simm.s32 $0x100;
	s5 =	simm.s32 $0x80;
	[sflag:s12] =	ssyncset.done $0x0  }
.LBB2_3:
0xb9: {  	s6 =	sadd.s32 s5, s10  }
0xba: {  	[sflag:s12] =	ssyncadd.s32 $0xFFFFC000;
	s11 =	smov.u32 s7;
	s8 =	sadd.s32 $0x80, s7  }
0xbb: {  	[tilespmem:s3], [sflag:$0x3] =	stream.linear.gather [hbm4b:s6+s3], $0x400, $0x38;
	[tilespmem:$0x1C800] =	vst v63  }
0xbc: {  	p1 =	sne.s32 s7, $0x980;
	_ =	swait.ge [sflag:s12], $0x400  }
0xbd: {  	[sflag:s12] =	ssyncset.done $0x0  }
0xbe: {  	s6 =	sadd.s32 s5, s9;
	s5 =	smov.u32 s11;
	[sflag:s12] =	ssyncadd.s32 $0xFFFFFC00  }
0xbf: {  	[tilespmem:s13], [sflag:$0x3] =	stream.linear.gather [hbm4b:s6+s3], $0x400, $0x38;
	[tilespmem:$0x1C800] =	vst v63  }
0xc0: {  	_ =	swait.ge [sflag:s12], $0x400  }
0xc1: {  	[sflag:s12] =	ssyncset.done $0x0  }
0xc2: {  	[sflag:s12] =	ssyncadd.s32 $0xFFFFFC00  }
0xc3: {  	[tilespmem:s15], [sflag:$0x1] =	stream.indirect.gather [hbm4b:s4+s14], $0x80, s3, s14, $0xb8;
	[tilespmem:$0x1C800] =	vst v63  }
0xc4: {  	_ = 	snop  }
0xc5: {  	[tilespmem:s16], [sflag:$0x2] =	stream.indirect.gather [hbm4b:s4+s14], $0x80, s14, s14, $0xb8;
	[tilespmem:$0x1C800] =	vst v63  }
0xc6: {  	_ =	swait.ge [sflag:s17], $0x4000  }
0xc7: {  	[sflag:s17] =	ssyncset.done $0x0  }
0xc8: {  	[sflag:s17] =	ssyncadd.s32 $0xFFFFC000  }
0xc9: {  	[spmem:s2] =	stream.indirect.scatter.add.f32 [tilespmem:s15], [sflag:$0x3], $0x80, s13, s14, $0xb8;
	[tilespmem:$0x1C800] =	vst v63  }
0xca: {  	_ =	swait.ge [sflag:s12], $0x4000  }
0xcb: {  	[sflag:s12] =	ssyncset.done $0x0  }
0xcc: {  	[sflag:s12] =	ssyncadd.s32 $0xFFFFC000  }
0xcd: {  	[tilespmem:s15], [sflag:$0x1] =	stream.indirect.gather [hbm4b:s4+s14], $0x80, s18, s14, $0xb8;
	[tilespmem:$0x1C800] =	vst v63  }
0xce: {  	_ =	swait.ge [sflag:s19], $0x4000  }
0xcf: {  	[sflag:s19] =	ssyncset.done $0x0  }
0xd0: {  	[sflag:s19] =	ssyncadd.s32 $0xFFFFC000  }
0xd1: {  	[spmem:s2] =	stream.indirect.scatter.add.f32 [tilespmem:s16], [sflag:$0x3], $0x80, s20, s14, $0xb8;
	[tilespmem:$0x1C800] =	vst v63  }
0xd2: {  	_ =	swait.ge [sflag:s12], $0x4000  }
0xd3: {  	[sflag:s12] =	ssyncset.done $0x0  }
0xd4: {  	[sflag:s12] =	ssyncadd.s32 $0xFFFFC000  }
0xd5: {  	[tilespmem:s16], [sflag:$0x2] =	stream.indirect.gather [hbm4b:s4+s14], $0x80, s21, s14, $0xb8;
	[tilespmem:$0x1C800] =	vst v63  }
0xd6: {  	_ =	swait.ge [sflag:s17], $0x4000  }
0xd7: {  	[sflag:s17] =	ssyncset.done $0x0  }
0xd8: {  	[sflag:s17] =	ssyncadd.s32 $0xFFFFC000  }
0xd9: {  	[spmem:s2] =	stream.indirect.scatter.add.f32 [tilespmem:s15], [sflag:$0x3], $0x80, s22, s14, $0xb8;
	[tilespmem:$0x1C800] =	vst v63  }
0xda: {  	_ =	swait.ge [sflag:s12], $0x4000  }
0xdb: {  	[sflag:s12] =	ssyncset.done $0x0  }
0xdc: {  	[sflag:s12] =	ssyncadd.s32 $0xFFFFC000  }
0xdd: {  	[tilespmem:s15], [sflag:$0x1] =	stream.indirect.gather [hbm4b:s4+s14], $0x80, s23, s14, $0xb8;
	[tilespmem:$0x1C800] =	vst v63  }
0xde: {  	_ =	swait.ge [sflag:s19], $0x4000  }
0xdf: {  	[sflag:s19] =	ssyncset.done $0x0  }
0xe0: {  	[sflag:s19] =	ssyncadd.s32 $0xFFFFC000  }
0xe1: {  	[spmem:s2] =	stream.indirect.scatter.add.f32 [tilespmem:s16], [sflag:$0x3], $0x80, s24, s14, $0xb8;
	[tilespmem:$0x1C800] =	vst v63  }
0xe2: {  	_ =	swait.ge [sflag:s12], $0x4000  }
0xe3: {  	[sflag:s12] =	ssyncset.done $0x0  }
0xe4: {  	[sflag:s12] =	ssyncadd.s32 $0xFFFFC000  }
0xe5: {  	[tilespmem:s16], [sflag:$0x2] =	stream.indirect.gather [hbm4b:s4+s14], $0x80, s25, s14, $0xb8;
	[tilespmem:$0x1C800] =	vst v63  }
0xe6: {  	_ =	swait.ge [sflag:s17], $0x4000  }
0xe7: {  	[sflag:s17] =	ssyncset.done $0x0  }
0xe8: {  	[sflag:s17] =	ssyncadd.s32 $0xFFFFC000  }
0xe9: {  	[spmem:s2] =	stream.indirect.scatter.add.f32 [tilespmem:s15], [sflag:$0x3], $0x80, s26, s14, $0xb8;
	[tilespmem:$0x1C800] =	vst v63  }
0xea: {  	_ =	swait.ge [sflag:s12], $0x4000  }
0xeb: {  	[sflag:s12] =	ssyncset.done $0x0  }
0xec: {  	[sflag:s12] =	ssyncadd.s32 $0xFFFFC000  }
0xed: {  	[tilespmem:s15], [sflag:$0x1] =	stream.indirect.gather [hbm4b:s4+s14], $0x80, s28, s14, $0xb8;
	[tilespmem:$0x1C800] =	vst v63  }
0xee: {  	_ =	swait.ge [sflag:s19], $0x4000  }
0xef: {  	[sflag:s19] =	ssyncset.done $0x0  }
0xf0: {  	[sflag:s19] =	ssyncadd.s32 $0xFFFFC000  }
0xf1: {  	[spmem:s2] =	stream.indirect.scatter.add.f32 [tilespmem:s16], [sflag:$0x3], $0x80, s29, s14, $0xb8;
	[tilespmem:$0x1C800] =	vst v63  }
0xf2: {  	_ =	swait.ge [sflag:s12], $0x4000  }
0xf3: {  	[sflag:s12] =	ssyncset.done $0x0  }
0xf4: {  	[sflag:s12] =	ssyncadd.s32 $0xFFFFC000  }
0xf5: {  	[tilespmem:s16], [sflag:$0x2] =	stream.indirect.gather [hbm4b:s4+s14], $0x80, s30, s14, $0xb8;
	[tilespmem:$0x1C800] =	vst v63  }
0xf6: {  	_ =	swait.ge [sflag:s17], $0x4000  }
0xf7: {  	[sflag:s17] =	ssyncset.done $0x0  }
0xf8: {  	[sflag:s17] =	ssyncadd.s32 $0xFFFFC000  }
0xf9: {  	[spmem:s2] =	stream.indirect.scatter.add.f32 [tilespmem:s15], [sflag:$0x3], $0x80, s31, s14, $0xb8;
	[tilespmem:$0x1C800] =	vst v63  }
0xfa: {  	_ =	swait.ge [sflag:s12], $0x4000  }
0xfb: {  	[sflag:s12] =	ssyncset.done $0x0  }
0xfc: {  	[sflag:s12] =	ssyncadd.s32 $0xFFFFC000  }
0xfd: {  	_ =	swait.ge [sflag:s19], $0x4000  }
.Ltmp3:
0xfe: {  	[sflag:s19] =	ssyncset.done $0x0;
	(pc) =	sbr.rel @p1 .LBB2_3-.Ltmp3, $4  }
0xff: {  	[sflag:s19] =	ssyncadd.s32 $0xFFFFC000  }
0x100: {  	[spmem:s2] =	stream.indirect.scatter.add.f32 [tilespmem:s16], [sflag:$0x3], $0x80, s0, s14, $0xb8;
	[tilespmem:$0x1C800] =	vst v63  }
0x101: {  	_ =	swait.ge [sflag:s12], $0x4000  }
0x102: {  	s7 =	smov.u32 s8;
	[sflag:s12] =	ssyncset.done $0x0  }
.Ltmp4:
0x103: {  	_ = 	snop;
	(pc) =	sbr.rel .LBB2_4-.Ltmp4, $1  }
0x104: {  	_ =	sdelay $0x3  }
.LBB2_6:
0x105: {  	_ =	sfence.sel $0x180000  }
0x106: {  	[bflag:$0x0] =	sbarrier.arrive $0xFFFF  }
0x107: {  	_ =	strace $0x90000053  }
0x108: {  	s0 =	stileid.u32;
	[bflag:$0x2] =	sbarrier.arrive $0xFFFF  }
0x109: {  	p0 =	sne.s32 s0, $0x0;
	s0 =	rddreg [dreg:$0x2]  }
0x10a: {  	s0 =	sadd.s32 @!p0 $0x100000, s0  }
0x10b: {  	[sflag:s0] =	ssyncadd.tile.s32 @!p0 $0x1;
	_ =	shalt  }
.Lfunc_end2:
_tile_overlayer_lowered:
.L_overlay_start_2:
0x10c: {  	(tag) =	ssettag $0x2  }
0x10d: {  	s0 =	rddreg [dreg:$0x0];
	s2 =	stileid.u32  }
0x10e: {  	s1 =	rddreg [dreg:$0x1];
	p0 =	sne.s32 s2, $0x0  }
0x10f: {  	s3 =	rddreg [dreg:$0x2];
	[bflag:$0x3] =	sbarrier.arrive $0xFFFF;
	s2 =	simm.s32 @!p0 $0x1C03  }
0x110: {  	[timem:s3], [sflag:s2] =	dma.local @!p0 [hbm:s0], s1  }
0x111: {  	s0 =	simm.s32 @!p0 $0x3  }
0x112: {  	_ =	swait.ge @!p0 [sflag:s0], s1  }
0x113: {  	s1 =	ssub.s32 @!p0 $0x0, s1;
	[sflag:s0] =	ssyncset.done @!p0 $0x0  }
0x114: {  	[sflag:s0] =	ssyncadd.s32 @!p0 s1  }
0x115: {  	[bflag:$0x3] =	sbarrier.arrive $0xFFFF  }
0x116: {  	_ =	shalt  }

// kernel: kernel.28.cloned.1.call-start
scs
__scs_entry_jumppad:
0x0: {  	(pc) =	sbr.rel $0x88, $3  }
0x1: {  	(tag) =	ssettag $0x0;
	lr =	simm.s32 $0x1  }
0x2: {  	[smem:$0x3F90] =	sst lr;
	_ =	strace $0xD0000000  }
0x3: {  	_ = 	snop  }
0x4: {  	_ = 	snop  }
0x5: {  	_ = 	snop  }
0x6: {  	_ = 	snop  }
0x7: {  	_ = 	snop  }
__scs_overlays_trampoline_lowered:
0x8: {  	[smem:$0x3F9F] =	sst s0  }
0x9: {  	[smem:$0x3FA0] =	sst s1  }
0xa: {  	[smem:$0x3FA1] =	sst s2  }
0xb: {  	[smem:$0x3FA2] =	sst s3  }
0xc: {  	[smem:$0x3FA3] =	sst s4  }
0xd: {  	[smem:$0x3FA4] =	sst s5  }
0xe: {  	[smem:$0x3FA5] =	sst s6  }
0xf: {  	[smem:$0x3FA6] =	sst s7  }
0x10: {  	[smem:$0x3FA7] =	sst s8  }
0x11: {  	[smem:$0x3FA8] =	sst s9;
	s0 =	simm.s32 @!p0 $0x0  }
0x12: {  	s1 =	sld [smem:$0x3F8E];
	s0 =	simm.s32 @p0 $0x1  }
0x13: {  	[smem:$0x3FA9] =	sst s0;
	s0 =	simm.s32 @!p1 $0x0  }
0x14: {  	s2 =	sld [smem:$0x3F8D];
	s0 =	simm.s32 @p1 $0x1  }
0x15: {  	[smem:$0x3FAA] =	sst s0;
	s0 =	simm.s32 @!p2 $0x0  }
0x16: {  	s3 =	sld [smem:$0x3FDB];
	s0 =	simm.s32 @p2 $0x1  }
0x17: {  	s4 =	simm.s32 $0x1BF5;
	[smem:$0x3FAC] =	sst s0  }
0x18: {  	s0 =	sld [smem:$0x3F8F];
	_ =	swait.ge [sflag:s4], $0x0  }
0x19: {  	s7 =	sld [smem:$0x3F90]  }
0x1a: {  	s8 =	sadd.s32 $0xFFFFE003, lr  }
0x1b: {  	s9 =	sadd.s32 $0xFFFFFEF7, lr;
	s5 =	simm.s32 $0xFFFFFFFF;
	p2 =	slt.u32 s8, $0xFFFFF086  }
0x1c: {  	p1 =	slt.u32 s9, $0xF7A;
	s5 =	simm.s32 @!p2 $0x0  }
0x1d: {  	s5 =	simm.s32 @p1 $0x1;
	p0 =	seq.s32 s7, s2  }
0x1e: {  	s7 =	smul.u32 @!p0 $0xF7A, s2;
	p2 =	seq.s32 @!p0 s5, $0x0  }
0x1f: {  	s9 =	smul.u32 $0xF7A, s1;
	s8 =	simm.s32 @!p0 $0x1BF5;
	p2 =	por !p2, p0  }
0x20: {  	[sflag:s8] =	ssyncset.s32 @!p0 $0xFFFFF086;
	s6 =	sadd.s32 @!p0 s3, s7;
	s7 =	simm.s32 @!p0 $0x108  }
0x21: {  	s3 =	sadd.s32 s3, s9;
	s6 =	sadd.s32 @!p0 $0x88, s6;
	s7 =	simm.s32 @p2 $0x1082  }
0x22: {  	[simem:s7], [sflag:s8] =	dma.local @!p0 [hbm:s6], $0xF7A  }
0x23: {  	s9 =	sor.u32 $0xD0000000, s2;
	s6 =	simm.s32 $0x108;
	_ =	swait.ge @!p0 [sflag:s8], $0x0  }
0x24: {  	s3 =	sadd.s32 $0x88, s3;
	s6 =	simm.s32 @!p1 $0x1082;
	[sflag:s4] =	ssyncset.s32 $0xFFFFF086  }
0x25: {  	[simem:s6], [sflag:s4] =	dma.local [hbm:s3], $0xF7A  }
0x26: {  	[smem:$0x3F90] =	sst s1;
	(tag) =	ssettag s2;
	_ =	strace s9  }
0x27: {  	s1 =	sld [smem:$0x3FA0]  }
0x28: {  	s2 =	sld [smem:$0x3FA1]  }
0x29: {  	s4 =	sld [smem:$0x3FA3]  }
0x2a: {  	p0 =	seq.s32 s5, $0x0;
	s5 =	sld [smem:$0x3FA4]  }
0x2b: {  	s6 =	sld [smem:$0x3FA5]  }
0x2c: {  	s7 =	sld [smem:$0x3FA6]  }
0x2d: {  	s3 =	simm.s32 $0x108;
	s8 =	sld [smem:$0x3FA7]  }
0x2e: {  	s3 =	simm.s32 @!p0 $0x1082;
	s9 =	sld [smem:$0x3FA8]  }
0x2f: {  	lr =	sadd.s32 s0, s3;
	s0 =	sld [smem:$0x3F9F]  }
0x30: {  	s3 =	sld [smem:$0x3FA2]  }
0x31: {  	[smem:$0x3FAB] =	sst s10  }
0x32: {  	s10 =	sld [smem:$0x3FA9];
	_ =	sdelay $0x3  }
0x33: {  	p0 =	seq.s32 s10, $0x1;
	s10 =	sld [smem:$0x3FAB];
	_ =	sdelay $0x3  }
0x34: {  	[smem:$0x3FAB] =	sst s10  }
0x35: {  	s10 =	sld [smem:$0x3FAA];
	_ =	sdelay $0x3  }
0x36: {  	p1 =	seq.s32 s10, $0x1;
	s10 =	sld [smem:$0x3FAB];
	_ =	sdelay $0x3  }
0x37: {  	[smem:$0x3FAB] =	sst s10  }
0x38: {  	s10 =	sld [smem:$0x3FAC]  }
0x39: {  	_ = 	snop;
	(pc) =	sbr.ind lr, $3  }
0x3a: {  	_ = 	snop  }
0x3b: {  	_ = 	snop  }
0x3c: {  	p2 =	seq.s32 s10, $0x1;
	s10 =	sld [smem:$0x3FAB]  }
0x3d: {  	_ =	shalt  }
0x3e: {  	_ =	shalt  }
0x3f: {  	_ =	shalt  }
0x40: {  	_ =	shalt  }
0x41: {  	_ =	shalt  }
0x42: {  	_ =	shalt  }
0x43: {  	_ =	shalt  }
0x44: {  	_ =	shalt  }
0x45: {  	_ =	shalt  }
0x46: {  	_ =	shalt  }
0x47: {  	_ =	shalt  }
0x48: {  	_ =	shalt  }
0x49: {  	_ =	shalt  }
0x4a: {  	_ =	shalt  }
0x4b: {  	_ =	shalt  }
0x4c: {  	_ =	shalt  }
0x4d: {  	_ =	shalt  }
0x4e: {  	_ =	shalt  }
0x4f: {  	_ =	shalt  }
0x50: {  	_ =	shalt  }
0x51: {  	_ =	shalt  }
0x52: {  	_ =	shalt  }
0x53: {  	_ =	shalt  }
0x54: {  	_ =	shalt  }
0x55: {  	_ =	shalt  }
0x56: {  	_ =	shalt  }
0x57: {  	_ =	shalt  }
0x58: {  	_ =	shalt  }
0x59: {  	_ =	shalt  }
0x5a: {  	_ =	shalt  }
0x5b: {  	_ =	shalt  }
0x5c: {  	_ =	shalt  }
0x5d: {  	_ =	shalt  }
0x5e: {  	_ =	shalt  }
0x5f: {  	_ =	shalt  }
0x60: {  	_ =	shalt  }
0x61: {  	_ =	shalt  }
0x62: {  	_ =	shalt  }
0x63: {  	_ =	shalt  }
0x64: {  	_ =	shalt  }
0x65: {  	_ =	shalt  }
0x66: {  	_ =	shalt  }
0x67: {  	_ =	shalt  }
0x68: {  	_ =	shalt  }
0x69: {  	_ =	shalt  }
0x6a: {  	_ =	shalt  }
0x6b: {  	_ =	shalt  }
0x6c: {  	_ =	shalt  }
0x6d: {  	_ =	shalt  }
0x6e: {  	_ =	shalt  }
0x6f: {  	_ =	shalt  }
0x70: {  	_ =	shalt  }
0x71: {  	_ =	shalt  }
0x72: {  	_ =	shalt  }
0x73: {  	_ =	shalt  }
0x74: {  	_ =	shalt  }
0x75: {  	_ =	shalt  }
0x76: {  	_ =	shalt  }
0x77: {  	_ =	shalt  }
0x78: {  	_ =	shalt  }
0x79: {  	_ =	shalt  }
0x7a: {  	_ =	shalt  }
0x7b: {  	_ =	shalt  }
0x7c: {  	_ =	shalt  }
0x7d: {  	_ =	shalt  }
0x7e: {  	_ =	shalt  }
0x7f: {  	_ =	shalt  }
0x80: {  	_ =	shalt  }
0x81: {  	_ =	shalt  }
0x82: {  	_ =	shalt  }
0x83: {  	_ =	shalt  }
0x84: {  	_ =	shalt  }
0x85: {  	_ =	shalt  }
0x86: {  	_ =	shalt  }
0x87: {  	_ =	shalt  }
.Lfunc_end0:
.L_simem_size_0:
called_computation.5_lowered:
.L_overlay_start_0:
0x88: {  	s2 =	sld [smem:$0x3FD9]  }
0x89: {  	s3 =	sld [smem:$0x3FFE];
	_ =	sdelay $0x1  }
0x8a: {  	s1 =	srdreg.scid  }
0x8b: {  	s0 =	sand.u32 $0x1, s1  }
0x8c: {  	s17 =	sshll.u32 s0, $0xA;
	s2 =	sadd.s32 s3, s2  }
0x8d: {  	s2 =	sadd.s32 s2, s17  }
0x8e: {  	[smem:$0x3FB7] =	sst s2  }
0x8f: {  	_ = 	snop  }
0x90: {  	s2 =	sld [smem:$0x3FC7]  }
0x91: {  	s18 =	sld [smem:$0x3FD0];
	(tm) =	ssettm $0x1  }
0x92: {  	s4 =	sld [smem:$0x3FFB];
	_ =	sdelay $0x3  }
0x93: {  	_ =	strace s4  }
0x94: {  	s4 =	sld [smem:$0x3FFC];
	_ =	sdelay $0x3  }
0x95: {  	_ =	strace s4  }
0x96: {  	s4 =	sld [smem:$0x3FFD];
	_ =	sdelay $0x3  }
0x97: {  	_ =	strace s4  }
0x98: {  	_ =	strace $0x8FFFFFFF  }
0x99: {  	s19 =	sld [smem:$0x3FDB];
	_ =	sdelay $0x1  }
0x9a: {  	s5 =	simm.s32 $_scs_section_size  }
0x9b: {  	s6 =	simm.s32 $_size__tile_overlayer_lowered;
	s7 =	simm.s32 $_tile_overlayer_lowered  }
0x9c: {  	s22 =	simm.s32 $0x1BFF;
	s21 =	sshll.u32 s7, $0x1;
	s4 =	sadd.s32 s5, s19  }
0x9d: {  	s8 =	simm.s32 $0x0;
	s20 =	sshll.u32 s6, $0x1;
	s6 =	sadd.s32 s21, s4  }
0x9e: {  	[timem:s8], [sflag:s22] =	dma.local [hbm:s6], s20  }
0x9f: {  	_ =	swait.ge [sflag:s22], s20  }
0xa0: {  	s5 =	ssub.s32 $0x0, s20;
	[sflag:s22] =	ssyncset.done $0x0  }
0xa1: {  	[sflag:s22] =	ssyncadd.s32 s5;
	_ =	sdelay $0x1  }
0xa2: {  	s23 =	simm.s32 $0x1B8B  }
0xa3: {  	_ =	swait.ge [sflag:s23], $0x1  }
0xa4: {  	[sflag:s23] =	ssyncset.done $0x0  }
0xa5: {  	s25 =	simm.s32 $0x1B8E;
	s24 =	sld [smem:$0x3FFE];
	[sflag:s23] =	ssyncadd.s32 $0xFFFFFFFF  }
0xa6: {  	s26 =	simm.s32 $execute0_lowered;
	[smem:$0x3FD2] =	sst s25  }
0xa7: {  	s6 =	sshll.u32 s26, $0x1;
	_ =	strace $0x80000055;
	[dreg:$0x1] =	wrdreg $0xFFFFFFFF  }
0xa8: {  	s28 =	simm.s32 $_size_execute0_lowered;
	s4 =	sadd.s32 s4, s6;
	[dreg:$0x0] =	wrdreg $0x0  }
0xa9: {  	s6 =	sshll.u32 s28, $0x1;
	[dreg:$0x2] =	wrdreg s4  }
0xaa: {  	[dreg:$0x3] =	wrdreg s6  }
0xab: {  	[dreg:$0x4] =	wrdreg $0xC0  }
0xac: {  	_ =	task [dreg:s8], $0x5FFFF  }
0xad: {  	[dreg:$0x1] =	wrdreg $0xFFFFFFFF  }
0xae: {  	[dreg:$0x0] =	wrdreg $0x60  }
0xaf: {  	[dreg:$0x2] =	wrdreg s24  }
0xb0: {  	[dreg:$0x3] =	wrdreg s2  }
0xb1: {  	[dreg:$0x4] =	wrdreg s18  }
0xb2: {  	[dreg:$0x5] =	wrdreg $0x9  }
0xb3: {  	_ =	task.clear_ibuf [dreg:s8], $0x6FFFF;
	_ =	strace $0x90000055  }
0xb4: {  	s29 =	simm.s32 $0x9;
	_ =	strace $0x80000057  }
0xb5: {  	_ =	swait.ge [sflag:s29], $0x1  }
0xb6: {  	[sflag:s29] =	ssyncadd.s32 $0xFFFFFFFF  }
0xb7: {  	_ =	strace $0x90000057  }
0xb8: {  	_ =	sfence  }
0xb9: {  	s30 =	sld [smem:$0x0];
	_ =	sdelay $0x2  }
0xba: {  	s31 =	sshll.u32 s1, $0xD;
	s1 =	sshrl.u32 s1, $0x2  }
0xbb: {  	s3 =	sand.u32 $0x4000, s31;
	s1 =	sadd.s32 s1, s30  }
0xbc: {  	s0 =	sor.u32 s3, s0;
	s1 =	sshll.u32 s1, $0x11  }
0xbd: {  	s0 =	sor.u32 s1, s0  }
0xbe: {  	s0 =	sadd.s32 $0x8F2B, s0  }
0xbf: {  	[sflag:s0] =	ssyncadd.remote.s32 $0x1  }
0xc0: {  	_ =	sfence.sel $0xFFFF  }
0xc1: {  	[dreg:$0x0] =	wrdreg $0xFFFFFFFF;
	(pc) =	sbr.abs _section_cstart, $3  }
0xc2: {  	[dreg:$0x1] =	wrdreg $0xFFFFFFFF  }
0xc3: {  	_ =	task.clear_ibuf [dreg:s8], $0x2FFFF;
	_ =	strace $0x9FFFFFFF  }
0xc4: {  	(tm) =	ssettm $0x7FFFFFFF  }
0xc5: {  	_ =	shalt  }
tec
execute0_lowered:
.L_overlay_start_1:
0x0: {  	(tag) =	ssettag $0x1  }
0x1: {  	s5 =	rddreg [dreg:$0x0]  }
0x2: {  	s1 =	srdreg.scid;
	s3 =	rddreg [dreg:$0x1]  }
0x3: {  	s0 =	stileid.u32;
	s9 =	rddreg [dreg:$0x2];
	s6 =	sand.u32 $0x1, s1  }
0x4: {  	s2 =	simm.s32 $0x0;
	s4 =	sshll.u32 s0, $0x6;
	s7 =	sshll.u32 s6, $0x5  }
0x5: {  	s8 =	simm.s32 $0x1;
	[smem:$0x7FF] =	sst s2;
	s10 =	sor.u32 s7, s4  }
0x6: {  	s1 =	rddreg [dreg:$0x3];
	_ =	strace $0x80000056;
	s4 =	sshrl.u32 s10, $0x3  }
0x7: {  	s11 =	ssub.s32 $0x2, s6;
	s4 =	sadd.s32 s3, s4;
	s3 =	simm.s32 $0x2  }
0x8: {  	[tilespmem:s2], [sflag:$0x2] =	stream.linear.gather [hbm4b:s4+s2], $0x20, $0x38;
	[tilespmem:$0x1080] =	vst v63  }
0x9: {  	s5 =	sadd.s32 $0x6000, s5;
	s12 =	sshrl.u32 s11, $0x1;
	_ =	swait.ge [sflag:s3], $0x20  }
0xa: {  	s6 =	simm.s32 $0x20;
	s11 =	ssub.s32 s11, s12;
	[sflag:s3] =	ssyncset.done $0x0  }
0xb: {  	s7 =	simm.s32 $0x80;
	s31 =	smax.u32 s11, $0x1;
	[sflag:s3] =	ssyncadd.s32 $0xFFFFFFE0  }
0xc: {  	[tilespmem:s7], [sflag:$0x1] =	stream.indirect.gather [hbm4b:s5+s6], $0x80, s2, s6, $0xb8;
	[tilespmem:$0x1080] =	vst v63  }
0xd: {  	p0 =	sne.s32 s31, $0x1;
	_ =	swait.ge [sflag:s8], $0x1000  }
.Ltmp0:
0xe: {  	s10 =	sshll.u32 s10, $0x4;
	[sflag:s8] =	ssyncset.done $0x0;
	(pc) =	sbr.rel @!p0 .LBB2_2-.Ltmp0, $4  }
0xf: {  	s9 =	sadd.s32 s9, s10;
	[sflag:s8] =	ssyncadd.s32 $0xFFFFF000  }
0x10: {  	[hbm4b:s9+s2] =	stream.linear.scatter [tilespmem:s7], [sflag:$0x2], $0x1000, $0x38;
	[tilespmem:$0x1080] =	vst v63  }
0x11: {  	_ =	swait.ge [sflag:s3], $0x1000  }
0x12: {  	s10 =	sadd.s32 $0xFFFFFFFF, s31;
	[sflag:s3] =	ssyncset.done $0x0  }
.LBB2_1:
0x13: {  	p0 =	sne.s32 s10, $0x1;
	s10 =	sadd.s32 $0xFFFFFFFF, s10;
	[sflag:s3] =	ssyncadd.s32 $0xFFFFF000  }
0x14: {  	[tilespmem:s2], [sflag:$0x2] =	stream.linear.gather [hbm4b:s4+s2], $0x20, $0x38;
	[tilespmem:$0x1080] =	vst v63  }
0x15: {  	_ =	swait.ge [sflag:s3], $0x20  }
0x16: {  	[sflag:s3] =	ssyncset.done $0x0  }
0x17: {  	[sflag:s3] =	ssyncadd.s32 $0xFFFFFFE0  }
0x18: {  	[tilespmem:s7], [sflag:$0x1] =	stream.indirect.gather [hbm4b:s5+s6], $0x80, s2, s6, $0xb8;
	[tilespmem:$0x1080] =	vst v63  }
0x19: {  	_ =	swait.ge [sflag:s8], $0x1000  }
.Ltmp1:
0x1a: {  	[sflag:s8] =	ssyncset.done $0x0;
	(pc) =	sbr.rel @p0 .LBB2_1-.Ltmp1, $4  }
0x1b: {  	[sflag:s8] =	ssyncadd.s32 $0xFFFFF000  }
0x1c: {  	[hbm4b:s9+s2] =	stream.linear.scatter [tilespmem:s7], [sflag:$0x2], $0x1000, $0x38;
	[tilespmem:$0x1080] =	vst v63  }
0x1d: {  	_ =	swait.ge [sflag:s3], $0x1000  }
0x1e: {  	[sflag:s3] =	ssyncset.done $0x0  }
.LBB2_2:
0x1f: {  	[sflag:s3] =	ssyncadd.s32 $0xFFFFF000  }
0x20: {  	_ =	sfence.sel $0x180000  }
0x21: {  	[bflag:$0x0] =	sbarrier.arrive $0xFFFF  }
0x22: {  	p0 =	sne.s32 s0, $0x0;
	_ =	strace $0x90000056  }
0x23: {  	s0 =	sadd.s32 @!p0 $0x100000, s1;
	[bflag:$0x2] =	sbarrier.arrive $0xFFFF  }
0x24: {  	[sflag:s0] =	ssyncadd.tile.s32 @!p0 $0x1;
	_ =	shalt  }
.Lfunc_end2:
_tile_overlayer_lowered:
.L_overlay_start_2:
0x25: {  	(tag) =	ssettag $0x2  }
0x26: {  	s0 =	rddreg [dreg:$0x0];
	s2 =	stileid.u32  }
0x27: {  	s1 =	rddreg [dreg:$0x1];
	p0 =	sne.s32 s2, $0x0  }
0x28: {  	s3 =	rddreg [dreg:$0x2];
	[bflag:$0x3] =	sbarrier.arrive $0xFFFF;
	s2 =	simm.s32 @!p0 $0x1C02  }
0x29: {  	[timem:s3], [sflag:s2] =	dma.local @!p0 [hbm:s0], s1  }
0x2a: {  	s0 =	simm.s32 @!p0 $0x2  }
0x2b: {  	_ =	swait.ge @!p0 [sflag:s0], s1  }
0x2c: {  	s1 =	ssub.s32 @!p0 $0x0, s1;
	[sflag:s0] =	ssyncset.done @!p0 $0x0  }
0x2d: {  	[sflag:s0] =	ssyncadd.s32 @!p0 s1  }
0x2e: {  	[bflag:$0x3] =	sbarrier.arrive $0xFFFF  }
0x2f: {  	_ =	shalt  }

</sc_bundles>
